<compile_context>
chip_gen: v7x
topology: tpu7x:2x2x1
jax: 0.10.2.dev20260603
libtpu: 0.0.44.dev20260713+nightly
codegen_flags: <defaults>
</compile_context>

<pallas_src>
import functools

import jax
import jax.numpy as jnp
from jax import lax
from jax.experimental import pallas as pl
from jax.experimental.pallas import tpu as pltpu, tpu_sc as plsc

N = 10000
NN = 10240
NW = 32
RPT = NN // NW
GB = 128
OUT = 64
CLS = 16
Hh = Ww = 384
HP = WP = 386
NPIX = Hh * Ww
RPAD = 151552

_SC_PARAMS = pltpu.CompilerParams(use_tc_tiling_on_sc=False,
                                  needs_layout_passes=False)


def _wid():
    return lax.axis_index("s") * 2 + lax.axis_index("c")


def _make_seg_mean(NP, W, CH):
    nch = NP // CH
    nvr = CH // 16
    mesh = plsc.VectorSubcoreMesh(core_axis_name="c", subcore_axis_name="s")

    @functools.partial(
        pl.kernel,
        out_type=jax.ShapeDtypeStruct((NN * W,), jnp.float32),
        mesh=mesh,
        compiler_params=_SC_PARAMS,
        scratch_types=[
            pltpu.VMEM((RPT * W,), jnp.float32),
            pltpu.VMEM((RPT * 16,), jnp.float32),
            pltpu.VMEM((2, CH), jnp.int32),
            pltpu.VMEM((CH + 16,), jnp.int32),
            pltpu.VMEM((CH + 16,), jnp.int32),
            pltpu.VMEM((2, GB, W), jnp.float32),
            pltpu.SemaphoreType.DMA,
            pltpu.SemaphoreType.DMA,
        ],
    )
    def k(x_hbm, asn_hbm, out_hbm, acc, cnt, asnb, midx, mloc, gbuf,
          csem, gsem):
        lo = _wid() * RPT
        zf = jnp.zeros((16,), jnp.float32)

        def initv(i, _):
            acc[pl.ds(i * 16, 16)] = zf
            return 0
        lax.fori_loop(0, RPT * W // 16, initv, 0)

        def initc(i, _):
            cnt[pl.ds(i * 16, 16)] = zf
            return 0
        lax.fori_loop(0, RPT, initc, 0)

        def zero16(i, _):
            midx[pl.ds(i * 16, 16)] = jnp.zeros((16,), jnp.int32)
            return 0
        lax.fori_loop(0, (CH + 16) // 16, zero16, 0)

        def start_chunk(ci):
            pltpu.async_copy(asn_hbm.at[pl.ds(ci * CH, CH)],
                             asnb.at[lax.rem(ci, 2)], csem)

        start_chunk(0)
        lane = lax.iota(jnp.int32, 16)
        ones = jnp.ones((16,), jnp.float32)

        def chunk(ci, _):
            slot = lax.rem(ci, 2)
            pltpu.make_async_copy(asn_hbm.at[pl.ds(0, CH)], asnb.at[slot],
                                  csem).wait()

            @pl.when(ci + 1 < nch)
            def _():
                start_chunk(ci + 1)

            def scan(v, cnt_c):
                a = asnb[slot, pl.ds(v * 16, 16)]
                al = a - lo
                m = (al >= 0) & (al < RPT)
                pid = (ci * CH + v * 16) + lane
                pos = plsc.cumsum(m.astype(jnp.int32))
                tgt = cnt_c + pos - 1
                plsc.store_scatter(midx, [tgt], pid, mask=m)
                plsc.store_scatter(mloc, [tgt], al, mask=m)
                return cnt_c + pos[15]

            mtot = lax.fori_loop(0, nvr, scan, jnp.int32(0), unroll=4)
            nb = lax.div(mtot + (GB - 1), GB)

            def start_g(g):
                pltpu.async_copy(x_hbm.at[midx.at[pl.ds(g * GB, GB)]],
                                 gbuf.at[lax.rem(g, 2)], gsem)

            @pl.when(nb > 0)
            def _():
                start_g(0)

            def batch(g, _):
                gslot = lax.rem(g, 2)
                pltpu.make_async_copy(x_hbm.at[midx.at[pl.ds(0, GB)]],
                                      gbuf.at[gslot], gsem).wait()

                @pl.when(g + 1 < nb)
                def _():
                    start_g(g + 1)

                bs = jnp.minimum(mtot - g * GB, GB)

                def rmw(i, _):
                    l = mloc[pl.ds(g * GB + i, 16)][0]
                    ab = l * W
                    for kk in range(W // 16):
                        s_ = pl.ds(ab + kk * 16, 16)
                        acc[s_] = acc[s_] + gbuf[gslot, i, pl.ds(kk * 16, 16)]
                    cb = pl.ds(l * 16, 16)
                    cnt[cb] = cnt[cb] + ones
                    return 0
                lax.fori_loop(0, bs, rmw, 0)
                return 0

            lax.fori_loop(0, nb, batch, 0)
            return 0

        lax.fori_loop(0, nch, chunk, 0)

        def finish(r, _):
            c = jnp.maximum(cnt[pl.ds(r * 16, 16)][0], 1.0)
            inv = jnp.full((16,), 1.0, jnp.float32) / c
            for kk in range(W // 16):
                s_ = pl.ds(r * W + kk * 16, 16)
                acc[s_] = acc[s_] * inv
            return 0
        lax.fori_loop(0, RPT, finish, 0)
        pltpu.sync_copy(acc, out_hbm.at[pl.ds(lo * W, RPT * W)])

    return k


def _make_edge_max(E, W, CH, n_extra):
    nch = E // CH
    nvr = CH // 16
    mesh = plsc.VectorSubcoreMesh(core_axis_name="c", subcore_axis_name="s")

    @functools.partial(
        pl.kernel,
        out_type=jax.ShapeDtypeStruct((NN * W,), jnp.float32),
        mesh=mesh,
        compiler_params=_SC_PARAMS,
        scratch_types=[
            pltpu.VMEM((RPT * W,), jnp.float32),
            pltpu.VMEM((RPT * W,), jnp.float32),
            pltpu.VMEM((2, CH), jnp.int32),
            pltpu.VMEM((2, CH), jnp.int32),
            pltpu.VMEM((CH + 16,), jnp.int32),
            pltpu.VMEM((CH + 16,), jnp.int32),
            pltpu.VMEM((2, GB, W), jnp.float32),
            pltpu.VMEM((W,), jnp.float32),
            pltpu.VMEM((max(n_extra, 1) * RPT * W,), jnp.float32),
            pltpu.SemaphoreType.DMA,
            pltpu.SemaphoreType.DMA,
            pltpu.SemaphoreType.DMA,
        ],
    )
    def k(p_hbm, q_hbm, src_hbm, dst_hbm, b_hbm, *rest):
        extras_hbm = rest[:n_extra]
        out_hbm = rest[n_extra]
        (acc, pbuf, dstb, srcb, midx, mloc, gbuf, bvec, ebuf,
         csem, gsem, psem) = rest[n_extra + 1:]
        lo = _wid() * RPT

        pltpu.async_copy(p_hbm.at[pl.ds(lo * W, RPT * W)], pbuf, psem)
        pltpu.async_copy(b_hbm, bvec, psem)
        for t in range(n_extra):
            pltpu.async_copy(extras_hbm[t].at[pl.ds(lo * W, RPT * W)],
                             ebuf.at[pl.ds(t * RPT * W, RPT * W)], psem)

        neg = jnp.full((16,), -jnp.inf, jnp.float32)

        def initv(i, _):
            acc[pl.ds(i * 16, 16)] = neg
            return 0
        lax.fori_loop(0, RPT * W // 16, initv, 0)

        def zero16(i, _):
            midx[pl.ds(i * 16, 16)] = jnp.zeros((16,), jnp.int32)
            return 0
        lax.fori_loop(0, (CH + 16) // 16, zero16, 0)

        def start_chunk(ci):
            slot = lax.rem(ci, 2)
            pltpu.async_copy(dst_hbm.at[pl.ds(ci * CH, CH)], dstb.at[slot],
                             csem)
            pltpu.async_copy(src_hbm.at[pl.ds(ci * CH, CH)], srcb.at[slot],
                             csem)

        start_chunk(0)

        def chunk(ci, _):
            slot = lax.rem(ci, 2)
            pltpu.make_async_copy(dst_hbm.at[pl.ds(0, CH)], dstb.at[slot],
                                  csem).wait()
            pltpu.make_async_copy(src_hbm.at[pl.ds(0, CH)], srcb.at[slot],
                                  csem).wait()

            @pl.when(ci + 1 < nch)
            def _():
                start_chunk(ci + 1)

            def scan(v, cnt):
                d = dstb[slot, pl.ds(v * 16, 16)]
                s = srcb[slot, pl.ds(v * 16, 16)]
                dl = d - lo
                m = (dl >= 0) & (dl < RPT)
                pos = plsc.cumsum(m.astype(jnp.int32))
                tgt = cnt + pos - 1
                plsc.store_scatter(midx, [tgt], s, mask=m)
                plsc.store_scatter(mloc, [tgt], dl, mask=m)
                return cnt + pos[15]

            mtot = lax.fori_loop(0, nvr, scan, jnp.int32(0), unroll=4)
            nb = lax.div(mtot + (GB - 1), GB)

            def start_g(g):
                pltpu.async_copy(q_hbm.at[midx.at[pl.ds(g * GB, GB)]],
                                 gbuf.at[lax.rem(g, 2)], gsem)

            @pl.when(nb > 0)
            def _():
                start_g(0)

            def batch(g, _):
                gslot = lax.rem(g, 2)
                pltpu.make_async_copy(q_hbm.at[midx.at[pl.ds(0, GB)]],
                                      gbuf.at[gslot], gsem).wait()

                @pl.when(g + 1 < nb)
                def _():
                    start_g(g + 1)

                bs = jnp.minimum(mtot - g * GB, GB)

                def rmw(i, _):
                    l = mloc[pl.ds(g * GB + i, 16)][0]
                    ab = l * W
                    for kk in range(W // 16):
                        s_ = pl.ds(ab + kk * 16, 16)
                        acc[s_] = jnp.maximum(
                            acc[s_], gbuf[gslot, i, pl.ds(kk * 16, 16)])
                    return 0
                lax.fori_loop(0, bs, rmw, 0)
                return 0

            lax.fori_loop(0, nb, batch, 0)
            return 0

        lax.fori_loop(0, nch, chunk, 0)

        pltpu.make_async_copy(p_hbm.at[pl.ds(lo * W, RPT * W)], pbuf,
                              psem).wait()
        pltpu.make_async_copy(b_hbm, bvec, psem).wait()
        for t in range(n_extra):
            pltpu.make_async_copy(extras_hbm[t].at[pl.ds(lo * W, RPT * W)],
                                  ebuf.at[pl.ds(t * RPT * W, RPT * W)],
                                  psem).wait()

        def comb(r, _):
            for kk in range(W // 16):
                s_ = pl.ds(r * W + kk * 16, 16)
                h = jnp.maximum(acc[s_] + pbuf[s_] + bvec[pl.ds(kk * 16, 16)],
                                0.0)
                for t in range(n_extra):
                    h = h + ebuf[pl.ds(t * RPT * W + r * W + kk * 16, 16)]
                pbuf[s_] = h
            return 0
        lax.fori_loop(0, RPT, comb, 0)
        pltpu.sync_copy(pbuf, out_hbm.at[pl.ds(lo * W, RPT * W)])

    return k


def _make_pix_gather(R, D, NBUF=8):
    per = R // NW
    nch = per // GB
    mesh = plsc.VectorSubcoreMesh(core_axis_name="c", subcore_axis_name="s")

    @functools.partial(
        pl.kernel,
        out_type=jax.ShapeDtypeStruct((R, D), jnp.float32),
        mesh=mesh,
        compiler_params=_SC_PARAMS,
        scratch_types=[
            pltpu.VMEM((per,), jnp.int32),
            pltpu.VMEM((NBUF, GB, D), jnp.float32),
            pltpu.SemaphoreType.DMA,
            pltpu.SemaphoreType.DMA,
        ],
    )
    def k(table_hbm, idx_hbm, out_hbm, idx_v, bufs, gsem, osem):
        base = _wid() * per
        pltpu.sync_copy(idx_hbm.at[pl.ds(base, per)], idx_v)

        def start_gather(ch, slot):
            pltpu.async_copy(table_hbm.at[idx_v.at[pl.ds(ch * GB, GB)]],
                             bufs.at[slot], gsem)

        for s in range(NBUF):
            start_gather(s, s)

        def step(ch, _):
            slot = lax.rem(ch, NBUF)
            pltpu.make_async_copy(table_hbm.at[idx_v.at[pl.ds(0, GB)]],
                                  bufs.at[slot], gsem).wait()
            pltpu.async_copy(bufs.at[slot],
                             out_hbm.at[pl.ds(base + ch * GB, GB)],
                             osem).wait()

            @pl.when(ch + NBUF < nch)
            def _():
                start_gather(ch + NBUF, slot)
            return 0

        lax.fori_loop(0, nch, step, 0)

    return k


def _mm_body(x_ref, w_ref, p_ref, q_ref):
    r = lax.dot_general(x_ref[...], w_ref[...], (((1,), (0,)), ((), ())),
                        preferred_element_type=jnp.float32)
    p_ref[...] = r[:, 0:OUT]
    q_ref[...] = r[:, OUT:2 * OUT]


def _mm(x, wc):
    return pl.pallas_call(
        _mm_body,
        out_shape=(jax.ShapeDtypeStruct((NN, OUT), jnp.float32),
                   jax.ShapeDtypeStruct((NN, OUT), jnp.float32)),
        in_specs=[pl.BlockSpec(memory_space=pltpu.VMEM),
                  pl.BlockSpec(memory_space=pltpu.VMEM)],
        out_specs=(pl.BlockSpec(memory_space=pltpu.VMEM),
                   pl.BlockSpec(memory_space=pltpu.VMEM)),
    )(x, wc)


def _conv_lin_body(img_ref, w_ref, bias_ref, out_ref, buf, obuf, sem, osem):
    def blk(i, _):
        cp = pltpu.make_async_copy(
            img_ref.at[pl.ds(i * 64 * WP, 66 * WP)], buf, sem)
        cp.start()
        cp.wait()

        def sub(j, _):
            g0 = j * 16 * WP
            a = buf[pl.ds(g0, 16 * WP)]
            b = buf[pl.ds(g0 + WP, 16 * WP)]
            c = buf[pl.ds(g0 + 2 * WP, 16 * WP)]
            u = jnp.concatenate([a, b, c], axis=-1)
            r = lax.dot_general(u, w_ref[...], (((1,), (0,)), ((), ())),
                                preferred_element_type=jnp.float32)
            r = r.reshape(16, WP, 3 * CLS)
            obuf[...] = (r[:, 0:Ww, 0:CLS] + r[:, 1:Ww + 1, CLS:2 * CLS]
                         + r[:, 2:Ww + 2, 2 * CLS:3 * CLS] + bias_ref[0:CLS])
            ocp = pltpu.make_async_copy(
                obuf, out_ref.at[pl.ds(i * 64 + j * 16, 16)], osem)
            ocp.start()
            ocp.wait()
            return 0

        lax.fori_loop(0, 4, sub, 0)
        return 0

    lax.fori_loop(0, 6, blk, 0)


def _conv_lin(img_flat, wcat, bias):
    return pl.pallas_call(
        _conv_lin_body,
        out_shape=jax.ShapeDtypeStruct((Hh, Ww, CLS), jnp.float32),
        in_specs=[
            pl.BlockSpec(memory_space=pl.ANY),
            pl.BlockSpec(memory_space=pltpu.VMEM),
            pl.BlockSpec(memory_space=pltpu.VMEM),
        ],
        out_specs=pl.BlockSpec(memory_space=pl.ANY),
        compiler_params=pltpu.CompilerParams(
            vmem_limit_bytes=60 * 1024 * 1024),
        scratch_shapes=[
            pltpu.VMEM((66 * WP, OUT), jnp.float32),
            pltpu.VMEM((16, Ww, CLS), jnp.float32),
            pltpu.SemaphoreType.DMA,
            pltpu.SemaphoreType.DMA,
        ],
    )(img_flat, wcat, bias)


def kernel(x, edge_index, assign, W1, b1, W2, b2, conv_w, conv_b, lin_w,
           lin_b):
    h, w, c = x.shape
    x_flat = x.reshape(h * w, c)
    src, dst = edge_index[0], edge_index[1]

    sp = _make_seg_mean(NPIX, 128, 4096)(x_flat, assign).reshape(NN, 128)

    wc1 = jnp.concatenate([W1[:c] - W1[c:], W1[c:]], axis=1)
    wc2 = jnp.concatenate([W2[:OUT] - W2[OUT:], W2[OUT:]], axis=1)

    edge1 = _make_edge_max(160000, OUT, 4000, 0)
    edge3 = _make_edge_max(160000, OUT, 4000, 2)

    p1, q1 = _mm(sp, wc1)
    h1 = edge1(p1.reshape(-1), q1, src, dst, b1)
    p2, q2 = _mm(h1.reshape(NN, OUT), wc2)
    h2 = edge1(p2.reshape(-1), q2, src, dst, b2)
    p3, q3 = _mm(h2.reshape(NN, OUT), wc2)
    h4 = edge3(p3.reshape(-1), q3, src, dst, b2, h1, h2)

    yy, xx = jnp.meshgrid(jnp.arange(HP), jnp.arange(WP), indexing="ij")
    interior = (yy >= 1) & (yy <= Hh) & (xx >= 1) & (xx <= Ww)
    pix = (yy - 1) * Ww + (xx - 1)
    apad = jnp.where(interior, assign[jnp.clip(pix, 0, NPIX - 1)], N)
    apad = jnp.concatenate(
        [apad.reshape(-1),
         jnp.full((RPAD - HP * WP,), N, jnp.int32)]).astype(jnp.int32)

    img_flat = _make_pix_gather(RPAD, OUT)(h4.reshape(NN, OUT), apad)

    m = jnp.einsum("oikl,oc->klic", conv_w, lin_w)
    wcat = jnp.concatenate(
        [jnp.concatenate([m[ky, kx] for ky in range(3)], axis=0)
         for kx in range(3)], axis=1)
    bias = jnp.tile(conv_b @ lin_w + lin_b, 3)

    out = _conv_lin(img_flat, wcat, bias)
    return out.reshape(Hh * Ww, CLS)

# --- scband reference (transcript-rebuilt; emitter-appended) ---
"""Pipeline reference for scband-egnn-45655502356935 (READ-ONLY COPY).

The authoritative reference and input builder live on the scoring server;
editing this copy changes nothing except your own understanding.
"""

import jax, jax.numpy as jnp
import numpy as np

Hh, Ww, C = 384, 384, 128
N, E = 10000, 160000
OUT, CLS = 64, 16


def setup_inputs(seed: int = 0) -> dict:
    key = jax.random.key(seed)
    ks = jax.random.split(key, 12)
    x = jax.random.normal(ks[0], (Hh, Ww, C), dtype=jnp.float32)
    edge_index = jax.random.randint(ks[1], (2, E), 0, N, dtype=jnp.int32)
    assign = jax.random.randint(ks[2], (Hh * Ww,), 0, N, dtype=jnp.int32)
    W1 = jax.random.normal(ks[3], (2 * C, OUT), dtype=jnp.float32) * 0.05
    b1 = jnp.zeros((OUT,), dtype=jnp.float32)
    W2 = jax.random.normal(ks[4], (2 * OUT, OUT), dtype=jnp.float32) * 0.05
    b2 = jnp.zeros((OUT,), dtype=jnp.float32)
    conv_w = jax.random.normal(ks[5], (OUT, OUT, 3, 3), dtype=jnp.float32) * 0.05
    conv_b = jnp.zeros((OUT,), dtype=jnp.float32)
    lin_w = jax.random.normal(ks[6], (OUT, CLS), dtype=jnp.float32) * 0.05
    lin_b = jnp.zeros((CLS,), dtype=jnp.float32)
    return {"x": x, "edge_index": edge_index, "assign": assign,
            "W1": W1, "b1": b1, "W2": W2, "b2": b2,
            "conv_w": conv_w, "conv_b": conv_b, "lin_w": lin_w, "lin_b": lin_b}


def _edge_conv(x_nodes, edge_index, Wm, bm):
    # torch_geometric EdgeConv: msg = nn(cat([x_i, x_j - x_i])), aggr = max over incoming edges
    src = edge_index[0]
    dst = edge_index[1]
    xi = jnp.take(x_nodes, dst, axis=0)
    xj = jnp.take(x_nodes, src, axis=0)
    m = jax.nn.relu(jnp.concatenate([xi, xj - xi], axis=-1) @ Wm + bm)
    agg = jax.ops.segment_max(m, dst, num_segments=N)
    # isolated nodes get -inf from segment_max; PyG scatter_max fills with 0
    agg = jnp.where(jnp.isfinite(agg), agg, 0.0)
    return agg


def reference(x, edge_index, assign, W1, b1, W2, b2, conv_w, conv_b, lin_w, lin_b):
    h, w, c = x.shape
    x_flat = x.reshape(h * w, c)
    # superpixels_flatten = Q_Hat_T @ x_flat : column-normalized assignment -> segment mean
    counts = jax.ops.segment_sum(jnp.ones((h * w,), dtype=jnp.float32), assign, num_segments=N)
    sp = jax.ops.segment_sum(x_flat, assign, num_segments=N) / jnp.clip(counts, 1.0)[:, None]
    H1 = _edge_conv(sp, edge_index, W1, b1)
    H2 = _edge_conv(H1, edge_index, W2, b2)
    H3 = _edge_conv(H2, edge_index, W2, b2)  # original code reuses GNN2 (GNN3 unused)
    H4 = H1 + H2 + H3
    # output = Qmatrix @ H4 : gather superpixel features back to pixels
    out_pix = jnp.take(H4, assign, axis=0)
    img = out_pix.reshape(1, h, w, OUT).transpose(0, 3, 1, 2)
    img = jax.lax.conv_general_dilated(img, conv_w, window_strides=(1, 1), padding='SAME',
                                       dimension_numbers=('NCHW', 'OIHW', 'NCHW'))
    img = img + conv_b[None, :, None, None]
    out = img[0].transpose(1, 2, 0).reshape(h * w, OUT)
    out = out @ lin_w + lin_b
    return out

if __name__ == "__main__":
    import jax
    _d = setup_inputs()
    print(jax.jit(kernel)(*tuple(_d.values())))

</pallas_src>

<mosaic_0001>
#map = affine_map<(d0, d1) -> (0)>
#map1 = affine_map<(d0, d1) -> (0, 0)>
module attributes {stable_mosaic.version = 14 : i64} {
  func.func @k(%arg0: i32, %arg1: i32, %arg2: memref<655360xf32, #tpu.memory_space<hbm>>, %arg3: memref<10240x64xf32, #tpu.memory_space<hbm>>, %arg4: memref<160000xi32, #tpu.memory_space<hbm>>, %arg5: memref<160000xi32, #tpu.memory_space<hbm>>, %arg6: memref<64xf32, #tpu.memory_space<hbm>>, %arg7: memref<655360xf32, #tpu.memory_space<hbm>>, %arg8: memref<655360xf32, #tpu.memory_space<hbm>>, %arg9: memref<655360xf32, #tpu.memory_space<hbm>>, %arg10: memref<20480xf32, #tpu.memory_space<vmem>>, %arg11: memref<20480xf32, #tpu.memory_space<vmem>>, %arg12: memref<2x4000xi32, #tpu.memory_space<vmem>>, %arg13: memref<2x4000xi32, #tpu.memory_space<vmem>>, %arg14: memref<4016xi32, #tpu.memory_space<vmem>>, %arg15: memref<4016xi32, #tpu.memory_space<vmem>>, %arg16: memref<2x128x64xf32, #tpu.memory_space<vmem>>, %arg17: memref<64xf32, #tpu.memory_space<vmem>>, %arg18: memref<40960xf32, #tpu.memory_space<vmem>>, %arg19: memref<!tpu.dma_semaphore, #tpu.memory_space<semaphore_mem>>, %arg20: memref<!tpu.dma_semaphore, #tpu.memory_space<semaphore_mem>>, %arg21: memref<!tpu.dma_semaphore, #tpu.memory_space<semaphore_mem>>) attributes {dimension_semantics = [#tpu.dimension_semantics<core_parallel>, #tpu.dimension_semantics<subcore_parallel>], iteration_bounds = array<i64: 2, 16>, scalar_prefetch = 0 : i64, scratch_operands = 12 : i64, tpu.core_type = #tpu.core_type<sc_vector_subcore>, window_params = [{transform_indices = #map}, {transform_indices = #map1}, {transform_indices = #map}, {transform_indices = #map}, {transform_indices = #map}, {transform_indices = #map}, {transform_indices = #map}, {transform_indices = #map}]} {
    %mul3A = arith.constant 2 : i32
    %mul3A_0 = arith.muli %arg1, %mul3A : i32
    %add3A = arith.addi %mul3A_0, %arg0 : i32
    %mul3A_1 = arith.constant 320 : i32
    %mul3A_2 = arith.muli %add3A, %mul3A_1 : i32
    %mul3A_3 = arith.constant 64 : i32
    %mul3A_4 = arith.muli %mul3A_2, %mul3A_3 : i32
    %dma_start3A = tpu.memref_slice %arg2[%mul3A_4] : memref<655360xf32, #tpu.memory_space<hbm>> -> memref<20480xf32, #tpu.memory_space<hbm>>
    %dma_start3A_5 = tpu.memref_slice %arg2[%mul3A_4] : memref<655360xf32, #tpu.memory_space<hbm>> -> memref<20480xf32, #tpu.memory_space<hbm>>
    tpu.enqueue_dma source(%dma_start3A_5 : memref<20480xf32, #tpu.memory_space<hbm>>) target(%arg11 : memref<20480xf32, #tpu.memory_space<vmem>>) target_semaphore(%arg21 : memref<!tpu.dma_semaphore, #tpu.memory_space<semaphore_mem>>)
    tpu.enqueue_dma source(%arg6 : memref<64xf32, #tpu.memory_space<hbm>>) target(%arg17 : memref<64xf32, #tpu.memory_space<vmem>>) target_semaphore(%arg21 : memref<!tpu.dma_semaphore, #tpu.memory_space<semaphore_mem>>)
    %mul3A_6 = arith.constant 64 : i32
    %mul3A_7 = arith.muli %mul3A_2, %mul3A_6 : i32
    %dma_start3A_8 = arith.constant 0 : i32
    %dma_start3A_9 = tpu.memref_slice %arg18[%dma_start3A_8] : memref<40960xf32, #tpu.memory_space<vmem>> -> memref<20480xf32, #tpu.memory_space<vmem>>
    %dma_start3A_10 = tpu.memref_slice %arg7[%mul3A_7] : memref<655360xf32, #tpu.memory_space<hbm>> -> memref<20480xf32, #tpu.memory_space<hbm>>
    %dma_start3A_11 = arith.constant 0 : i32
    %dma_start3A_12 = tpu.memref_slice %arg18[%dma_start3A_11] : memref<40960xf32, #tpu.memory_space<vmem>> -> memref<20480xf32, #tpu.memory_space<vmem>>
    %dma_start3A_13 = tpu.memref_slice %arg7[%mul3A_7] : memref<655360xf32, #tpu.memory_space<hbm>> -> memref<20480xf32, #tpu.memory_space<hbm>>
    tpu.enqueue_dma source(%dma_start3A_13 : memref<20480xf32, #tpu.memory_space<hbm>>) target(%dma_start3A_12 : memref<20480xf32, #tpu.memory_space<vmem>>) target_semaphore(%arg21 : memref<!tpu.dma_semaphore, #tpu.memory_space<semaphore_mem>>)
    %mul3A_14 = arith.constant 64 : i32
    %mul3A_15 = arith.muli %mul3A_2, %mul3A_14 : i32
    %dma_start3A_16 = arith.constant 20480 : i32
    %dma_start3A_17 = tpu.memref_slice %arg18[%dma_start3A_16] : memref<40960xf32, #tpu.memory_space<vmem>> -> memref<20480xf32, #tpu.memory_space<vmem>>
    %dma_start3A_18 = tpu.memref_slice %arg8[%mul3A_15] : memref<655360xf32, #tpu.memory_space<hbm>> -> memref<20480xf32, #tpu.memory_space<hbm>>
    %dma_start3A_19 = arith.constant 20480 : i32
    %dma_start3A_20 = tpu.memref_slice %arg18[%dma_start3A_19] : memref<40960xf32, #tpu.memory_space<vmem>> -> memref<20480xf32, #tpu.memory_space<vmem>>
    %dma_start3A_21 = tpu.memref_slice %arg8[%mul3A_15] : memref<655360xf32, #tpu.memory_space<hbm>> -> memref<20480xf32, #tpu.memory_space<hbm>>
    tpu.enqueue_dma source(%dma_start3A_21 : memref<20480xf32, #tpu.memory_space<hbm>>) target(%dma_start3A_20 : memref<20480xf32, #tpu.memory_space<vmem>>) target_semaphore(%arg21 : memref<!tpu.dma_semaphore, #tpu.memory_space<semaphore_mem>>)
    %broadcast_in_dim3A = arith.constant 0xFF800000 : f32
    %broadcast_in_dim3A_22 = vector.broadcast %broadcast_in_dim3A : f32 to vector<16xf32>
    %scan3A = arith.constant 0 : i32
    %scan3A_23 = arith.constant 0 : i32
    %scan3A_24 = arith.constant 1280 : i32
    %scan3A_25 = arith.addi %scan3A_23, %scan3A_24 : i32
    %scan3A_26 = arith.constant 1 : i32
    %scan3A_27 = scf.for %scan3A_93 = %scan3A_23 to %scan3A_25 step %scan3A_26 iter_args(%scan3A_94 = %scan3A) -> (i32)  : i32 {
      %mul3A_95 = arith.constant 16 : i32
      %mul3A_96 = arith.muli %scan3A_93, %mul3A_95 : i32
      %swap3A = arith.index_cast %mul3A_96 : i32 to index
      %swap3A_97 = tpu.vector_load %arg10[%swap3A] {strides = array<i32>} : memref<20480xf32, #tpu.memory_space<vmem>>, vector<16xf32>,
      tpu.vector_store %arg10[%swap3A], %broadcast_in_dim3A_22 {strides = array<i32>} : memref<20480xf32, #tpu.memory_space<vmem>>, vector<16xf32>,
      %scan3A_98 = arith.constant 0 : i32
      scf.yield %scan3A_98 : i32
    }
    %scan3A_28 = arith.constant 1280 : i32
    %scan3A_29 = arith.constant 0 : i32
    %scan3A_30 = arith.constant 0 : i32
    %scan3A_31 = arith.constant 251 : i32
    %scan3A_32 = arith.addi %scan3A_30, %scan3A_31 : i32
    %scan3A_33 = arith.constant 1 : i32
    %scan3A_34 = scf.for %scan3A_93 = %scan3A_30 to %scan3A_32 step %scan3A_33 iter_args(%scan3A_94 = %scan3A_29) -> (i32)  : i32 {
      %broadcast_in_dim3A_95 = arith.constant 0 : i32
      %broadcast_in_dim3A_96 = vector.broadcast %broadcast_in_dim3A_95 : i32 to vector<16xi32>
      %mul3A_97 = arith.constant 16 : i32
      %mul3A_98 = arith.muli %scan3A_93, %mul3A_97 : i32
      %swap3A = arith.index_cast %mul3A_98 : i32 to index
      %swap3A_99 = tpu.vector_load %arg14[%swap3A] {strides = array<i32>} : memref<4016xi32, #tpu.memory_space<vmem>>, vector<16xi32>,
      tpu.vector_store %arg14[%swap3A], %broadcast_in_dim3A_96 {strides = array<i32>} : memref<4016xi32, #tpu.memory_space<vmem>>, vector<16xi32>,
      %scan3A_100 = arith.constant 0 : i32
      scf.yield %scan3A_100 : i32
    }
    %scan3A_35 = arith.constant 251 : i32
    %rem3A = arith.constant 0 : i32
    %rem3A_36 = arith.constant 2 : i32
    %rem3A_37 = arith.remsi %rem3A, %rem3A_36 : i32
    %dma_start3A_38 = arith.constant 0 : i32
    %dma_start3A_39 = tpu.memref_slice %arg12[%rem3A_37, %dma_start3A_38] : memref<2x4000xi32, #tpu.memory_space<vmem>> -> memref<1x4000xi32, #tpu.memory_space<vmem>>
    %dma_start3A_40 = tpu.memref_squeeze %dma_start3A_39 : memref<1x4000xi32, #tpu.memory_space<vmem>> -> memref<4000xi32, #tpu.memory_space<vmem>>
    %dma_start3A_41 = arith.constant 0 : i32
    %dma_start3A_42 = tpu.memref_slice %arg5[%dma_start3A_41] : memref<160000xi32, #tpu.memory_space<hbm>> -> memref<4000xi32, #tpu.memory_space<hbm>>
    %dma_start3A_43 = arith.constant 0 : i32
    %dma_start3A_44 = tpu.memref_slice %arg12[%rem3A_37, %dma_start3A_43] : memref<2x4000xi32, #tpu.memory_space<vmem>> -> memref<1x4000xi32, #tpu.memory_space<vmem>>
    %dma_start3A_45 = tpu.memref_squeeze %dma_start3A_44 : memref<1x4000xi32, #tpu.memory_space<vmem>> -> memref<4000xi32, #tpu.memory_space<vmem>>
    %dma_start3A_46 = arith.constant 0 : i32
    %dma_start3A_47 = tpu.memref_slice %arg5[%dma_start3A_46] : memref<160000xi32, #tpu.memory_space<hbm>> -> memref<4000xi32, #tpu.memory_space<hbm>>
    tpu.enqueue_dma source(%dma_start3A_47 : memref<4000xi32, #tpu.memory_space<hbm>>) target(%dma_start3A_45 : memref<4000xi32, #tpu.memory_space<vmem>>) target_semaphore(%arg19 : memref<!tpu.dma_semaphore, #tpu.memory_space<semaphore_mem>>)
    %dma_start3A_48 = arith.constant 0 : i32
    %dma_start3A_49 = tpu.memref_slice %arg13[%rem3A_37, %dma_start3A_48] : memref<2x4000xi32, #tpu.memory_space<vmem>> -> memref<1x4000xi32, #tpu.memory_space<vmem>>
    %dma_start3A_50 = tpu.memref_squeeze %dma_start3A_49 : memref<1x4000xi32, #tpu.memory_space<vmem>> -> memref<4000xi32, #tpu.memory_space<vmem>>
    %dma_start3A_51 = arith.constant 0 : i32
    %dma_start3A_52 = tpu.memref_slice %arg4[%dma_start3A_51] : memref<160000xi32, #tpu.memory_space<hbm>> -> memref<4000xi32, #tpu.memory_space<hbm>>
    %dma_start3A_53 = arith.constant 0 : i32
    %dma_start3A_54 = tpu.memref_slice %arg13[%rem3A_37, %dma_start3A_53] : memref<2x4000xi32, #tpu.memory_space<vmem>> -> memref<1x4000xi32, #tpu.memory_space<vmem>>
    %dma_start3A_55 = tpu.memref_squeeze %dma_start3A_54 : memref<1x4000xi32, #tpu.memory_space<vmem>> -> memref<4000xi32, #tpu.memory_space<vmem>>
    %dma_start3A_56 = arith.constant 0 : i32
    %dma_start3A_57 = tpu.memref_slice %arg4[%dma_start3A_56] : memref<160000xi32, #tpu.memory_space<hbm>> -> memref<4000xi32, #tpu.memory_space<hbm>>
    tpu.enqueue_dma source(%dma_start3A_57 : memref<4000xi32, #tpu.memory_space<hbm>>) target(%dma_start3A_55 : memref<4000xi32, #tpu.memory_space<vmem>>) target_semaphore(%arg19 : memref<!tpu.dma_semaphore, #tpu.memory_space<semaphore_mem>>)
    %scan3A_58 = arith.constant 0 : i32
    %scan3A_59 = arith.constant 0 : i32
    %scan3A_60 = arith.constant 40 : i32
    %scan3A_61 = arith.addi %scan3A_59, %scan3A_60 : i32
    %scan3A_62 = arith.constant 1 : i32
    %scan3A_63 = scf.for %scan3A_93 = %scan3A_59 to %scan3A_61 step %scan3A_62 iter_args(%scan3A_94 = %scan3A_58) -> (i32)  : i32 {
      %rem3A_95 = arith.constant 2 : i32
      %rem3A_96 = arith.remsi %scan3A_93, %rem3A_95 : i32
      %dma_wait3A_97 = arith.constant 0 : i32
      %dma_wait3A_98 = tpu.memref_slice %arg12[%rem3A_96, %dma_wait3A_97] : memref<2x4000xi32, #tpu.memory_space<vmem>> -> memref<1x4000xi32, #tpu.memory_space<vmem>>
      %dma_wait3A_99 = tpu.memref_squeeze %dma_wait3A_98 : memref<1x4000xi32, #tpu.memory_space<vmem>> -> memref<4000xi32, #tpu.memory_space<vmem>>
      %dma_wait3A_100 = arith.constant 0 : i32
      %dma_wait3A_101 = tpu.memref_slice %arg5[%dma_wait3A_100] : memref<160000xi32, #tpu.memory_space<hbm>> -> memref<4000xi32, #tpu.memory_space<hbm>>
      %dma_wait3A_102 = arith.constant 0 : i32
      %dma_wait3A_103 = tpu.memref_slice %arg12[%rem3A_96, %dma_wait3A_102] : memref<2x4000xi32, #tpu.memory_space<vmem>> -> memref<1x4000xi32, #tpu.memory_space<vmem>>
      %dma_wait3A_104 = tpu.memref_squeeze %dma_wait3A_103 : memref<1x4000xi32, #tpu.memory_space<vmem>> -> memref<4000xi32, #tpu.memory_space<vmem>>
      %dma_wait3A_105 = arith.constant 0 : i32
      %dma_wait3A_106 = tpu.memref_slice %arg5[%dma_wait3A_105] : memref<160000xi32, #tpu.memory_space<hbm>> -> memref<4000xi32, #tpu.memory_space<hbm>>
      tpu.wait_dma2 semaphore(%arg19 : memref<!tpu.dma_semaphore, #tpu.memory_space<semaphore_mem>>) src(%dma_wait3A_106 : memref<4000xi32, #tpu.memory_space<hbm>>) dst(%dma_wait3A_104 : memref<4000xi32, #tpu.memory_space<vmem>>)
      %dma_wait3A_107 = arith.constant 0 : i32
      %dma_wait3A_108 = tpu.memref_slice %arg13[%rem3A_96, %dma_wait3A_107] : memref<2x4000xi32, #tpu.memory_space<vmem>> -> memref<1x4000xi32, #tpu.memory_space<vmem>>
      %dma_wait3A_109 = tpu.memref_squeeze %dma_wait3A_108 : memref<1x4000xi32, #tpu.memory_space<vmem>> -> memref<4000xi32, #tpu.memory_space<vmem>>
      %dma_wait3A_110 = arith.constant 0 : i32
      %dma_wait3A_111 = tpu.memref_slice %arg4[%dma_wait3A_110] : memref<160000xi32, #tpu.memory_space<hbm>> -> memref<4000xi32, #tpu.memory_space<hbm>>
      %dma_wait3A_112 = arith.constant 0 : i32
      %dma_wait3A_113 = tpu.memref_slice %arg13[%rem3A_96, %dma_wait3A_112] : memref<2x4000xi32, #tpu.memory_space<vmem>> -> memref<1x4000xi32, #tpu.memory_space<vmem>>
      %dma_wait3A_114 = tpu.memref_squeeze %dma_wait3A_113 : memref<1x4000xi32, #tpu.memory_space<vmem>> -> memref<4000xi32, #tpu.memory_space<vmem>>
      %dma_wait3A_115 = arith.constant 0 : i32
      %dma_wait3A_116 = tpu.memref_slice %arg4[%dma_wait3A_115] : memref<160000xi32, #tpu.memory_space<hbm>> -> memref<4000xi32, #tpu.memory_space<hbm>>
      tpu.wait_dma2 semaphore(%arg19 : memref<!tpu.dma_semaphore, #tpu.memory_space<semaphore_mem>>) src(%dma_wait3A_116 : memref<4000xi32, #tpu.memory_space<hbm>>) dst(%dma_wait3A_114 : memref<4000xi32, #tpu.memory_space<vmem>>)
      %add3A_117 = arith.constant 1 : i32
      %add3A_118 = arith.addi %scan3A_93, %add3A_117 : i32
      %lt3A = arith.constant 40 : i32
      %lt3A_119 = arith.cmpi slt, %add3A_118, %lt3A : i32
      %convert_element_type3A = arith.extui %lt3A_119 : i1 to i32
      %cond3A = arith.constant 0 : i32
      %cond3A_120 = arith.cmpi ne, %convert_element_type3A, %cond3A : i32
      scf.if %cond3A_120 {
        %add3A_206 = arith.constant 1 : i32
        %add3A_207 = arith.addi %scan3A_93, %add3A_206 : i32
        %rem3A_208 = arith.constant 2 : i32
        %rem3A_209 = arith.remsi %add3A_207, %rem3A_208 : i32
        %mul3A_210 = arith.constant 4000 : i32
        %mul3A_211 = arith.muli %add3A_207, %mul3A_210 : i32
        %dma_start3A_212 = arith.constant 0 : i32
        %dma_start3A_213 = tpu.memref_slice %arg12[%rem3A_209, %dma_start3A_212] : memref<2x4000xi32, #tpu.memory_space<vmem>> -> memref<1x4000xi32, #tpu.memory_space<vmem>>
        %dma_start3A_214 = tpu.memref_squeeze %dma_start3A_213 : memref<1x4000xi32, #tpu.memory_space<vmem>> -> memref<4000xi32, #tpu.memory_space<vmem>>
        %dma_start3A_215 = tpu.memref_slice %arg5[%mul3A_211] : memref<160000xi32, #tpu.memory_space<hbm>> -> memref<4000xi32, #tpu.memory_space<hbm>>
        %dma_start3A_216 = arith.constant 0 : i32
        %dma_start3A_217 = tpu.memref_slice %arg12[%rem3A_209, %dma_start3A_216] : memref<2x4000xi32, #tpu.memory_space<vmem>> -> memref<1x4000xi32, #tpu.memory_space<vmem>>
        %dma_start3A_218 = tpu.memref_squeeze %dma_start3A_217 : memref<1x4000xi32, #tpu.memory_space<vmem>> -> memref<4000xi32, #tpu.memory_space<vmem>>
        %dma_start3A_219 = tpu.memref_slice %arg5[%mul3A_211] : memref<160000xi32, #tpu.memory_space<hbm>> -> memref<4000xi32, #tpu.memory_space<hbm>>
        tpu.enqueue_dma source(%dma_start3A_219 : memref<4000xi32, #tpu.memory_space<hbm>>) target(%dma_start3A_218 : memref<4000xi32, #tpu.memory_space<vmem>>) target_semaphore(%arg19 : memref<!tpu.dma_semaphore, #tpu.memory_space<semaphore_mem>>)
        %mul3A_220 = arith.constant 4000 : i32
        %mul3A_221 = arith.muli %add3A_207, %mul3A_220 : i32
        %dma_start3A_222 = arith.constant 0 : i32
        %dma_start3A_223 = tpu.memref_slice %arg13[%rem3A_209, %dma_start3A_222] : memref<2x4000xi32, #tpu.memory_space<vmem>> -> memref<1x4000xi32, #tpu.memory_space<vmem>>
        %dma_start3A_224 = tpu.memref_squeeze %dma_start3A_223 : memref<1x4000xi32, #tpu.memory_space<vmem>> -> memref<4000xi32, #tpu.memory_space<vmem>>
        %dma_start3A_225 = tpu.memref_slice %arg4[%mul3A_221] : memref<160000xi32, #tpu.memory_space<hbm>> -> memref<4000xi32, #tpu.memory_space<hbm>>
        %dma_start3A_226 = arith.constant 0 : i32
        %dma_start3A_227 = tpu.memref_slice %arg13[%rem3A_209, %dma_start3A_226] : memref<2x4000xi32, #tpu.memory_space<vmem>> -> memref<1x4000xi32, #tpu.memory_space<vmem>>
        %dma_start3A_228 = tpu.memref_squeeze %dma_start3A_227 : memref<1x4000xi32, #tpu.memory_space<vmem>> -> memref<4000xi32, #tpu.memory_space<vmem>>
        %dma_start3A_229 = tpu.memref_slice %arg4[%mul3A_221] : memref<160000xi32, #tpu.memory_space<hbm>> -> memref<4000xi32, #tpu.memory_space<hbm>>
        tpu.enqueue_dma source(%dma_start3A_229 : memref<4000xi32, #tpu.memory_space<hbm>>) target(%dma_start3A_228 : memref<4000xi32, #tpu.memory_space<vmem>>) target_semaphore(%arg19 : memref<!tpu.dma_semaphore, #tpu.memory_space<semaphore_mem>>)
      } else {
      }
      %scan3A_121 = arith.constant 0 : i32
      %scan3A_122 = arith.constant 0 : i32
      %scan3A_123 = arith.constant 248 : i32
      %scan3A_124 = arith.addi %scan3A_122, %scan3A_123 : i32
      %scan3A_125 = arith.constant 4 : i32
      %scan3A_126 = scf.for %scan3A_206 = %scan3A_122 to %scan3A_124 step %scan3A_125 iter_args(%scan3A_207 = %scan3A_121) -> (i32)  : i32 {
        %mul3A_208 = arith.constant 16 : i32
        %mul3A_209 = arith.muli %scan3A_206, %mul3A_208 : i32
        %get3A_210 = arith.index_cast %rem3A_96 : i32 to index
        %get3A_211 = arith.index_cast %mul3A_209 : i32 to index
        %get3A_212 = tpu.vector_load %arg12[%get3A_210, %get3A_211] {strides = array<i32>} : memref<2x4000xi32, #tpu.memory_space<vmem>>, vector<16xi32>,
        %mul3A_213 = arith.constant 16 : i32
        %mul3A_214 = arith.muli %scan3A_206, %mul3A_213 : i32
        %get3A_215 = arith.index_cast %rem3A_96 : i32 to index
        %get3A_216 = arith.index_cast %mul3A_214 : i32 to index
        %get3A_217 = tpu.vector_load %arg13[%get3A_215, %get3A_216] {strides = array<i32>} : memref<2x4000xi32, #tpu.memory_space<vmem>>, vector<16xi32>,
        %sub3A_218 = vector.broadcast %mul3A_2 : i32 to vector<16xi32>
        %sub3A_219 = arith.subi %get3A_212, %sub3A_218 : vector<16xi32>
        %ge3A_220 = arith.constant 0 : i32
        %ge3A_221 = vector.broadcast %ge3A_220 : i32 to vector<16xi32>
        %ge3A_222 = arith.cmpi sge, %sub3A_219, %ge3A_221 : vector<16xi32>
        %lt3A_223 = arith.constant 320 : i32
        %lt3A_224 = vector.broadcast %lt3A_223 : i32 to vector<16xi32>
        %lt3A_225 = arith.cmpi slt, %sub3A_219, %lt3A_224 : vector<16xi32>
        %and3A_226 = arith.andi %ge3A_222, %lt3A_225 : vector<16xi1>
        %convert_element_type3A_227 = arith.extui %and3A_226 : vector<16xi1> to vector<16xi32>
        %broadcast_in_dim3A_228 = arith.constant true
        %broadcast_in_dim3A_229 = vector.broadcast %broadcast_in_dim3A_228 : i1 to vector<16xi1>
        %masked_cumsum3A_230 = tpu.scan <sum>, %convert_element_type3A_227 masked %broadcast_in_dim3A_229 : vector<16xi32>, vector<16xi1> -> vector<16xi32>
        %add3A_231 = vector.broadcast %scan3A_207 : i32 to vector<16xi32>
        %add3A_232 = arith.addi %add3A_231, %masked_cumsum3A_230 : vector<16xi32>
        %sub3A_233 = arith.constant 1 : i32
        %sub3A_234 = vector.broadcast %sub3A_233 : i32 to vector<16xi32>
        %sub3A_235 = arith.subi %add3A_232, %sub3A_234 : vector<16xi32>
        tpu.vector_store_idx %arg14[%sub3A_235], %get3A_217 masked %and3A_226 : memref<4016xi32, #tpu.memory_space<vmem>>[vector<16xi32>], vector<16xi32>, vector<16xi1>
        tpu.vector_store_idx %arg15[%sub3A_235], %sub3A_219 masked %and3A_226 : memref<4016xi32, #tpu.memory_space<vmem>>[vector<16xi32>], vector<16xi32>, vector<16xi1>
        %slice3A_236 = vector.extract_strided_slice %masked_cumsum3A_230 {offsets = [15], sizes = [1], strides = [1]} : vector<16xi32> to vector<1xi32>
        %squeeze3A_237 = vector.extract %slice3A_236[0] : i32 from vector<1xi32>
        %add3A_238 = arith.addi %scan3A_207, %squeeze3A_237 : i32
        %scan3A_239 = arith.constant 1 : i32
        %scan3A_240 = arith.addi %scan3A_206, %scan3A_239 : i32
        %mul3A_241 = arith.constant 16 : i32
        %mul3A_242 = arith.muli %scan3A_240, %mul3A_241 : i32
        %get3A_243 = arith.index_cast %rem3A_96 : i32 to index
        %get3A_244 = arith.index_cast %mul3A_242 : i32 to index
        %get3A_245 = tpu.vector_load %arg12[%get3A_243, %get3A_244] {strides = array<i32>} : memref<2x4000xi32, #tpu.memory_space<vmem>>, vector<16xi32>,
        %mul3A_246 = arith.constant 16 : i32
        %mul3A_247 = arith.muli %scan3A_240, %mul3A_246 : i32
        %get3A_248 = arith.index_cast %rem3A_96 : i32 to index
        %get3A_249 = arith.index_cast %mul3A_247 : i32 to index
        %get3A_250 = tpu.vector_load %arg13[%get3A_248, %get3A_249] {strides = array<i32>} : memref<2x4000xi32, #tpu.memory_space<vmem>>, vector<16xi32>,
        %sub3A_251 = vector.broadcast %mul3A_2 : i32 to vector<16xi32>
        %sub3A_252 = arith.subi %get3A_245, %sub3A_251 : vector<16xi32>
        %ge3A_253 = arith.constant 0 : i32
        %ge3A_254 = vector.broadcast %ge3A_253 : i32 to vector<16xi32>
        %ge3A_255 = arith.cmpi sge, %sub3A_252, %ge3A_254 : vector<16xi32>
        %lt3A_256 = arith.constant 320 : i32
        %lt3A_257 = vector.broadcast %lt3A_256 : i32 to vector<16xi32>
        %lt3A_258 = arith.cmpi slt, %sub3A_252, %lt3A_257 : vector<16xi32>
        %and3A_259 = arith.andi %ge3A_255, %lt3A_258 : vector<16xi1>
        %convert_element_type3A_260 = arith.extui %and3A_259 : vector<16xi1> to vector<16xi32>
        %broadcast_in_dim3A_261 = arith.constant true
        %broadcast_in_dim3A_262 = vector.broadcast %broadcast_in_dim3A_261 : i1 to vector<16xi1>
        %masked_cumsum3A_263 = tpu.scan <sum>, %convert_element_type3A_260 masked %broadcast_in_dim3A_262 : vector<16xi32>, vector<16xi1> -> vector<16xi32>
        %add3A_264 = vector.broadcast %add3A_238 : i32 to vector<16xi32>
        %add3A_265 = arith.addi %add3A_264, %masked_cumsum3A_263 : vector<16xi32>
        %sub3A_266 = arith.constant 1 : i32
        %sub3A_267 = vector.broadcast %sub3A_266 : i32 to vector<16xi32>
        %sub3A_268 = arith.subi %add3A_265, %sub3A_267 : vector<16xi32>
        tpu.vector_store_idx %arg14[%sub3A_268], %get3A_250 masked %and3A_259 : memref<4016xi32, #tpu.memory_space<vmem>>[vector<16xi32>], vector<16xi32>, vector<16xi1>
        tpu.vector_store_idx %arg15[%sub3A_268], %sub3A_252 masked %and3A_259 : memref<4016xi32, #tpu.memory_space<vmem>>[vector<16xi32>], vector<16xi32>, vector<16xi1>
        %slice3A_269 = vector.extract_strided_slice %masked_cumsum3A_263 {offsets = [15], sizes = [1], strides = [1]} : vector<16xi32> to vector<1xi32>
        %squeeze3A_270 = vector.extract %slice3A_269[0] : i32 from vector<1xi32>
        %add3A_271 = arith.addi %add3A_238, %squeeze3A_270 : i32
        %scan3A_272 = arith.constant 2 : i32
        %scan3A_273 = arith.addi %scan3A_206, %scan3A_272 : i32
        %mul3A_274 = arith.constant 16 : i32
        %mul3A_275 = arith.muli %scan3A_273, %mul3A_274 : i32
        %get3A_276 = arith.index_cast %rem3A_96 : i32 to index
        %get3A_277 = arith.index_cast %mul3A_275 : i32 to index
        %get3A_278 = tpu.vector_load %arg12[%get3A_276, %get3A_277] {strides = array<i32>} : memref<2x4000xi32, #tpu.memory_space<vmem>>, vector<16xi32>,
        %mul3A_279 = arith.constant 16 : i32
        %mul3A_280 = arith.muli %scan3A_273, %mul3A_279 : i32
        %get3A_281 = arith.index_cast %rem3A_96 : i32 to index
        %get3A_282 = arith.index_cast %mul3A_280 : i32 to index
        %get3A_283 = tpu.vector_load %arg13[%get3A_281, %get3A_282] {strides = array<i32>} : memref<2x4000xi32, #tpu.memory_space<vmem>>, vector<16xi32>,
        %sub3A_284 = vector.broadcast %mul3A_2 : i32 to vector<16xi32>
        %sub3A_285 = arith.subi %get3A_278, %sub3A_284 : vector<16xi32>
        %ge3A_286 = arith.constant 0 : i32
        %ge3A_287 = vector.broadcast %ge3A_286 : i32 to vector<16xi32>
        %ge3A_288 = arith.cmpi sge, %sub3A_285, %ge3A_287 : vector<16xi32>
        %lt3A_289 = arith.constant 320 : i32
        %lt3A_290 = vector.broadcast %lt3A_289 : i32 to vector<16xi32>
        %lt3A_291 = arith.cmpi slt, %sub3A_285, %lt3A_290 : vector<16xi32>
        %and3A_292 = arith.andi %ge3A_288, %lt3A_291 : vector<16xi1>
        %convert_element_type3A_293 = arith.extui %and3A_292 : vector<16xi1> to vector<16xi32>
        %broadcast_in_dim3A_294 = arith.constant true
        %broadcast_in_dim3A_295 = vector.broadcast %broadcast_in_dim3A_294 : i1 to vector<16xi1>
        %masked_cumsum3A_296 = tpu.scan <sum>, %convert_element_type3A_293 masked %broadcast_in_dim3A_295 : vector<16xi32>, vector<16xi1> -> vector<16xi32>
        %add3A_297 = vector.broadcast %add3A_271 : i32 to vector<16xi32>
        %add3A_298 = arith.addi %add3A_297, %masked_cumsum3A_296 : vector<16xi32>
        %sub3A_299 = arith.constant 1 : i32
        %sub3A_300 = vector.broadcast %sub3A_299 : i32 to vector<16xi32>
        %sub3A_301 = arith.subi %add3A_298, %sub3A_300 : vector<16xi32>
        tpu.vector_store_idx %arg14[%sub3A_301], %get3A_283 masked %and3A_292 : memref<4016xi32, #tpu.memory_space<vmem>>[vector<16xi32>], vector<16xi32>, vector<16xi1>
        tpu.vector_store_idx %arg15[%sub3A_301], %sub3A_285 masked %and3A_292 : memref<4016xi32, #tpu.memory_space<vmem>>[vector<16xi32>], vector<16xi32>, vector<16xi1>
        %slice3A_302 = vector.extract_strided_slice %masked_cumsum3A_296 {offsets = [15], sizes = [1], strides = [1]} : vector<16xi32> to vector<1xi32>
        %squeeze3A_303 = vector.extract %slice3A_302[0] : i32 from vector<1xi32>
        %add3A_304 = arith.addi %add3A_271, %squeeze3A_303 : i32
        %scan3A_305 = arith.constant 3 : i32
        %scan3A_306 = arith.addi %scan3A_206, %scan3A_305 : i32
        %mul3A_307 = arith.constant 16 : i32
        %mul3A_308 = arith.muli %scan3A_306, %mul3A_307 : i32
        %get3A_309 = arith.index_cast %rem3A_96 : i32 to index
        %get3A_310 = arith.index_cast %mul3A_308 : i32 to index
        %get3A_311 = tpu.vector_load %arg12[%get3A_309, %get3A_310] {strides = array<i32>} : memref<2x4000xi32, #tpu.memory_space<vmem>>, vector<16xi32>,
        %mul3A_312 = arith.constant 16 : i32
        %mul3A_313 = arith.muli %scan3A_306, %mul3A_312 : i32
        %get3A_314 = arith.index_cast %rem3A_96 : i32 to index
        %get3A_315 = arith.index_cast %mul3A_313 : i32 to index
        %get3A_316 = tpu.vector_load %arg13[%get3A_314, %get3A_315] {strides = array<i32>} : memref<2x4000xi32, #tpu.memory_space<vmem>>, vector<16xi32>,
        %sub3A_317 = vector.broadcast %mul3A_2 : i32 to vector<16xi32>
        %sub3A_318 = arith.subi %get3A_311, %sub3A_317 : vector<16xi32>
        %ge3A_319 = arith.constant 0 : i32
        %ge3A_320 = vector.broadcast %ge3A_319 : i32 to vector<16xi32>
        %ge3A_321 = arith.cmpi sge, %sub3A_318, %ge3A_320 : vector<16xi32>
        %lt3A_322 = arith.constant 320 : i32
        %lt3A_323 = vector.broadcast %lt3A_322 : i32 to vector<16xi32>
        %lt3A_324 = arith.cmpi slt, %sub3A_318, %lt3A_323 : vector<16xi32>
        %and3A_325 = arith.andi %ge3A_321, %lt3A_324 : vector<16xi1>
        %convert_element_type3A_326 = arith.extui %and3A_325 : vector<16xi1> to vector<16xi32>
        %broadcast_in_dim3A_327 = arith.constant true
        %broadcast_in_dim3A_328 = vector.broadcast %broadcast_in_dim3A_327 : i1 to vector<16xi1>
        %masked_cumsum3A_329 = tpu.scan <sum>, %convert_element_type3A_326 masked %broadcast_in_dim3A_328 : vector<16xi32>, vector<16xi1> -> vector<16xi32>
        %add3A_330 = vector.broadcast %add3A_304 : i32 to vector<16xi32>
        %add3A_331 = arith.addi %add3A_330, %masked_cumsum3A_329 : vector<16xi32>
        %sub3A_332 = arith.constant 1 : i32
        %sub3A_333 = vector.broadcast %sub3A_332 : i32 to vector<16xi32>
        %sub3A_334 = arith.subi %add3A_331, %sub3A_333 : vector<16xi32>
        tpu.vector_store_idx %arg14[%sub3A_334], %get3A_316 masked %and3A_325 : memref<4016xi32, #tpu.memory_space<vmem>>[vector<16xi32>], vector<16xi32>, vector<16xi1>
        tpu.vector_store_idx %arg15[%sub3A_334], %sub3A_318 masked %and3A_325 : memref<4016xi32, #tpu.memory_space<vmem>>[vector<16xi32>], vector<16xi32>, vector<16xi1>
        %slice3A_335 = vector.extract_strided_slice %masked_cumsum3A_329 {offsets = [15], sizes = [1], strides = [1]} : vector<16xi32> to vector<1xi32>
        %squeeze3A_336 = vector.extract %slice3A_335[0] : i32 from vector<1xi32>
        %add3A_337 = arith.addi %add3A_304, %squeeze3A_336 : i32
        scf.yield %add3A_337 : i32
      }
      %scan3A_127 = arith.constant 248 : i32
      %scan3A_128 = arith.addi %scan3A_122, %scan3A_127 : i32
      %mul3A_129 = arith.constant 16 : i32
      %mul3A_130 = arith.muli %scan3A_128, %mul3A_129 : i32
      %get3A = arith.index_cast %rem3A_96 : i32 to index
      %get3A_131 = arith.index_cast %mul3A_130 : i32 to index
      %get3A_132 = tpu.vector_load %arg12[%get3A, %get3A_131] {strides = array<i32>} : memref<2x4000xi32, #tpu.memory_space<vmem>>, vector<16xi32>,
      %mul3A_133 = arith.constant 16 : i32
      %mul3A_134 = arith.muli %scan3A_128, %mul3A_133 : i32
      %get3A_135 = arith.index_cast %rem3A_96 : i32 to index
      %get3A_136 = arith.index_cast %mul3A_134 : i32 to index
      %get3A_137 = tpu.vector_load %arg13[%get3A_135, %get3A_136] {strides = array<i32>} : memref<2x4000xi32, #tpu.memory_space<vmem>>, vector<16xi32>,
      %sub3A = vector.broadcast %mul3A_2 : i32 to vector<16xi32>
      %sub3A_138 = arith.subi %get3A_132, %sub3A : vector<16xi32>
      %ge3A = arith.constant 0 : i32
      %ge3A_139 = vector.broadcast %ge3A : i32 to vector<16xi32>
      %ge3A_140 = arith.cmpi sge, %sub3A_138, %ge3A_139 : vector<16xi32>
      %lt3A_141 = arith.constant 320 : i32
      %lt3A_142 = vector.broadcast %lt3A_141 : i32 to vector<16xi32>
      %lt3A_143 = arith.cmpi slt, %sub3A_138, %lt3A_142 : vector<16xi32>
      %and3A = arith.andi %ge3A_140, %lt3A_143 : vector<16xi1>
      %convert_element_type3A_144 = arith.extui %and3A : vector<16xi1> to vector<16xi32>
      %broadcast_in_dim3A_145 = arith.constant true
      %broadcast_in_dim3A_146 = vector.broadcast %broadcast_in_dim3A_145 : i1 to vector<16xi1>
      %masked_cumsum3A = tpu.scan <sum>, %convert_element_type3A_144 masked %broadcast_in_dim3A_146 : vector<16xi32>, vector<16xi1> -> vector<16xi32>
      %add3A_147 = vector.broadcast %scan3A_126 : i32 to vector<16xi32>
      %add3A_148 = arith.addi %add3A_147, %masked_cumsum3A : vector<16xi32>
      %sub3A_149 = arith.constant 1 : i32
      %sub3A_150 = vector.broadcast %sub3A_149 : i32 to vector<16xi32>
      %sub3A_151 = arith.subi %add3A_148, %sub3A_150 : vector<16xi32>
      tpu.vector_store_idx %arg14[%sub3A_151], %get3A_137 masked %and3A : memref<4016xi32, #tpu.memory_space<vmem>>[vector<16xi32>], vector<16xi32>, vector<16xi1>
      tpu.vector_store_idx %arg15[%sub3A_151], %sub3A_138 masked %and3A : memref<4016xi32, #tpu.memory_space<vmem>>[vector<16xi32>], vector<16xi32>, vector<16xi1>
      %slice3A = vector.extract_strided_slice %masked_cumsum3A {offsets = [15], sizes = [1], strides = [1]} : vector<16xi32> to vector<1xi32>
      %squeeze3A = vector.extract %slice3A[0] : i32 from vector<1xi32>
      %add3A_152 = arith.addi %scan3A_126, %squeeze3A : i32
      %scan3A_153 = arith.constant 249 : i32
      %scan3A_154 = arith.addi %scan3A_122, %scan3A_153 : i32
      %mul3A_155 = arith.constant 16 : i32
      %mul3A_156 = arith.muli %scan3A_154, %mul3A_155 : i32
      %get3A_157 = arith.index_cast %rem3A_96 : i32 to index
      %get3A_158 = arith.index_cast %mul3A_156 : i32 to index
      %get3A_159 = tpu.vector_load %arg12[%get3A_157, %get3A_158] {strides = array<i32>} : memref<2x4000xi32, #tpu.memory_space<vmem>>, vector<16xi32>,
      %mul3A_160 = arith.constant 16 : i32
      %mul3A_161 = arith.muli %scan3A_154, %mul3A_160 : i32
      %get3A_162 = arith.index_cast %rem3A_96 : i32 to index
      %get3A_163 = arith.index_cast %mul3A_161 : i32 to index
      %get3A_164 = tpu.vector_load %arg13[%get3A_162, %get3A_163] {strides = array<i32>} : memref<2x4000xi32, #tpu.memory_space<vmem>>, vector<16xi32>,
      %sub3A_165 = vector.broadcast %mul3A_2 : i32 to vector<16xi32>
      %sub3A_166 = arith.subi %get3A_159, %sub3A_165 : vector<16xi32>
      %ge3A_167 = arith.constant 0 : i32
      %ge3A_168 = vector.broadcast %ge3A_167 : i32 to vector<16xi32>
      %ge3A_169 = arith.cmpi sge, %sub3A_166, %ge3A_168 : vector<16xi32>
      %lt3A_170 = arith.constant 320 : i32
      %lt3A_171 = vector.broadcast %lt3A_170 : i32 to vector<16xi32>
      %lt3A_172 = arith.cmpi slt, %sub3A_166, %lt3A_171 : vector<16xi32>
      %and3A_173 = arith.andi %ge3A_169, %lt3A_172 : vector<16xi1>
      %convert_element_type3A_174 = arith.extui %and3A_173 : vector<16xi1> to vector<16xi32>
      %broadcast_in_dim3A_175 = arith.constant true
      %broadcast_in_dim3A_176 = vector.broadcast %broadcast_in_dim3A_175 : i1 to vector<16xi1>
      %masked_cumsum3A_177 = tpu.scan <sum>, %convert_element_type3A_174 masked %broadcast_in_dim3A_176 : vector<16xi32>, vector<16xi1> -> vector<16xi32>
      %add3A_178 = vector.broadcast %add3A_152 : i32 to vector<16xi32>
      %add3A_179 = arith.addi %add3A_178, %masked_cumsum3A_177 : vector<16xi32>
      %sub3A_180 = arith.constant 1 : i32
      %sub3A_181 = vector.broadcast %sub3A_180 : i32 to vector<16xi32>
      %sub3A_182 = arith.subi %add3A_179, %sub3A_181 : vector<16xi32>
      tpu.vector_store_idx %arg14[%sub3A_182], %get3A_164 masked %and3A_173 : memref<4016xi32, #tpu.memory_space<vmem>>[vector<16xi32>], vector<16xi32>, vector<16xi1>
      tpu.vector_store_idx %arg15[%sub3A_182], %sub3A_166 masked %and3A_173 : memref<4016xi32, #tpu.memory_space<vmem>>[vector<16xi32>], vector<16xi32>, vector<16xi1>
      %slice3A_183 = vector.extract_strided_slice %masked_cumsum3A_177 {offsets = [15], sizes = [1], strides = [1]} : vector<16xi32> to vector<1xi32>
      %squeeze3A_184 = vector.extract %slice3A_183[0] : i32 from vector<1xi32>
      %add3A_185 = arith.addi %add3A_152, %squeeze3A_184 : i32
      %scan3A_186 = arith.constant 250 : i32
      %add3A_187 = arith.constant 127 : i32
      %add3A_188 = arith.addi %add3A_185, %add3A_187 : i32
      %div3A = arith.constant 128 : i32
      %div3A_189 = arith.divsi %add3A_188, %div3A : i32
      %gt3A = arith.constant 0 : i32
      %gt3A_190 = arith.cmpi sgt, %div3A_189, %gt3A : i32
      %convert_element_type3A_191 = arith.extui %gt3A_190 : i1 to i32
      %cond3A_192 = arith.constant 0 : i32
      %cond3A_193 = arith.cmpi ne, %convert_element_type3A_191, %cond3A_192 : i32
      scf.if %cond3A_193 {
        %rem3A_206 = arith.constant 0 : i32
        %rem3A_207 = arith.constant 2 : i32
        %rem3A_208 = arith.remsi %rem3A_206, %rem3A_207 : i32
        %dma_start3A_209 = arith.constant 0 : i32
        %dma_start3A_210 = arith.constant 0 : i32
        %dma_start3A_211 = tpu.memref_slice %arg16[%rem3A_208, %dma_start3A_209, %dma_start3A_210] : memref<2x128x64xf32, #tpu.memory_space<vmem>> -> memref<1x128x64xf32, #tpu.memory_space<vmem>>
        %dma_start3A_212 = tpu.memref_squeeze %dma_start3A_211 : memref<1x128x64xf32, #tpu.memory_space<vmem>> -> memref<128x64xf32, #tpu.memory_space<vmem>>
        %dma_start3A_213 = arith.constant 0 : i32
        %dma_start3A_214 = tpu.memref_slice %arg14[%dma_start3A_213] : memref<4016xi32, #tpu.memory_space<vmem>> -> memref<128xi32, #tpu.memory_space<vmem>>
        %dma_start3A_215 = arith.constant 0 : i32
        %dma_start3A_216 = arith.constant 0 : i32
        %dma_start3A_217 = tpu.memref_slice %arg3[%dma_start3A_215, %dma_start3A_216] : memref<10240x64xf32, #tpu.memory_space<hbm>> -> memref<10240x64xf32, #tpu.memory_space<hbm>>
        tpu.enqueue_indirect_dma source(%dma_start3A_217 : memref<10240x64xf32, #tpu.memory_space<hbm>>) target(%dma_start3A_212 : memref<128x64xf32, #tpu.memory_space<vmem>>) offsets(%dma_start3A_214 : memref<128xi32, #tpu.memory_space<vmem>>) semaphore(%arg20 : memref<!tpu.dma_semaphore, #tpu.memory_space<semaphore_mem>>)
      } else {
      }
      %while3A = arith.constant 0 : i32
      %while3A_194 = arith.constant 0 : i32
      %while3A_195 = arith.subi %div3A_189, %while3A : i32
      %while3A_196 = arith.addi %while3A, %while3A_195 : i32
      %while3A_197 = arith.constant 1 : i32
      %while3A_198 = arith.divsi %while3A_195, %while3A_197 : i32
      %while3A_199 = arith.muli %while3A_198, %while3A_197 : i32
      %while3A_200 = arith.addi %while3A, %while3A_199 : i32
      %while3A_201 = arith.constant 1 : i32
      %while3A_202 = scf.for %while3A_206 = %while3A to %while3A_200 step %while3A_201 iter_args(%while3A_207 = %while3A_194) -> (i32)  : i32 {
        %rem3A_208 = arith.constant 2 : i32
        %rem3A_209 = arith.remsi %while3A_206, %rem3A_208 : i32
        %dma_wait3A_210 = arith.constant 0 : i32
        %dma_wait3A_211 = arith.constant 0 : i32
        %dma_wait3A_212 = tpu.memref_slice %arg16[%rem3A_209, %dma_wait3A_210, %dma_wait3A_211] : memref<2x128x64xf32, #tpu.memory_space<vmem>> -> memref<1x128x64xf32, #tpu.memory_space<vmem>>
        %dma_wait3A_213 = tpu.memref_squeeze %dma_wait3A_212 : memref<1x128x64xf32, #tpu.memory_space<vmem>> -> memref<128x64xf32, #tpu.memory_space<vmem>>
        %dma_wait3A_214 = arith.constant 0 : i32
        %dma_wait3A_215 = tpu.memref_slice %arg14[%dma_wait3A_214] : memref<4016xi32, #tpu.memory_space<vmem>> -> memref<128xi32, #tpu.memory_space<vmem>>
        %dma_wait3A_216 = arith.constant 0 : i32
        %dma_wait3A_217 = arith.constant 0 : i32
        %dma_wait3A_218 = tpu.memref_slice %arg3[%dma_wait3A_216, %dma_wait3A_217] : memref<10240x64xf32, #tpu.memory_space<hbm>> -> memref<10240x64xf32, #tpu.memory_space<hbm>>
        tpu.wait_indirect_dma semaphore(%arg20 : memref<!tpu.dma_semaphore, #tpu.memory_space<semaphore_mem>>) src(%dma_wait3A_218 : memref<10240x64xf32, #tpu.memory_space<hbm>>) dst(%dma_wait3A_213 : memref<128x64xf32, #tpu.memory_space<vmem>>)
        %add3A_219 = arith.constant 1 : i32
        %add3A_220 = arith.addi %while3A_206, %add3A_219 : i32
        %lt3A_221 = arith.cmpi slt, %add3A_220, %div3A_189 : i32
        %convert_element_type3A_222 = arith.extui %lt3A_221 : i1 to i32
        %cond3A_223 = arith.constant 0 : i32
        %cond3A_224 = arith.cmpi ne, %convert_element_type3A_222, %cond3A_223 : i32
        scf.if %cond3A_224 {
          %add3A_242 = arith.constant 1 : i32
          %add3A_243 = arith.addi %while3A_206, %add3A_242 : i32
          %mul3A_244 = arith.constant 128 : i32
          %mul3A_245 = arith.muli %add3A_243, %mul3A_244 : i32
          %rem3A_246 = arith.constant 2 : i32
          %rem3A_247 = arith.remsi %add3A_243, %rem3A_246 : i32
          %dma_start3A_248 = arith.constant 0 : i32
          %dma_start3A_249 = arith.constant 0 : i32
          %dma_start3A_250 = tpu.memref_slice %arg16[%rem3A_247, %dma_start3A_248, %dma_start3A_249] : memref<2x128x64xf32, #tpu.memory_space<vmem>> -> memref<1x128x64xf32, #tpu.memory_space<vmem>>
          %dma_start3A_251 = tpu.memref_squeeze %dma_start3A_250 : memref<1x128x64xf32, #tpu.memory_space<vmem>> -> memref<128x64xf32, #tpu.memory_space<vmem>>
          %dma_start3A_252 = tpu.memref_slice %arg14[%mul3A_245] : memref<4016xi32, #tpu.memory_space<vmem>> -> memref<128xi32, #tpu.memory_space<vmem>>
          %dma_start3A_253 = arith.constant 0 : i32
          %dma_start3A_254 = arith.constant 0 : i32
          %dma_start3A_255 = tpu.memref_slice %arg3[%dma_start3A_253, %dma_start3A_254] : memref<10240x64xf32, #tpu.memory_space<hbm>> -> memref<10240x64xf32, #tpu.memory_space<hbm>>
          tpu.enqueue_indirect_dma source(%dma_start3A_255 : memref<10240x64xf32, #tpu.memory_space<hbm>>) target(%dma_start3A_251 : memref<128x64xf32, #tpu.memory_space<vmem>>) offsets(%dma_start3A_252 : memref<128xi32, #tpu.memory_space<vmem>>) semaphore(%arg20 : memref<!tpu.dma_semaphore, #tpu.memory_space<semaphore_mem>>)
        } else {
        }
        %mul3A_225 = arith.constant 128 : i32
        %mul3A_226 = arith.muli %while3A_206, %mul3A_225 : i32
        %sub3A_227 = arith.subi %add3A_185, %mul3A_226 : i32
        %min3A = arith.constant 128 : i32
        %min3A_228 = arith.minsi %sub3A_227, %min3A : i32
        %while3A_229 = arith.constant 0 : i32
        %while3A_230 = arith.constant 0 : i32
        %while3A_231 = arith.subi %min3A_228, %while3A_229 : i32
        %while3A_232 = arith.addi %while3A_229, %while3A_231 : i32
        %while3A_233 = arith.constant 1 : i32
        %while3A_234 = arith.divsi %while3A_231, %while3A_233 : i32
        %while3A_235 = arith.muli %while3A_234, %while3A_233 : i32
        %while3A_236 = arith.addi %while3A_229, %while3A_235 : i32
        %while3A_237 = arith.constant 1 : i32
        %while3A_238 = scf.for %while3A_242 = %while3A_229 to %while3A_236 step %while3A_237 iter_args(%while3A_243 = %while3A_230) -> (i32)  : i32 {
          %mul3A_244 = arith.constant 128 : i32
          %mul3A_245 = arith.muli %while3A_206, %mul3A_244 : i32
          %add3A_246 = arith.addi %mul3A_245, %while3A_242 : i32
          %get3A_247 = arith.index_cast %add3A_246 : i32 to index
          %get3A_248 = tpu.vector_load %arg15[%get3A_247] {strides = array<i32>} : memref<4016xi32, #tpu.memory_space<vmem>>, vector<16xi32>,
          %slice3A_249 = vector.extract_strided_slice %get3A_248 {offsets = [0], sizes = [1], strides = [1]} : vector<16xi32> to vector<1xi32>
          %squeeze3A_250 = vector.extract %slice3A_249[0] : i32 from vector<1xi32>
          %mul3A_251 = arith.constant 64 : i32
          %mul3A_252 = arith.muli %squeeze3A_250, %mul3A_251 : i32
          %add3A_253 = arith.constant 0 : i32
          %add3A_254 = arith.addi %mul3A_252, %add3A_253 : i32
          %get3A_255 = arith.index_cast %add3A_254 : i32 to index
          %get3A_256 = tpu.vector_load %arg10[%get3A_255] {strides = array<i32>} : memref<20480xf32, #tpu.memory_space<vmem>>, vector<16xf32>,
          %get3A_257 = arith.index_cast %rem3A_209 : i32 to index
          %get3A_258 = arith.index_cast %while3A_242 : i32 to index
          %get3A_259 = arith.constant 0 : index
          %get3A_260 = tpu.vector_load %arg16[%get3A_257, %get3A_258, %get3A_259] {strides = array<i32>} : memref<2x128x64xf32, #tpu.memory_space<vmem>>, vector<16xf32>,
          %max3A = arith.maximumf %get3A_256, %get3A_260 : vector<16xf32>
          %swap3A = arith.index_cast %add3A_254 : i32 to index
          %swap3A_261 = tpu.vector_load %arg10[%swap3A] {strides = array<i32>} : memref<20480xf32, #tpu.memory_space<vmem>>, vector<16xf32>,
          tpu.vector_store %arg10[%swap3A], %max3A {strides = array<i32>} : memref<20480xf32, #tpu.memory_space<vmem>>, vector<16xf32>,
          %add3A_262 = arith.constant 16 : i32
          %add3A_263 = arith.addi %mul3A_252, %add3A_262 : i32
          %get3A_264 = arith.index_cast %add3A_263 : i32 to index
          %get3A_265 = tpu.vector_load %arg10[%get3A_264] {strides = array<i32>} : memref<20480xf32, #tpu.memory_space<vmem>>, vector<16xf32>,
          %get3A_266 = arith.index_cast %rem3A_209 : i32 to index
          %get3A_267 = arith.index_cast %while3A_242 : i32 to index
          %get3A_268 = arith.constant 16 : index
          %get3A_269 = tpu.vector_load %arg16[%get3A_266, %get3A_267, %get3A_268] {strides = array<i32>} : memref<2x128x64xf32, #tpu.memory_space<vmem>>, vector<16xf32>,
          %max3A_270 = arith.maximumf %get3A_265, %get3A_269 : vector<16xf32>
          %swap3A_271 = arith.index_cast %add3A_263 : i32 to index
          %swap3A_272 = tpu.vector_load %arg10[%swap3A_271] {strides = array<i32>} : memref<20480xf32, #tpu.memory_space<vmem>>, vector<16xf32>,
          tpu.vector_store %arg10[%swap3A_271], %max3A_270 {strides = array<i32>} : memref<20480xf32, #tpu.memory_space<vmem>>, vector<16xf32>,
          %add3A_273 = arith.constant 32 : i32
          %add3A_274 = arith.addi %mul3A_252, %add3A_273 : i32
          %get3A_275 = arith.index_cast %add3A_274 : i32 to index
          %get3A_276 = tpu.vector_load %arg10[%get3A_275] {strides = array<i32>} : memref<20480xf32, #tpu.memory_space<vmem>>, vector<16xf32>,
          %get3A_277 = arith.index_cast %rem3A_209 : i32 to index
          %get3A_278 = arith.index_cast %while3A_242 : i32 to index
          %get3A_279 = arith.constant 32 : index
          %get3A_280 = tpu.vector_load %arg16[%get3A_277, %get3A_278, %get3A_279] {strides = array<i32>} : memref<2x128x64xf32, #tpu.memory_space<vmem>>, vector<16xf32>,
          %max3A_281 = arith.maximumf %get3A_276, %get3A_280 : vector<16xf32>
          %swap3A_282 = arith.index_cast %add3A_274 : i32 to index
          %swap3A_283 = tpu.vector_load %arg10[%swap3A_282] {strides = array<i32>} : memref<20480xf32, #tpu.memory_space<vmem>>, vector<16xf32>,
          tpu.vector_store %arg10[%swap3A_282], %max3A_281 {strides = array<i32>} : memref<20480xf32, #tpu.memory_space<vmem>>, vector<16xf32>,
          %add3A_284 = arith.constant 48 : i32
          %add3A_285 = arith.addi %mul3A_252, %add3A_284 : i32
          %get3A_286 = arith.index_cast %add3A_285 : i32 to index
          %get3A_287 = tpu.vector_load %arg10[%get3A_286] {strides = array<i32>} : memref<20480xf32, #tpu.memory_space<vmem>>, vector<16xf32>,
          %get3A_288 = arith.index_cast %rem3A_209 : i32 to index
          %get3A_289 = arith.index_cast %while3A_242 : i32 to index
          %get3A_290 = arith.constant 48 : index
          %get3A_291 = tpu.vector_load %arg16[%get3A_288, %get3A_289, %get3A_290] {strides = array<i32>} : memref<2x128x64xf32, #tpu.memory_space<vmem>>, vector<16xf32>,
          %max3A_292 = arith.maximumf %get3A_287, %get3A_291 : vector<16xf32>
          %swap3A_293 = arith.index_cast %add3A_285 : i32 to index
          %swap3A_294 = tpu.vector_load %arg10[%swap3A_293] {strides = array<i32>} : memref<20480xf32, #tpu.memory_space<vmem>>, vector<16xf32>,
          tpu.vector_store %arg10[%swap3A_293], %max3A_292 {strides = array<i32>} : memref<20480xf32, #tpu.memory_space<vmem>>, vector<16xf32>,
          %while3A_295 = arith.constant 0 : i32
          scf.yield %while3A_295 : i32
        }
        %while3A_239 = arith.constant 1 : i32
        %while3A_240 = scf.for %while3A_242 = %while3A_236 to %while3A_232 step %while3A_239 iter_args(%while3A_243 = %while3A_238) -> (i32)  : i32 {
          %mul3A_244 = arith.constant 128 : i32
          %mul3A_245 = arith.muli %while3A_206, %mul3A_244 : i32
          %add3A_246 = arith.addi %mul3A_245, %while3A_242 : i32
          %get3A_247 = arith.index_cast %add3A_246 : i32 to index
          %get3A_248 = tpu.vector_load %arg15[%get3A_247] {strides = array<i32>} : memref<4016xi32, #tpu.memory_space<vmem>>, vector<16xi32>,
          %slice3A_249 = vector.extract_strided_slice %get3A_248 {offsets = [0], sizes = [1], strides = [1]} : vector<16xi32> to vector<1xi32>
          %squeeze3A_250 = vector.extract %slice3A_249[0] : i32 from vector<1xi32>
          %mul3A_251 = arith.constant 64 : i32
          %mul3A_252 = arith.muli %squeeze3A_250, %mul3A_251 : i32
          %add3A_253 = arith.constant 0 : i32
          %add3A_254 = arith.addi %mul3A_252, %add3A_253 : i32
          %get3A_255 = arith.index_cast %add3A_254 : i32 to index
          %get3A_256 = tpu.vector_load %arg10[%get3A_255] {strides = array<i32>} : memref<20480xf32, #tpu.memory_space<vmem>>, vector<16xf32>,
          %get3A_257 = arith.index_cast %rem3A_209 : i32 to index
          %get3A_258 = arith.index_cast %while3A_242 : i32 to index
          %get3A_259 = arith.constant 0 : index
          %get3A_260 = tpu.vector_load %arg16[%get3A_257, %get3A_258, %get3A_259] {strides = array<i32>} : memref<2x128x64xf32, #tpu.memory_space<vmem>>, vector<16xf32>,
          %max3A = arith.maximumf %get3A_256, %get3A_260 : vector<16xf32>
          %swap3A = arith.index_cast %add3A_254 : i32 to index
          %swap3A_261 = tpu.vector_load %arg10[%swap3A] {strides = array<i32>} : memref<20480xf32, #tpu.memory_space<vmem>>, vector<16xf32>,
          tpu.vector_store %arg10[%swap3A], %max3A {strides = array<i32>} : memref<20480xf32, #tpu.memory_space<vmem>>, vector<16xf32>,
          %add3A_262 = arith.constant 16 : i32
          %add3A_263 = arith.addi %mul3A_252, %add3A_262 : i32
          %get3A_264 = arith.index_cast %add3A_263 : i32 to index
          %get3A_265 = tpu.vector_load %arg10[%get3A_264] {strides = array<i32>} : memref<20480xf32, #tpu.memory_space<vmem>>, vector<16xf32>,
          %get3A_266 = arith.index_cast %rem3A_209 : i32 to index
          %get3A_267 = arith.index_cast %while3A_242 : i32 to index
          %get3A_268 = arith.constant 16 : index
          %get3A_269 = tpu.vector_load %arg16[%get3A_266, %get3A_267, %get3A_268] {strides = array<i32>} : memref<2x128x64xf32, #tpu.memory_space<vmem>>, vector<16xf32>,
          %max3A_270 = arith.maximumf %get3A_265, %get3A_269 : vector<16xf32>
          %swap3A_271 = arith.index_cast %add3A_263 : i32 to index
          %swap3A_272 = tpu.vector_load %arg10[%swap3A_271] {strides = array<i32>} : memref<20480xf32, #tpu.memory_space<vmem>>, vector<16xf32>,
          tpu.vector_store %arg10[%swap3A_271], %max3A_270 {strides = array<i32>} : memref<20480xf32, #tpu.memory_space<vmem>>, vector<16xf32>,
          %add3A_273 = arith.constant 32 : i32
          %add3A_274 = arith.addi %mul3A_252, %add3A_273 : i32
          %get3A_275 = arith.index_cast %add3A_274 : i32 to index
          %get3A_276 = tpu.vector_load %arg10[%get3A_275] {strides = array<i32>} : memref<20480xf32, #tpu.memory_space<vmem>>, vector<16xf32>,
          %get3A_277 = arith.index_cast %rem3A_209 : i32 to index
          %get3A_278 = arith.index_cast %while3A_242 : i32 to index
          %get3A_279 = arith.constant 32 : index
          %get3A_280 = tpu.vector_load %arg16[%get3A_277, %get3A_278, %get3A_279] {strides = array<i32>} : memref<2x128x64xf32, #tpu.memory_space<vmem>>, vector<16xf32>,
          %max3A_281 = arith.maximumf %get3A_276, %get3A_280 : vector<16xf32>
          %swap3A_282 = arith.index_cast %add3A_274 : i32 to index
          %swap3A_283 = tpu.vector_load %arg10[%swap3A_282] {strides = array<i32>} : memref<20480xf32, #tpu.memory_space<vmem>>, vector<16xf32>,
          tpu.vector_store %arg10[%swap3A_282], %max3A_281 {strides = array<i32>} : memref<20480xf32, #tpu.memory_space<vmem>>, vector<16xf32>,
          %add3A_284 = arith.constant 48 : i32
          %add3A_285 = arith.addi %mul3A_252, %add3A_284 : i32
          %get3A_286 = arith.index_cast %add3A_285 : i32 to index
          %get3A_287 = tpu.vector_load %arg10[%get3A_286] {strides = array<i32>} : memref<20480xf32, #tpu.memory_space<vmem>>, vector<16xf32>,
          %get3A_288 = arith.index_cast %rem3A_209 : i32 to index
          %get3A_289 = arith.index_cast %while3A_242 : i32 to index
          %get3A_290 = arith.constant 48 : index
          %get3A_291 = tpu.vector_load %arg16[%get3A_288, %get3A_289, %get3A_290] {strides = array<i32>} : memref<2x128x64xf32, #tpu.memory_space<vmem>>, vector<16xf32>,
          %max3A_292 = arith.maximumf %get3A_287, %get3A_291 : vector<16xf32>
          %swap3A_293 = arith.index_cast %add3A_285 : i32 to index
          %swap3A_294 = tpu.vector_load %arg10[%swap3A_293] {strides = array<i32>} : memref<20480xf32, #tpu.memory_space<vmem>>, vector<16xf32>,
          tpu.vector_store %arg10[%swap3A_293], %max3A_292 {strides = array<i32>} : memref<20480xf32, #tpu.memory_space<vmem>>, vector<16xf32>,
          %while3A_295 = arith.constant 0 : i32
          scf.yield %while3A_295 : i32
        }
        %while3A_241 = arith.constant 0 : i32
        scf.yield %while3A_241 : i32
      }
      %while3A_203 = arith.constant 1 : i32
      %while3A_204 = scf.for %while3A_206 = %while3A_200 to %while3A_196 step %while3A_203 iter_args(%while3A_207 = %while3A_202) -> (i32)  : i32 {
        %rem3A_208 = arith.constant 2 : i32
        %rem3A_209 = arith.remsi %while3A_206, %rem3A_208 : i32
        %dma_wait3A_210 = arith.constant 0 : i32
        %dma_wait3A_211 = arith.constant 0 : i32
        %dma_wait3A_212 = tpu.memref_slice %arg16[%rem3A_209, %dma_wait3A_210, %dma_wait3A_211] : memref<2x128x64xf32, #tpu.memory_space<vmem>> -> memref<1x128x64xf32, #tpu.memory_space<vmem>>
        %dma_wait3A_213 = tpu.memref_squeeze %dma_wait3A_212 : memref<1x128x64xf32, #tpu.memory_space<vmem>> -> memref<128x64xf32, #tpu.memory_space<vmem>>
        %dma_wait3A_214 = arith.constant 0 : i32
        %dma_wait3A_215 = tpu.memref_slice %arg14[%dma_wait3A_214] : memref<4016xi32, #tpu.memory_space<vmem>> -> memref<128xi32, #tpu.memory_space<vmem>>
        %dma_wait3A_216 = arith.constant 0 : i32
        %dma_wait3A_217 = arith.constant 0 : i32
        %dma_wait3A_218 = tpu.memref_slice %arg3[%dma_wait3A_216, %dma_wait3A_217] : memref<10240x64xf32, #tpu.memory_space<hbm>> -> memref<10240x64xf32, #tpu.memory_space<hbm>>
        tpu.wait_indirect_dma semaphore(%arg20 : memref<!tpu.dma_semaphore, #tpu.memory_space<semaphore_mem>>) src(%dma_wait3A_218 : memref<10240x64xf32, #tpu.memory_space<hbm>>) dst(%dma_wait3A_213 : memref<128x64xf32, #tpu.memory_space<vmem>>)
        %add3A_219 = arith.constant 1 : i32
        %add3A_220 = arith.addi %while3A_206, %add3A_219 : i32
        %lt3A_221 = arith.cmpi slt, %add3A_220, %div3A_189 : i32
        %convert_element_type3A_222 = arith.extui %lt3A_221 : i1 to i32
        %cond3A_223 = arith.constant 0 : i32
        %cond3A_224 = arith.cmpi ne, %convert_element_type3A_222, %cond3A_223 : i32
        scf.if %cond3A_224 {
          %add3A_242 = arith.constant 1 : i32
          %add3A_243 = arith.addi %while3A_206, %add3A_242 : i32
          %mul3A_244 = arith.constant 128 : i32
          %mul3A_245 = arith.muli %add3A_243, %mul3A_244 : i32
          %rem3A_246 = arith.constant 2 : i32
          %rem3A_247 = arith.remsi %add3A_243, %rem3A_246 : i32
          %dma_start3A_248 = arith.constant 0 : i32
          %dma_start3A_249 = arith.constant 0 : i32
          %dma_start3A_250 = tpu.memref_slice %arg16[%rem3A_247, %dma_start3A_248, %dma_start3A_249] : memref<2x128x64xf32, #tpu.memory_space<vmem>> -> memref<1x128x64xf32, #tpu.memory_space<vmem>>
          %dma_start3A_251 = tpu.memref_squeeze %dma_start3A_250 : memref<1x128x64xf32, #tpu.memory_space<vmem>> -> memref<128x64xf32, #tpu.memory_space<vmem>>
          %dma_start3A_252 = tpu.memref_slice %arg14[%mul3A_245] : memref<4016xi32, #tpu.memory_space<vmem>> -> memref<128xi32, #tpu.memory_space<vmem>>
          %dma_start3A_253 = arith.constant 0 : i32
          %dma_start3A_254 = arith.constant 0 : i32
          %dma_start3A_255 = tpu.memref_slice %arg3[%dma_start3A_253, %dma_start3A_254] : memref<10240x64xf32, #tpu.memory_space<hbm>> -> memref<10240x64xf32, #tpu.memory_space<hbm>>
          tpu.enqueue_indirect_dma source(%dma_start3A_255 : memref<10240x64xf32, #tpu.memory_space<hbm>>) target(%dma_start3A_251 : memref<128x64xf32, #tpu.memory_space<vmem>>) offsets(%dma_start3A_252 : memref<128xi32, #tpu.memory_space<vmem>>) semaphore(%arg20 : memref<!tpu.dma_semaphore, #tpu.memory_space<semaphore_mem>>)
        } else {
        }
        %mul3A_225 = arith.constant 128 : i32
        %mul3A_226 = arith.muli %while3A_206, %mul3A_225 : i32
        %sub3A_227 = arith.subi %add3A_185, %mul3A_226 : i32
        %min3A = arith.constant 128 : i32
        %min3A_228 = arith.minsi %sub3A_227, %min3A : i32
        %while3A_229 = arith.constant 0 : i32
        %while3A_230 = arith.constant 0 : i32
        %while3A_231 = arith.subi %min3A_228, %while3A_229 : i32
        %while3A_232 = arith.addi %while3A_229, %while3A_231 : i32
        %while3A_233 = arith.constant 1 : i32
        %while3A_234 = arith.divsi %while3A_231, %while3A_233 : i32
        %while3A_235 = arith.muli %while3A_234, %while3A_233 : i32
        %while3A_236 = arith.addi %while3A_229, %while3A_235 : i32
        %while3A_237 = arith.constant 1 : i32
        %while3A_238 = scf.for %while3A_242 = %while3A_229 to %while3A_236 step %while3A_237 iter_args(%while3A_243 = %while3A_230) -> (i32)  : i32 {
          %mul3A_244 = arith.constant 128 : i32
          %mul3A_245 = arith.muli %while3A_206, %mul3A_244 : i32
          %add3A_246 = arith.addi %mul3A_245, %while3A_242 : i32
          %get3A_247 = arith.index_cast %add3A_246 : i32 to index
          %get3A_248 = tpu.vector_load %arg15[%get3A_247] {strides = array<i32>} : memref<4016xi32, #tpu.memory_space<vmem>>, vector<16xi32>,
          %slice3A_249 = vector.extract_strided_slice %get3A_248 {offsets = [0], sizes = [1], strides = [1]} : vector<16xi32> to vector<1xi32>
          %squeeze3A_250 = vector.extract %slice3A_249[0] : i32 from vector<1xi32>
          %mul3A_251 = arith.constant 64 : i32
          %mul3A_252 = arith.muli %squeeze3A_250, %mul3A_251 : i32
          %add3A_253 = arith.constant 0 : i32
          %add3A_254 = arith.addi %mul3A_252, %add3A_253 : i32
          %get3A_255 = arith.index_cast %add3A_254 : i32 to index
          %get3A_256 = tpu.vector_load %arg10[%get3A_255] {strides = array<i32>} : memref<20480xf32, #tpu.memory_space<vmem>>, vector<16xf32>,
          %get3A_257 = arith.index_cast %rem3A_209 : i32 to index
          %get3A_258 = arith.index_cast %while3A_242 : i32 to index
          %get3A_259 = arith.constant 0 : index
          %get3A_260 = tpu.vector_load %arg16[%get3A_257, %get3A_258, %get3A_259] {strides = array<i32>} : memref<2x128x64xf32, #tpu.memory_space<vmem>>, vector<16xf32>,
          %max3A = arith.maximumf %get3A_256, %get3A_260 : vector<16xf32>
          %swap3A = arith.index_cast %add3A_254 : i32 to index
          %swap3A_261 = tpu.vector_load %arg10[%swap3A] {strides = array<i32>} : memref<20480xf32, #tpu.memory_space<vmem>>, vector<16xf32>,
          tpu.vector_store %arg10[%swap3A], %max3A {strides = array<i32>} : memref<20480xf32, #tpu.memory_space<vmem>>, vector<16xf32>,
          %add3A_262 = arith.constant 16 : i32
          %add3A_263 = arith.addi %mul3A_252, %add3A_262 : i32
          %get3A_264 = arith.index_cast %add3A_263 : i32 to index
          %get3A_265 = tpu.vector_load %arg10[%get3A_264] {strides = array<i32>} : memref<20480xf32, #tpu.memory_space<vmem>>, vector<16xf32>,
          %get3A_266 = arith.index_cast %rem3A_209 : i32 to index
          %get3A_267 = arith.index_cast %while3A_242 : i32 to index
          %get3A_268 = arith.constant 16 : index
          %get3A_269 = tpu.vector_load %arg16[%get3A_266, %get3A_267, %get3A_268] {strides = array<i32>} : memref<2x128x64xf32, #tpu.memory_space<vmem>>, vector<16xf32>,
          %max3A_270 = arith.maximumf %get3A_265, %get3A_269 : vector<16xf32>
          %swap3A_271 = arith.index_cast %add3A_263 : i32 to index
          %swap3A_272 = tpu.vector_load %arg10[%swap3A_271] {strides = array<i32>} : memref<20480xf32, #tpu.memory_space<vmem>>, vector<16xf32>,
          tpu.vector_store %arg10[%swap3A_271], %max3A_270 {strides = array<i32>} : memref<20480xf32, #tpu.memory_space<vmem>>, vector<16xf32>,
          %add3A_273 = arith.constant 32 : i32
          %add3A_274 = arith.addi %mul3A_252, %add3A_273 : i32
          %get3A_275 = arith.index_cast %add3A_274 : i32 to index
          %get3A_276 = tpu.vector_load %arg10[%get3A_275] {strides = array<i32>} : memref<20480xf32, #tpu.memory_space<vmem>>, vector<16xf32>,
          %get3A_277 = arith.index_cast %rem3A_209 : i32 to index
          %get3A_278 = arith.index_cast %while3A_242 : i32 to index
          %get3A_279 = arith.constant 32 : index
          %get3A_280 = tpu.vector_load %arg16[%get3A_277, %get3A_278, %get3A_279] {strides = array<i32>} : memref<2x128x64xf32, #tpu.memory_space<vmem>>, vector<16xf32>,
          %max3A_281 = arith.maximumf %get3A_276, %get3A_280 : vector<16xf32>
          %swap3A_282 = arith.index_cast %add3A_274 : i32 to index
          %swap3A_283 = tpu.vector_load %arg10[%swap3A_282] {strides = array<i32>} : memref<20480xf32, #tpu.memory_space<vmem>>, vector<16xf32>,
          tpu.vector_store %arg10[%swap3A_282], %max3A_281 {strides = array<i32>} : memref<20480xf32, #tpu.memory_space<vmem>>, vector<16xf32>,
          %add3A_284 = arith.constant 48 : i32
          %add3A_285 = arith.addi %mul3A_252, %add3A_284 : i32
          %get3A_286 = arith.index_cast %add3A_285 : i32 to index
          %get3A_287 = tpu.vector_load %arg10[%get3A_286] {strides = array<i32>} : memref<20480xf32, #tpu.memory_space<vmem>>, vector<16xf32>,
          %get3A_288 = arith.index_cast %rem3A_209 : i32 to index
          %get3A_289 = arith.index_cast %while3A_242 : i32 to index
          %get3A_290 = arith.constant 48 : index
          %get3A_291 = tpu.vector_load %arg16[%get3A_288, %get3A_289, %get3A_290] {strides = array<i32>} : memref<2x128x64xf32, #tpu.memory_space<vmem>>, vector<16xf32>,
          %max3A_292 = arith.maximumf %get3A_287, %get3A_291 : vector<16xf32>
          %swap3A_293 = arith.index_cast %add3A_285 : i32 to index
          %swap3A_294 = tpu.vector_load %arg10[%swap3A_293] {strides = array<i32>} : memref<20480xf32, #tpu.memory_space<vmem>>, vector<16xf32>,
          tpu.vector_store %arg10[%swap3A_293], %max3A_292 {strides = array<i32>} : memref<20480xf32, #tpu.memory_space<vmem>>, vector<16xf32>,
          %while3A_295 = arith.constant 0 : i32
          scf.yield %while3A_295 : i32
        }
        %while3A_239 = arith.constant 1 : i32
        %while3A_240 = scf.for %while3A_242 = %while3A_236 to %while3A_232 step %while3A_239 iter_args(%while3A_243 = %while3A_238) -> (i32)  : i32 {
          %mul3A_244 = arith.constant 128 : i32
          %mul3A_245 = arith.muli %while3A_206, %mul3A_244 : i32
          %add3A_246 = arith.addi %mul3A_245, %while3A_242 : i32
          %get3A_247 = arith.index_cast %add3A_246 : i32 to index
          %get3A_248 = tpu.vector_load %arg15[%get3A_247] {strides = array<i32>} : memref<4016xi32, #tpu.memory_space<vmem>>, vector<16xi32>,
          %slice3A_249 = vector.extract_strided_slice %get3A_248 {offsets = [0], sizes = [1], strides = [1]} : vector<16xi32> to vector<1xi32>
          %squeeze3A_250 = vector.extract %slice3A_249[0] : i32 from vector<1xi32>
          %mul3A_251 = arith.constant 64 : i32
          %mul3A_252 = arith.muli %squeeze3A_250, %mul3A_251 : i32
          %add3A_253 = arith.constant 0 : i32
          %add3A_254 = arith.addi %mul3A_252, %add3A_253 : i32
          %get3A_255 = arith.index_cast %add3A_254 : i32 to index
          %get3A_256 = tpu.vector_load %arg10[%get3A_255] {strides = array<i32>} : memref<20480xf32, #tpu.memory_space<vmem>>, vector<16xf32>,
          %get3A_257 = arith.index_cast %rem3A_209 : i32 to index
          %get3A_258 = arith.index_cast %while3A_242 : i32 to index
          %get3A_259 = arith.constant 0 : index
          %get3A_260 = tpu.vector_load %arg16[%get3A_257, %get3A_258, %get3A_259] {strides = array<i32>} : memref<2x128x64xf32, #tpu.memory_space<vmem>>, vector<16xf32>,
          %max3A = arith.maximumf %get3A_256, %get3A_260 : vector<16xf32>
          %swap3A = arith.index_cast %add3A_254 : i32 to index
          %swap3A_261 = tpu.vector_load %arg10[%swap3A] {strides = array<i32>} : memref<20480xf32, #tpu.memory_space<vmem>>, vector<16xf32>,
          tpu.vector_store %arg10[%swap3A], %max3A {strides = array<i32>} : memref<20480xf32, #tpu.memory_space<vmem>>, vector<16xf32>,
          %add3A_262 = arith.constant 16 : i32
          %add3A_263 = arith.addi %mul3A_252, %add3A_262 : i32
          %get3A_264 = arith.index_cast %add3A_263 : i32 to index
          %get3A_265 = tpu.vector_load %arg10[%get3A_264] {strides = array<i32>} : memref<20480xf32, #tpu.memory_space<vmem>>, vector<16xf32>,
          %get3A_266 = arith.index_cast %rem3A_209 : i32 to index
          %get3A_267 = arith.index_cast %while3A_242 : i32 to index
          %get3A_268 = arith.constant 16 : index
          %get3A_269 = tpu.vector_load %arg16[%get3A_266, %get3A_267, %get3A_268] {strides = array<i32>} : memref<2x128x64xf32, #tpu.memory_space<vmem>>, vector<16xf32>,
          %max3A_270 = arith.maximumf %get3A_265, %get3A_269 : vector<16xf32>
          %swap3A_271 = arith.index_cast %add3A_263 : i32 to index
          %swap3A_272 = tpu.vector_load %arg10[%swap3A_271] {strides = array<i32>} : memref<20480xf32, #tpu.memory_space<vmem>>, vector<16xf32>,
          tpu.vector_store %arg10[%swap3A_271], %max3A_270 {strides = array<i32>} : memref<20480xf32, #tpu.memory_space<vmem>>, vector<16xf32>,
          %add3A_273 = arith.constant 32 : i32
          %add3A_274 = arith.addi %mul3A_252, %add3A_273 : i32
          %get3A_275 = arith.index_cast %add3A_274 : i32 to index
          %get3A_276 = tpu.vector_load %arg10[%get3A_275] {strides = array<i32>} : memref<20480xf32, #tpu.memory_space<vmem>>, vector<16xf32>,
          %get3A_277 = arith.index_cast %rem3A_209 : i32 to index
          %get3A_278 = arith.index_cast %while3A_242 : i32 to index
          %get3A_279 = arith.constant 32 : index
          %get3A_280 = tpu.vector_load %arg16[%get3A_277, %get3A_278, %get3A_279] {strides = array<i32>} : memref<2x128x64xf32, #tpu.memory_space<vmem>>, vector<16xf32>,
          %max3A_281 = arith.maximumf %get3A_276, %get3A_280 : vector<16xf32>
          %swap3A_282 = arith.index_cast %add3A_274 : i32 to index
          %swap3A_283 = tpu.vector_load %arg10[%swap3A_282] {strides = array<i32>} : memref<20480xf32, #tpu.memory_space<vmem>>, vector<16xf32>,
          tpu.vector_store %arg10[%swap3A_282], %max3A_281 {strides = array<i32>} : memref<20480xf32, #tpu.memory_space<vmem>>, vector<16xf32>,
          %add3A_284 = arith.constant 48 : i32
          %add3A_285 = arith.addi %mul3A_252, %add3A_284 : i32
          %get3A_286 = arith.index_cast %add3A_285 : i32 to index
          %get3A_287 = tpu.vector_load %arg10[%get3A_286] {strides = array<i32>} : memref<20480xf32, #tpu.memory_space<vmem>>, vector<16xf32>,
          %get3A_288 = arith.index_cast %rem3A_209 : i32 to index
          %get3A_289 = arith.index_cast %while3A_242 : i32 to index
          %get3A_290 = arith.constant 48 : index
          %get3A_291 = tpu.vector_load %arg16[%get3A_288, %get3A_289, %get3A_290] {strides = array<i32>} : memref<2x128x64xf32, #tpu.memory_space<vmem>>, vector<16xf32>,
          %max3A_292 = arith.maximumf %get3A_287, %get3A_291 : vector<16xf32>
          %swap3A_293 = arith.index_cast %add3A_285 : i32 to index
          %swap3A_294 = tpu.vector_load %arg10[%swap3A_293] {strides = array<i32>} : memref<20480xf32, #tpu.memory_space<vmem>>, vector<16xf32>,
          tpu.vector_store %arg10[%swap3A_293], %max3A_292 {strides = array<i32>} : memref<20480xf32, #tpu.memory_space<vmem>>, vector<16xf32>,
          %while3A_295 = arith.constant 0 : i32
          scf.yield %while3A_295 : i32
        }
        %while3A_241 = arith.constant 0 : i32
        scf.yield %while3A_241 : i32
      }
      %scan3A_205 = arith.constant 0 : i32
      scf.yield %scan3A_205 : i32
    }
    %scan3A_64 = arith.constant 40 : i32
    %mul3A_65 = arith.constant 64 : i32
    %mul3A_66 = arith.muli %mul3A_2, %mul3A_65 : i32
    %dma_wait3A = tpu.memref_slice %arg2[%mul3A_66] : memref<655360xf32, #tpu.memory_space<hbm>> -> memref<20480xf32, #tpu.memory_space<hbm>>
    %dma_wait3A_67 = tpu.memref_slice %arg2[%mul3A_66] : memref<655360xf32, #tpu.memory_space<hbm>> -> memref<20480xf32, #tpu.memory_space<hbm>>
    tpu.wait_dma2 semaphore(%arg21 : memref<!tpu.dma_semaphore, #tpu.memory_space<semaphore_mem>>) src(%dma_wait3A_67 : memref<20480xf32, #tpu.memory_space<hbm>>) dst(%arg11 : memref<20480xf32, #tpu.memory_space<vmem>>)
    tpu.wait_dma2 semaphore(%arg21 : memref<!tpu.dma_semaphore, #tpu.memory_space<semaphore_mem>>) src(%arg6 : memref<64xf32, #tpu.memory_space<hbm>>) dst(%arg17 : memref<64xf32, #tpu.memory_space<vmem>>)
    %mul3A_68 = arith.constant 64 : i32
    %mul3A_69 = arith.muli %mul3A_2, %mul3A_68 : i32
    %dma_wait3A_70 = arith.constant 0 : i32
    %dma_wait3A_71 = tpu.memref_slice %arg18[%dma_wait3A_70] : memref<40960xf32, #tpu.memory_space<vmem>> -> memref<20480xf32, #tpu.memory_space<vmem>>
    %dma_wait3A_72 = tpu.memref_slice %arg7[%mul3A_69] : memref<655360xf32, #tpu.memory_space<hbm>> -> memref<20480xf32, #tpu.memory_space<hbm>>
    %dma_wait3A_73 = arith.constant 0 : i32
    %dma_wait3A_74 = tpu.memref_slice %arg18[%dma_wait3A_73] : memref<40960xf32, #tpu.memory_space<vmem>> -> memref<20480xf32, #tpu.memory_space<vmem>>
    %dma_wait3A_75 = tpu.memref_slice %arg7[%mul3A_69] : memref<655360xf32, #tpu.memory_space<hbm>> -> memref<20480xf32, #tpu.memory_space<hbm>>
    tpu.wait_dma2 semaphore(%arg21 : memref<!tpu.dma_semaphore, #tpu.memory_space<semaphore_mem>>) src(%dma_wait3A_75 : memref<20480xf32, #tpu.memory_space<hbm>>) dst(%dma_wait3A_74 : memref<20480xf32, #tpu.memory_space<vmem>>)
    %mul3A_76 = arith.constant 64 : i32
    %mul3A_77 = arith.muli %mul3A_2, %mul3A_76 : i32
    %dma_wait3A_78 = arith.constant 20480 : i32
    %dma_wait3A_79 = tpu.memref_slice %arg18[%dma_wait3A_78] : memref<40960xf32, #tpu.memory_space<vmem>> -> memref<20480xf32, #tpu.memory_space<vmem>>
    %dma_wait3A_80 = tpu.memref_slice %arg8[%mul3A_77] : memref<655360xf32, #tpu.memory_space<hbm>> -> memref<20480xf32, #tpu.memory_space<hbm>>
    %dma_wait3A_81 = arith.constant 20480 : i32
    %dma_wait3A_82 = tpu.memref_slice %arg18[%dma_wait3A_81] : memref<40960xf32, #tpu.memory_space<vmem>> -> memref<20480xf32, #tpu.memory_space<vmem>>
    %dma_wait3A_83 = tpu.memref_slice %arg8[%mul3A_77] : memref<655360xf32, #tpu.memory_space<hbm>> -> memref<20480xf32, #tpu.memory_space<hbm>>
    tpu.wait_dma2 semaphore(%arg21 : memref<!tpu.dma_semaphore, #tpu.memory_space<semaphore_mem>>) src(%dma_wait3A_83 : memref<20480xf32, #tpu.memory_space<hbm>>) dst(%dma_wait3A_82 : memref<20480xf32, #tpu.memory_space<vmem>>)
    %scan3A_84 = arith.constant 0 : i32
    %scan3A_85 = arith.constant 0 : i32
    %scan3A_86 = arith.constant 320 : i32
    %scan3A_87 = arith.addi %scan3A_85, %scan3A_86 : i32
    %scan3A_88 = arith.constant 1 : i32
    %scan3A_89 = scf.for %scan3A_93 = %scan3A_85 to %scan3A_87 step %scan3A_88 iter_args(%scan3A_94 = %scan3A_84) -> (i32)  : i32 {
      %mul3A_95 = arith.constant 64 : i32
      %mul3A_96 = arith.muli %scan3A_93, %mul3A_95 : i32
      %add3A_97 = arith.constant 0 : i32
      %add3A_98 = arith.addi %mul3A_96, %add3A_97 : i32
      %get3A = arith.index_cast %add3A_98 : i32 to index
      %get3A_99 = tpu.vector_load %arg10[%get3A] {strides = array<i32>} : memref<20480xf32, #tpu.memory_space<vmem>>, vector<16xf32>,
      %get3A_100 = arith.index_cast %add3A_98 : i32 to index
      %get3A_101 = tpu.vector_load %arg11[%get3A_100] {strides = array<i32>} : memref<20480xf32, #tpu.memory_space<vmem>>, vector<16xf32>,
      %add3A_102 = arith.addf %get3A_99, %get3A_101 : vector<16xf32>
      %get3A_103 = arith.constant 0 : index
      %get3A_104 = tpu.vector_load %arg17[%get3A_103] {strides = array<i32>} : memref<64xf32, #tpu.memory_space<vmem>>, vector<16xf32>,
      %add3A_105 = arith.addf %add3A_102, %get3A_104 : vector<16xf32>
      %max3A = arith.constant 0.000000e+00 : f32
      %max3A_106 = vector.broadcast %max3A : f32 to vector<16xf32>
      %max3A_107 = arith.maximumf %add3A_105, %max3A_106 : vector<16xf32>
      %mul3A_108 = arith.constant 64 : i32
      %mul3A_109 = arith.muli %scan3A_93, %mul3A_108 : i32
      %add3A_110 = arith.constant 0 : i32
      %add3A_111 = arith.addi %add3A_110, %mul3A_109 : i32
      %add3A_112 = arith.constant 0 : i32
      %add3A_113 = arith.addi %add3A_111, %add3A_112 : i32
      %get3A_114 = arith.index_cast %add3A_113 : i32 to index
      %get3A_115 = tpu.vector_load %arg18[%get3A_114] {strides = array<i32>} : memref<40960xf32, #tpu.memory_space<vmem>>, vector<16xf32>,
      %add3A_116 = arith.addf %max3A_107, %get3A_115 : vector<16xf32>
      %mul3A_117 = arith.constant 64 : i32
      %mul3A_118 = arith.muli %scan3A_93, %mul3A_117 : i32
      %add3A_119 = arith.constant 20480 : i32
      %add3A_120 = arith.addi %add3A_119, %mul3A_118 : i32
      %add3A_121 = arith.constant 0 : i32
      %add3A_122 = arith.addi %add3A_120, %add3A_121 : i32
      %get3A_123 = arith.index_cast %add3A_122 : i32 to index
      %get3A_124 = tpu.vector_load %arg18[%get3A_123] {strides = array<i32>} : memref<40960xf32, #tpu.memory_space<vmem>>, vector<16xf32>,
      %add3A_125 = arith.addf %add3A_116, %get3A_124 : vector<16xf32>
      %swap3A = arith.index_cast %add3A_98 : i32 to index
      %swap3A_126 = tpu.vector_load %arg11[%swap3A] {strides = array<i32>} : memref<20480xf32, #tpu.memory_space<vmem>>, vector<16xf32>,
      tpu.vector_store %arg11[%swap3A], %add3A_125 {strides = array<i32>} : memref<20480xf32, #tpu.memory_space<vmem>>, vector<16xf32>,
      %mul3A_127 = arith.constant 64 : i32
      %mul3A_128 = arith.muli %scan3A_93, %mul3A_127 : i32
      %add3A_129 = arith.constant 16 : i32
      %add3A_130 = arith.addi %mul3A_128, %add3A_129 : i32
      %get3A_131 = arith.index_cast %add3A_130 : i32 to index
      %get3A_132 = tpu.vector_load %arg10[%get3A_131] {strides = array<i32>} : memref<20480xf32, #tpu.memory_space<vmem>>, vector<16xf32>,
      %get3A_133 = arith.index_cast %add3A_130 : i32 to index
      %get3A_134 = tpu.vector_load %arg11[%get3A_133] {strides = array<i32>} : memref<20480xf32, #tpu.memory_space<vmem>>, vector<16xf32>,
      %add3A_135 = arith.addf %get3A_132, %get3A_134 : vector<16xf32>
      %get3A_136 = arith.constant 16 : index
      %get3A_137 = tpu.vector_load %arg17[%get3A_136] {strides = array<i32>} : memref<64xf32, #tpu.memory_space<vmem>>, vector<16xf32>,
      %add3A_138 = arith.addf %add3A_135, %get3A_137 : vector<16xf32>
      %max3A_139 = arith.constant 0.000000e+00 : f32
      %max3A_140 = vector.broadcast %max3A_139 : f32 to vector<16xf32>
      %max3A_141 = arith.maximumf %add3A_138, %max3A_140 : vector<16xf32>
      %mul3A_142 = arith.constant 64 : i32
      %mul3A_143 = arith.muli %scan3A_93, %mul3A_142 : i32
      %add3A_144 = arith.constant 0 : i32
      %add3A_145 = arith.addi %add3A_144, %mul3A_143 : i32
      %add3A_146 = arith.constant 16 : i32
      %add3A_147 = arith.addi %add3A_145, %add3A_146 : i32
      %get3A_148 = arith.index_cast %add3A_147 : i32 to index
      %get3A_149 = tpu.vector_load %arg18[%get3A_148] {strides = array<i32>} : memref<40960xf32, #tpu.memory_space<vmem>>, vector<16xf32>,
      %add3A_150 = arith.addf %max3A_141, %get3A_149 : vector<16xf32>
      %mul3A_151 = arith.constant 64 : i32
      %mul3A_152 = arith.muli %scan3A_93, %mul3A_151 : i32
      %add3A_153 = arith.constant 20480 : i32
      %add3A_154 = arith.addi %add3A_153, %mul3A_152 : i32
      %add3A_155 = arith.constant 16 : i32
      %add3A_156 = arith.addi %add3A_154, %add3A_155 : i32
      %get3A_157 = arith.index_cast %add3A_156 : i32 to index
      %get3A_158 = tpu.vector_load %arg18[%get3A_157] {strides = array<i32>} : memref<40960xf32, #tpu.memory_space<vmem>>, vector<16xf32>,
      %add3A_159 = arith.addf %add3A_150, %get3A_158 : vector<16xf32>
      %swap3A_160 = arith.index_cast %add3A_130 : i32 to index
      %swap3A_161 = tpu.vector_load %arg11[%swap3A_160] {strides = array<i32>} : memref<20480xf32, #tpu.memory_space<vmem>>, vector<16xf32>,
      tpu.vector_store %arg11[%swap3A_160], %add3A_159 {strides = array<i32>} : memref<20480xf32, #tpu.memory_space<vmem>>, vector<16xf32>,
      %mul3A_162 = arith.constant 64 : i32
      %mul3A_163 = arith.muli %scan3A_93, %mul3A_162 : i32
      %add3A_164 = arith.constant 32 : i32
      %add3A_165 = arith.addi %mul3A_163, %add3A_164 : i32
      %get3A_166 = arith.index_cast %add3A_165 : i32 to index
      %get3A_167 = tpu.vector_load %arg10[%get3A_166] {strides = array<i32>} : memref<20480xf32, #tpu.memory_space<vmem>>, vector<16xf32>,
      %get3A_168 = arith.index_cast %add3A_165 : i32 to index
      %get3A_169 = tpu.vector_load %arg11[%get3A_168] {strides = array<i32>} : memref<20480xf32, #tpu.memory_space<vmem>>, vector<16xf32>,
      %add3A_170 = arith.addf %get3A_167, %get3A_169 : vector<16xf32>
      %get3A_171 = arith.constant 32 : index
      %get3A_172 = tpu.vector_load %arg17[%get3A_171] {strides = array<i32>} : memref<64xf32, #tpu.memory_space<vmem>>, vector<16xf32>,
      %add3A_173 = arith.addf %add3A_170, %get3A_172 : vector<16xf32>
      %max3A_174 = arith.constant 0.000000e+00 : f32
      %max3A_175 = vector.broadcast %max3A_174 : f32 to vector<16xf32>
      %max3A_176 = arith.maximumf %add3A_173, %max3A_175 : vector<16xf32>
      %mul3A_177 = arith.constant 64 : i32
      %mul3A_178 = arith.muli %scan3A_93, %mul3A_177 : i32
      %add3A_179 = arith.constant 0 : i32
      %add3A_180 = arith.addi %add3A_179, %mul3A_178 : i32
      %add3A_181 = arith.constant 32 : i32
      %add3A_182 = arith.addi %add3A_180, %add3A_181 : i32
      %get3A_183 = arith.index_cast %add3A_182 : i32 to index
      %get3A_184 = tpu.vector_load %arg18[%get3A_183] {strides = array<i32>} : memref<40960xf32, #tpu.memory_space<vmem>>, vector<16xf32>,
      %add3A_185 = arith.addf %max3A_176, %get3A_184 : vector<16xf32>
      %mul3A_186 = arith.constant 64 : i32
      %mul3A_187 = arith.muli %scan3A_93, %mul3A_186 : i32
      %add3A_188 = arith.constant 20480 : i32
      %add3A_189 = arith.addi %add3A_188, %mul3A_187 : i32
      %add3A_190 = arith.constant 32 : i32
      %add3A_191 = arith.addi %add3A_189, %add3A_190 : i32
      %get3A_192 = arith.index_cast %add3A_191 : i32 to index
      %get3A_193 = tpu.vector_load %arg18[%get3A_192] {strides = array<i32>} : memref<40960xf32, #tpu.memory_space<vmem>>, vector<16xf32>,
      %add3A_194 = arith.addf %add3A_185, %get3A_193 : vector<16xf32>
      %swap3A_195 = arith.index_cast %add3A_165 : i32 to index
      %swap3A_196 = tpu.vector_load %arg11[%swap3A_195] {strides = array<i32>} : memref<20480xf32, #tpu.memory_space<vmem>>, vector<16xf32>,
      tpu.vector_store %arg11[%swap3A_195], %add3A_194 {strides = array<i32>} : memref<20480xf32, #tpu.memory_space<vmem>>, vector<16xf32>,
      %mul3A_197 = arith.constant 64 : i32
      %mul3A_198 = arith.muli %scan3A_93, %mul3A_197 : i32
      %add3A_199 = arith.constant 48 : i32
      %add3A_200 = arith.addi %mul3A_198, %add3A_199 : i32
      %get3A_201 = arith.index_cast %add3A_200 : i32 to index
      %get3A_202 = tpu.vector_load %arg10[%get3A_201] {strides = array<i32>} : memref<20480xf32, #tpu.memory_space<vmem>>, vector<16xf32>,
      %get3A_203 = arith.index_cast %add3A_200 : i32 to index
      %get3A_204 = tpu.vector_load %arg11[%get3A_203] {strides = array<i32>} : memref<20480xf32, #tpu.memory_space<vmem>>, vector<16xf32>,
      %add3A_205 = arith.addf %get3A_202, %get3A_204 : vector<16xf32>
      %get3A_206 = arith.constant 48 : index
      %get3A_207 = tpu.vector_load %arg17[%get3A_206] {strides = array<i32>} : memref<64xf32, #tpu.memory_space<vmem>>, vector<16xf32>,
      %add3A_208 = arith.addf %add3A_205, %get3A_207 : vector<16xf32>
      %max3A_209 = arith.constant 0.000000e+00 : f32
      %max3A_210 = vector.broadcast %max3A_209 : f32 to vector<16xf32>
      %max3A_211 = arith.maximumf %add3A_208, %max3A_210 : vector<16xf32>
      %mul3A_212 = arith.constant 64 : i32
      %mul3A_213 = arith.muli %scan3A_93, %mul3A_212 : i32
      %add3A_214 = arith.constant 0 : i32
      %add3A_215 = arith.addi %add3A_214, %mul3A_213 : i32
      %add3A_216 = arith.constant 48 : i32
      %add3A_217 = arith.addi %add3A_215, %add3A_216 : i32
      %get3A_218 = arith.index_cast %add3A_217 : i32 to index
      %get3A_219 = tpu.vector_load %arg18[%get3A_218] {strides = array<i32>} : memref<40960xf32, #tpu.memory_space<vmem>>, vector<16xf32>,
      %add3A_220 = arith.addf %max3A_211, %get3A_219 : vector<16xf32>
      %mul3A_221 = arith.constant 64 : i32
      %mul3A_222 = arith.muli %scan3A_93, %mul3A_221 : i32
      %add3A_223 = arith.constant 20480 : i32
      %add3A_224 = arith.addi %add3A_223, %mul3A_222 : i32
      %add3A_225 = arith.constant 48 : i32
      %add3A_226 = arith.addi %add3A_224, %add3A_225 : i32
      %get3A_227 = arith.index_cast %add3A_226 : i32 to index
      %get3A_228 = tpu.vector_load %arg18[%get3A_227] {strides = array<i32>} : memref<40960xf32, #tpu.memory_space<vmem>>, vector<16xf32>,
      %add3A_229 = arith.addf %add3A_220, %get3A_228 : vector<16xf32>
      %swap3A_230 = arith.index_cast %add3A_200 : i32 to index
      %swap3A_231 = tpu.vector_load %arg11[%swap3A_230] {strides = array<i32>} : memref<20480xf32, #tpu.memory_space<vmem>>, vector<16xf32>,
      tpu.vector_store %arg11[%swap3A_230], %add3A_229 {strides = array<i32>} : memref<20480xf32, #tpu.memory_space<vmem>>, vector<16xf32>,
      %scan3A_232 = arith.constant 0 : i32
      scf.yield %scan3A_232 : i32
    }
    %scan3A_90 = arith.constant 320 : i32
    %mul3A_91 = arith.constant 64 : i32
    %mul3A_92 = arith.muli %mul3A_2, %mul3A_91 : i32
    "tpu.region"() ({
      %run_scoped3A = tpu.sem_alloc : memref<!tpu.dma_semaphore, #tpu.memory_space<semaphore_mem>>
      %dma_start3A_93 = tpu.memref_slice %arg9[%mul3A_92] : memref<655360xf32, #tpu.memory_space<hbm>> -> memref<20480xf32, #tpu.memory_space<hbm>>
      %dma_start3A_94 = tpu.memref_slice %arg9[%mul3A_92] : memref<655360xf32, #tpu.memory_space<hbm>> -> memref<20480xf32, #tpu.memory_space<hbm>>
      tpu.enqueue_dma source(%arg11 : memref<20480xf32, #tpu.memory_space<vmem>>) target(%dma_start3A_94 : memref<20480xf32, #tpu.memory_space<hbm>>) target_semaphore(%run_scoped3A : memref<!tpu.dma_semaphore, #tpu.memory_space<semaphore_mem>>)
      %dma_wait3A_95 = tpu.memref_slice %arg9[%mul3A_92] : memref<655360xf32, #tpu.memory_space<hbm>> -> memref<20480xf32, #tpu.memory_space<hbm>>
      %dma_wait3A_96 = tpu.memref_slice %arg9[%mul3A_92] : memref<655360xf32, #tpu.memory_space<hbm>> -> memref<20480xf32, #tpu.memory_space<hbm>>
      tpu.wait_dma2 semaphore(%run_scoped3A : memref<!tpu.dma_semaphore, #tpu.memory_space<semaphore_mem>>) src(%arg11 : memref<20480xf32, #tpu.memory_space<vmem>>) dst(%dma_wait3A_96 : memref<20480xf32, #tpu.memory_space<hbm>>)
      tpu.yield
    }) : () -> ()
    return
  }
}

#map = affine_map<(d0, d1) -> (0, 0)>
#map1 = affine_map<(d0, d1) -> (0)>
module attributes {stable_mosaic.version = 14 : i64} {
  func.func @k(%arg0: i32, %arg1: i32, %arg2: memref<147456x128xf32, #tpu.memory_space<hbm>>, %arg3: memref<147456xi32, #tpu.memory_space<hbm>>, %arg4: memref<1310720xf32, #tpu.memory_space<hbm>>, %arg5: memref<40960xf32, #tpu.memory_space<vmem>>, %arg6: memref<5120xf32, #tpu.memory_space<vmem>>, %arg7: memref<2x4096xi32, #tpu.memory_space<vmem>>, %arg8: memref<4112xi32, #tpu.memory_space<vmem>>, %arg9: memref<4112xi32, #tpu.memory_space<vmem>>, %arg10: memref<2x128x128xf32, #tpu.memory_space<vmem>>, %arg11: memref<!tpu.dma_semaphore, #tpu.memory_space<semaphore_mem>>, %arg12: memref<!tpu.dma_semaphore, #tpu.memory_space<semaphore_mem>>) attributes {dimension_semantics = [#tpu.dimension_semantics<core_parallel>, #tpu.dimension_semantics<subcore_parallel>], iteration_bounds = array<i64: 2, 16>, scalar_prefetch = 0 : i64, scratch_operands = 8 : i64, tpu.core_type = #tpu.core_type<sc_vector_subcore>, window_params = [{transform_indices = #map}, {transform_indices = #map1}, {transform_indices = #map1}]} {
    %mul3A = arith.constant 2 : i32
    %mul3A_0 = arith.muli %arg1, %mul3A : i32
    %add3A = arith.addi %mul3A_0, %arg0 : i32
    %mul3A_1 = arith.constant 320 : i32
    %mul3A_2 = arith.muli %add3A, %mul3A_1 : i32
    %broadcast_in_dim3A = arith.constant 0.000000e+00 : f32
    %broadcast_in_dim3A_3 = vector.broadcast %broadcast_in_dim3A : f32 to vector<16xf32>
    %scan3A = arith.constant 0 : i32
    %scan3A_4 = arith.constant 0 : i32
    %scan3A_5 = arith.constant 2560 : i32
    %scan3A_6 = arith.addi %scan3A_4, %scan3A_5 : i32
    %scan3A_7 = arith.constant 1 : i32
    %scan3A_8 = scf.for %scan3A_53 = %scan3A_4 to %scan3A_6 step %scan3A_7 iter_args(%scan3A_54 = %scan3A) -> (i32)  : i32 {
      %mul3A_55 = arith.constant 16 : i32
      %mul3A_56 = arith.muli %scan3A_53, %mul3A_55 : i32
      %swap3A = arith.index_cast %mul3A_56 : i32 to index
      %swap3A_57 = tpu.vector_load %arg5[%swap3A] {strides = array<i32>} : memref<40960xf32, #tpu.memory_space<vmem>>, vector<16xf32>,
      tpu.vector_store %arg5[%swap3A], %broadcast_in_dim3A_3 {strides = array<i32>} : memref<40960xf32, #tpu.memory_space<vmem>>, vector<16xf32>,
      %scan3A_58 = arith.constant 0 : i32
      scf.yield %scan3A_58 : i32
    }
    %scan3A_9 = arith.constant 2560 : i32
    %scan3A_10 = arith.constant 0 : i32
    %scan3A_11 = arith.constant 0 : i32
    %scan3A_12 = arith.constant 320 : i32
    %scan3A_13 = arith.addi %scan3A_11, %scan3A_12 : i32
    %scan3A_14 = arith.constant 1 : i32
    %scan3A_15 = scf.for %scan3A_53 = %scan3A_11 to %scan3A_13 step %scan3A_14 iter_args(%scan3A_54 = %scan3A_10) -> (i32)  : i32 {
      %mul3A_55 = arith.constant 16 : i32
      %mul3A_56 = arith.muli %scan3A_53, %mul3A_55 : i32
      %swap3A = arith.index_cast %mul3A_56 : i32 to index
      %swap3A_57 = tpu.vector_load %arg6[%swap3A] {strides = array<i32>} : memref<5120xf32, #tpu.memory_space<vmem>>, vector<16xf32>,
      tpu.vector_store %arg6[%swap3A], %broadcast_in_dim3A_3 {strides = array<i32>} : memref<5120xf32, #tpu.memory_space<vmem>>, vector<16xf32>,
      %scan3A_58 = arith.constant 0 : i32
      scf.yield %scan3A_58 : i32
    }
    %scan3A_16 = arith.constant 320 : i32
    %scan3A_17 = arith.constant 0 : i32
    %scan3A_18 = arith.constant 0 : i32
    %scan3A_19 = arith.constant 257 : i32
    %scan3A_20 = arith.addi %scan3A_18, %scan3A_19 : i32
    %scan3A_21 = arith.constant 1 : i32
    %scan3A_22 = scf.for %scan3A_53 = %scan3A_18 to %scan3A_20 step %scan3A_21 iter_args(%scan3A_54 = %scan3A_17) -> (i32)  : i32 {
      %broadcast_in_dim3A_55 = arith.constant 0 : i32
      %broadcast_in_dim3A_56 = vector.broadcast %broadcast_in_dim3A_55 : i32 to vector<16xi32>
      %mul3A_57 = arith.constant 16 : i32
      %mul3A_58 = arith.muli %scan3A_53, %mul3A_57 : i32
      %swap3A = arith.index_cast %mul3A_58 : i32 to index
      %swap3A_59 = tpu.vector_load %arg8[%swap3A] {strides = array<i32>} : memref<4112xi32, #tpu.memory_space<vmem>>, vector<16xi32>,
      tpu.vector_store %arg8[%swap3A], %broadcast_in_dim3A_56 {strides = array<i32>} : memref<4112xi32, #tpu.memory_space<vmem>>, vector<16xi32>,
      %scan3A_60 = arith.constant 0 : i32
      scf.yield %scan3A_60 : i32
    }
    %scan3A_23 = arith.constant 257 : i32
    %rem3A = arith.constant 0 : i32
    %rem3A_24 = arith.constant 2 : i32
    %rem3A_25 = arith.remsi %rem3A, %rem3A_24 : i32
    %dma_start3A = arith.constant 0 : i32
    %dma_start3A_26 = tpu.memref_slice %arg7[%rem3A_25, %dma_start3A] : memref<2x4096xi32, #tpu.memory_space<vmem>> -> memref<1x4096xi32, #tpu.memory_space<vmem>>
    %dma_start3A_27 = tpu.memref_squeeze %dma_start3A_26 : memref<1x4096xi32, #tpu.memory_space<vmem>> -> memref<4096xi32, #tpu.memory_space<vmem>>
    %dma_start3A_28 = arith.constant 0 : i32
    %dma_start3A_29 = tpu.memref_slice %arg3[%dma_start3A_28] : memref<147456xi32, #tpu.memory_space<hbm>> -> memref<4096xi32, #tpu.memory_space<hbm>>
    %dma_start3A_30 = arith.constant 0 : i32
    %dma_start3A_31 = tpu.memref_slice %arg7[%rem3A_25, %dma_start3A_30] : memref<2x4096xi32, #tpu.memory_space<vmem>> -> memref<1x4096xi32, #tpu.memory_space<vmem>>
    %dma_start3A_32 = tpu.memref_squeeze %dma_start3A_31 : memref<1x4096xi32, #tpu.memory_space<vmem>> -> memref<4096xi32, #tpu.memory_space<vmem>>
    %dma_start3A_33 = arith.constant 0 : i32
    %dma_start3A_34 = tpu.memref_slice %arg3[%dma_start3A_33] : memref<147456xi32, #tpu.memory_space<hbm>> -> memref<4096xi32, #tpu.memory_space<hbm>>
    tpu.enqueue_dma source(%dma_start3A_34 : memref<4096xi32, #tpu.memory_space<hbm>>) target(%dma_start3A_32 : memref<4096xi32, #tpu.memory_space<vmem>>) target_semaphore(%arg11 : memref<!tpu.dma_semaphore, #tpu.memory_space<semaphore_mem>>)
    %iota3A = tpu.iota {dimensions = array<i32: 0>} : vector<16xi32>
    %broadcast_in_dim3A_35 = arith.constant 1.000000e+00 : f32
    %broadcast_in_dim3A_36 = vector.broadcast %broadcast_in_dim3A_35 : f32 to vector<16xf32>
    %scan3A_37 = arith.constant 0 : i32
    %scan3A_38 = arith.constant 0 : i32
    %scan3A_39 = arith.constant 36 : i32
    %scan3A_40 = arith.addi %scan3A_38, %scan3A_39 : i32
    %scan3A_41 = arith.constant 1 : i32
    %scan3A_42 = scf.for %scan3A_53 = %scan3A_38 to %scan3A_40 step %scan3A_41 iter_args(%scan3A_54 = %scan3A_37) -> (i32)  : i32 {
      %rem3A_55 = arith.constant 2 : i32
      %rem3A_56 = arith.remsi %scan3A_53, %rem3A_55 : i32
      %dma_wait3A = arith.constant 0 : i32
      %dma_wait3A_57 = tpu.memref_slice %arg7[%rem3A_56, %dma_wait3A] : memref<2x4096xi32, #tpu.memory_space<vmem>> -> memref<1x4096xi32, #tpu.memory_space<vmem>>
      %dma_wait3A_58 = tpu.memref_squeeze %dma_wait3A_57 : memref<1x4096xi32, #tpu.memory_space<vmem>> -> memref<4096xi32, #tpu.memory_space<vmem>>
      %dma_wait3A_59 = arith.constant 0 : i32
      %dma_wait3A_60 = tpu.memref_slice %arg3[%dma_wait3A_59] : memref<147456xi32, #tpu.memory_space<hbm>> -> memref<4096xi32, #tpu.memory_space<hbm>>
      %dma_wait3A_61 = arith.constant 0 : i32
      %dma_wait3A_62 = tpu.memref_slice %arg7[%rem3A_56, %dma_wait3A_61] : memref<2x4096xi32, #tpu.memory_space<vmem>> -> memref<1x4096xi32, #tpu.memory_space<vmem>>
      %dma_wait3A_63 = tpu.memref_squeeze %dma_wait3A_62 : memref<1x4096xi32, #tpu.memory_space<vmem>> -> memref<4096xi32, #tpu.memory_space<vmem>>
      %dma_wait3A_64 = arith.constant 0 : i32
      %dma_wait3A_65 = tpu.memref_slice %arg3[%dma_wait3A_64] : memref<147456xi32, #tpu.memory_space<hbm>> -> memref<4096xi32, #tpu.memory_space<hbm>>
      tpu.wait_dma2 semaphore(%arg11 : memref<!tpu.dma_semaphore, #tpu.memory_space<semaphore_mem>>) src(%dma_wait3A_65 : memref<4096xi32, #tpu.memory_space<hbm>>) dst(%dma_wait3A_63 : memref<4096xi32, #tpu.memory_space<vmem>>)
      %add3A_66 = arith.constant 1 : i32
      %add3A_67 = arith.addi %scan3A_53, %add3A_66 : i32
      %lt3A = arith.constant 36 : i32
      %lt3A_68 = arith.cmpi slt, %add3A_67, %lt3A : i32
      %convert_element_type3A = arith.extui %lt3A_68 : i1 to i32
      %cond3A = arith.constant 0 : i32
      %cond3A_69 = arith.cmpi ne, %convert_element_type3A, %cond3A : i32
      scf.if %cond3A_69 {
        %add3A_96 = arith.constant 1 : i32
        %add3A_97 = arith.addi %scan3A_53, %add3A_96 : i32
        %mul3A_98 = arith.constant 4096 : i32
        %mul3A_99 = arith.muli %add3A_97, %mul3A_98 : i32
        %rem3A_100 = arith.constant 2 : i32
        %rem3A_101 = arith.remsi %add3A_97, %rem3A_100 : i32
        %dma_start3A_102 = arith.constant 0 : i32
        %dma_start3A_103 = tpu.memref_slice %arg7[%rem3A_101, %dma_start3A_102] : memref<2x4096xi32, #tpu.memory_space<vmem>> -> memref<1x4096xi32, #tpu.memory_space<vmem>>
        %dma_start3A_104 = tpu.memref_squeeze %dma_start3A_103 : memref<1x4096xi32, #tpu.memory_space<vmem>> -> memref<4096xi32, #tpu.memory_space<vmem>>
        %dma_start3A_105 = tpu.memref_slice %arg3[%mul3A_99] : memref<147456xi32, #tpu.memory_space<hbm>> -> memref<4096xi32, #tpu.memory_space<hbm>>
        %dma_start3A_106 = arith.constant 0 : i32
        %dma_start3A_107 = tpu.memref_slice %arg7[%rem3A_101, %dma_start3A_106] : memref<2x4096xi32, #tpu.memory_space<vmem>> -> memref<1x4096xi32, #tpu.memory_space<vmem>>
        %dma_start3A_108 = tpu.memref_squeeze %dma_start3A_107 : memref<1x4096xi32, #tpu.memory_space<vmem>> -> memref<4096xi32, #tpu.memory_space<vmem>>
        %dma_start3A_109 = tpu.memref_slice %arg3[%mul3A_99] : memref<147456xi32, #tpu.memory_space<hbm>> -> memref<4096xi32, #tpu.memory_space<hbm>>
        tpu.enqueue_dma source(%dma_start3A_109 : memref<4096xi32, #tpu.memory_space<hbm>>) target(%dma_start3A_108 : memref<4096xi32, #tpu.memory_space<vmem>>) target_semaphore(%arg11 : memref<!tpu.dma_semaphore, #tpu.memory_space<semaphore_mem>>)
      } else {
      }
      %scan3A_70 = arith.constant 0 : i32
      %scan3A_71 = arith.constant 0 : i32
      %scan3A_72 = arith.constant 256 : i32
      %scan3A_73 = arith.addi %scan3A_71, %scan3A_72 : i32
      %scan3A_74 = arith.constant 4 : i32
      %scan3A_75 = scf.for %scan3A_96 = %scan3A_71 to %scan3A_73 step %scan3A_74 iter_args(%scan3A_97 = %scan3A_70) -> (i32)  : i32 {
        %mul3A_98 = arith.constant 16 : i32
        %mul3A_99 = arith.muli %scan3A_96, %mul3A_98 : i32
        %get3A = arith.index_cast %rem3A_56 : i32 to index
        %get3A_100 = arith.index_cast %mul3A_99 : i32 to index
        %get3A_101 = tpu.vector_load %arg7[%get3A, %get3A_100] {strides = array<i32>} : memref<2x4096xi32, #tpu.memory_space<vmem>>, vector<16xi32>,
        %sub3A = vector.broadcast %mul3A_2 : i32 to vector<16xi32>
        %sub3A_102 = arith.subi %get3A_101, %sub3A : vector<16xi32>
        %ge3A = arith.constant 0 : i32
        %ge3A_103 = vector.broadcast %ge3A : i32 to vector<16xi32>
        %ge3A_104 = arith.cmpi sge, %sub3A_102, %ge3A_103 : vector<16xi32>
        %lt3A_105 = arith.constant 320 : i32
        %lt3A_106 = vector.broadcast %lt3A_105 : i32 to vector<16xi32>
        %lt3A_107 = arith.cmpi slt, %sub3A_102, %lt3A_106 : vector<16xi32>
        %and3A = arith.andi %ge3A_104, %lt3A_107 : vector<16xi1>
        %mul3A_108 = arith.constant 4096 : i32
        %mul3A_109 = arith.muli %scan3A_53, %mul3A_108 : i32
        %mul3A_110 = arith.constant 16 : i32
        %mul3A_111 = arith.muli %scan3A_96, %mul3A_110 : i32
        %add3A_112 = arith.addi %mul3A_109, %mul3A_111 : i32
        %add3A_113 = vector.broadcast %add3A_112 : i32 to vector<16xi32>
        %add3A_114 = arith.addi %add3A_113, %iota3A : vector<16xi32>
        %convert_element_type3A_115 = arith.extui %and3A : vector<16xi1> to vector<16xi32>
        %broadcast_in_dim3A_116 = arith.constant true
        %broadcast_in_dim3A_117 = vector.broadcast %broadcast_in_dim3A_116 : i1 to vector<16xi1>
        %masked_cumsum3A = tpu.scan <sum>, %convert_element_type3A_115 masked %broadcast_in_dim3A_117 : vector<16xi32>, vector<16xi1> -> vector<16xi32>
        %add3A_118 = vector.broadcast %scan3A_97 : i32 to vector<16xi32>
        %add3A_119 = arith.addi %add3A_118, %masked_cumsum3A : vector<16xi32>
        %sub3A_120 = arith.constant 1 : i32
        %sub3A_121 = vector.broadcast %sub3A_120 : i32 to vector<16xi32>
        %sub3A_122 = arith.subi %add3A_119, %sub3A_121 : vector<16xi32>
        tpu.vector_store_idx %arg8[%sub3A_122], %add3A_114 masked %and3A : memref<4112xi32, #tpu.memory_space<vmem>>[vector<16xi32>], vector<16xi32>, vector<16xi1>
        tpu.vector_store_idx %arg9[%sub3A_122], %sub3A_102 masked %and3A : memref<4112xi32, #tpu.memory_space<vmem>>[vector<16xi32>], vector<16xi32>, vector<16xi1>
        %slice3A = vector.extract_strided_slice %masked_cumsum3A {offsets = [15], sizes = [1], strides = [1]} : vector<16xi32> to vector<1xi32>
        %squeeze3A = vector.extract %slice3A[0] : i32 from vector<1xi32>
        %add3A_123 = arith.addi %scan3A_97, %squeeze3A : i32
        %scan3A_124 = arith.constant 1 : i32
        %scan3A_125 = arith.addi %scan3A_96, %scan3A_124 : i32
        %mul3A_126 = arith.constant 16 : i32
        %mul3A_127 = arith.muli %scan3A_125, %mul3A_126 : i32
        %get3A_128 = arith.index_cast %rem3A_56 : i32 to index
        %get3A_129 = arith.index_cast %mul3A_127 : i32 to index
        %get3A_130 = tpu.vector_load %arg7[%get3A_128, %get3A_129] {strides = array<i32>} : memref<2x4096xi32, #tpu.memory_space<vmem>>, vector<16xi32>,
        %sub3A_131 = vector.broadcast %mul3A_2 : i32 to vector<16xi32>
        %sub3A_132 = arith.subi %get3A_130, %sub3A_131 : vector<16xi32>
        %ge3A_133 = arith.constant 0 : i32
        %ge3A_134 = vector.broadcast %ge3A_133 : i32 to vector<16xi32>
        %ge3A_135 = arith.cmpi sge, %sub3A_132, %ge3A_134 : vector<16xi32>
        %lt3A_136 = arith.constant 320 : i32
        %lt3A_137 = vector.broadcast %lt3A_136 : i32 to vector<16xi32>
        %lt3A_138 = arith.cmpi slt, %sub3A_132, %lt3A_137 : vector<16xi32>
        %and3A_139 = arith.andi %ge3A_135, %lt3A_138 : vector<16xi1>
        %mul3A_140 = arith.constant 4096 : i32
        %mul3A_141 = arith.muli %scan3A_53, %mul3A_140 : i32
        %mul3A_142 = arith.constant 16 : i32
        %mul3A_143 = arith.muli %scan3A_125, %mul3A_142 : i32
        %add3A_144 = arith.addi %mul3A_141, %mul3A_143 : i32
        %add3A_145 = vector.broadcast %add3A_144 : i32 to vector<16xi32>
        %add3A_146 = arith.addi %add3A_145, %iota3A : vector<16xi32>
        %convert_element_type3A_147 = arith.extui %and3A_139 : vector<16xi1> to vector<16xi32>
        %broadcast_in_dim3A_148 = arith.constant true
        %broadcast_in_dim3A_149 = vector.broadcast %broadcast_in_dim3A_148 : i1 to vector<16xi1>
        %masked_cumsum3A_150 = tpu.scan <sum>, %convert_element_type3A_147 masked %broadcast_in_dim3A_149 : vector<16xi32>, vector<16xi1> -> vector<16xi32>
        %add3A_151 = vector.broadcast %add3A_123 : i32 to vector<16xi32>
        %add3A_152 = arith.addi %add3A_151, %masked_cumsum3A_150 : vector<16xi32>
        %sub3A_153 = arith.constant 1 : i32
        %sub3A_154 = vector.broadcast %sub3A_153 : i32 to vector<16xi32>
        %sub3A_155 = arith.subi %add3A_152, %sub3A_154 : vector<16xi32>
        tpu.vector_store_idx %arg8[%sub3A_155], %add3A_146 masked %and3A_139 : memref<4112xi32, #tpu.memory_space<vmem>>[vector<16xi32>], vector<16xi32>, vector<16xi1>
        tpu.vector_store_idx %arg9[%sub3A_155], %sub3A_132 masked %and3A_139 : memref<4112xi32, #tpu.memory_space<vmem>>[vector<16xi32>], vector<16xi32>, vector<16xi1>
        %slice3A_156 = vector.extract_strided_slice %masked_cumsum3A_150 {offsets = [15], sizes = [1], strides = [1]} : vector<16xi32> to vector<1xi32>
        %squeeze3A_157 = vector.extract %slice3A_156[0] : i32 from vector<1xi32>
        %add3A_158 = arith.addi %add3A_123, %squeeze3A_157 : i32
        %scan3A_159 = arith.constant 2 : i32
        %scan3A_160 = arith.addi %scan3A_96, %scan3A_159 : i32
        %mul3A_161 = arith.constant 16 : i32
        %mul3A_162 = arith.muli %scan3A_160, %mul3A_161 : i32
        %get3A_163 = arith.index_cast %rem3A_56 : i32 to index
        %get3A_164 = arith.index_cast %mul3A_162 : i32 to index
        %get3A_165 = tpu.vector_load %arg7[%get3A_163, %get3A_164] {strides = array<i32>} : memref<2x4096xi32, #tpu.memory_space<vmem>>, vector<16xi32>,
        %sub3A_166 = vector.broadcast %mul3A_2 : i32 to vector<16xi32>
        %sub3A_167 = arith.subi %get3A_165, %sub3A_166 : vector<16xi32>
        %ge3A_168 = arith.constant 0 : i32
        %ge3A_169 = vector.broadcast %ge3A_168 : i32 to vector<16xi32>
        %ge3A_170 = arith.cmpi sge, %sub3A_167, %ge3A_169 : vector<16xi32>
        %lt3A_171 = arith.constant 320 : i32
        %lt3A_172 = vector.broadcast %lt3A_171 : i32 to vector<16xi32>
        %lt3A_173 = arith.cmpi slt, %sub3A_167, %lt3A_172 : vector<16xi32>
        %and3A_174 = arith.andi %ge3A_170, %lt3A_173 : vector<16xi1>
        %mul3A_175 = arith.constant 4096 : i32
        %mul3A_176 = arith.muli %scan3A_53, %mul3A_175 : i32
        %mul3A_177 = arith.constant 16 : i32
        %mul3A_178 = arith.muli %scan3A_160, %mul3A_177 : i32
        %add3A_179 = arith.addi %mul3A_176, %mul3A_178 : i32
        %add3A_180 = vector.broadcast %add3A_179 : i32 to vector<16xi32>
        %add3A_181 = arith.addi %add3A_180, %iota3A : vector<16xi32>
        %convert_element_type3A_182 = arith.extui %and3A_174 : vector<16xi1> to vector<16xi32>
        %broadcast_in_dim3A_183 = arith.constant true
        %broadcast_in_dim3A_184 = vector.broadcast %broadcast_in_dim3A_183 : i1 to vector<16xi1>
        %masked_cumsum3A_185 = tpu.scan <sum>, %convert_element_type3A_182 masked %broadcast_in_dim3A_184 : vector<16xi32>, vector<16xi1> -> vector<16xi32>
        %add3A_186 = vector.broadcast %add3A_158 : i32 to vector<16xi32>
        %add3A_187 = arith.addi %add3A_186, %masked_cumsum3A_185 : vector<16xi32>
        %sub3A_188 = arith.constant 1 : i32
        %sub3A_189 = vector.broadcast %sub3A_188 : i32 to vector<16xi32>
        %sub3A_190 = arith.subi %add3A_187, %sub3A_189 : vector<16xi32>
        tpu.vector_store_idx %arg8[%sub3A_190], %add3A_181 masked %and3A_174 : memref<4112xi32, #tpu.memory_space<vmem>>[vector<16xi32>], vector<16xi32>, vector<16xi1>
        tpu.vector_store_idx %arg9[%sub3A_190], %sub3A_167 masked %and3A_174 : memref<4112xi32, #tpu.memory_space<vmem>>[vector<16xi32>], vector<16xi32>, vector<16xi1>
        %slice3A_191 = vector.extract_strided_slice %masked_cumsum3A_185 {offsets = [15], sizes = [1], strides = [1]} : vector<16xi32> to vector<1xi32>
        %squeeze3A_192 = vector.extract %slice3A_191[0] : i32 from vector<1xi32>
        %add3A_193 = arith.addi %add3A_158, %squeeze3A_192 : i32
        %scan3A_194 = arith.constant 3 : i32
        %scan3A_195 = arith.addi %scan3A_96, %scan3A_194 : i32
        %mul3A_196 = arith.constant 16 : i32
        %mul3A_197 = arith.muli %scan3A_195, %mul3A_196 : i32
        %get3A_198 = arith.index_cast %rem3A_56 : i32 to index
        %get3A_199 = arith.index_cast %mul3A_197 : i32 to index
        %get3A_200 = tpu.vector_load %arg7[%get3A_198, %get3A_199] {strides = array<i32>} : memref<2x4096xi32, #tpu.memory_space<vmem>>, vector<16xi32>,
        %sub3A_201 = vector.broadcast %mul3A_2 : i32 to vector<16xi32>
        %sub3A_202 = arith.subi %get3A_200, %sub3A_201 : vector<16xi32>
        %ge3A_203 = arith.constant 0 : i32
        %ge3A_204 = vector.broadcast %ge3A_203 : i32 to vector<16xi32>
        %ge3A_205 = arith.cmpi sge, %sub3A_202, %ge3A_204 : vector<16xi32>
        %lt3A_206 = arith.constant 320 : i32
        %lt3A_207 = vector.broadcast %lt3A_206 : i32 to vector<16xi32>
        %lt3A_208 = arith.cmpi slt, %sub3A_202, %lt3A_207 : vector<16xi32>
        %and3A_209 = arith.andi %ge3A_205, %lt3A_208 : vector<16xi1>
        %mul3A_210 = arith.constant 4096 : i32
        %mul3A_211 = arith.muli %scan3A_53, %mul3A_210 : i32
        %mul3A_212 = arith.constant 16 : i32
        %mul3A_213 = arith.muli %scan3A_195, %mul3A_212 : i32
        %add3A_214 = arith.addi %mul3A_211, %mul3A_213 : i32
        %add3A_215 = vector.broadcast %add3A_214 : i32 to vector<16xi32>
        %add3A_216 = arith.addi %add3A_215, %iota3A : vector<16xi32>
        %convert_element_type3A_217 = arith.extui %and3A_209 : vector<16xi1> to vector<16xi32>
        %broadcast_in_dim3A_218 = arith.constant true
        %broadcast_in_dim3A_219 = vector.broadcast %broadcast_in_dim3A_218 : i1 to vector<16xi1>
        %masked_cumsum3A_220 = tpu.scan <sum>, %convert_element_type3A_217 masked %broadcast_in_dim3A_219 : vector<16xi32>, vector<16xi1> -> vector<16xi32>
        %add3A_221 = vector.broadcast %add3A_193 : i32 to vector<16xi32>
        %add3A_222 = arith.addi %add3A_221, %masked_cumsum3A_220 : vector<16xi32>
        %sub3A_223 = arith.constant 1 : i32
        %sub3A_224 = vector.broadcast %sub3A_223 : i32 to vector<16xi32>
        %sub3A_225 = arith.subi %add3A_222, %sub3A_224 : vector<16xi32>
        tpu.vector_store_idx %arg8[%sub3A_225], %add3A_216 masked %and3A_209 : memref<4112xi32, #tpu.memory_space<vmem>>[vector<16xi32>], vector<16xi32>, vector<16xi1>
        tpu.vector_store_idx %arg9[%sub3A_225], %sub3A_202 masked %and3A_209 : memref<4112xi32, #tpu.memory_space<vmem>>[vector<16xi32>], vector<16xi32>, vector<16xi1>
        %slice3A_226 = vector.extract_strided_slice %masked_cumsum3A_220 {offsets = [15], sizes = [1], strides = [1]} : vector<16xi32> to vector<1xi32>
        %squeeze3A_227 = vector.extract %slice3A_226[0] : i32 from vector<1xi32>
        %add3A_228 = arith.addi %add3A_193, %squeeze3A_227 : i32
        scf.yield %add3A_228 : i32
      }
      %scan3A_76 = arith.constant 256 : i32
      %add3A_77 = arith.constant 127 : i32
      %add3A_78 = arith.addi %scan3A_75, %add3A_77 : i32
      %div3A = arith.constant 128 : i32
      %div3A_79 = arith.divsi %add3A_78, %div3A : i32
      %gt3A = arith.constant 0 : i32
      %gt3A_80 = arith.cmpi sgt, %div3A_79, %gt3A : i32
      %convert_element_type3A_81 = arith.extui %gt3A_80 : i1 to i32
      %cond3A_82 = arith.constant 0 : i32
      %cond3A_83 = arith.cmpi ne, %convert_element_type3A_81, %cond3A_82 : i32
      scf.if %cond3A_83 {
        %rem3A_96 = arith.constant 0 : i32
        %rem3A_97 = arith.constant 2 : i32
        %rem3A_98 = arith.remsi %rem3A_96, %rem3A_97 : i32
        %dma_start3A_99 = arith.constant 0 : i32
        %dma_start3A_100 = arith.constant 0 : i32
        %dma_start3A_101 = tpu.memref_slice %arg10[%rem3A_98, %dma_start3A_99, %dma_start3A_100] : memref<2x128x128xf32, #tpu.memory_space<vmem>> -> memref<1x128x128xf32, #tpu.memory_space<vmem>>
        %dma_start3A_102 = tpu.memref_squeeze %dma_start3A_101 : memref<1x128x128xf32, #tpu.memory_space<vmem>> -> memref<128x128xf32, #tpu.memory_space<vmem>>
        %dma_start3A_103 = arith.constant 0 : i32
        %dma_start3A_104 = tpu.memref_slice %arg8[%dma_start3A_103] : memref<4112xi32, #tpu.memory_space<vmem>> -> memref<128xi32, #tpu.memory_space<vmem>>
        %dma_start3A_105 = arith.constant 0 : i32
        %dma_start3A_106 = arith.constant 0 : i32
        %dma_start3A_107 = tpu.memref_slice %arg2[%dma_start3A_105, %dma_start3A_106] : memref<147456x128xf32, #tpu.memory_space<hbm>> -> memref<147456x128xf32, #tpu.memory_space<hbm>>
        tpu.enqueue_indirect_dma source(%dma_start3A_107 : memref<147456x128xf32, #tpu.memory_space<hbm>>) target(%dma_start3A_102 : memref<128x128xf32, #tpu.memory_space<vmem>>) offsets(%dma_start3A_104 : memref<128xi32, #tpu.memory_space<vmem>>) semaphore(%arg12 : memref<!tpu.dma_semaphore, #tpu.memory_space<semaphore_mem>>)
      } else {
      }
      %while3A = arith.constant 0 : i32
      %while3A_84 = arith.constant 0 : i32
      %while3A_85 = arith.subi %div3A_79, %while3A : i32
      %while3A_86 = arith.addi %while3A, %while3A_85 : i32
      %while3A_87 = arith.constant 1 : i32
      %while3A_88 = arith.divsi %while3A_85, %while3A_87 : i32
      %while3A_89 = arith.muli %while3A_88, %while3A_87 : i32
      %while3A_90 = arith.addi %while3A, %while3A_89 : i32
      %while3A_91 = arith.constant 1 : i32
      %while3A_92 = scf.for %while3A_96 = %while3A to %while3A_90 step %while3A_91 iter_args(%while3A_97 = %while3A_84) -> (i32)  : i32 {
        %rem3A_98 = arith.constant 2 : i32
        %rem3A_99 = arith.remsi %while3A_96, %rem3A_98 : i32
        %dma_wait3A_100 = arith.constant 0 : i32
        %dma_wait3A_101 = arith.constant 0 : i32
        %dma_wait3A_102 = tpu.memref_slice %arg10[%rem3A_99, %dma_wait3A_100, %dma_wait3A_101] : memref<2x128x128xf32, #tpu.memory_space<vmem>> -> memref<1x128x128xf32, #tpu.memory_space<vmem>>
        %dma_wait3A_103 = tpu.memref_squeeze %dma_wait3A_102 : memref<1x128x128xf32, #tpu.memory_space<vmem>> -> memref<128x128xf32, #tpu.memory_space<vmem>>
        %dma_wait3A_104 = arith.constant 0 : i32
        %dma_wait3A_105 = tpu.memref_slice %arg8[%dma_wait3A_104] : memref<4112xi32, #tpu.memory_space<vmem>> -> memref<128xi32, #tpu.memory_space<vmem>>
        %dma_wait3A_106 = arith.constant 0 : i32
        %dma_wait3A_107 = arith.constant 0 : i32
        %dma_wait3A_108 = tpu.memref_slice %arg2[%dma_wait3A_106, %dma_wait3A_107] : memref<147456x128xf32, #tpu.memory_space<hbm>> -> memref<147456x128xf32, #tpu.memory_space<hbm>>
        tpu.wait_indirect_dma semaphore(%arg12 : memref<!tpu.dma_semaphore, #tpu.memory_space<semaphore_mem>>) src(%dma_wait3A_108 : memref<147456x128xf32, #tpu.memory_space<hbm>>) dst(%dma_wait3A_103 : memref<128x128xf32, #tpu.memory_space<vmem>>)
        %add3A_109 = arith.constant 1 : i32
        %add3A_110 = arith.addi %while3A_96, %add3A_109 : i32
        %lt3A_111 = arith.cmpi slt, %add3A_110, %div3A_79 : i32
        %convert_element_type3A_112 = arith.extui %lt3A_111 : i1 to i32
        %cond3A_113 = arith.constant 0 : i32
        %cond3A_114 = arith.cmpi ne, %convert_element_type3A_112, %cond3A_113 : i32
        scf.if %cond3A_114 {
          %add3A_131 = arith.constant 1 : i32
          %add3A_132 = arith.addi %while3A_96, %add3A_131 : i32
          %mul3A_133 = arith.constant 128 : i32
          %mul3A_134 = arith.muli %add3A_132, %mul3A_133 : i32
          %rem3A_135 = arith.constant 2 : i32
          %rem3A_136 = arith.remsi %add3A_132, %rem3A_135 : i32
          %dma_start3A_137 = arith.constant 0 : i32
          %dma_start3A_138 = arith.constant 0 : i32
          %dma_start3A_139 = tpu.memref_slice %arg10[%rem3A_136, %dma_start3A_137, %dma_start3A_138] : memref<2x128x128xf32, #tpu.memory_space<vmem>> -> memref<1x128x128xf32, #tpu.memory_space<vmem>>
          %dma_start3A_140 = tpu.memref_squeeze %dma_start3A_139 : memref<1x128x128xf32, #tpu.memory_space<vmem>> -> memref<128x128xf32, #tpu.memory_space<vmem>>
          %dma_start3A_141 = tpu.memref_slice %arg8[%mul3A_134] : memref<4112xi32, #tpu.memory_space<vmem>> -> memref<128xi32, #tpu.memory_space<vmem>>
          %dma_start3A_142 = arith.constant 0 : i32
          %dma_start3A_143 = arith.constant 0 : i32
          %dma_start3A_144 = tpu.memref_slice %arg2[%dma_start3A_142, %dma_start3A_143] : memref<147456x128xf32, #tpu.memory_space<hbm>> -> memref<147456x128xf32, #tpu.memory_space<hbm>>
          tpu.enqueue_indirect_dma source(%dma_start3A_144 : memref<147456x128xf32, #tpu.memory_space<hbm>>) target(%dma_start3A_140 : memref<128x128xf32, #tpu.memory_space<vmem>>) offsets(%dma_start3A_141 : memref<128xi32, #tpu.memory_space<vmem>>) semaphore(%arg12 : memref<!tpu.dma_semaphore, #tpu.memory_space<semaphore_mem>>)
        } else {
        }
        %mul3A_115 = arith.constant 128 : i32
        %mul3A_116 = arith.muli %while3A_96, %mul3A_115 : i32
        %sub3A = arith.subi %scan3A_75, %mul3A_116 : i32
        %min3A = arith.constant 128 : i32
        %min3A_117 = arith.minsi %sub3A, %min3A : i32
        %while3A_118 = arith.constant 0 : i32
        %while3A_119 = arith.constant 0 : i32
        %while3A_120 = arith.subi %min3A_117, %while3A_118 : i32
        %while3A_121 = arith.addi %while3A_118, %while3A_120 : i32
        %while3A_122 = arith.constant 1 : i32
        %while3A_123 = arith.divsi %while3A_120, %while3A_122 : i32
        %while3A_124 = arith.muli %while3A_123, %while3A_122 : i32
        %while3A_125 = arith.addi %while3A_118, %while3A_124 : i32
        %while3A_126 = arith.constant 1 : i32
        %while3A_127 = scf.for %while3A_131 = %while3A_118 to %while3A_125 step %while3A_126 iter_args(%while3A_132 = %while3A_119) -> (i32)  : i32 {
          %mul3A_133 = arith.constant 128 : i32
          %mul3A_134 = arith.muli %while3A_96, %mul3A_133 : i32
          %add3A_135 = arith.addi %mul3A_134, %while3A_131 : i32
          %get3A = arith.index_cast %add3A_135 : i32 to index
          %get3A_136 = tpu.vector_load %arg9[%get3A] {strides = array<i32>} : memref<4112xi32, #tpu.memory_space<vmem>>, vector<16xi32>,
          %slice3A = vector.extract_strided_slice %get3A_136 {offsets = [0], sizes = [1], strides = [1]} : vector<16xi32> to vector<1xi32>
          %squeeze3A = vector.extract %slice3A[0] : i32 from vector<1xi32>
          %mul3A_137 = arith.constant 128 : i32
          %mul3A_138 = arith.muli %squeeze3A, %mul3A_137 : i32
          %add3A_139 = arith.constant 0 : i32
          %add3A_140 = arith.addi %mul3A_138, %add3A_139 : i32
          %get3A_141 = arith.index_cast %add3A_140 : i32 to index
          %get3A_142 = tpu.vector_load %arg5[%get3A_141] {strides = array<i32>} : memref<40960xf32, #tpu.memory_space<vmem>>, vector<16xf32>,
          %get3A_143 = arith.index_cast %rem3A_99 : i32 to index
          %get3A_144 = arith.index_cast %while3A_131 : i32 to index
          %get3A_145 = arith.constant 0 : index
          %get3A_146 = tpu.vector_load %arg10[%get3A_143, %get3A_144, %get3A_145] {strides = array<i32>} : memref<2x128x128xf32, #tpu.memory_space<vmem>>, vector<16xf32>,
          %add3A_147 = arith.addf %get3A_142, %get3A_146 : vector<16xf32>
          %swap3A = arith.index_cast %add3A_140 : i32 to index
          %swap3A_148 = tpu.vector_load %arg5[%swap3A] {strides = array<i32>} : memref<40960xf32, #tpu.memory_space<vmem>>, vector<16xf32>,
          tpu.vector_store %arg5[%swap3A], %add3A_147 {strides = array<i32>} : memref<40960xf32, #tpu.memory_space<vmem>>, vector<16xf32>,
          %add3A_149 = arith.constant 16 : i32
          %add3A_150 = arith.addi %mul3A_138, %add3A_149 : i32
          %get3A_151 = arith.index_cast %add3A_150 : i32 to index
          %get3A_152 = tpu.vector_load %arg5[%get3A_151] {strides = array<i32>} : memref<40960xf32, #tpu.memory_space<vmem>>, vector<16xf32>,
          %get3A_153 = arith.index_cast %rem3A_99 : i32 to index
          %get3A_154 = arith.index_cast %while3A_131 : i32 to index
          %get3A_155 = arith.constant 16 : index
          %get3A_156 = tpu.vector_load %arg10[%get3A_153, %get3A_154, %get3A_155] {strides = array<i32>} : memref<2x128x128xf32, #tpu.memory_space<vmem>>, vector<16xf32>,
          %add3A_157 = arith.addf %get3A_152, %get3A_156 : vector<16xf32>
          %swap3A_158 = arith.index_cast %add3A_150 : i32 to index
          %swap3A_159 = tpu.vector_load %arg5[%swap3A_158] {strides = array<i32>} : memref<40960xf32, #tpu.memory_space<vmem>>, vector<16xf32>,
          tpu.vector_store %arg5[%swap3A_158], %add3A_157 {strides = array<i32>} : memref<40960xf32, #tpu.memory_space<vmem>>, vector<16xf32>,
          %add3A_160 = arith.constant 32 : i32
          %add3A_161 = arith.addi %mul3A_138, %add3A_160 : i32
          %get3A_162 = arith.index_cast %add3A_161 : i32 to index
          %get3A_163 = tpu.vector_load %arg5[%get3A_162] {strides = array<i32>} : memref<40960xf32, #tpu.memory_space<vmem>>, vector<16xf32>,
          %get3A_164 = arith.index_cast %rem3A_99 : i32 to index
          %get3A_165 = arith.index_cast %while3A_131 : i32 to index
          %get3A_166 = arith.constant 32 : index
          %get3A_167 = tpu.vector_load %arg10[%get3A_164, %get3A_165, %get3A_166] {strides = array<i32>} : memref<2x128x128xf32, #tpu.memory_space<vmem>>, vector<16xf32>,
          %add3A_168 = arith.addf %get3A_163, %get3A_167 : vector<16xf32>
          %swap3A_169 = arith.index_cast %add3A_161 : i32 to index
          %swap3A_170 = tpu.vector_load %arg5[%swap3A_169] {strides = array<i32>} : memref<40960xf32, #tpu.memory_space<vmem>>, vector<16xf32>,
          tpu.vector_store %arg5[%swap3A_169], %add3A_168 {strides = array<i32>} : memref<40960xf32, #tpu.memory_space<vmem>>, vector<16xf32>,
          %add3A_171 = arith.constant 48 : i32
          %add3A_172 = arith.addi %mul3A_138, %add3A_171 : i32
          %get3A_173 = arith.index_cast %add3A_172 : i32 to index
          %get3A_174 = tpu.vector_load %arg5[%get3A_173] {strides = array<i32>} : memref<40960xf32, #tpu.memory_space<vmem>>, vector<16xf32>,
          %get3A_175 = arith.index_cast %rem3A_99 : i32 to index
          %get3A_176 = arith.index_cast %while3A_131 : i32 to index
          %get3A_177 = arith.constant 48 : index
          %get3A_178 = tpu.vector_load %arg10[%get3A_175, %get3A_176, %get3A_177] {strides = array<i32>} : memref<2x128x128xf32, #tpu.memory_space<vmem>>, vector<16xf32>,
          %add3A_179 = arith.addf %get3A_174, %get3A_178 : vector<16xf32>
          %swap3A_180 = arith.index_cast %add3A_172 : i32 to index
          %swap3A_181 = tpu.vector_load %arg5[%swap3A_180] {strides = array<i32>} : memref<40960xf32, #tpu.memory_space<vmem>>, vector<16xf32>,
          tpu.vector_store %arg5[%swap3A_180], %add3A_179 {strides = array<i32>} : memref<40960xf32, #tpu.memory_space<vmem>>, vector<16xf32>,
          %add3A_182 = arith.constant 64 : i32
          %add3A_183 = arith.addi %mul3A_138, %add3A_182 : i32
          %get3A_184 = arith.index_cast %add3A_183 : i32 to index
          %get3A_185 = tpu.vector_load %arg5[%get3A_184] {strides = array<i32>} : memref<40960xf32, #tpu.memory_space<vmem>>, vector<16xf32>,
          %get3A_186 = arith.index_cast %rem3A_99 : i32 to index
          %get3A_187 = arith.index_cast %while3A_131 : i32 to index
          %get3A_188 = arith.constant 64 : index
          %get3A_189 = tpu.vector_load %arg10[%get3A_186, %get3A_187, %get3A_188] {strides = array<i32>} : memref<2x128x128xf32, #tpu.memory_space<vmem>>, vector<16xf32>,
          %add3A_190 = arith.addf %get3A_185, %get3A_189 : vector<16xf32>
          %swap3A_191 = arith.index_cast %add3A_183 : i32 to index
          %swap3A_192 = tpu.vector_load %arg5[%swap3A_191] {strides = array<i32>} : memref<40960xf32, #tpu.memory_space<vmem>>, vector<16xf32>,
          tpu.vector_store %arg5[%swap3A_191], %add3A_190 {strides = array<i32>} : memref<40960xf32, #tpu.memory_space<vmem>>, vector<16xf32>,
          %add3A_193 = arith.constant 80 : i32
          %add3A_194 = arith.addi %mul3A_138, %add3A_193 : i32
          %get3A_195 = arith.index_cast %add3A_194 : i32 to index
          %get3A_196 = tpu.vector_load %arg5[%get3A_195] {strides = array<i32>} : memref<40960xf32, #tpu.memory_space<vmem>>, vector<16xf32>,
          %get3A_197 = arith.index_cast %rem3A_99 : i32 to index
          %get3A_198 = arith.index_cast %while3A_131 : i32 to index
          %get3A_199 = arith.constant 80 : index
          %get3A_200 = tpu.vector_load %arg10[%get3A_197, %get3A_198, %get3A_199] {strides = array<i32>} : memref<2x128x128xf32, #tpu.memory_space<vmem>>, vector<16xf32>,
          %add3A_201 = arith.addf %get3A_196, %get3A_200 : vector<16xf32>
          %swap3A_202 = arith.index_cast %add3A_194 : i32 to index
          %swap3A_203 = tpu.vector_load %arg5[%swap3A_202] {strides = array<i32>} : memref<40960xf32, #tpu.memory_space<vmem>>, vector<16xf32>,
          tpu.vector_store %arg5[%swap3A_202], %add3A_201 {strides = array<i32>} : memref<40960xf32, #tpu.memory_space<vmem>>, vector<16xf32>,
          %add3A_204 = arith.constant 96 : i32
          %add3A_205 = arith.addi %mul3A_138, %add3A_204 : i32
          %get3A_206 = arith.index_cast %add3A_205 : i32 to index
          %get3A_207 = tpu.vector_load %arg5[%get3A_206] {strides = array<i32>} : memref<40960xf32, #tpu.memory_space<vmem>>, vector<16xf32>,
          %get3A_208 = arith.index_cast %rem3A_99 : i32 to index
          %get3A_209 = arith.index_cast %while3A_131 : i32 to index
          %get3A_210 = arith.constant 96 : index
          %get3A_211 = tpu.vector_load %arg10[%get3A_208, %get3A_209, %get3A_210] {strides = array<i32>} : memref<2x128x128xf32, #tpu.memory_space<vmem>>, vector<16xf32>,
          %add3A_212 = arith.addf %get3A_207, %get3A_211 : vector<16xf32>
          %swap3A_213 = arith.index_cast %add3A_205 : i32 to index
          %swap3A_214 = tpu.vector_load %arg5[%swap3A_213] {strides = array<i32>} : memref<40960xf32, #tpu.memory_space<vmem>>, vector<16xf32>,
          tpu.vector_store %arg5[%swap3A_213], %add3A_212 {strides = array<i32>} : memref<40960xf32, #tpu.memory_space<vmem>>, vector<16xf32>,
          %add3A_215 = arith.constant 112 : i32
          %add3A_216 = arith.addi %mul3A_138, %add3A_215 : i32
          %get3A_217 = arith.index_cast %add3A_216 : i32 to index
          %get3A_218 = tpu.vector_load %arg5[%get3A_217] {strides = array<i32>} : memref<40960xf32, #tpu.memory_space<vmem>>, vector<16xf32>,
          %get3A_219 = arith.index_cast %rem3A_99 : i32 to index
          %get3A_220 = arith.index_cast %while3A_131 : i32 to index
          %get3A_221 = arith.constant 112 : index
          %get3A_222 = tpu.vector_load %arg10[%get3A_219, %get3A_220, %get3A_221] {strides = array<i32>} : memref<2x128x128xf32, #tpu.memory_space<vmem>>, vector<16xf32>,
          %add3A_223 = arith.addf %get3A_218, %get3A_222 : vector<16xf32>
          %swap3A_224 = arith.index_cast %add3A_216 : i32 to index
          %swap3A_225 = tpu.vector_load %arg5[%swap3A_224] {strides = array<i32>} : memref<40960xf32, #tpu.memory_space<vmem>>, vector<16xf32>,
          tpu.vector_store %arg5[%swap3A_224], %add3A_223 {strides = array<i32>} : memref<40960xf32, #tpu.memory_space<vmem>>, vector<16xf32>,
          %mul3A_226 = arith.constant 16 : i32
          %mul3A_227 = arith.muli %squeeze3A, %mul3A_226 : i32
          %get3A_228 = arith.index_cast %mul3A_227 : i32 to index
          %get3A_229 = tpu.vector_load %arg6[%get3A_228] {strides = array<i32>} : memref<5120xf32, #tpu.memory_space<vmem>>, vector<16xf32>,
          %add3A_230 = arith.addf %get3A_229, %broadcast_in_dim3A_36 : vector<16xf32>
          %swap3A_231 = arith.index_cast %mul3A_227 : i32 to index
          %swap3A_232 = tpu.vector_load %arg6[%swap3A_231] {strides = array<i32>} : memref<5120xf32, #tpu.memory_space<vmem>>, vector<16xf32>,
          tpu.vector_store %arg6[%swap3A_231], %add3A_230 {strides = array<i32>} : memref<5120xf32, #tpu.memory_space<vmem>>, vector<16xf32>,
          %while3A_233 = arith.constant 0 : i32
          scf.yield %while3A_233 : i32
        }
        %while3A_128 = arith.constant 1 : i32
        %while3A_129 = scf.for %while3A_131 = %while3A_125 to %while3A_121 step %while3A_128 iter_args(%while3A_132 = %while3A_127) -> (i32)  : i32 {
          %mul3A_133 = arith.constant 128 : i32
          %mul3A_134 = arith.muli %while3A_96, %mul3A_133 : i32
          %add3A_135 = arith.addi %mul3A_134, %while3A_131 : i32
          %get3A = arith.index_cast %add3A_135 : i32 to index
          %get3A_136 = tpu.vector_load %arg9[%get3A] {strides = array<i32>} : memref<4112xi32, #tpu.memory_space<vmem>>, vector<16xi32>,
          %slice3A = vector.extract_strided_slice %get3A_136 {offsets = [0], sizes = [1], strides = [1]} : vector<16xi32> to vector<1xi32>
          %squeeze3A = vector.extract %slice3A[0] : i32 from vector<1xi32>
          %mul3A_137 = arith.constant 128 : i32
          %mul3A_138 = arith.muli %squeeze3A, %mul3A_137 : i32
          %add3A_139 = arith.constant 0 : i32
          %add3A_140 = arith.addi %mul3A_138, %add3A_139 : i32
          %get3A_141 = arith.index_cast %add3A_140 : i32 to index
          %get3A_142 = tpu.vector_load %arg5[%get3A_141] {strides = array<i32>} : memref<40960xf32, #tpu.memory_space<vmem>>, vector<16xf32>,
          %get3A_143 = arith.index_cast %rem3A_99 : i32 to index
          %get3A_144 = arith.index_cast %while3A_131 : i32 to index
          %get3A_145 = arith.constant 0 : index
          %get3A_146 = tpu.vector_load %arg10[%get3A_143, %get3A_144, %get3A_145] {strides = array<i32>} : memref<2x128x128xf32, #tpu.memory_space<vmem>>, vector<16xf32>,
          %add3A_147 = arith.addf %get3A_142, %get3A_146 : vector<16xf32>
          %swap3A = arith.index_cast %add3A_140 : i32 to index
          %swap3A_148 = tpu.vector_load %arg5[%swap3A] {strides = array<i32>} : memref<40960xf32, #tpu.memory_space<vmem>>, vector<16xf32>,
          tpu.vector_store %arg5[%swap3A], %add3A_147 {strides = array<i32>} : memref<40960xf32, #tpu.memory_space<vmem>>, vector<16xf32>,
          %add3A_149 = arith.constant 16 : i32
          %add3A_150 = arith.addi %mul3A_138, %add3A_149 : i32
          %get3A_151 = arith.index_cast %add3A_150 : i32 to index
          %get3A_152 = tpu.vector_load %arg5[%get3A_151] {strides = array<i32>} : memref<40960xf32, #tpu.memory_space<vmem>>, vector<16xf32>,
          %get3A_153 = arith.index_cast %rem3A_99 : i32 to index
          %get3A_154 = arith.index_cast %while3A_131 : i32 to index
          %get3A_155 = arith.constant 16 : index
          %get3A_156 = tpu.vector_load %arg10[%get3A_153, %get3A_154, %get3A_155] {strides = array<i32>} : memref<2x128x128xf32, #tpu.memory_space<vmem>>, vector<16xf32>,
          %add3A_157 = arith.addf %get3A_152, %get3A_156 : vector<16xf32>
          %swap3A_158 = arith.index_cast %add3A_150 : i32 to index
          %swap3A_159 = tpu.vector_load %arg5[%swap3A_158] {strides = array<i32>} : memref<40960xf32, #tpu.memory_space<vmem>>, vector<16xf32>,
          tpu.vector_store %arg5[%swap3A_158], %add3A_157 {strides = array<i32>} : memref<40960xf32, #tpu.memory_space<vmem>>, vector<16xf32>,
          %add3A_160 = arith.constant 32 : i32
          %add3A_161 = arith.addi %mul3A_138, %add3A_160 : i32
          %get3A_162 = arith.index_cast %add3A_161 : i32 to index
          %get3A_163 = tpu.vector_load %arg5[%get3A_162] {strides = array<i32>} : memref<40960xf32, #tpu.memory_space<vmem>>, vector<16xf32>,
          %get3A_164 = arith.index_cast %rem3A_99 : i32 to index
          %get3A_165 = arith.index_cast %while3A_131 : i32 to index
          %get3A_166 = arith.constant 32 : index
          %get3A_167 = tpu.vector_load %arg10[%get3A_164, %get3A_165, %get3A_166] {strides = array<i32>} : memref<2x128x128xf32, #tpu.memory_space<vmem>>, vector<16xf32>,
          %add3A_168 = arith.addf %get3A_163, %get3A_167 : vector<16xf32>
          %swap3A_169 = arith.index_cast %add3A_161 : i32 to index
          %swap3A_170 = tpu.vector_load %arg5[%swap3A_169] {strides = array<i32>} : memref<40960xf32, #tpu.memory_space<vmem>>, vector<16xf32>,
          tpu.vector_store %arg5[%swap3A_169], %add3A_168 {strides = array<i32>} : memref<40960xf32, #tpu.memory_space<vmem>>, vector<16xf32>,
          %add3A_171 = arith.constant 48 : i32
          %add3A_172 = arith.addi %mul3A_138, %add3A_171 : i32
          %get3A_173 = arith.index_cast %add3A_172 : i32 to index
          %get3A_174 = tpu.vector_load %arg5[%get3A_173] {strides = array<i32>} : memref<40960xf32, #tpu.memory_space<vmem>>, vector<16xf32>,
          %get3A_175 = arith.index_cast %rem3A_99 : i32 to index
          %get3A_176 = arith.index_cast %while3A_131 : i32 to index
          %get3A_177 = arith.constant 48 : index
          %get3A_178 = tpu.vector_load %arg10[%get3A_175, %get3A_176, %get3A_177] {strides = array<i32>} : memref<2x128x128xf32, #tpu.memory_space<vmem>>, vector<16xf32>,
          %add3A_179 = arith.addf %get3A_174, %get3A_178 : vector<16xf32>
          %swap3A_180 = arith.index_cast %add3A_172 : i32 to index
          %swap3A_181 = tpu.vector_load %arg5[%swap3A_180] {strides = array<i32>} : memref<40960xf32, #tpu.memory_space<vmem>>, vector<16xf32>,
          tpu.vector_store %arg5[%swap3A_180], %add3A_179 {strides = array<i32>} : memref<40960xf32, #tpu.memory_space<vmem>>, vector<16xf32>,
          %add3A_182 = arith.constant 64 : i32
          %add3A_183 = arith.addi %mul3A_138, %add3A_182 : i32
          %get3A_184 = arith.index_cast %add3A_183 : i32 to index
          %get3A_185 = tpu.vector_load %arg5[%get3A_184] {strides = array<i32>} : memref<40960xf32, #tpu.memory_space<vmem>>, vector<16xf32>,
          %get3A_186 = arith.index_cast %rem3A_99 : i32 to index
          %get3A_187 = arith.index_cast %while3A_131 : i32 to index
          %get3A_188 = arith.constant 64 : index
          %get3A_189 = tpu.vector_load %arg10[%get3A_186, %get3A_187, %get3A_188] {strides = array<i32>} : memref<2x128x128xf32, #tpu.memory_space<vmem>>, vector<16xf32>,
          %add3A_190 = arith.addf %get3A_185, %get3A_189 : vector<16xf32>
          %swap3A_191 = arith.index_cast %add3A_183 : i32 to index
          %swap3A_192 = tpu.vector_load %arg5[%swap3A_191] {strides = array<i32>} : memref<40960xf32, #tpu.memory_space<vmem>>, vector<16xf32>,
          tpu.vector_store %arg5[%swap3A_191], %add3A_190 {strides = array<i32>} : memref<40960xf32, #tpu.memory_space<vmem>>, vector<16xf32>,
          %add3A_193 = arith.constant 80 : i32
          %add3A_194 = arith.addi %mul3A_138, %add3A_193 : i32
          %get3A_195 = arith.index_cast %add3A_194 : i32 to index
          %get3A_196 = tpu.vector_load %arg5[%get3A_195] {strides = array<i32>} : memref<40960xf32, #tpu.memory_space<vmem>>, vector<16xf32>,
          %get3A_197 = arith.index_cast %rem3A_99 : i32 to index
          %get3A_198 = arith.index_cast %while3A_131 : i32 to index
          %get3A_199 = arith.constant 80 : index
          %get3A_200 = tpu.vector_load %arg10[%get3A_197, %get3A_198, %get3A_199] {strides = array<i32>} : memref<2x128x128xf32, #tpu.memory_space<vmem>>, vector<16xf32>,
          %add3A_201 = arith.addf %get3A_196, %get3A_200 : vector<16xf32>
          %swap3A_202 = arith.index_cast %add3A_194 : i32 to index
          %swap3A_203 = tpu.vector_load %arg5[%swap3A_202] {strides = array<i32>} : memref<40960xf32, #tpu.memory_space<vmem>>, vector<16xf32>,
          tpu.vector_store %arg5[%swap3A_202], %add3A_201 {strides = array<i32>} : memref<40960xf32, #tpu.memory_space<vmem>>, vector<16xf32>,
          %add3A_204 = arith.constant 96 : i32
          %add3A_205 = arith.addi %mul3A_138, %add3A_204 : i32
          %get3A_206 = arith.index_cast %add3A_205 : i32 to index
          %get3A_207 = tpu.vector_load %arg5[%get3A_206] {strides = array<i32>} : memref<40960xf32, #tpu.memory_space<vmem>>, vector<16xf32>,
          %get3A_208 = arith.index_cast %rem3A_99 : i32 to index
          %get3A_209 = arith.index_cast %while3A_131 : i32 to index
          %get3A_210 = arith.constant 96 : index
          %get3A_211 = tpu.vector_load %arg10[%get3A_208, %get3A_209, %get3A_210] {strides = array<i32>} : memref<2x128x128xf32, #tpu.memory_space<vmem>>, vector<16xf32>,
          %add3A_212 = arith.addf %get3A_207, %get3A_211 : vector<16xf32>
          %swap3A_213 = arith.index_cast %add3A_205 : i32 to index
          %swap3A_214 = tpu.vector_load %arg5[%swap3A_213] {strides = array<i32>} : memref<40960xf32, #tpu.memory_space<vmem>>, vector<16xf32>,
          tpu.vector_store %arg5[%swap3A_213], %add3A_212 {strides = array<i32>} : memref<40960xf32, #tpu.memory_space<vmem>>, vector<16xf32>,
          %add3A_215 = arith.constant 112 : i32
          %add3A_216 = arith.addi %mul3A_138, %add3A_215 : i32
          %get3A_217 = arith.index_cast %add3A_216 : i32 to index
          %get3A_218 = tpu.vector_load %arg5[%get3A_217] {strides = array<i32>} : memref<40960xf32, #tpu.memory_space<vmem>>, vector<16xf32>,
          %get3A_219 = arith.index_cast %rem3A_99 : i32 to index
          %get3A_220 = arith.index_cast %while3A_131 : i32 to index
          %get3A_221 = arith.constant 112 : index
          %get3A_222 = tpu.vector_load %arg10[%get3A_219, %get3A_220, %get3A_221] {strides = array<i32>} : memref<2x128x128xf32, #tpu.memory_space<vmem>>, vector<16xf32>,
          %add3A_223 = arith.addf %get3A_218, %get3A_222 : vector<16xf32>
          %swap3A_224 = arith.index_cast %add3A_216 : i32 to index
          %swap3A_225 = tpu.vector_load %arg5[%swap3A_224] {strides = array<i32>} : memref<40960xf32, #tpu.memory_space<vmem>>, vector<16xf32>,
          tpu.vector_store %arg5[%swap3A_224], %add3A_223 {strides = array<i32>} : memref<40960xf32, #tpu.memory_space<vmem>>, vector<16xf32>,
          %mul3A_226 = arith.constant 16 : i32
          %mul3A_227 = arith.muli %squeeze3A, %mul3A_226 : i32
          %get3A_228 = arith.index_cast %mul3A_227 : i32 to index
          %get3A_229 = tpu.vector_load %arg6[%get3A_228] {strides = array<i32>} : memref<5120xf32, #tpu.memory_space<vmem>>, vector<16xf32>,
          %add3A_230 = arith.addf %get3A_229, %broadcast_in_dim3A_36 : vector<16xf32>
          %swap3A_231 = arith.index_cast %mul3A_227 : i32 to index
          %swap3A_232 = tpu.vector_load %arg6[%swap3A_231] {strides = array<i32>} : memref<5120xf32, #tpu.memory_space<vmem>>, vector<16xf32>,
          tpu.vector_store %arg6[%swap3A_231], %add3A_230 {strides = array<i32>} : memref<5120xf32, #tpu.memory_space<vmem>>, vector<16xf32>,
          %while3A_233 = arith.constant 0 : i32
          scf.yield %while3A_233 : i32
        }
        %while3A_130 = arith.constant 0 : i32
        scf.yield %while3A_130 : i32
      }
      %while3A_93 = arith.constant 1 : i32
      %while3A_94 = scf.for %while3A_96 = %while3A_90 to %while3A_86 step %while3A_93 iter_args(%while3A_97 = %while3A_92) -> (i32)  : i32 {
        %rem3A_98 = arith.constant 2 : i32
        %rem3A_99 = arith.remsi %while3A_96, %rem3A_98 : i32
        %dma_wait3A_100 = arith.constant 0 : i32
        %dma_wait3A_101 = arith.constant 0 : i32
        %dma_wait3A_102 = tpu.memref_slice %arg10[%rem3A_99, %dma_wait3A_100, %dma_wait3A_101] : memref<2x128x128xf32, #tpu.memory_space<vmem>> -> memref<1x128x128xf32, #tpu.memory_space<vmem>>
        %dma_wait3A_103 = tpu.memref_squeeze %dma_wait3A_102 : memref<1x128x128xf32, #tpu.memory_space<vmem>> -> memref<128x128xf32, #tpu.memory_space<vmem>>
        %dma_wait3A_104 = arith.constant 0 : i32
        %dma_wait3A_105 = tpu.memref_slice %arg8[%dma_wait3A_104] : memref<4112xi32, #tpu.memory_space<vmem>> -> memref<128xi32, #tpu.memory_space<vmem>>
        %dma_wait3A_106 = arith.constant 0 : i32
        %dma_wait3A_107 = arith.constant 0 : i32
        %dma_wait3A_108 = tpu.memref_slice %arg2[%dma_wait3A_106, %dma_wait3A_107] : memref<147456x128xf32, #tpu.memory_space<hbm>> -> memref<147456x128xf32, #tpu.memory_space<hbm>>
        tpu.wait_indirect_dma semaphore(%arg12 : memref<!tpu.dma_semaphore, #tpu.memory_space<semaphore_mem>>) src(%dma_wait3A_108 : memref<147456x128xf32, #tpu.memory_space<hbm>>) dst(%dma_wait3A_103 : memref<128x128xf32, #tpu.memory_space<vmem>>)
        %add3A_109 = arith.constant 1 : i32
        %add3A_110 = arith.addi %while3A_96, %add3A_109 : i32
        %lt3A_111 = arith.cmpi slt, %add3A_110, %div3A_79 : i32
        %convert_element_type3A_112 = arith.extui %lt3A_111 : i1 to i32
        %cond3A_113 = arith.constant 0 : i32
        %cond3A_114 = arith.cmpi ne, %convert_element_type3A_112, %cond3A_113 : i32
        scf.if %cond3A_114 {
          %add3A_131 = arith.constant 1 : i32
          %add3A_132 = arith.addi %while3A_96, %add3A_131 : i32
          %mul3A_133 = arith.constant 128 : i32
          %mul3A_134 = arith.muli %add3A_132, %mul3A_133 : i32
          %rem3A_135 = arith.constant 2 : i32
          %rem3A_136 = arith.remsi %add3A_132, %rem3A_135 : i32
          %dma_start3A_137 = arith.constant 0 : i32
          %dma_start3A_138 = arith.constant 0 : i32
          %dma_start3A_139 = tpu.memref_slice %arg10[%rem3A_136, %dma_start3A_137, %dma_start3A_138] : memref<2x128x128xf32, #tpu.memory_space<vmem>> -> memref<1x128x128xf32, #tpu.memory_space<vmem>>
          %dma_start3A_140 = tpu.memref_squeeze %dma_start3A_139 : memref<1x128x128xf32, #tpu.memory_space<vmem>> -> memref<128x128xf32, #tpu.memory_space<vmem>>
          %dma_start3A_141 = tpu.memref_slice %arg8[%mul3A_134] : memref<4112xi32, #tpu.memory_space<vmem>> -> memref<128xi32, #tpu.memory_space<vmem>>
          %dma_start3A_142 = arith.constant 0 : i32
          %dma_start3A_143 = arith.constant 0 : i32
          %dma_start3A_144 = tpu.memref_slice %arg2[%dma_start3A_142, %dma_start3A_143] : memref<147456x128xf32, #tpu.memory_space<hbm>> -> memref<147456x128xf32, #tpu.memory_space<hbm>>
          tpu.enqueue_indirect_dma source(%dma_start3A_144 : memref<147456x128xf32, #tpu.memory_space<hbm>>) target(%dma_start3A_140 : memref<128x128xf32, #tpu.memory_space<vmem>>) offsets(%dma_start3A_141 : memref<128xi32, #tpu.memory_space<vmem>>) semaphore(%arg12 : memref<!tpu.dma_semaphore, #tpu.memory_space<semaphore_mem>>)
        } else {
        }
        %mul3A_115 = arith.constant 128 : i32
        %mul3A_116 = arith.muli %while3A_96, %mul3A_115 : i32
        %sub3A = arith.subi %scan3A_75, %mul3A_116 : i32
        %min3A = arith.constant 128 : i32
        %min3A_117 = arith.minsi %sub3A, %min3A : i32
        %while3A_118 = arith.constant 0 : i32
        %while3A_119 = arith.constant 0 : i32
        %while3A_120 = arith.subi %min3A_117, %while3A_118 : i32
        %while3A_121 = arith.addi %while3A_118, %while3A_120 : i32
        %while3A_122 = arith.constant 1 : i32
        %while3A_123 = arith.divsi %while3A_120, %while3A_122 : i32
        %while3A_124 = arith.muli %while3A_123, %while3A_122 : i32
        %while3A_125 = arith.addi %while3A_118, %while3A_124 : i32
        %while3A_126 = arith.constant 1 : i32
        %while3A_127 = scf.for %while3A_131 = %while3A_118 to %while3A_125 step %while3A_126 iter_args(%while3A_132 = %while3A_119) -> (i32)  : i32 {
          %mul3A_133 = arith.constant 128 : i32
          %mul3A_134 = arith.muli %while3A_96, %mul3A_133 : i32
          %add3A_135 = arith.addi %mul3A_134, %while3A_131 : i32
          %get3A = arith.index_cast %add3A_135 : i32 to index
          %get3A_136 = tpu.vector_load %arg9[%get3A] {strides = array<i32>} : memref<4112xi32, #tpu.memory_space<vmem>>, vector<16xi32>,
          %slice3A = vector.extract_strided_slice %get3A_136 {offsets = [0], sizes = [1], strides = [1]} : vector<16xi32> to vector<1xi32>
          %squeeze3A = vector.extract %slice3A[0] : i32 from vector<1xi32>
          %mul3A_137 = arith.constant 128 : i32
          %mul3A_138 = arith.muli %squeeze3A, %mul3A_137 : i32
          %add3A_139 = arith.constant 0 : i32
          %add3A_140 = arith.addi %mul3A_138, %add3A_139 : i32
          %get3A_141 = arith.index_cast %add3A_140 : i32 to index
          %get3A_142 = tpu.vector_load %arg5[%get3A_141] {strides = array<i32>} : memref<40960xf32, #tpu.memory_space<vmem>>, vector<16xf32>,
          %get3A_143 = arith.index_cast %rem3A_99 : i32 to index
          %get3A_144 = arith.index_cast %while3A_131 : i32 to index
          %get3A_145 = arith.constant 0 : index
          %get3A_146 = tpu.vector_load %arg10[%get3A_143, %get3A_144, %get3A_145] {strides = array<i32>} : memref<2x128x128xf32, #tpu.memory_space<vmem>>, vector<16xf32>,
          %add3A_147 = arith.addf %get3A_142, %get3A_146 : vector<16xf32>
          %swap3A = arith.index_cast %add3A_140 : i32 to index
          %swap3A_148 = tpu.vector_load %arg5[%swap3A] {strides = array<i32>} : memref<40960xf32, #tpu.memory_space<vmem>>, vector<16xf32>,
          tpu.vector_store %arg5[%swap3A], %add3A_147 {strides = array<i32>} : memref<40960xf32, #tpu.memory_space<vmem>>, vector<16xf32>,
          %add3A_149 = arith.constant 16 : i32
          %add3A_150 = arith.addi %mul3A_138, %add3A_149 : i32
          %get3A_151 = arith.index_cast %add3A_150 : i32 to index
          %get3A_152 = tpu.vector_load %arg5[%get3A_151] {strides = array<i32>} : memref<40960xf32, #tpu.memory_space<vmem>>, vector<16xf32>,
          %get3A_153 = arith.index_cast %rem3A_99 : i32 to index
          %get3A_154 = arith.index_cast %while3A_131 : i32 to index
          %get3A_155 = arith.constant 16 : index
          %get3A_156 = tpu.vector_load %arg10[%get3A_153, %get3A_154, %get3A_155] {strides = array<i32>} : memref<2x128x128xf32, #tpu.memory_space<vmem>>, vector<16xf32>,
          %add3A_157 = arith.addf %get3A_152, %get3A_156 : vector<16xf32>
          %swap3A_158 = arith.index_cast %add3A_150 : i32 to index
          %swap3A_159 = tpu.vector_load %arg5[%swap3A_158] {strides = array<i32>} : memref<40960xf32, #tpu.memory_space<vmem>>, vector<16xf32>,
          tpu.vector_store %arg5[%swap3A_158], %add3A_157 {strides = array<i32>} : memref<40960xf32, #tpu.memory_space<vmem>>, vector<16xf32>,
          %add3A_160 = arith.constant 32 : i32
          %add3A_161 = arith.addi %mul3A_138, %add3A_160 : i32
          %get3A_162 = arith.index_cast %add3A_161 : i32 to index
          %get3A_163 = tpu.vector_load %arg5[%get3A_162] {strides = array<i32>} : memref<40960xf32, #tpu.memory_space<vmem>>, vector<16xf32>,
          %get3A_164 = arith.index_cast %rem3A_99 : i32 to index
          %get3A_165 = arith.index_cast %while3A_131 : i32 to index
          %get3A_166 = arith.constant 32 : index
          %get3A_167 = tpu.vector_load %arg10[%get3A_164, %get3A_165, %get3A_166] {strides = array<i32>} : memref<2x128x128xf32, #tpu.memory_space<vmem>>, vector<16xf32>,
          %add3A_168 = arith.addf %get3A_163, %get3A_167 : vector<16xf32>
          %swap3A_169 = arith.index_cast %add3A_161 : i32 to index
          %swap3A_170 = tpu.vector_load %arg5[%swap3A_169] {strides = array<i32>} : memref<40960xf32, #tpu.memory_space<vmem>>, vector<16xf32>,
          tpu.vector_store %arg5[%swap3A_169], %add3A_168 {strides = array<i32>} : memref<40960xf32, #tpu.memory_space<vmem>>, vector<16xf32>,
          %add3A_171 = arith.constant 48 : i32
          %add3A_172 = arith.addi %mul3A_138, %add3A_171 : i32
          %get3A_173 = arith.index_cast %add3A_172 : i32 to index
          %get3A_174 = tpu.vector_load %arg5[%get3A_173] {strides = array<i32>} : memref<40960xf32, #tpu.memory_space<vmem>>, vector<16xf32>,
          %get3A_175 = arith.index_cast %rem3A_99 : i32 to index
          %get3A_176 = arith.index_cast %while3A_131 : i32 to index
          %get3A_177 = arith.constant 48 : index
          %get3A_178 = tpu.vector_load %arg10[%get3A_175, %get3A_176, %get3A_177] {strides = array<i32>} : memref<2x128x128xf32, #tpu.memory_space<vmem>>, vector<16xf32>,
          %add3A_179 = arith.addf %get3A_174, %get3A_178 : vector<16xf32>
          %swap3A_180 = arith.index_cast %add3A_172 : i32 to index
          %swap3A_181 = tpu.vector_load %arg5[%swap3A_180] {strides = array<i32>} : memref<40960xf32, #tpu.memory_space<vmem>>, vector<16xf32>,
          tpu.vector_store %arg5[%swap3A_180], %add3A_179 {strides = array<i32>} : memref<40960xf32, #tpu.memory_space<vmem>>, vector<16xf32>,
          %add3A_182 = arith.constant 64 : i32
          %add3A_183 = arith.addi %mul3A_138, %add3A_182 : i32
          %get3A_184 = arith.index_cast %add3A_183 : i32 to index
          %get3A_185 = tpu.vector_load %arg5[%get3A_184] {strides = array<i32>} : memref<40960xf32, #tpu.memory_space<vmem>>, vector<16xf32>,
          %get3A_186 = arith.index_cast %rem3A_99 : i32 to index
          %get3A_187 = arith.index_cast %while3A_131 : i32 to index
          %get3A_188 = arith.constant 64 : index
          %get3A_189 = tpu.vector_load %arg10[%get3A_186, %get3A_187, %get3A_188] {strides = array<i32>} : memref<2x128x128xf32, #tpu.memory_space<vmem>>, vector<16xf32>,
          %add3A_190 = arith.addf %get3A_185, %get3A_189 : vector<16xf32>
          %swap3A_191 = arith.index_cast %add3A_183 : i32 to index
          %swap3A_192 = tpu.vector_load %arg5[%swap3A_191] {strides = array<i32>} : memref<40960xf32, #tpu.memory_space<vmem>>, vector<16xf32>,
          tpu.vector_store %arg5[%swap3A_191], %add3A_190 {strides = array<i32>} : memref<40960xf32, #tpu.memory_space<vmem>>, vector<16xf32>,
          %add3A_193 = arith.constant 80 : i32
          %add3A_194 = arith.addi %mul3A_138, %add3A_193 : i32
          %get3A_195 = arith.index_cast %add3A_194 : i32 to index
          %get3A_196 = tpu.vector_load %arg5[%get3A_195] {strides = array<i32>} : memref<40960xf32, #tpu.memory_space<vmem>>, vector<16xf32>,
          %get3A_197 = arith.index_cast %rem3A_99 : i32 to index
          %get3A_198 = arith.index_cast %while3A_131 : i32 to index
          %get3A_199 = arith.constant 80 : index
          %get3A_200 = tpu.vector_load %arg10[%get3A_197, %get3A_198, %get3A_199] {strides = array<i32>} : memref<2x128x128xf32, #tpu.memory_space<vmem>>, vector<16xf32>,
          %add3A_201 = arith.addf %get3A_196, %get3A_200 : vector<16xf32>
          %swap3A_202 = arith.index_cast %add3A_194 : i32 to index
          %swap3A_203 = tpu.vector_load %arg5[%swap3A_202] {strides = array<i32>} : memref<40960xf32, #tpu.memory_space<vmem>>, vector<16xf32>,
          tpu.vector_store %arg5[%swap3A_202], %add3A_201 {strides = array<i32>} : memref<40960xf32, #tpu.memory_space<vmem>>, vector<16xf32>,
          %add3A_204 = arith.constant 96 : i32
          %add3A_205 = arith.addi %mul3A_138, %add3A_204 : i32
          %get3A_206 = arith.index_cast %add3A_205 : i32 to index
          %get3A_207 = tpu.vector_load %arg5[%get3A_206] {strides = array<i32>} : memref<40960xf32, #tpu.memory_space<vmem>>, vector<16xf32>,
          %get3A_208 = arith.index_cast %rem3A_99 : i32 to index
          %get3A_209 = arith.index_cast %while3A_131 : i32 to index
          %get3A_210 = arith.constant 96 : index
          %get3A_211 = tpu.vector_load %arg10[%get3A_208, %get3A_209, %get3A_210] {strides = array<i32>} : memref<2x128x128xf32, #tpu.memory_space<vmem>>, vector<16xf32>,
          %add3A_212 = arith.addf %get3A_207, %get3A_211 : vector<16xf32>
          %swap3A_213 = arith.index_cast %add3A_205 : i32 to index
          %swap3A_214 = tpu.vector_load %arg5[%swap3A_213] {strides = array<i32>} : memref<40960xf32, #tpu.memory_space<vmem>>, vector<16xf32>,
          tpu.vector_store %arg5[%swap3A_213], %add3A_212 {strides = array<i32>} : memref<40960xf32, #tpu.memory_space<vmem>>, vector<16xf32>,
          %add3A_215 = arith.constant 112 : i32
          %add3A_216 = arith.addi %mul3A_138, %add3A_215 : i32
          %get3A_217 = arith.index_cast %add3A_216 : i32 to index
          %get3A_218 = tpu.vector_load %arg5[%get3A_217] {strides = array<i32>} : memref<40960xf32, #tpu.memory_space<vmem>>, vector<16xf32>,
          %get3A_219 = arith.index_cast %rem3A_99 : i32 to index
          %get3A_220 = arith.index_cast %while3A_131 : i32 to index
          %get3A_221 = arith.constant 112 : index
          %get3A_222 = tpu.vector_load %arg10[%get3A_219, %get3A_220, %get3A_221] {strides = array<i32>} : memref<2x128x128xf32, #tpu.memory_space<vmem>>, vector<16xf32>,
          %add3A_223 = arith.addf %get3A_218, %get3A_222 : vector<16xf32>
          %swap3A_224 = arith.index_cast %add3A_216 : i32 to index
          %swap3A_225 = tpu.vector_load %arg5[%swap3A_224] {strides = array<i32>} : memref<40960xf32, #tpu.memory_space<vmem>>, vector<16xf32>,
          tpu.vector_store %arg5[%swap3A_224], %add3A_223 {strides = array<i32>} : memref<40960xf32, #tpu.memory_space<vmem>>, vector<16xf32>,
          %mul3A_226 = arith.constant 16 : i32
          %mul3A_227 = arith.muli %squeeze3A, %mul3A_226 : i32
          %get3A_228 = arith.index_cast %mul3A_227 : i32 to index
          %get3A_229 = tpu.vector_load %arg6[%get3A_228] {strides = array<i32>} : memref<5120xf32, #tpu.memory_space<vmem>>, vector<16xf32>,
          %add3A_230 = arith.addf %get3A_229, %broadcast_in_dim3A_36 : vector<16xf32>
          %swap3A_231 = arith.index_cast %mul3A_227 : i32 to index
          %swap3A_232 = tpu.vector_load %arg6[%swap3A_231] {strides = array<i32>} : memref<5120xf32, #tpu.memory_space<vmem>>, vector<16xf32>,
          tpu.vector_store %arg6[%swap3A_231], %add3A_230 {strides = array<i32>} : memref<5120xf32, #tpu.memory_space<vmem>>, vector<16xf32>,
          %while3A_233 = arith.constant 0 : i32
          scf.yield %while3A_233 : i32
        }
        %while3A_128 = arith.constant 1 : i32
        %while3A_129 = scf.for %while3A_131 = %while3A_125 to %while3A_121 step %while3A_128 iter_args(%while3A_132 = %while3A_127) -> (i32)  : i32 {
          %mul3A_133 = arith.constant 128 : i32
          %mul3A_134 = arith.muli %while3A_96, %mul3A_133 : i32
          %add3A_135 = arith.addi %mul3A_134, %while3A_131 : i32
          %get3A = arith.index_cast %add3A_135 : i32 to index
          %get3A_136 = tpu.vector_load %arg9[%get3A] {strides = array<i32>} : memref<4112xi32, #tpu.memory_space<vmem>>, vector<16xi32>,
          %slice3A = vector.extract_strided_slice %get3A_136 {offsets = [0], sizes = [1], strides = [1]} : vector<16xi32> to vector<1xi32>
          %squeeze3A = vector.extract %slice3A[0] : i32 from vector<1xi32>
          %mul3A_137 = arith.constant 128 : i32
          %mul3A_138 = arith.muli %squeeze3A, %mul3A_137 : i32
          %add3A_139 = arith.constant 0 : i32
          %add3A_140 = arith.addi %mul3A_138, %add3A_139 : i32
          %get3A_141 = arith.index_cast %add3A_140 : i32 to index
          %get3A_142 = tpu.vector_load %arg5[%get3A_141] {strides = array<i32>} : memref<40960xf32, #tpu.memory_space<vmem>>, vector<16xf32>,
          %get3A_143 = arith.index_cast %rem3A_99 : i32 to index
          %get3A_144 = arith.index_cast %while3A_131 : i32 to index
          %get3A_145 = arith.constant 0 : index
          %get3A_146 = tpu.vector_load %arg10[%get3A_143, %get3A_144, %get3A_145] {strides = array<i32>} : memref<2x128x128xf32, #tpu.memory_space<vmem>>, vector<16xf32>,
          %add3A_147 = arith.addf %get3A_142, %get3A_146 : vector<16xf32>
          %swap3A = arith.index_cast %add3A_140 : i32 to index
          %swap3A_148 = tpu.vector_load %arg5[%swap3A] {strides = array<i32>} : memref<40960xf32, #tpu.memory_space<vmem>>, vector<16xf32>,
          tpu.vector_store %arg5[%swap3A], %add3A_147 {strides = array<i32>} : memref<40960xf32, #tpu.memory_space<vmem>>, vector<16xf32>,
          %add3A_149 = arith.constant 16 : i32
          %add3A_150 = arith.addi %mul3A_138, %add3A_149 : i32
          %get3A_151 = arith.index_cast %add3A_150 : i32 to index
          %get3A_152 = tpu.vector_load %arg5[%get3A_151] {strides = array<i32>} : memref<40960xf32, #tpu.memory_space<vmem>>, vector<16xf32>,
          %get3A_153 = arith.index_cast %rem3A_99 : i32 to index
          %get3A_154 = arith.index_cast %while3A_131 : i32 to index
          %get3A_155 = arith.constant 16 : index
          %get3A_156 = tpu.vector_load %arg10[%get3A_153, %get3A_154, %get3A_155] {strides = array<i32>} : memref<2x128x128xf32, #tpu.memory_space<vmem>>, vector<16xf32>,
          %add3A_157 = arith.addf %get3A_152, %get3A_156 : vector<16xf32>
          %swap3A_158 = arith.index_cast %add3A_150 : i32 to index
          %swap3A_159 = tpu.vector_load %arg5[%swap3A_158] {strides = array<i32>} : memref<40960xf32, #tpu.memory_space<vmem>>, vector<16xf32>,
          tpu.vector_store %arg5[%swap3A_158], %add3A_157 {strides = array<i32>} : memref<40960xf32, #tpu.memory_space<vmem>>, vector<16xf32>,
          %add3A_160 = arith.constant 32 : i32
          %add3A_161 = arith.addi %mul3A_138, %add3A_160 : i32
          %get3A_162 = arith.index_cast %add3A_161 : i32 to index
          %get3A_163 = tpu.vector_load %arg5[%get3A_162] {strides = array<i32>} : memref<40960xf32, #tpu.memory_space<vmem>>, vector<16xf32>,
          %get3A_164 = arith.index_cast %rem3A_99 : i32 to index
          %get3A_165 = arith.index_cast %while3A_131 : i32 to index
          %get3A_166 = arith.constant 32 : index
          %get3A_167 = tpu.vector_load %arg10[%get3A_164, %get3A_165, %get3A_166] {strides = array<i32>} : memref<2x128x128xf32, #tpu.memory_space<vmem>>, vector<16xf32>,
          %add3A_168 = arith.addf %get3A_163, %get3A_167 : vector<16xf32>
          %swap3A_169 = arith.index_cast %add3A_161 : i32 to index
          %swap3A_170 = tpu.vector_load %arg5[%swap3A_169] {strides = array<i32>} : memref<40960xf32, #tpu.memory_space<vmem>>, vector<16xf32>,
          tpu.vector_store %arg5[%swap3A_169], %add3A_168 {strides = array<i32>} : memref<40960xf32, #tpu.memory_space<vmem>>, vector<16xf32>,
          %add3A_171 = arith.constant 48 : i32
          %add3A_172 = arith.addi %mul3A_138, %add3A_171 : i32
          %get3A_173 = arith.index_cast %add3A_172 : i32 to index
          %get3A_174 = tpu.vector_load %arg5[%get3A_173] {strides = array<i32>} : memref<40960xf32, #tpu.memory_space<vmem>>, vector<16xf32>,
          %get3A_175 = arith.index_cast %rem3A_99 : i32 to index
          %get3A_176 = arith.index_cast %while3A_131 : i32 to index
          %get3A_177 = arith.constant 48 : index
          %get3A_178 = tpu.vector_load %arg10[%get3A_175, %get3A_176, %get3A_177] {strides = array<i32>} : memref<2x128x128xf32, #tpu.memory_space<vmem>>, vector<16xf32>,
          %add3A_179 = arith.addf %get3A_174, %get3A_178 : vector<16xf32>
          %swap3A_180 = arith.index_cast %add3A_172 : i32 to index
          %swap3A_181 = tpu.vector_load %arg5[%swap3A_180] {strides = array<i32>} : memref<40960xf32, #tpu.memory_space<vmem>>, vector<16xf32>,
          tpu.vector_store %arg5[%swap3A_180], %add3A_179 {strides = array<i32>} : memref<40960xf32, #tpu.memory_space<vmem>>, vector<16xf32>,
          %add3A_182 = arith.constant 64 : i32
          %add3A_183 = arith.addi %mul3A_138, %add3A_182 : i32
          %get3A_184 = arith.index_cast %add3A_183 : i32 to index
          %get3A_185 = tpu.vector_load %arg5[%get3A_184] {strides = array<i32>} : memref<40960xf32, #tpu.memory_space<vmem>>, vector<16xf32>,
          %get3A_186 = arith.index_cast %rem3A_99 : i32 to index
          %get3A_187 = arith.index_cast %while3A_131 : i32 to index
          %get3A_188 = arith.constant 64 : index
          %get3A_189 = tpu.vector_load %arg10[%get3A_186, %get3A_187, %get3A_188] {strides = array<i32>} : memref<2x128x128xf32, #tpu.memory_space<vmem>>, vector<16xf32>,
          %add3A_190 = arith.addf %get3A_185, %get3A_189 : vector<16xf32>
          %swap3A_191 = arith.index_cast %add3A_183 : i32 to index
          %swap3A_192 = tpu.vector_load %arg5[%swap3A_191] {strides = array<i32>} : memref<40960xf32, #tpu.memory_space<vmem>>, vector<16xf32>,
          tpu.vector_store %arg5[%swap3A_191], %add3A_190 {strides = array<i32>} : memref<40960xf32, #tpu.memory_space<vmem>>, vector<16xf32>,
          %add3A_193 = arith.constant 80 : i32
          %add3A_194 = arith.addi %mul3A_138, %add3A_193 : i32
          %get3A_195 = arith.index_cast %add3A_194 : i32 to index
          %get3A_196 = tpu.vector_load %arg5[%get3A_195] {strides = array<i32>} : memref<40960xf32, #tpu.memory_space<vmem>>, vector<16xf32>,
          %get3A_197 = arith.index_cast %rem3A_99 : i32 to index
          %get3A_198 = arith.index_cast %while3A_131 : i32 to index
          %get3A_199 = arith.constant 80 : index
          %get3A_200 = tpu.vector_load %arg10[%get3A_197, %get3A_198, %get3A_199] {strides = array<i32>} : memref<2x128x128xf32, #tpu.memory_space<vmem>>, vector<16xf32>,
          %add3A_201 = arith.addf %get3A_196, %get3A_200 : vector<16xf32>
          %swap3A_202 = arith.index_cast %add3A_194 : i32 to index
          %swap3A_203 = tpu.vector_load %arg5[%swap3A_202] {strides = array<i32>} : memref<40960xf32, #tpu.memory_space<vmem>>, vector<16xf32>,
          tpu.vector_store %arg5[%swap3A_202], %add3A_201 {strides = array<i32>} : memref<40960xf32, #tpu.memory_space<vmem>>, vector<16xf32>,
          %add3A_204 = arith.constant 96 : i32
          %add3A_205 = arith.addi %mul3A_138, %add3A_204 : i32
          %get3A_206 = arith.index_cast %add3A_205 : i32 to index
          %get3A_207 = tpu.vector_load %arg5[%get3A_206] {strides = array<i32>} : memref<40960xf32, #tpu.memory_space<vmem>>, vector<16xf32>,
          %get3A_208 = arith.index_cast %rem3A_99 : i32 to index
          %get3A_209 = arith.index_cast %while3A_131 : i32 to index
          %get3A_210 = arith.constant 96 : index
          %get3A_211 = tpu.vector_load %arg10[%get3A_208, %get3A_209, %get3A_210] {strides = array<i32>} : memref<2x128x128xf32, #tpu.memory_space<vmem>>, vector<16xf32>,
          %add3A_212 = arith.addf %get3A_207, %get3A_211 : vector<16xf32>
          %swap3A_213 = arith.index_cast %add3A_205 : i32 to index
          %swap3A_214 = tpu.vector_load %arg5[%swap3A_213] {strides = array<i32>} : memref<40960xf32, #tpu.memory_space<vmem>>, vector<16xf32>,
          tpu.vector_store %arg5[%swap3A_213], %add3A_212 {strides = array<i32>} : memref<40960xf32, #tpu.memory_space<vmem>>, vector<16xf32>,
          %add3A_215 = arith.constant 112 : i32
          %add3A_216 = arith.addi %mul3A_138, %add3A_215 : i32
          %get3A_217 = arith.index_cast %add3A_216 : i32 to index
          %get3A_218 = tpu.vector_load %arg5[%get3A_217] {strides = array<i32>} : memref<40960xf32, #tpu.memory_space<vmem>>, vector<16xf32>,
          %get3A_219 = arith.index_cast %rem3A_99 : i32 to index
          %get3A_220 = arith.index_cast %while3A_131 : i32 to index
          %get3A_221 = arith.constant 112 : index
          %get3A_222 = tpu.vector_load %arg10[%get3A_219, %get3A_220, %get3A_221] {strides = array<i32>} : memref<2x128x128xf32, #tpu.memory_space<vmem>>, vector<16xf32>,
          %add3A_223 = arith.addf %get3A_218, %get3A_222 : vector<16xf32>
          %swap3A_224 = arith.index_cast %add3A_216 : i32 to index
          %swap3A_225 = tpu.vector_load %arg5[%swap3A_224] {strides = array<i32>} : memref<40960xf32, #tpu.memory_space<vmem>>, vector<16xf32>,
          tpu.vector_store %arg5[%swap3A_224], %add3A_223 {strides = array<i32>} : memref<40960xf32, #tpu.memory_space<vmem>>, vector<16xf32>,
          %mul3A_226 = arith.constant 16 : i32
          %mul3A_227 = arith.muli %squeeze3A, %mul3A_226 : i32
          %get3A_228 = arith.index_cast %mul3A_227 : i32 to index
          %get3A_229 = tpu.vector_load %arg6[%get3A_228] {strides = array<i32>} : memref<5120xf32, #tpu.memory_space<vmem>>, vector<16xf32>,
          %add3A_230 = arith.addf %get3A_229, %broadcast_in_dim3A_36 : vector<16xf32>
          %swap3A_231 = arith.index_cast %mul3A_227 : i32 to index
          %swap3A_232 = tpu.vector_load %arg6[%swap3A_231] {strides = array<i32>} : memref<5120xf32, #tpu.memory_space<vmem>>, vector<16xf32>,
          tpu.vector_store %arg6[%swap3A_231], %add3A_230 {strides = array<i32>} : memref<5120xf32, #tpu.memory_space<vmem>>, vector<16xf32>,
          %while3A_233 = arith.constant 0 : i32
          scf.yield %while3A_233 : i32
        }
        %while3A_130 = arith.constant 0 : i32
        scf.yield %while3A_130 : i32
      }
      %scan3A_95 = arith.constant 0 : i32
      scf.yield %scan3A_95 : i32
    }
    %scan3A_43 = arith.constant 36 : i32
    %scan3A_44 = arith.constant 0 : i32
    %scan3A_45 = arith.constant 0 : i32
    %scan3A_46 = arith.constant 320 : i32
    %scan3A_47 = arith.addi %scan3A_45, %scan3A_46 : i32
    %scan3A_48 = arith.constant 1 : i32
    %scan3A_49 = scf.for %scan3A_53 = %scan3A_45 to %scan3A_47 step %scan3A_48 iter_args(%scan3A_54 = %scan3A_44) -> (i32)  : i32 {
      %mul3A_55 = arith.constant 16 : i32
      %mul3A_56 = arith.muli %scan3A_53, %mul3A_55 : i32
      %get3A = arith.index_cast %mul3A_56 : i32 to index
      %get3A_57 = tpu.vector_load %arg6[%get3A] {strides = array<i32>} : memref<5120xf32, #tpu.memory_space<vmem>>, vector<16xf32>,
      %slice3A = vector.extract_strided_slice %get3A_57 {offsets = [0], sizes = [1], strides = [1]} : vector<16xf32> to vector<1xf32>
      %squeeze3A = vector.extract %slice3A[0] : f32 from vector<1xf32>
      %max3A = arith.constant 1.000000e+00 : f32
      %max3A_58 = arith.maximumf %squeeze3A, %max3A : f32
      %broadcast_in_dim3A_59 = arith.constant 1.000000e+00 : f32
      %broadcast_in_dim3A_60 = vector.broadcast %broadcast_in_dim3A_59 : f32 to vector<16xf32>
      %div3A = vector.broadcast %max3A_58 : f32 to vector<16xf32>
      %div3A_61 = arith.divf %broadcast_in_dim3A_60, %div3A : vector<16xf32>
      %mul3A_62 = arith.constant 128 : i32
      %mul3A_63 = arith.muli %scan3A_53, %mul3A_62 : i32
      %add3A_64 = arith.constant 0 : i32
      %add3A_65 = arith.addi %mul3A_63, %add3A_64 : i32
      %get3A_66 = arith.index_cast %add3A_65 : i32 to index
      %get3A_67 = tpu.vector_load %arg5[%get3A_66] {strides = array<i32>} : memref<40960xf32, #tpu.memory_space<vmem>>, vector<16xf32>,
      %mul3A_68 = arith.mulf %get3A_67, %div3A_61 : vector<16xf32>
      %swap3A = arith.index_cast %add3A_65 : i32 to index
      %swap3A_69 = tpu.vector_load %arg5[%swap3A] {strides = array<i32>} : memref<40960xf32, #tpu.memory_space<vmem>>, vector<16xf32>,
      tpu.vector_store %arg5[%swap3A], %mul3A_68 {strides = array<i32>} : memref<40960xf32, #tpu.memory_space<vmem>>, vector<16xf32>,
      %mul3A_70 = arith.constant 128 : i32
      %mul3A_71 = arith.muli %scan3A_53, %mul3A_70 : i32
      %add3A_72 = arith.constant 16 : i32
      %add3A_73 = arith.addi %mul3A_71, %add3A_72 : i32
      %get3A_74 = arith.index_cast %add3A_73 : i32 to index
      %get3A_75 = tpu.vector_load %arg5[%get3A_74] {strides = array<i32>} : memref<40960xf32, #tpu.memory_space<vmem>>, vector<16xf32>,
      %mul3A_76 = arith.mulf %get3A_75, %div3A_61 : vector<16xf32>
      %swap3A_77 = arith.index_cast %add3A_73 : i32 to index
      %swap3A_78 = tpu.vector_load %arg5[%swap3A_77] {strides = array<i32>} : memref<40960xf32, #tpu.memory_space<vmem>>, vector<16xf32>,
      tpu.vector_store %arg5[%swap3A_77], %mul3A_76 {strides = array<i32>} : memref<40960xf32, #tpu.memory_space<vmem>>, vector<16xf32>,
      %mul3A_79 = arith.constant 128 : i32
      %mul3A_80 = arith.muli %scan3A_53, %mul3A_79 : i32
      %add3A_81 = arith.constant 32 : i32
      %add3A_82 = arith.addi %mul3A_80, %add3A_81 : i32
      %get3A_83 = arith.index_cast %add3A_82 : i32 to index
      %get3A_84 = tpu.vector_load %arg5[%get3A_83] {strides = array<i32>} : memref<40960xf32, #tpu.memory_space<vmem>>, vector<16xf32>,
      %mul3A_85 = arith.mulf %get3A_84, %div3A_61 : vector<16xf32>
      %swap3A_86 = arith.index_cast %add3A_82 : i32 to index
      %swap3A_87 = tpu.vector_load %arg5[%swap3A_86] {strides = array<i32>} : memref<40960xf32, #tpu.memory_space<vmem>>, vector<16xf32>,
      tpu.vector_store %arg5[%swap3A_86], %mul3A_85 {strides = array<i32>} : memref<40960xf32, #tpu.memory_space<vmem>>, vector<16xf32>,
      %mul3A_88 = arith.constant 128 : i32
      %mul3A_89 = arith.muli %scan3A_53, %mul3A_88 : i32
      %add3A_90 = arith.constant 48 : i32
      %add3A_91 = arith.addi %mul3A_89, %add3A_90 : i32
      %get3A_92 = arith.index_cast %add3A_91 : i32 to index
      %get3A_93 = tpu.vector_load %arg5[%get3A_92] {strides = array<i32>} : memref<40960xf32, #tpu.memory_space<vmem>>, vector<16xf32>,
      %mul3A_94 = arith.mulf %get3A_93, %div3A_61 : vector<16xf32>
      %swap3A_95 = arith.index_cast %add3A_91 : i32 to index
      %swap3A_96 = tpu.vector_load %arg5[%swap3A_95] {strides = array<i32>} : memref<40960xf32, #tpu.memory_space<vmem>>, vector<16xf32>,
      tpu.vector_store %arg5[%swap3A_95], %mul3A_94 {strides = array<i32>} : memref<40960xf32, #tpu.memory_space<vmem>>, vector<16xf32>,
      %mul3A_97 = arith.constant 128 : i32
      %mul3A_98 = arith.muli %scan3A_53, %mul3A_97 : i32
      %add3A_99 = arith.constant 64 : i32
      %add3A_100 = arith.addi %mul3A_98, %add3A_99 : i32
      %get3A_101 = arith.index_cast %add3A_100 : i32 to index
      %get3A_102 = tpu.vector_load %arg5[%get3A_101] {strides = array<i32>} : memref<40960xf32, #tpu.memory_space<vmem>>, vector<16xf32>,
      %mul3A_103 = arith.mulf %get3A_102, %div3A_61 : vector<16xf32>
      %swap3A_104 = arith.index_cast %add3A_100 : i32 to index
      %swap3A_105 = tpu.vector_load %arg5[%swap3A_104] {strides = array<i32>} : memref<40960xf32, #tpu.memory_space<vmem>>, vector<16xf32>,
      tpu.vector_store %arg5[%swap3A_104], %mul3A_103 {strides = array<i32>} : memref<40960xf32, #tpu.memory_space<vmem>>, vector<16xf32>,
      %mul3A_106 = arith.constant 128 : i32
      %mul3A_107 = arith.muli %scan3A_53, %mul3A_106 : i32
      %add3A_108 = arith.constant 80 : i32
      %add3A_109 = arith.addi %mul3A_107, %add3A_108 : i32
      %get3A_110 = arith.index_cast %add3A_109 : i32 to index
      %get3A_111 = tpu.vector_load %arg5[%get3A_110] {strides = array<i32>} : memref<40960xf32, #tpu.memory_space<vmem>>, vector<16xf32>,
      %mul3A_112 = arith.mulf %get3A_111, %div3A_61 : vector<16xf32>
      %swap3A_113 = arith.index_cast %add3A_109 : i32 to index
      %swap3A_114 = tpu.vector_load %arg5[%swap3A_113] {strides = array<i32>} : memref<40960xf32, #tpu.memory_space<vmem>>, vector<16xf32>,
      tpu.vector_store %arg5[%swap3A_113], %mul3A_112 {strides = array<i32>} : memref<40960xf32, #tpu.memory_space<vmem>>, vector<16xf32>,
      %mul3A_115 = arith.constant 128 : i32
      %mul3A_116 = arith.muli %scan3A_53, %mul3A_115 : i32
      %add3A_117 = arith.constant 96 : i32
      %add3A_118 = arith.addi %mul3A_116, %add3A_117 : i32
      %get3A_119 = arith.index_cast %add3A_118 : i32 to index
      %get3A_120 = tpu.vector_load %arg5[%get3A_119] {strides = array<i32>} : memref<40960xf32, #tpu.memory_space<vmem>>, vector<16xf32>,
      %mul3A_121 = arith.mulf %get3A_120, %div3A_61 : vector<16xf32>
      %swap3A_122 = arith.index_cast %add3A_118 : i32 to index
      %swap3A_123 = tpu.vector_load %arg5[%swap3A_122] {strides = array<i32>} : memref<40960xf32, #tpu.memory_space<vmem>>, vector<16xf32>,
      tpu.vector_store %arg5[%swap3A_122], %mul3A_121 {strides = array<i32>} : memref<40960xf32, #tpu.memory_space<vmem>>, vector<16xf32>,
      %mul3A_124 = arith.constant 128 : i32
      %mul3A_125 = arith.muli %scan3A_53, %mul3A_124 : i32
      %add3A_126 = arith.constant 112 : i32
      %add3A_127 = arith.addi %mul3A_125, %add3A_126 : i32
      %get3A_128 = arith.index_cast %add3A_127 : i32 to index
      %get3A_129 = tpu.vector_load %arg5[%get3A_128] {strides = array<i32>} : memref<40960xf32, #tpu.memory_space<vmem>>, vector<16xf32>,
      %mul3A_130 = arith.mulf %get3A_129, %div3A_61 : vector<16xf32>
      %swap3A_131 = arith.index_cast %add3A_127 : i32 to index
      %swap3A_132 = tpu.vector_load %arg5[%swap3A_131] {strides = array<i32>} : memref<40960xf32, #tpu.memory_space<vmem>>, vector<16xf32>,
      tpu.vector_store %arg5[%swap3A_131], %mul3A_130 {strides = array<i32>} : memref<40960xf32, #tpu.memory_space<vmem>>, vector<16xf32>,
      %scan3A_133 = arith.constant 0 : i32
      scf.yield %scan3A_133 : i32
    }
    %scan3A_50 = arith.constant 320 : i32
    %mul3A_51 = arith.constant 128 : i32
    %mul3A_52 = arith.muli %mul3A_2, %mul3A_51 : i32
    "tpu.region"() ({
      %run_scoped3A = tpu.sem_alloc : memref<!tpu.dma_semaphore, #tpu.memory_space<semaphore_mem>>
      %dma_start3A_53 = tpu.memref_slice %arg4[%mul3A_52] : memref<1310720xf32, #tpu.memory_space<hbm>> -> memref<40960xf32, #tpu.memory_space<hbm>>
      %dma_start3A_54 = tpu.memref_slice %arg4[%mul3A_52] : memref<1310720xf32, #tpu.memory_space<hbm>> -> memref<40960xf32, #tpu.memory_space<hbm>>
      tpu.enqueue_dma source(%arg5 : memref<40960xf32, #tpu.memory_space<vmem>>) target(%dma_start3A_54 : memref<40960xf32, #tpu.memory_space<hbm>>) target_semaphore(%run_scoped3A : memref<!tpu.dma_semaphore, #tpu.memory_space<semaphore_mem>>)
      %dma_wait3A = tpu.memref_slice %arg4[%mul3A_52] : memref<1310720xf32, #tpu.memory_space<hbm>> -> memref<40960xf32, #tpu.memory_space<hbm>>
      %dma_wait3A_55 = tpu.memref_slice %arg4[%mul3A_52] : memref<1310720xf32, #tpu.memory_space<hbm>> -> memref<40960xf32, #tpu.memory_space<hbm>>
      tpu.wait_dma2 semaphore(%run_scoped3A : memref<!tpu.dma_semaphore, #tpu.memory_space<semaphore_mem>>) src(%arg5 : memref<40960xf32, #tpu.memory_space<vmem>>) dst(%dma_wait3A_55 : memref<40960xf32, #tpu.memory_space<hbm>>)
      tpu.yield
    }) : () -> ()
    return
  }
}

#map = affine_map<(d0, d1) -> (0)>
#map1 = affine_map<(d0, d1) -> (0, 0)>
module attributes {stable_mosaic.version = 14 : i64} {
  func.func @k(%arg0: i32, %arg1: i32, %arg2: memref<655360xf32, #tpu.memory_space<hbm>>, %arg3: memref<10240x64xf32, #tpu.memory_space<hbm>>, %arg4: memref<160000xi32, #tpu.memory_space<hbm>>, %arg5: memref<160000xi32, #tpu.memory_space<hbm>>, %arg6: memref<64xf32, #tpu.memory_space<hbm>>, %arg7: memref<655360xf32, #tpu.memory_space<hbm>>, %arg8: memref<20480xf32, #tpu.memory_space<vmem>>, %arg9: memref<20480xf32, #tpu.memory_space<vmem>>, %arg10: memref<2x4000xi32, #tpu.memory_space<vmem>>, %arg11: memref<2x4000xi32, #tpu.memory_space<vmem>>, %arg12: memref<4016xi32, #tpu.memory_space<vmem>>, %arg13: memref<4016xi32, #tpu.memory_space<vmem>>, %arg14: memref<2x128x64xf32, #tpu.memory_space<vmem>>, %arg15: memref<64xf32, #tpu.memory_space<vmem>>, %arg16: memref<20480xf32, #tpu.memory_space<vmem>>, %arg17: memref<!tpu.dma_semaphore, #tpu.memory_space<semaphore_mem>>, %arg18: memref<!tpu.dma_semaphore, #tpu.memory_space<semaphore_mem>>, %arg19: memref<!tpu.dma_semaphore, #tpu.memory_space<semaphore_mem>>) attributes {dimension_semantics = [#tpu.dimension_semantics<core_parallel>, #tpu.dimension_semantics<subcore_parallel>], iteration_bounds = array<i64: 2, 16>, scalar_prefetch = 0 : i64, scratch_operands = 12 : i64, tpu.core_type = #tpu.core_type<sc_vector_subcore>, window_params = [{transform_indices = #map}, {transform_indices = #map1}, {transform_indices = #map}, {transform_indices = #map}, {transform_indices = #map}, {transform_indices = #map}]} {
    %mul3A = arith.constant 2 : i32
    %mul3A_0 = arith.muli %arg1, %mul3A : i32
    %add3A = arith.addi %mul3A_0, %arg0 : i32
    %mul3A_1 = arith.constant 320 : i32
    %mul3A_2 = arith.muli %add3A, %mul3A_1 : i32
    %mul3A_3 = arith.constant 64 : i32
    %mul3A_4 = arith.muli %mul3A_2, %mul3A_3 : i32
    %dma_start3A = tpu.memref_slice %arg2[%mul3A_4] : memref<655360xf32, #tpu.memory_space<hbm>> -> memref<20480xf32, #tpu.memory_space<hbm>>
    %dma_start3A_5 = tpu.memref_slice %arg2[%mul3A_4] : memref<655360xf32, #tpu.memory_space<hbm>> -> memref<20480xf32, #tpu.memory_space<hbm>>
    tpu.enqueue_dma source(%dma_start3A_5 : memref<20480xf32, #tpu.memory_space<hbm>>) target(%arg9 : memref<20480xf32, #tpu.memory_space<vmem>>) target_semaphore(%arg19 : memref<!tpu.dma_semaphore, #tpu.memory_space<semaphore_mem>>)
    tpu.enqueue_dma source(%arg6 : memref<64xf32, #tpu.memory_space<hbm>>) target(%arg15 : memref<64xf32, #tpu.memory_space<vmem>>) target_semaphore(%arg19 : memref<!tpu.dma_semaphore, #tpu.memory_space<semaphore_mem>>)
    %broadcast_in_dim3A = arith.constant 0xFF800000 : f32
    %broadcast_in_dim3A_6 = vector.broadcast %broadcast_in_dim3A : f32 to vector<16xf32>
    %scan3A = arith.constant 0 : i32
    %scan3A_7 = arith.constant 0 : i32
    %scan3A_8 = arith.constant 1280 : i32
    %scan3A_9 = arith.addi %scan3A_7, %scan3A_8 : i32
    %scan3A_10 = arith.constant 1 : i32
    %scan3A_11 = scf.for %scan3A_61 = %scan3A_7 to %scan3A_9 step %scan3A_10 iter_args(%scan3A_62 = %scan3A) -> (i32)  : i32 {
      %mul3A_63 = arith.constant 16 : i32
      %mul3A_64 = arith.muli %scan3A_61, %mul3A_63 : i32
      %swap3A = arith.index_cast %mul3A_64 : i32 to index
      %swap3A_65 = tpu.vector_load %arg8[%swap3A] {strides = array<i32>} : memref<20480xf32, #tpu.memory_space<vmem>>, vector<16xf32>,
      tpu.vector_store %arg8[%swap3A], %broadcast_in_dim3A_6 {strides = array<i32>} : memref<20480xf32, #tpu.memory_space<vmem>>, vector<16xf32>,
      %scan3A_66 = arith.constant 0 : i32
      scf.yield %scan3A_66 : i32
    }
    %scan3A_12 = arith.constant 1280 : i32
    %scan3A_13 = arith.constant 0 : i32
    %scan3A_14 = arith.constant 0 : i32
    %scan3A_15 = arith.constant 251 : i32
    %scan3A_16 = arith.addi %scan3A_14, %scan3A_15 : i32
    %scan3A_17 = arith.constant 1 : i32
    %scan3A_18 = scf.for %scan3A_61 = %scan3A_14 to %scan3A_16 step %scan3A_17 iter_args(%scan3A_62 = %scan3A_13) -> (i32)  : i32 {
      %broadcast_in_dim3A_63 = arith.constant 0 : i32
      %broadcast_in_dim3A_64 = vector.broadcast %broadcast_in_dim3A_63 : i32 to vector<16xi32>
      %mul3A_65 = arith.constant 16 : i32
      %mul3A_66 = arith.muli %scan3A_61, %mul3A_65 : i32
      %swap3A = arith.index_cast %mul3A_66 : i32 to index
      %swap3A_67 = tpu.vector_load %arg12[%swap3A] {strides = array<i32>} : memref<4016xi32, #tpu.memory_space<vmem>>, vector<16xi32>,
      tpu.vector_store %arg12[%swap3A], %broadcast_in_dim3A_64 {strides = array<i32>} : memref<4016xi32, #tpu.memory_space<vmem>>, vector<16xi32>,
      %scan3A_68 = arith.constant 0 : i32
      scf.yield %scan3A_68 : i32
    }
    %scan3A_19 = arith.constant 251 : i32
    %rem3A = arith.constant 0 : i32
    %rem3A_20 = arith.constant 2 : i32
    %rem3A_21 = arith.remsi %rem3A, %rem3A_20 : i32
    %dma_start3A_22 = arith.constant 0 : i32
    %dma_start3A_23 = tpu.memref_slice %arg10[%rem3A_21, %dma_start3A_22] : memref<2x4000xi32, #tpu.memory_space<vmem>> -> memref<1x4000xi32, #tpu.memory_space<vmem>>
    %dma_start3A_24 = tpu.memref_squeeze %dma_start3A_23 : memref<1x4000xi32, #tpu.memory_space<vmem>> -> memref<4000xi32, #tpu.memory_space<vmem>>
    %dma_start3A_25 = arith.constant 0 : i32
    %dma_start3A_26 = tpu.memref_slice %arg5[%dma_start3A_25] : memref<160000xi32, #tpu.memory_space<hbm>> -> memref<4000xi32, #tpu.memory_space<hbm>>
    %dma_start3A_27 = arith.constant 0 : i32
    %dma_start3A_28 = tpu.memref_slice %arg10[%rem3A_21, %dma_start3A_27] : memref<2x4000xi32, #tpu.memory_space<vmem>> -> memref<1x4000xi32, #tpu.memory_space<vmem>>
    %dma_start3A_29 = tpu.memref_squeeze %dma_start3A_28 : memref<1x4000xi32, #tpu.memory_space<vmem>> -> memref<4000xi32, #tpu.memory_space<vmem>>
    %dma_start3A_30 = arith.constant 0 : i32
    %dma_start3A_31 = tpu.memref_slice %arg5[%dma_start3A_30] : memref<160000xi32, #tpu.memory_space<hbm>> -> memref<4000xi32, #tpu.memory_space<hbm>>
    tpu.enqueue_dma source(%dma_start3A_31 : memref<4000xi32, #tpu.memory_space<hbm>>) target(%dma_start3A_29 : memref<4000xi32, #tpu.memory_space<vmem>>) target_semaphore(%arg17 : memref<!tpu.dma_semaphore, #tpu.memory_space<semaphore_mem>>)
    %dma_start3A_32 = arith.constant 0 : i32
    %dma_start3A_33 = tpu.memref_slice %arg11[%rem3A_21, %dma_start3A_32] : memref<2x4000xi32, #tpu.memory_space<vmem>> -> memref<1x4000xi32, #tpu.memory_space<vmem>>
    %dma_start3A_34 = tpu.memref_squeeze %dma_start3A_33 : memref<1x4000xi32, #tpu.memory_space<vmem>> -> memref<4000xi32, #tpu.memory_space<vmem>>
    %dma_start3A_35 = arith.constant 0 : i32
    %dma_start3A_36 = tpu.memref_slice %arg4[%dma_start3A_35] : memref<160000xi32, #tpu.memory_space<hbm>> -> memref<4000xi32, #tpu.memory_space<hbm>>
    %dma_start3A_37 = arith.constant 0 : i32
    %dma_start3A_38 = tpu.memref_slice %arg11[%rem3A_21, %dma_start3A_37] : memref<2x4000xi32, #tpu.memory_space<vmem>> -> memref<1x4000xi32, #tpu.memory_space<vmem>>
    %dma_start3A_39 = tpu.memref_squeeze %dma_start3A_38 : memref<1x4000xi32, #tpu.memory_space<vmem>> -> memref<4000xi32, #tpu.memory_space<vmem>>
    %dma_start3A_40 = arith.constant 0 : i32
    %dma_start3A_41 = tpu.memref_slice %arg4[%dma_start3A_40] : memref<160000xi32, #tpu.memory_space<hbm>> -> memref<4000xi32, #tpu.memory_space<hbm>>
    tpu.enqueue_dma source(%dma_start3A_41 : memref<4000xi32, #tpu.memory_space<hbm>>) target(%dma_start3A_39 : memref<4000xi32, #tpu.memory_space<vmem>>) target_semaphore(%arg17 : memref<!tpu.dma_semaphore, #tpu.memory_space<semaphore_mem>>)
    %scan3A_42 = arith.constant 0 : i32
    %scan3A_43 = arith.constant 0 : i32
    %scan3A_44 = arith.constant 40 : i32
    %scan3A_45 = arith.addi %scan3A_43, %scan3A_44 : i32
    %scan3A_46 = arith.constant 1 : i32
    %scan3A_47 = scf.for %scan3A_61 = %scan3A_43 to %scan3A_45 step %scan3A_46 iter_args(%scan3A_62 = %scan3A_42) -> (i32)  : i32 {
      %rem3A_63 = arith.constant 2 : i32
      %rem3A_64 = arith.remsi %scan3A_61, %rem3A_63 : i32
      %dma_wait3A_65 = arith.constant 0 : i32
      %dma_wait3A_66 = tpu.memref_slice %arg10[%rem3A_64, %dma_wait3A_65] : memref<2x4000xi32, #tpu.memory_space<vmem>> -> memref<1x4000xi32, #tpu.memory_space<vmem>>
      %dma_wait3A_67 = tpu.memref_squeeze %dma_wait3A_66 : memref<1x4000xi32, #tpu.memory_space<vmem>> -> memref<4000xi32, #tpu.memory_space<vmem>>
      %dma_wait3A_68 = arith.constant 0 : i32
      %dma_wait3A_69 = tpu.memref_slice %arg5[%dma_wait3A_68] : memref<160000xi32, #tpu.memory_space<hbm>> -> memref<4000xi32, #tpu.memory_space<hbm>>
      %dma_wait3A_70 = arith.constant 0 : i32
      %dma_wait3A_71 = tpu.memref_slice %arg10[%rem3A_64, %dma_wait3A_70] : memref<2x4000xi32, #tpu.memory_space<vmem>> -> memref<1x4000xi32, #tpu.memory_space<vmem>>
      %dma_wait3A_72 = tpu.memref_squeeze %dma_wait3A_71 : memref<1x4000xi32, #tpu.memory_space<vmem>> -> memref<4000xi32, #tpu.memory_space<vmem>>
      %dma_wait3A_73 = arith.constant 0 : i32
      %dma_wait3A_74 = tpu.memref_slice %arg5[%dma_wait3A_73] : memref<160000xi32, #tpu.memory_space<hbm>> -> memref<4000xi32, #tpu.memory_space<hbm>>
      tpu.wait_dma2 semaphore(%arg17 : memref<!tpu.dma_semaphore, #tpu.memory_space<semaphore_mem>>) src(%dma_wait3A_74 : memref<4000xi32, #tpu.memory_space<hbm>>) dst(%dma_wait3A_72 : memref<4000xi32, #tpu.memory_space<vmem>>)
      %dma_wait3A_75 = arith.constant 0 : i32
      %dma_wait3A_76 = tpu.memref_slice %arg11[%rem3A_64, %dma_wait3A_75] : memref<2x4000xi32, #tpu.memory_space<vmem>> -> memref<1x4000xi32, #tpu.memory_space<vmem>>
      %dma_wait3A_77 = tpu.memref_squeeze %dma_wait3A_76 : memref<1x4000xi32, #tpu.memory_space<vmem>> -> memref<4000xi32, #tpu.memory_space<vmem>>
      %dma_wait3A_78 = arith.constant 0 : i32
      %dma_wait3A_79 = tpu.memref_slice %arg4[%dma_wait3A_78] : memref<160000xi32, #tpu.memory_space<hbm>> -> memref<4000xi32, #tpu.memory_space<hbm>>
      %dma_wait3A_80 = arith.constant 0 : i32
      %dma_wait3A_81 = tpu.memref_slice %arg11[%rem3A_64, %dma_wait3A_80] : memref<2x4000xi32, #tpu.memory_space<vmem>> -> memref<1x4000xi32, #tpu.memory_space<vmem>>
      %dma_wait3A_82 = tpu.memref_squeeze %dma_wait3A_81 : memref<1x4000xi32, #tpu.memory_space<vmem>> -> memref<4000xi32, #tpu.memory_space<vmem>>
      %dma_wait3A_83 = arith.constant 0 : i32
      %dma_wait3A_84 = tpu.memref_slice %arg4[%dma_wait3A_83] : memref<160000xi32, #tpu.memory_space<hbm>> -> memref<4000xi32, #tpu.memory_space<hbm>>
      tpu.wait_dma2 semaphore(%arg17 : memref<!tpu.dma_semaphore, #tpu.memory_space<semaphore_mem>>) src(%dma_wait3A_84 : memref<4000xi32, #tpu.memory_space<hbm>>) dst(%dma_wait3A_82 : memref<4000xi32, #tpu.memory_space<vmem>>)
      %add3A_85 = arith.constant 1 : i32
      %add3A_86 = arith.addi %scan3A_61, %add3A_85 : i32
      %lt3A = arith.constant 40 : i32
      %lt3A_87 = arith.cmpi slt, %add3A_86, %lt3A : i32
      %convert_element_type3A = arith.extui %lt3A_87 : i1 to i32
      %cond3A = arith.constant 0 : i32
      %cond3A_88 = arith.cmpi ne, %convert_element_type3A, %cond3A : i32
      scf.if %cond3A_88 {
        %add3A_174 = arith.constant 1 : i32
        %add3A_175 = arith.addi %scan3A_61, %add3A_174 : i32
        %rem3A_176 = arith.constant 2 : i32
        %rem3A_177 = arith.remsi %add3A_175, %rem3A_176 : i32
        %mul3A_178 = arith.constant 4000 : i32
        %mul3A_179 = arith.muli %add3A_175, %mul3A_178 : i32
        %dma_start3A_180 = arith.constant 0 : i32
        %dma_start3A_181 = tpu.memref_slice %arg10[%rem3A_177, %dma_start3A_180] : memref<2x4000xi32, #tpu.memory_space<vmem>> -> memref<1x4000xi32, #tpu.memory_space<vmem>>
        %dma_start3A_182 = tpu.memref_squeeze %dma_start3A_181 : memref<1x4000xi32, #tpu.memory_space<vmem>> -> memref<4000xi32, #tpu.memory_space<vmem>>
        %dma_start3A_183 = tpu.memref_slice %arg5[%mul3A_179] : memref<160000xi32, #tpu.memory_space<hbm>> -> memref<4000xi32, #tpu.memory_space<hbm>>
        %dma_start3A_184 = arith.constant 0 : i32
        %dma_start3A_185 = tpu.memref_slice %arg10[%rem3A_177, %dma_start3A_184] : memref<2x4000xi32, #tpu.memory_space<vmem>> -> memref<1x4000xi32, #tpu.memory_space<vmem>>
        %dma_start3A_186 = tpu.memref_squeeze %dma_start3A_185 : memref<1x4000xi32, #tpu.memory_space<vmem>> -> memref<4000xi32, #tpu.memory_space<vmem>>
        %dma_start3A_187 = tpu.memref_slice %arg5[%mul3A_179] : memref<160000xi32, #tpu.memory_space<hbm>> -> memref<4000xi32, #tpu.memory_space<hbm>>
        tpu.enqueue_dma source(%dma_start3A_187 : memref<4000xi32, #tpu.memory_space<hbm>>) target(%dma_start3A_186 : memref<4000xi32, #tpu.memory_space<vmem>>) target_semaphore(%arg17 : memref<!tpu.dma_semaphore, #tpu.memory_space<semaphore_mem>>)
        %mul3A_188 = arith.constant 4000 : i32
        %mul3A_189 = arith.muli %add3A_175, %mul3A_188 : i32
        %dma_start3A_190 = arith.constant 0 : i32
        %dma_start3A_191 = tpu.memref_slice %arg11[%rem3A_177, %dma_start3A_190] : memref<2x4000xi32, #tpu.memory_space<vmem>> -> memref<1x4000xi32, #tpu.memory_space<vmem>>
        %dma_start3A_192 = tpu.memref_squeeze %dma_start3A_191 : memref<1x4000xi32, #tpu.memory_space<vmem>> -> memref<4000xi32, #tpu.memory_space<vmem>>
        %dma_start3A_193 = tpu.memref_slice %arg4[%mul3A_189] : memref<160000xi32, #tpu.memory_space<hbm>> -> memref<4000xi32, #tpu.memory_space<hbm>>
        %dma_start3A_194 = arith.constant 0 : i32
        %dma_start3A_195 = tpu.memref_slice %arg11[%rem3A_177, %dma_start3A_194] : memref<2x4000xi32, #tpu.memory_space<vmem>> -> memref<1x4000xi32, #tpu.memory_space<vmem>>
        %dma_start3A_196 = tpu.memref_squeeze %dma_start3A_195 : memref<1x4000xi32, #tpu.memory_space<vmem>> -> memref<4000xi32, #tpu.memory_space<vmem>>
        %dma_start3A_197 = tpu.memref_slice %arg4[%mul3A_189] : memref<160000xi32, #tpu.memory_space<hbm>> -> memref<4000xi32, #tpu.memory_space<hbm>>
        tpu.enqueue_dma source(%dma_start3A_197 : memref<4000xi32, #tpu.memory_space<hbm>>) target(%dma_start3A_196 : memref<4000xi32, #tpu.memory_space<vmem>>) target_semaphore(%arg17 : memref<!tpu.dma_semaphore, #tpu.memory_space<semaphore_mem>>)
      } else {
      }
      %scan3A_89 = arith.constant 0 : i32
      %scan3A_90 = arith.constant 0 : i32
      %scan3A_91 = arith.constant 248 : i32
      %scan3A_92 = arith.addi %scan3A_90, %scan3A_91 : i32
      %scan3A_93 = arith.constant 4 : i32
      %scan3A_94 = scf.for %scan3A_174 = %scan3A_90 to %scan3A_92 step %scan3A_93 iter_args(%scan3A_175 = %scan3A_89) -> (i32)  : i32 {
        %mul3A_176 = arith.constant 16 : i32
        %mul3A_177 = arith.muli %scan3A_174, %mul3A_176 : i32
        %get3A_178 = arith.index_cast %rem3A_64 : i32 to index
        %get3A_179 = arith.index_cast %mul3A_177 : i32 to index
        %get3A_180 = tpu.vector_load %arg10[%get3A_178, %get3A_179] {strides = array<i32>} : memref<2x4000xi32, #tpu.memory_space<vmem>>, vector<16xi32>,
        %mul3A_181 = arith.constant 16 : i32
        %mul3A_182 = arith.muli %scan3A_174, %mul3A_181 : i32
        %get3A_183 = arith.index_cast %rem3A_64 : i32 to index
        %get3A_184 = arith.index_cast %mul3A_182 : i32 to index
        %get3A_185 = tpu.vector_load %arg11[%get3A_183, %get3A_184] {strides = array<i32>} : memref<2x4000xi32, #tpu.memory_space<vmem>>, vector<16xi32>,
        %sub3A_186 = vector.broadcast %mul3A_2 : i32 to vector<16xi32>
        %sub3A_187 = arith.subi %get3A_180, %sub3A_186 : vector<16xi32>
        %ge3A_188 = arith.constant 0 : i32
        %ge3A_189 = vector.broadcast %ge3A_188 : i32 to vector<16xi32>
        %ge3A_190 = arith.cmpi sge, %sub3A_187, %ge3A_189 : vector<16xi32>
        %lt3A_191 = arith.constant 320 : i32
        %lt3A_192 = vector.broadcast %lt3A_191 : i32 to vector<16xi32>
        %lt3A_193 = arith.cmpi slt, %sub3A_187, %lt3A_192 : vector<16xi32>
        %and3A_194 = arith.andi %ge3A_190, %lt3A_193 : vector<16xi1>
        %convert_element_type3A_195 = arith.extui %and3A_194 : vector<16xi1> to vector<16xi32>
        %broadcast_in_dim3A_196 = arith.constant true
        %broadcast_in_dim3A_197 = vector.broadcast %broadcast_in_dim3A_196 : i1 to vector<16xi1>
        %masked_cumsum3A_198 = tpu.scan <sum>, %convert_element_type3A_195 masked %broadcast_in_dim3A_197 : vector<16xi32>, vector<16xi1> -> vector<16xi32>
        %add3A_199 = vector.broadcast %scan3A_175 : i32 to vector<16xi32>
        %add3A_200 = arith.addi %add3A_199, %masked_cumsum3A_198 : vector<16xi32>
        %sub3A_201 = arith.constant 1 : i32
        %sub3A_202 = vector.broadcast %sub3A_201 : i32 to vector<16xi32>
        %sub3A_203 = arith.subi %add3A_200, %sub3A_202 : vector<16xi32>
        tpu.vector_store_idx %arg12[%sub3A_203], %get3A_185 masked %and3A_194 : memref<4016xi32, #tpu.memory_space<vmem>>[vector<16xi32>], vector<16xi32>, vector<16xi1>
        tpu.vector_store_idx %arg13[%sub3A_203], %sub3A_187 masked %and3A_194 : memref<4016xi32, #tpu.memory_space<vmem>>[vector<16xi32>], vector<16xi32>, vector<16xi1>
        %slice3A_204 = vector.extract_strided_slice %masked_cumsum3A_198 {offsets = [15], sizes = [1], strides = [1]} : vector<16xi32> to vector<1xi32>
        %squeeze3A_205 = vector.extract %slice3A_204[0] : i32 from vector<1xi32>
        %add3A_206 = arith.addi %scan3A_175, %squeeze3A_205 : i32
        %scan3A_207 = arith.constant 1 : i32
        %scan3A_208 = arith.addi %scan3A_174, %scan3A_207 : i32
        %mul3A_209 = arith.constant 16 : i32
        %mul3A_210 = arith.muli %scan3A_208, %mul3A_209 : i32
        %get3A_211 = arith.index_cast %rem3A_64 : i32 to index
        %get3A_212 = arith.index_cast %mul3A_210 : i32 to index
        %get3A_213 = tpu.vector_load %arg10[%get3A_211, %get3A_212] {strides = array<i32>} : memref<2x4000xi32, #tpu.memory_space<vmem>>, vector<16xi32>,
        %mul3A_214 = arith.constant 16 : i32
        %mul3A_215 = arith.muli %scan3A_208, %mul3A_214 : i32
        %get3A_216 = arith.index_cast %rem3A_64 : i32 to index
        %get3A_217 = arith.index_cast %mul3A_215 : i32 to index
        %get3A_218 = tpu.vector_load %arg11[%get3A_216, %get3A_217] {strides = array<i32>} : memref<2x4000xi32, #tpu.memory_space<vmem>>, vector<16xi32>,
        %sub3A_219 = vector.broadcast %mul3A_2 : i32 to vector<16xi32>
        %sub3A_220 = arith.subi %get3A_213, %sub3A_219 : vector<16xi32>
        %ge3A_221 = arith.constant 0 : i32
        %ge3A_222 = vector.broadcast %ge3A_221 : i32 to vector<16xi32>
        %ge3A_223 = arith.cmpi sge, %sub3A_220, %ge3A_222 : vector<16xi32>
        %lt3A_224 = arith.constant 320 : i32
        %lt3A_225 = vector.broadcast %lt3A_224 : i32 to vector<16xi32>
        %lt3A_226 = arith.cmpi slt, %sub3A_220, %lt3A_225 : vector<16xi32>
        %and3A_227 = arith.andi %ge3A_223, %lt3A_226 : vector<16xi1>
        %convert_element_type3A_228 = arith.extui %and3A_227 : vector<16xi1> to vector<16xi32>
        %broadcast_in_dim3A_229 = arith.constant true
        %broadcast_in_dim3A_230 = vector.broadcast %broadcast_in_dim3A_229 : i1 to vector<16xi1>
        %masked_cumsum3A_231 = tpu.scan <sum>, %convert_element_type3A_228 masked %broadcast_in_dim3A_230 : vector<16xi32>, vector<16xi1> -> vector<16xi32>
        %add3A_232 = vector.broadcast %add3A_206 : i32 to vector<16xi32>
        %add3A_233 = arith.addi %add3A_232, %masked_cumsum3A_231 : vector<16xi32>
        %sub3A_234 = arith.constant 1 : i32
        %sub3A_235 = vector.broadcast %sub3A_234 : i32 to vector<16xi32>
        %sub3A_236 = arith.subi %add3A_233, %sub3A_235 : vector<16xi32>
        tpu.vector_store_idx %arg12[%sub3A_236], %get3A_218 masked %and3A_227 : memref<4016xi32, #tpu.memory_space<vmem>>[vector<16xi32>], vector<16xi32>, vector<16xi1>
        tpu.vector_store_idx %arg13[%sub3A_236], %sub3A_220 masked %and3A_227 : memref<4016xi32, #tpu.memory_space<vmem>>[vector<16xi32>], vector<16xi32>, vector<16xi1>
        %slice3A_237 = vector.extract_strided_slice %masked_cumsum3A_231 {offsets = [15], sizes = [1], strides = [1]} : vector<16xi32> to vector<1xi32>
        %squeeze3A_238 = vector.extract %slice3A_237[0] : i32 from vector<1xi32>
        %add3A_239 = arith.addi %add3A_206, %squeeze3A_238 : i32
        %scan3A_240 = arith.constant 2 : i32
        %scan3A_241 = arith.addi %scan3A_174, %scan3A_240 : i32
        %mul3A_242 = arith.constant 16 : i32
        %mul3A_243 = arith.muli %scan3A_241, %mul3A_242 : i32
        %get3A_244 = arith.index_cast %rem3A_64 : i32 to index
        %get3A_245 = arith.index_cast %mul3A_243 : i32 to index
        %get3A_246 = tpu.vector_load %arg10[%get3A_244, %get3A_245] {strides = array<i32>} : memref<2x4000xi32, #tpu.memory_space<vmem>>, vector<16xi32>,
        %mul3A_247 = arith.constant 16 : i32
        %mul3A_248 = arith.muli %scan3A_241, %mul3A_247 : i32
        %get3A_249 = arith.index_cast %rem3A_64 : i32 to index
        %get3A_250 = arith.index_cast %mul3A_248 : i32 to index
        %get3A_251 = tpu.vector_load %arg11[%get3A_249, %get3A_250] {strides = array<i32>} : memref<2x4000xi32, #tpu.memory_space<vmem>>, vector<16xi32>,
        %sub3A_252 = vector.broadcast %mul3A_2 : i32 to vector<16xi32>
        %sub3A_253 = arith.subi %get3A_246, %sub3A_252 : vector<16xi32>
        %ge3A_254 = arith.constant 0 : i32
        %ge3A_255 = vector.broadcast %ge3A_254 : i32 to vector<16xi32>
        %ge3A_256 = arith.cmpi sge, %sub3A_253, %ge3A_255 : vector<16xi32>
        %lt3A_257 = arith.constant 320 : i32
        %lt3A_258 = vector.broadcast %lt3A_257 : i32 to vector<16xi32>
        %lt3A_259 = arith.cmpi slt, %sub3A_253, %lt3A_258 : vector<16xi32>
        %and3A_260 = arith.andi %ge3A_256, %lt3A_259 : vector<16xi1>
        %convert_element_type3A_261 = arith.extui %and3A_260 : vector<16xi1> to vector<16xi32>
        %broadcast_in_dim3A_262 = arith.constant true
        %broadcast_in_dim3A_263 = vector.broadcast %broadcast_in_dim3A_262 : i1 to vector<16xi1>
        %masked_cumsum3A_264 = tpu.scan <sum>, %convert_element_type3A_261 masked %broadcast_in_dim3A_263 : vector<16xi32>, vector<16xi1> -> vector<16xi32>
        %add3A_265 = vector.broadcast %add3A_239 : i32 to vector<16xi32>
        %add3A_266 = arith.addi %add3A_265, %masked_cumsum3A_264 : vector<16xi32>
        %sub3A_267 = arith.constant 1 : i32
        %sub3A_268 = vector.broadcast %sub3A_267 : i32 to vector<16xi32>
        %sub3A_269 = arith.subi %add3A_266, %sub3A_268 : vector<16xi32>
        tpu.vector_store_idx %arg12[%sub3A_269], %get3A_251 masked %and3A_260 : memref<4016xi32, #tpu.memory_space<vmem>>[vector<16xi32>], vector<16xi32>, vector<16xi1>
        tpu.vector_store_idx %arg13[%sub3A_269], %sub3A_253 masked %and3A_260 : memref<4016xi32, #tpu.memory_space<vmem>>[vector<16xi32>], vector<16xi32>, vector<16xi1>
        %slice3A_270 = vector.extract_strided_slice %masked_cumsum3A_264 {offsets = [15], sizes = [1], strides = [1]} : vector<16xi32> to vector<1xi32>
        %squeeze3A_271 = vector.extract %slice3A_270[0] : i32 from vector<1xi32>
        %add3A_272 = arith.addi %add3A_239, %squeeze3A_271 : i32
        %scan3A_273 = arith.constant 3 : i32
        %scan3A_274 = arith.addi %scan3A_174, %scan3A_273 : i32
        %mul3A_275 = arith.constant 16 : i32
        %mul3A_276 = arith.muli %scan3A_274, %mul3A_275 : i32
        %get3A_277 = arith.index_cast %rem3A_64 : i32 to index
        %get3A_278 = arith.index_cast %mul3A_276 : i32 to index
        %get3A_279 = tpu.vector_load %arg10[%get3A_277, %get3A_278] {strides = array<i32>} : memref<2x4000xi32, #tpu.memory_space<vmem>>, vector<16xi32>,
        %mul3A_280 = arith.constant 16 : i32
        %mul3A_281 = arith.muli %scan3A_274, %mul3A_280 : i32
        %get3A_282 = arith.index_cast %rem3A_64 : i32 to index
        %get3A_283 = arith.index_cast %mul3A_281 : i32 to index
        %get3A_284 = tpu.vector_load %arg11[%get3A_282, %get3A_283] {strides = array<i32>} : memref<2x4000xi32, #tpu.memory_space<vmem>>, vector<16xi32>,
        %sub3A_285 = vector.broadcast %mul3A_2 : i32 to vector<16xi32>
        %sub3A_286 = arith.subi %get3A_279, %sub3A_285 : vector<16xi32>
        %ge3A_287 = arith.constant 0 : i32
        %ge3A_288 = vector.broadcast %ge3A_287 : i32 to vector<16xi32>
        %ge3A_289 = arith.cmpi sge, %sub3A_286, %ge3A_288 : vector<16xi32>
        %lt3A_290 = arith.constant 320 : i32
        %lt3A_291 = vector.broadcast %lt3A_290 : i32 to vector<16xi32>
        %lt3A_292 = arith.cmpi slt, %sub3A_286, %lt3A_291 : vector<16xi32>
        %and3A_293 = arith.andi %ge3A_289, %lt3A_292 : vector<16xi1>
        %convert_element_type3A_294 = arith.extui %and3A_293 : vector<16xi1> to vector<16xi32>
        %broadcast_in_dim3A_295 = arith.constant true
        %broadcast_in_dim3A_296 = vector.broadcast %broadcast_in_dim3A_295 : i1 to vector<16xi1>
        %masked_cumsum3A_297 = tpu.scan <sum>, %convert_element_type3A_294 masked %broadcast_in_dim3A_296 : vector<16xi32>, vector<16xi1> -> vector<16xi32>
        %add3A_298 = vector.broadcast %add3A_272 : i32 to vector<16xi32>
        %add3A_299 = arith.addi %add3A_298, %masked_cumsum3A_297 : vector<16xi32>
        %sub3A_300 = arith.constant 1 : i32
        %sub3A_301 = vector.broadcast %sub3A_300 : i32 to vector<16xi32>
        %sub3A_302 = arith.subi %add3A_299, %sub3A_301 : vector<16xi32>
        tpu.vector_store_idx %arg12[%sub3A_302], %get3A_284 masked %and3A_293 : memref<4016xi32, #tpu.memory_space<vmem>>[vector<16xi32>], vector<16xi32>, vector<16xi1>
        tpu.vector_store_idx %arg13[%sub3A_302], %sub3A_286 masked %and3A_293 : memref<4016xi32, #tpu.memory_space<vmem>>[vector<16xi32>], vector<16xi32>, vector<16xi1>
        %slice3A_303 = vector.extract_strided_slice %masked_cumsum3A_297 {offsets = [15], sizes = [1], strides = [1]} : vector<16xi32> to vector<1xi32>
        %squeeze3A_304 = vector.extract %slice3A_303[0] : i32 from vector<1xi32>
        %add3A_305 = arith.addi %add3A_272, %squeeze3A_304 : i32
        scf.yield %add3A_305 : i32
      }
      %scan3A_95 = arith.constant 248 : i32
      %scan3A_96 = arith.addi %scan3A_90, %scan3A_95 : i32
      %mul3A_97 = arith.constant 16 : i32
      %mul3A_98 = arith.muli %scan3A_96, %mul3A_97 : i32
      %get3A = arith.index_cast %rem3A_64 : i32 to index
      %get3A_99 = arith.index_cast %mul3A_98 : i32 to index
      %get3A_100 = tpu.vector_load %arg10[%get3A, %get3A_99] {strides = array<i32>} : memref<2x4000xi32, #tpu.memory_space<vmem>>, vector<16xi32>,
      %mul3A_101 = arith.constant 16 : i32
      %mul3A_102 = arith.muli %scan3A_96, %mul3A_101 : i32
      %get3A_103 = arith.index_cast %rem3A_64 : i32 to index
      %get3A_104 = arith.index_cast %mul3A_102 : i32 to index
      %get3A_105 = tpu.vector_load %arg11[%get3A_103, %get3A_104] {strides = array<i32>} : memref<2x4000xi32, #tpu.memory_space<vmem>>, vector<16xi32>,
      %sub3A = vector.broadcast %mul3A_2 : i32 to vector<16xi32>
      %sub3A_106 = arith.subi %get3A_100, %sub3A : vector<16xi32>
      %ge3A = arith.constant 0 : i32
      %ge3A_107 = vector.broadcast %ge3A : i32 to vector<16xi32>
      %ge3A_108 = arith.cmpi sge, %sub3A_106, %ge3A_107 : vector<16xi32>
      %lt3A_109 = arith.constant 320 : i32
      %lt3A_110 = vector.broadcast %lt3A_109 : i32 to vector<16xi32>
      %lt3A_111 = arith.cmpi slt, %sub3A_106, %lt3A_110 : vector<16xi32>
      %and3A = arith.andi %ge3A_108, %lt3A_111 : vector<16xi1>
      %convert_element_type3A_112 = arith.extui %and3A : vector<16xi1> to vector<16xi32>
      %broadcast_in_dim3A_113 = arith.constant true
      %broadcast_in_dim3A_114 = vector.broadcast %broadcast_in_dim3A_113 : i1 to vector<16xi1>
      %masked_cumsum3A = tpu.scan <sum>, %convert_element_type3A_112 masked %broadcast_in_dim3A_114 : vector<16xi32>, vector<16xi1> -> vector<16xi32>
      %add3A_115 = vector.broadcast %scan3A_94 : i32 to vector<16xi32>
      %add3A_116 = arith.addi %add3A_115, %masked_cumsum3A : vector<16xi32>
      %sub3A_117 = arith.constant 1 : i32
      %sub3A_118 = vector.broadcast %sub3A_117 : i32 to vector<16xi32>
      %sub3A_119 = arith.subi %add3A_116, %sub3A_118 : vector<16xi32>
      tpu.vector_store_idx %arg12[%sub3A_119], %get3A_105 masked %and3A : memref<4016xi32, #tpu.memory_space<vmem>>[vector<16xi32>], vector<16xi32>, vector<16xi1>
      tpu.vector_store_idx %arg13[%sub3A_119], %sub3A_106 masked %and3A : memref<4016xi32, #tpu.memory_space<vmem>>[vector<16xi32>], vector<16xi32>, vector<16xi1>
      %slice3A = vector.extract_strided_slice %masked_cumsum3A {offsets = [15], sizes = [1], strides = [1]} : vector<16xi32> to vector<1xi32>
      %squeeze3A = vector.extract %slice3A[0] : i32 from vector<1xi32>
      %add3A_120 = arith.addi %scan3A_94, %squeeze3A : i32
      %scan3A_121 = arith.constant 249 : i32
      %scan3A_122 = arith.addi %scan3A_90, %scan3A_121 : i32
      %mul3A_123 = arith.constant 16 : i32
      %mul3A_124 = arith.muli %scan3A_122, %mul3A_123 : i32
      %get3A_125 = arith.index_cast %rem3A_64 : i32 to index
      %get3A_126 = arith.index_cast %mul3A_124 : i32 to index
      %get3A_127 = tpu.vector_load %arg10[%get3A_125, %get3A_126] {strides = array<i32>} : memref<2x4000xi32, #tpu.memory_space<vmem>>, vector<16xi32>,
      %mul3A_128 = arith.constant 16 : i32
      %mul3A_129 = arith.muli %scan3A_122, %mul3A_128 : i32
      %get3A_130 = arith.index_cast %rem3A_64 : i32 to index
      %get3A_131 = arith.index_cast %mul3A_129 : i32 to index
      %get3A_132 = tpu.vector_load %arg11[%get3A_130, %get3A_131] {strides = array<i32>} : memref<2x4000xi32, #tpu.memory_space<vmem>>, vector<16xi32>,
      %sub3A_133 = vector.broadcast %mul3A_2 : i32 to vector<16xi32>
      %sub3A_134 = arith.subi %get3A_127, %sub3A_133 : vector<16xi32>
      %ge3A_135 = arith.constant 0 : i32
      %ge3A_136 = vector.broadcast %ge3A_135 : i32 to vector<16xi32>
      %ge3A_137 = arith.cmpi sge, %sub3A_134, %ge3A_136 : vector<16xi32>
      %lt3A_138 = arith.constant 320 : i32
      %lt3A_139 = vector.broadcast %lt3A_138 : i32 to vector<16xi32>
      %lt3A_140 = arith.cmpi slt, %sub3A_134, %lt3A_139 : vector<16xi32>
      %and3A_141 = arith.andi %ge3A_137, %lt3A_140 : vector<16xi1>
      %convert_element_type3A_142 = arith.extui %and3A_141 : vector<16xi1> to vector<16xi32>
      %broadcast_in_dim3A_143 = arith.constant true
      %broadcast_in_dim3A_144 = vector.broadcast %broadcast_in_dim3A_143 : i1 to vector<16xi1>
      %masked_cumsum3A_145 = tpu.scan <sum>, %convert_element_type3A_142 masked %broadcast_in_dim3A_144 : vector<16xi32>, vector<16xi1> -> vector<16xi32>
      %add3A_146 = vector.broadcast %add3A_120 : i32 to vector<16xi32>
      %add3A_147 = arith.addi %add3A_146, %masked_cumsum3A_145 : vector<16xi32>
      %sub3A_148 = arith.constant 1 : i32
      %sub3A_149 = vector.broadcast %sub3A_148 : i32 to vector<16xi32>
      %sub3A_150 = arith.subi %add3A_147, %sub3A_149 : vector<16xi32>
      tpu.vector_store_idx %arg12[%sub3A_150], %get3A_132 masked %and3A_141 : memref<4016xi32, #tpu.memory_space<vmem>>[vector<16xi32>], vector<16xi32>, vector<16xi1>
      tpu.vector_store_idx %arg13[%sub3A_150], %sub3A_134 masked %and3A_141 : memref<4016xi32, #tpu.memory_space<vmem>>[vector<16xi32>], vector<16xi32>, vector<16xi1>
      %slice3A_151 = vector.extract_strided_slice %masked_cumsum3A_145 {offsets = [15], sizes = [1], strides = [1]} : vector<16xi32> to vector<1xi32>
      %squeeze3A_152 = vector.extract %slice3A_151[0] : i32 from vector<1xi32>
      %add3A_153 = arith.addi %add3A_120, %squeeze3A_152 : i32
      %scan3A_154 = arith.constant 250 : i32
      %add3A_155 = arith.constant 127 : i32
      %add3A_156 = arith.addi %add3A_153, %add3A_155 : i32
      %div3A = arith.constant 128 : i32
      %div3A_157 = arith.divsi %add3A_156, %div3A : i32
      %gt3A = arith.constant 0 : i32
      %gt3A_158 = arith.cmpi sgt, %div3A_157, %gt3A : i32
      %convert_element_type3A_159 = arith.extui %gt3A_158 : i1 to i32
      %cond3A_160 = arith.constant 0 : i32
      %cond3A_161 = arith.cmpi ne, %convert_element_type3A_159, %cond3A_160 : i32
      scf.if %cond3A_161 {
        %rem3A_174 = arith.constant 0 : i32
        %rem3A_175 = arith.constant 2 : i32
        %rem3A_176 = arith.remsi %rem3A_174, %rem3A_175 : i32
        %dma_start3A_177 = arith.constant 0 : i32
        %dma_start3A_178 = arith.constant 0 : i32
        %dma_start3A_179 = tpu.memref_slice %arg14[%rem3A_176, %dma_start3A_177, %dma_start3A_178] : memref<2x128x64xf32, #tpu.memory_space<vmem>> -> memref<1x128x64xf32, #tpu.memory_space<vmem>>
        %dma_start3A_180 = tpu.memref_squeeze %dma_start3A_179 : memref<1x128x64xf32, #tpu.memory_space<vmem>> -> memref<128x64xf32, #tpu.memory_space<vmem>>
        %dma_start3A_181 = arith.constant 0 : i32
        %dma_start3A_182 = tpu.memref_slice %arg12[%dma_start3A_181] : memref<4016xi32, #tpu.memory_space<vmem>> -> memref<128xi32, #tpu.memory_space<vmem>>
        %dma_start3A_183 = arith.constant 0 : i32
        %dma_start3A_184 = arith.constant 0 : i32
        %dma_start3A_185 = tpu.memref_slice %arg3[%dma_start3A_183, %dma_start3A_184] : memref<10240x64xf32, #tpu.memory_space<hbm>> -> memref<10240x64xf32, #tpu.memory_space<hbm>>
        tpu.enqueue_indirect_dma source(%dma_start3A_185 : memref<10240x64xf32, #tpu.memory_space<hbm>>) target(%dma_start3A_180 : memref<128x64xf32, #tpu.memory_space<vmem>>) offsets(%dma_start3A_182 : memref<128xi32, #tpu.memory_space<vmem>>) semaphore(%arg18 : memref<!tpu.dma_semaphore, #tpu.memory_space<semaphore_mem>>)
      } else {
      }
      %while3A = arith.constant 0 : i32
      %while3A_162 = arith.constant 0 : i32
      %while3A_163 = arith.subi %div3A_157, %while3A : i32
      %while3A_164 = arith.addi %while3A, %while3A_163 : i32
      %while3A_165 = arith.constant 1 : i32
      %while3A_166 = arith.divsi %while3A_163, %while3A_165 : i32
      %while3A_167 = arith.muli %while3A_166, %while3A_165 : i32
      %while3A_168 = arith.addi %while3A, %while3A_167 : i32
      %while3A_169 = arith.constant 1 : i32
      %while3A_170 = scf.for %while3A_174 = %while3A to %while3A_168 step %while3A_169 iter_args(%while3A_175 = %while3A_162) -> (i32)  : i32 {
        %rem3A_176 = arith.constant 2 : i32
        %rem3A_177 = arith.remsi %while3A_174, %rem3A_176 : i32
        %dma_wait3A_178 = arith.constant 0 : i32
        %dma_wait3A_179 = arith.constant 0 : i32
        %dma_wait3A_180 = tpu.memref_slice %arg14[%rem3A_177, %dma_wait3A_178, %dma_wait3A_179] : memref<2x128x64xf32, #tpu.memory_space<vmem>> -> memref<1x128x64xf32, #tpu.memory_space<vmem>>
        %dma_wait3A_181 = tpu.memref_squeeze %dma_wait3A_180 : memref<1x128x64xf32, #tpu.memory_space<vmem>> -> memref<128x64xf32, #tpu.memory_space<vmem>>
        %dma_wait3A_182 = arith.constant 0 : i32
        %dma_wait3A_183 = tpu.memref_slice %arg12[%dma_wait3A_182] : memref<4016xi32, #tpu.memory_space<vmem>> -> memref<128xi32, #tpu.memory_space<vmem>>
        %dma_wait3A_184 = arith.constant 0 : i32
        %dma_wait3A_185 = arith.constant 0 : i32
        %dma_wait3A_186 = tpu.memref_slice %arg3[%dma_wait3A_184, %dma_wait3A_185] : memref<10240x64xf32, #tpu.memory_space<hbm>> -> memref<10240x64xf32, #tpu.memory_space<hbm>>
        tpu.wait_indirect_dma semaphore(%arg18 : memref<!tpu.dma_semaphore, #tpu.memory_space<semaphore_mem>>) src(%dma_wait3A_186 : memref<10240x64xf32, #tpu.memory_space<hbm>>) dst(%dma_wait3A_181 : memref<128x64xf32, #tpu.memory_space<vmem>>)
        %add3A_187 = arith.constant 1 : i32
        %add3A_188 = arith.addi %while3A_174, %add3A_187 : i32
        %lt3A_189 = arith.cmpi slt, %add3A_188, %div3A_157 : i32
        %convert_element_type3A_190 = arith.extui %lt3A_189 : i1 to i32
        %cond3A_191 = arith.constant 0 : i32
        %cond3A_192 = arith.cmpi ne, %convert_element_type3A_190, %cond3A_191 : i32
        scf.if %cond3A_192 {
          %add3A_210 = arith.constant 1 : i32
          %add3A_211 = arith.addi %while3A_174, %add3A_210 : i32
          %mul3A_212 = arith.constant 128 : i32
          %mul3A_213 = arith.muli %add3A_211, %mul3A_212 : i32
          %rem3A_214 = arith.constant 2 : i32
          %rem3A_215 = arith.remsi %add3A_211, %rem3A_214 : i32
          %dma_start3A_216 = arith.constant 0 : i32
          %dma_start3A_217 = arith.constant 0 : i32
          %dma_start3A_218 = tpu.memref_slice %arg14[%rem3A_215, %dma_start3A_216, %dma_start3A_217] : memref<2x128x64xf32, #tpu.memory_space<vmem>> -> memref<1x128x64xf32, #tpu.memory_space<vmem>>
          %dma_start3A_219 = tpu.memref_squeeze %dma_start3A_218 : memref<1x128x64xf32, #tpu.memory_space<vmem>> -> memref<128x64xf32, #tpu.memory_space<vmem>>
          %dma_start3A_220 = tpu.memref_slice %arg12[%mul3A_213] : memref<4016xi32, #tpu.memory_space<vmem>> -> memref<128xi32, #tpu.memory_space<vmem>>
          %dma_start3A_221 = arith.constant 0 : i32
          %dma_start3A_222 = arith.constant 0 : i32
          %dma_start3A_223 = tpu.memref_slice %arg3[%dma_start3A_221, %dma_start3A_222] : memref<10240x64xf32, #tpu.memory_space<hbm>> -> memref<10240x64xf32, #tpu.memory_space<hbm>>
          tpu.enqueue_indirect_dma source(%dma_start3A_223 : memref<10240x64xf32, #tpu.memory_space<hbm>>) target(%dma_start3A_219 : memref<128x64xf32, #tpu.memory_space<vmem>>) offsets(%dma_start3A_220 : memref<128xi32, #tpu.memory_space<vmem>>) semaphore(%arg18 : memref<!tpu.dma_semaphore, #tpu.memory_space<semaphore_mem>>)
        } else {
        }
        %mul3A_193 = arith.constant 128 : i32
        %mul3A_194 = arith.muli %while3A_174, %mul3A_193 : i32
        %sub3A_195 = arith.subi %add3A_153, %mul3A_194 : i32
        %min3A = arith.constant 128 : i32
        %min3A_196 = arith.minsi %sub3A_195, %min3A : i32
        %while3A_197 = arith.constant 0 : i32
        %while3A_198 = arith.constant 0 : i32
        %while3A_199 = arith.subi %min3A_196, %while3A_197 : i32
        %while3A_200 = arith.addi %while3A_197, %while3A_199 : i32
        %while3A_201 = arith.constant 1 : i32
        %while3A_202 = arith.divsi %while3A_199, %while3A_201 : i32
        %while3A_203 = arith.muli %while3A_202, %while3A_201 : i32
        %while3A_204 = arith.addi %while3A_197, %while3A_203 : i32
        %while3A_205 = arith.constant 1 : i32
        %while3A_206 = scf.for %while3A_210 = %while3A_197 to %while3A_204 step %while3A_205 iter_args(%while3A_211 = %while3A_198) -> (i32)  : i32 {
          %mul3A_212 = arith.constant 128 : i32
          %mul3A_213 = arith.muli %while3A_174, %mul3A_212 : i32
          %add3A_214 = arith.addi %mul3A_213, %while3A_210 : i32
          %get3A_215 = arith.index_cast %add3A_214 : i32 to index
          %get3A_216 = tpu.vector_load %arg13[%get3A_215] {strides = array<i32>} : memref<4016xi32, #tpu.memory_space<vmem>>, vector<16xi32>,
          %slice3A_217 = vector.extract_strided_slice %get3A_216 {offsets = [0], sizes = [1], strides = [1]} : vector<16xi32> to vector<1xi32>
          %squeeze3A_218 = vector.extract %slice3A_217[0] : i32 from vector<1xi32>
          %mul3A_219 = arith.constant 64 : i32
          %mul3A_220 = arith.muli %squeeze3A_218, %mul3A_219 : i32
          %add3A_221 = arith.constant 0 : i32
          %add3A_222 = arith.addi %mul3A_220, %add3A_221 : i32
          %get3A_223 = arith.index_cast %add3A_222 : i32 to index
          %get3A_224 = tpu.vector_load %arg8[%get3A_223] {strides = array<i32>} : memref<20480xf32, #tpu.memory_space<vmem>>, vector<16xf32>,
          %get3A_225 = arith.index_cast %rem3A_177 : i32 to index
          %get3A_226 = arith.index_cast %while3A_210 : i32 to index
          %get3A_227 = arith.constant 0 : index
          %get3A_228 = tpu.vector_load %arg14[%get3A_225, %get3A_226, %get3A_227] {strides = array<i32>} : memref<2x128x64xf32, #tpu.memory_space<vmem>>, vector<16xf32>,
          %max3A = arith.maximumf %get3A_224, %get3A_228 : vector<16xf32>
          %swap3A = arith.index_cast %add3A_222 : i32 to index
          %swap3A_229 = tpu.vector_load %arg8[%swap3A] {strides = array<i32>} : memref<20480xf32, #tpu.memory_space<vmem>>, vector<16xf32>,
          tpu.vector_store %arg8[%swap3A], %max3A {strides = array<i32>} : memref<20480xf32, #tpu.memory_space<vmem>>, vector<16xf32>,
          %add3A_230 = arith.constant 16 : i32
          %add3A_231 = arith.addi %mul3A_220, %add3A_230 : i32
          %get3A_232 = arith.index_cast %add3A_231 : i32 to index
          %get3A_233 = tpu.vector_load %arg8[%get3A_232] {strides = array<i32>} : memref<20480xf32, #tpu.memory_space<vmem>>, vector<16xf32>,
          %get3A_234 = arith.index_cast %rem3A_177 : i32 to index
          %get3A_235 = arith.index_cast %while3A_210 : i32 to index
          %get3A_236 = arith.constant 16 : index
          %get3A_237 = tpu.vector_load %arg14[%get3A_234, %get3A_235, %get3A_236] {strides = array<i32>} : memref<2x128x64xf32, #tpu.memory_space<vmem>>, vector<16xf32>,
          %max3A_238 = arith.maximumf %get3A_233, %get3A_237 : vector<16xf32>
          %swap3A_239 = arith.index_cast %add3A_231 : i32 to index
          %swap3A_240 = tpu.vector_load %arg8[%swap3A_239] {strides = array<i32>} : memref<20480xf32, #tpu.memory_space<vmem>>, vector<16xf32>,
          tpu.vector_store %arg8[%swap3A_239], %max3A_238 {strides = array<i32>} : memref<20480xf32, #tpu.memory_space<vmem>>, vector<16xf32>,
          %add3A_241 = arith.constant 32 : i32
          %add3A_242 = arith.addi %mul3A_220, %add3A_241 : i32
          %get3A_243 = arith.index_cast %add3A_242 : i32 to index
          %get3A_244 = tpu.vector_load %arg8[%get3A_243] {strides = array<i32>} : memref<20480xf32, #tpu.memory_space<vmem>>, vector<16xf32>,
          %get3A_245 = arith.index_cast %rem3A_177 : i32 to index
          %get3A_246 = arith.index_cast %while3A_210 : i32 to index
          %get3A_247 = arith.constant 32 : index
          %get3A_248 = tpu.vector_load %arg14[%get3A_245, %get3A_246, %get3A_247] {strides = array<i32>} : memref<2x128x64xf32, #tpu.memory_space<vmem>>, vector<16xf32>,
          %max3A_249 = arith.maximumf %get3A_244, %get3A_248 : vector<16xf32>
          %swap3A_250 = arith.index_cast %add3A_242 : i32 to index
          %swap3A_251 = tpu.vector_load %arg8[%swap3A_250] {strides = array<i32>} : memref<20480xf32, #tpu.memory_space<vmem>>, vector<16xf32>,
          tpu.vector_store %arg8[%swap3A_250], %max3A_249 {strides = array<i32>} : memref<20480xf32, #tpu.memory_space<vmem>>, vector<16xf32>,
          %add3A_252 = arith.constant 48 : i32
          %add3A_253 = arith.addi %mul3A_220, %add3A_252 : i32
          %get3A_254 = arith.index_cast %add3A_253 : i32 to index
          %get3A_255 = tpu.vector_load %arg8[%get3A_254] {strides = array<i32>} : memref<20480xf32, #tpu.memory_space<vmem>>, vector<16xf32>,
          %get3A_256 = arith.index_cast %rem3A_177 : i32 to index
          %get3A_257 = arith.index_cast %while3A_210 : i32 to index
          %get3A_258 = arith.constant 48 : index
          %get3A_259 = tpu.vector_load %arg14[%get3A_256, %get3A_257, %get3A_258] {strides = array<i32>} : memref<2x128x64xf32, #tpu.memory_space<vmem>>, vector<16xf32>,
          %max3A_260 = arith.maximumf %get3A_255, %get3A_259 : vector<16xf32>
          %swap3A_261 = arith.index_cast %add3A_253 : i32 to index
          %swap3A_262 = tpu.vector_load %arg8[%swap3A_261] {strides = array<i32>} : memref<20480xf32, #tpu.memory_space<vmem>>, vector<16xf32>,
          tpu.vector_store %arg8[%swap3A_261], %max3A_260 {strides = array<i32>} : memref<20480xf32, #tpu.memory_space<vmem>>, vector<16xf32>,
          %while3A_263 = arith.constant 0 : i32
          scf.yield %while3A_263 : i32
        }
        %while3A_207 = arith.constant 1 : i32
        %while3A_208 = scf.for %while3A_210 = %while3A_204 to %while3A_200 step %while3A_207 iter_args(%while3A_211 = %while3A_206) -> (i32)  : i32 {
          %mul3A_212 = arith.constant 128 : i32
          %mul3A_213 = arith.muli %while3A_174, %mul3A_212 : i32
          %add3A_214 = arith.addi %mul3A_213, %while3A_210 : i32
          %get3A_215 = arith.index_cast %add3A_214 : i32 to index
          %get3A_216 = tpu.vector_load %arg13[%get3A_215] {strides = array<i32>} : memref<4016xi32, #tpu.memory_space<vmem>>, vector<16xi32>,
          %slice3A_217 = vector.extract_strided_slice %get3A_216 {offsets = [0], sizes = [1], strides = [1]} : vector<16xi32> to vector<1xi32>
          %squeeze3A_218 = vector.extract %slice3A_217[0] : i32 from vector<1xi32>
          %mul3A_219 = arith.constant 64 : i32
          %mul3A_220 = arith.muli %squeeze3A_218, %mul3A_219 : i32
          %add3A_221 = arith.constant 0 : i32
          %add3A_222 = arith.addi %mul3A_220, %add3A_221 : i32
          %get3A_223 = arith.index_cast %add3A_222 : i32 to index
          %get3A_224 = tpu.vector_load %arg8[%get3A_223] {strides = array<i32>} : memref<20480xf32, #tpu.memory_space<vmem>>, vector<16xf32>,
          %get3A_225 = arith.index_cast %rem3A_177 : i32 to index
          %get3A_226 = arith.index_cast %while3A_210 : i32 to index
          %get3A_227 = arith.constant 0 : index
          %get3A_228 = tpu.vector_load %arg14[%get3A_225, %get3A_226, %get3A_227] {strides = array<i32>} : memref<2x128x64xf32, #tpu.memory_space<vmem>>, vector<16xf32>,
          %max3A = arith.maximumf %get3A_224, %get3A_228 : vector<16xf32>
          %swap3A = arith.index_cast %add3A_222 : i32 to index
          %swap3A_229 = tpu.vector_load %arg8[%swap3A] {strides = array<i32>} : memref<20480xf32, #tpu.memory_space<vmem>>, vector<16xf32>,
          tpu.vector_store %arg8[%swap3A], %max3A {strides = array<i32>} : memref<20480xf32, #tpu.memory_space<vmem>>, vector<16xf32>,
          %add3A_230 = arith.constant 16 : i32
          %add3A_231 = arith.addi %mul3A_220, %add3A_230 : i32
          %get3A_232 = arith.index_cast %add3A_231 : i32 to index
          %get3A_233 = tpu.vector_load %arg8[%get3A_232] {strides = array<i32>} : memref<20480xf32, #tpu.memory_space<vmem>>, vector<16xf32>,
          %get3A_234 = arith.index_cast %rem3A_177 : i32 to index
          %get3A_235 = arith.index_cast %while3A_210 : i32 to index
          %get3A_236 = arith.constant 16 : index
          %get3A_237 = tpu.vector_load %arg14[%get3A_234, %get3A_235, %get3A_236] {strides = array<i32>} : memref<2x128x64xf32, #tpu.memory_space<vmem>>, vector<16xf32>,
          %max3A_238 = arith.maximumf %get3A_233, %get3A_237 : vector<16xf32>
          %swap3A_239 = arith.index_cast %add3A_231 : i32 to index
          %swap3A_240 = tpu.vector_load %arg8[%swap3A_239] {strides = array<i32>} : memref<20480xf32, #tpu.memory_space<vmem>>, vector<16xf32>,
          tpu.vector_store %arg8[%swap3A_239], %max3A_238 {strides = array<i32>} : memref<20480xf32, #tpu.memory_space<vmem>>, vector<16xf32>,
          %add3A_241 = arith.constant 32 : i32
          %add3A_242 = arith.addi %mul3A_220, %add3A_241 : i32
          %get3A_243 = arith.index_cast %add3A_242 : i32 to index
          %get3A_244 = tpu.vector_load %arg8[%get3A_243] {strides = array<i32>} : memref<20480xf32, #tpu.memory_space<vmem>>, vector<16xf32>,
          %get3A_245 = arith.index_cast %rem3A_177 : i32 to index
          %get3A_246 = arith.index_cast %while3A_210 : i32 to index
          %get3A_247 = arith.constant 32 : index
          %get3A_248 = tpu.vector_load %arg14[%get3A_245, %get3A_246, %get3A_247] {strides = array<i32>} : memref<2x128x64xf32, #tpu.memory_space<vmem>>, vector<16xf32>,
          %max3A_249 = arith.maximumf %get3A_244, %get3A_248 : vector<16xf32>
          %swap3A_250 = arith.index_cast %add3A_242 : i32 to index
          %swap3A_251 = tpu.vector_load %arg8[%swap3A_250] {strides = array<i32>} : memref<20480xf32, #tpu.memory_space<vmem>>, vector<16xf32>,
          tpu.vector_store %arg8[%swap3A_250], %max3A_249 {strides = array<i32>} : memref<20480xf32, #tpu.memory_space<vmem>>, vector<16xf32>,
          %add3A_252 = arith.constant 48 : i32
          %add3A_253 = arith.addi %mul3A_220, %add3A_252 : i32
          %get3A_254 = arith.index_cast %add3A_253 : i32 to index
          %get3A_255 = tpu.vector_load %arg8[%get3A_254] {strides = array<i32>} : memref<20480xf32, #tpu.memory_space<vmem>>, vector<16xf32>,
          %get3A_256 = arith.index_cast %rem3A_177 : i32 to index
          %get3A_257 = arith.index_cast %while3A_210 : i32 to index
          %get3A_258 = arith.constant 48 : index
          %get3A_259 = tpu.vector_load %arg14[%get3A_256, %get3A_257, %get3A_258] {strides = array<i32>} : memref<2x128x64xf32, #tpu.memory_space<vmem>>, vector<16xf32>,
          %max3A_260 = arith.maximumf %get3A_255, %get3A_259 : vector<16xf32>
          %swap3A_261 = arith.index_cast %add3A_253 : i32 to index
          %swap3A_262 = tpu.vector_load %arg8[%swap3A_261] {strides = array<i32>} : memref<20480xf32, #tpu.memory_space<vmem>>, vector<16xf32>,
          tpu.vector_store %arg8[%swap3A_261], %max3A_260 {strides = array<i32>} : memref<20480xf32, #tpu.memory_space<vmem>>, vector<16xf32>,
          %while3A_263 = arith.constant 0 : i32
          scf.yield %while3A_263 : i32
        }
        %while3A_209 = arith.constant 0 : i32
        scf.yield %while3A_209 : i32
      }
      %while3A_171 = arith.constant 1 : i32
      %while3A_172 = scf.for %while3A_174 = %while3A_168 to %while3A_164 step %while3A_171 iter_args(%while3A_175 = %while3A_170) -> (i32)  : i32 {
        %rem3A_176 = arith.constant 2 : i32
        %rem3A_177 = arith.remsi %while3A_174, %rem3A_176 : i32
        %dma_wait3A_178 = arith.constant 0 : i32
        %dma_wait3A_179 = arith.constant 0 : i32
        %dma_wait3A_180 = tpu.memref_slice %arg14[%rem3A_177, %dma_wait3A_178, %dma_wait3A_179] : memref<2x128x64xf32, #tpu.memory_space<vmem>> -> memref<1x128x64xf32, #tpu.memory_space<vmem>>
        %dma_wait3A_181 = tpu.memref_squeeze %dma_wait3A_180 : memref<1x128x64xf32, #tpu.memory_space<vmem>> -> memref<128x64xf32, #tpu.memory_space<vmem>>
        %dma_wait3A_182 = arith.constant 0 : i32
        %dma_wait3A_183 = tpu.memref_slice %arg12[%dma_wait3A_182] : memref<4016xi32, #tpu.memory_space<vmem>> -> memref<128xi32, #tpu.memory_space<vmem>>
        %dma_wait3A_184 = arith.constant 0 : i32
        %dma_wait3A_185 = arith.constant 0 : i32
        %dma_wait3A_186 = tpu.memref_slice %arg3[%dma_wait3A_184, %dma_wait3A_185] : memref<10240x64xf32, #tpu.memory_space<hbm>> -> memref<10240x64xf32, #tpu.memory_space<hbm>>
        tpu.wait_indirect_dma semaphore(%arg18 : memref<!tpu.dma_semaphore, #tpu.memory_space<semaphore_mem>>) src(%dma_wait3A_186 : memref<10240x64xf32, #tpu.memory_space<hbm>>) dst(%dma_wait3A_181 : memref<128x64xf32, #tpu.memory_space<vmem>>)
        %add3A_187 = arith.constant 1 : i32
        %add3A_188 = arith.addi %while3A_174, %add3A_187 : i32
        %lt3A_189 = arith.cmpi slt, %add3A_188, %div3A_157 : i32
        %convert_element_type3A_190 = arith.extui %lt3A_189 : i1 to i32
        %cond3A_191 = arith.constant 0 : i32
        %cond3A_192 = arith.cmpi ne, %convert_element_type3A_190, %cond3A_191 : i32
        scf.if %cond3A_192 {
          %add3A_210 = arith.constant 1 : i32
          %add3A_211 = arith.addi %while3A_174, %add3A_210 : i32
          %mul3A_212 = arith.constant 128 : i32
          %mul3A_213 = arith.muli %add3A_211, %mul3A_212 : i32
          %rem3A_214 = arith.constant 2 : i32
          %rem3A_215 = arith.remsi %add3A_211, %rem3A_214 : i32
          %dma_start3A_216 = arith.constant 0 : i32
          %dma_start3A_217 = arith.constant 0 : i32
          %dma_start3A_218 = tpu.memref_slice %arg14[%rem3A_215, %dma_start3A_216, %dma_start3A_217] : memref<2x128x64xf32, #tpu.memory_space<vmem>> -> memref<1x128x64xf32, #tpu.memory_space<vmem>>
          %dma_start3A_219 = tpu.memref_squeeze %dma_start3A_218 : memref<1x128x64xf32, #tpu.memory_space<vmem>> -> memref<128x64xf32, #tpu.memory_space<vmem>>
          %dma_start3A_220 = tpu.memref_slice %arg12[%mul3A_213] : memref<4016xi32, #tpu.memory_space<vmem>> -> memref<128xi32, #tpu.memory_space<vmem>>
          %dma_start3A_221 = arith.constant 0 : i32
          %dma_start3A_222 = arith.constant 0 : i32
          %dma_start3A_223 = tpu.memref_slice %arg3[%dma_start3A_221, %dma_start3A_222] : memref<10240x64xf32, #tpu.memory_space<hbm>> -> memref<10240x64xf32, #tpu.memory_space<hbm>>
          tpu.enqueue_indirect_dma source(%dma_start3A_223 : memref<10240x64xf32, #tpu.memory_space<hbm>>) target(%dma_start3A_219 : memref<128x64xf32, #tpu.memory_space<vmem>>) offsets(%dma_start3A_220 : memref<128xi32, #tpu.memory_space<vmem>>) semaphore(%arg18 : memref<!tpu.dma_semaphore, #tpu.memory_space<semaphore_mem>>)
        } else {
        }
        %mul3A_193 = arith.constant 128 : i32
        %mul3A_194 = arith.muli %while3A_174, %mul3A_193 : i32
        %sub3A_195 = arith.subi %add3A_153, %mul3A_194 : i32
        %min3A = arith.constant 128 : i32
        %min3A_196 = arith.minsi %sub3A_195, %min3A : i32
        %while3A_197 = arith.constant 0 : i32
        %while3A_198 = arith.constant 0 : i32
        %while3A_199 = arith.subi %min3A_196, %while3A_197 : i32
        %while3A_200 = arith.addi %while3A_197, %while3A_199 : i32
        %while3A_201 = arith.constant 1 : i32
        %while3A_202 = arith.divsi %while3A_199, %while3A_201 : i32
        %while3A_203 = arith.muli %while3A_202, %while3A_201 : i32
        %while3A_204 = arith.addi %while3A_197, %while3A_203 : i32
        %while3A_205 = arith.constant 1 : i32
        %while3A_206 = scf.for %while3A_210 = %while3A_197 to %while3A_204 step %while3A_205 iter_args(%while3A_211 = %while3A_198) -> (i32)  : i32 {
          %mul3A_212 = arith.constant 128 : i32
          %mul3A_213 = arith.muli %while3A_174, %mul3A_212 : i32
          %add3A_214 = arith.addi %mul3A_213, %while3A_210 : i32
          %get3A_215 = arith.index_cast %add3A_214 : i32 to index
          %get3A_216 = tpu.vector_load %arg13[%get3A_215] {strides = array<i32>} : memref<4016xi32, #tpu.memory_space<vmem>>, vector<16xi32>,
          %slice3A_217 = vector.extract_strided_slice %get3A_216 {offsets = [0], sizes = [1], strides = [1]} : vector<16xi32> to vector<1xi32>
          %squeeze3A_218 = vector.extract %slice3A_217[0] : i32 from vector<1xi32>
          %mul3A_219 = arith.constant 64 : i32
          %mul3A_220 = arith.muli %squeeze3A_218, %mul3A_219 : i32
          %add3A_221 = arith.constant 0 : i32
          %add3A_222 = arith.addi %mul3A_220, %add3A_221 : i32
          %get3A_223 = arith.index_cast %add3A_222 : i32 to index
          %get3A_224 = tpu.vector_load %arg8[%get3A_223] {strides = array<i32>} : memref<20480xf32, #tpu.memory_space<vmem>>, vector<16xf32>,
          %get3A_225 = arith.index_cast %rem3A_177 : i32 to index
          %get3A_226 = arith.index_cast %while3A_210 : i32 to index
          %get3A_227 = arith.constant 0 : index
          %get3A_228 = tpu.vector_load %arg14[%get3A_225, %get3A_226, %get3A_227] {strides = array<i32>} : memref<2x128x64xf32, #tpu.memory_space<vmem>>, vector<16xf32>,
          %max3A = arith.maximumf %get3A_224, %get3A_228 : vector<16xf32>
          %swap3A = arith.index_cast %add3A_222 : i32 to index
          %swap3A_229 = tpu.vector_load %arg8[%swap3A] {strides = array<i32>} : memref<20480xf32, #tpu.memory_space<vmem>>, vector<16xf32>,
          tpu.vector_store %arg8[%swap3A], %max3A {strides = array<i32>} : memref<20480xf32, #tpu.memory_space<vmem>>, vector<16xf32>,
          %add3A_230 = arith.constant 16 : i32
          %add3A_231 = arith.addi %mul3A_220, %add3A_230 : i32
          %get3A_232 = arith.index_cast %add3A_231 : i32 to index
          %get3A_233 = tpu.vector_load %arg8[%get3A_232] {strides = array<i32>} : memref<20480xf32, #tpu.memory_space<vmem>>, vector<16xf32>,
          %get3A_234 = arith.index_cast %rem3A_177 : i32 to index
          %get3A_235 = arith.index_cast %while3A_210 : i32 to index
          %get3A_236 = arith.constant 16 : index
          %get3A_237 = tpu.vector_load %arg14[%get3A_234, %get3A_235, %get3A_236] {strides = array<i32>} : memref<2x128x64xf32, #tpu.memory_space<vmem>>, vector<16xf32>,
          %max3A_238 = arith.maximumf %get3A_233, %get3A_237 : vector<16xf32>
          %swap3A_239 = arith.index_cast %add3A_231 : i32 to index
          %swap3A_240 = tpu.vector_load %arg8[%swap3A_239] {strides = array<i32>} : memref<20480xf32, #tpu.memory_space<vmem>>, vector<16xf32>,
          tpu.vector_store %arg8[%swap3A_239], %max3A_238 {strides = array<i32>} : memref<20480xf32, #tpu.memory_space<vmem>>, vector<16xf32>,
          %add3A_241 = arith.constant 32 : i32
          %add3A_242 = arith.addi %mul3A_220, %add3A_241 : i32
          %get3A_243 = arith.index_cast %add3A_242 : i32 to index
          %get3A_244 = tpu.vector_load %arg8[%get3A_243] {strides = array<i32>} : memref<20480xf32, #tpu.memory_space<vmem>>, vector<16xf32>,
          %get3A_245 = arith.index_cast %rem3A_177 : i32 to index
          %get3A_246 = arith.index_cast %while3A_210 : i32 to index
          %get3A_247 = arith.constant 32 : index
          %get3A_248 = tpu.vector_load %arg14[%get3A_245, %get3A_246, %get3A_247] {strides = array<i32>} : memref<2x128x64xf32, #tpu.memory_space<vmem>>, vector<16xf32>,
          %max3A_249 = arith.maximumf %get3A_244, %get3A_248 : vector<16xf32>
          %swap3A_250 = arith.index_cast %add3A_242 : i32 to index
          %swap3A_251 = tpu.vector_load %arg8[%swap3A_250] {strides = array<i32>} : memref<20480xf32, #tpu.memory_space<vmem>>, vector<16xf32>,
          tpu.vector_store %arg8[%swap3A_250], %max3A_249 {strides = array<i32>} : memref<20480xf32, #tpu.memory_space<vmem>>, vector<16xf32>,
          %add3A_252 = arith.constant 48 : i32
          %add3A_253 = arith.addi %mul3A_220, %add3A_252 : i32
          %get3A_254 = arith.index_cast %add3A_253 : i32 to index
          %get3A_255 = tpu.vector_load %arg8[%get3A_254] {strides = array<i32>} : memref<20480xf32, #tpu.memory_space<vmem>>, vector<16xf32>,
          %get3A_256 = arith.index_cast %rem3A_177 : i32 to index
          %get3A_257 = arith.index_cast %while3A_210 : i32 to index
          %get3A_258 = arith.constant 48 : index
          %get3A_259 = tpu.vector_load %arg14[%get3A_256, %get3A_257, %get3A_258] {strides = array<i32>} : memref<2x128x64xf32, #tpu.memory_space<vmem>>, vector<16xf32>,
          %max3A_260 = arith.maximumf %get3A_255, %get3A_259 : vector<16xf32>
          %swap3A_261 = arith.index_cast %add3A_253 : i32 to index
          %swap3A_262 = tpu.vector_load %arg8[%swap3A_261] {strides = array<i32>} : memref<20480xf32, #tpu.memory_space<vmem>>, vector<16xf32>,
          tpu.vector_store %arg8[%swap3A_261], %max3A_260 {strides = array<i32>} : memref<20480xf32, #tpu.memory_space<vmem>>, vector<16xf32>,
          %while3A_263 = arith.constant 0 : i32
          scf.yield %while3A_263 : i32
        }
        %while3A_207 = arith.constant 1 : i32
        %while3A_208 = scf.for %while3A_210 = %while3A_204 to %while3A_200 step %while3A_207 iter_args(%while3A_211 = %while3A_206) -> (i32)  : i32 {
          %mul3A_212 = arith.constant 128 : i32
          %mul3A_213 = arith.muli %while3A_174, %mul3A_212 : i32
          %add3A_214 = arith.addi %mul3A_213, %while3A_210 : i32
          %get3A_215 = arith.index_cast %add3A_214 : i32 to index
          %get3A_216 = tpu.vector_load %arg13[%get3A_215] {strides = array<i32>} : memref<4016xi32, #tpu.memory_space<vmem>>, vector<16xi32>,
          %slice3A_217 = vector.extract_strided_slice %get3A_216 {offsets = [0], sizes = [1], strides = [1]} : vector<16xi32> to vector<1xi32>
          %squeeze3A_218 = vector.extract %slice3A_217[0] : i32 from vector<1xi32>
          %mul3A_219 = arith.constant 64 : i32
          %mul3A_220 = arith.muli %squeeze3A_218, %mul3A_219 : i32
          %add3A_221 = arith.constant 0 : i32
          %add3A_222 = arith.addi %mul3A_220, %add3A_221 : i32
          %get3A_223 = arith.index_cast %add3A_222 : i32 to index
          %get3A_224 = tpu.vector_load %arg8[%get3A_223] {strides = array<i32>} : memref<20480xf32, #tpu.memory_space<vmem>>, vector<16xf32>,
          %get3A_225 = arith.index_cast %rem3A_177 : i32 to index
          %get3A_226 = arith.index_cast %while3A_210 : i32 to index
          %get3A_227 = arith.constant 0 : index
          %get3A_228 = tpu.vector_load %arg14[%get3A_225, %get3A_226, %get3A_227] {strides = array<i32>} : memref<2x128x64xf32, #tpu.memory_space<vmem>>, vector<16xf32>,
          %max3A = arith.maximumf %get3A_224, %get3A_228 : vector<16xf32>
          %swap3A = arith.index_cast %add3A_222 : i32 to index
          %swap3A_229 = tpu.vector_load %arg8[%swap3A] {strides = array<i32>} : memref<20480xf32, #tpu.memory_space<vmem>>, vector<16xf32>,
          tpu.vector_store %arg8[%swap3A], %max3A {strides = array<i32>} : memref<20480xf32, #tpu.memory_space<vmem>>, vector<16xf32>,
          %add3A_230 = arith.constant 16 : i32
          %add3A_231 = arith.addi %mul3A_220, %add3A_230 : i32
          %get3A_232 = arith.index_cast %add3A_231 : i32 to index
          %get3A_233 = tpu.vector_load %arg8[%get3A_232] {strides = array<i32>} : memref<20480xf32, #tpu.memory_space<vmem>>, vector<16xf32>,
          %get3A_234 = arith.index_cast %rem3A_177 : i32 to index
          %get3A_235 = arith.index_cast %while3A_210 : i32 to index
          %get3A_236 = arith.constant 16 : index
          %get3A_237 = tpu.vector_load %arg14[%get3A_234, %get3A_235, %get3A_236] {strides = array<i32>} : memref<2x128x64xf32, #tpu.memory_space<vmem>>, vector<16xf32>,
          %max3A_238 = arith.maximumf %get3A_233, %get3A_237 : vector<16xf32>
          %swap3A_239 = arith.index_cast %add3A_231 : i32 to index
          %swap3A_240 = tpu.vector_load %arg8[%swap3A_239] {strides = array<i32>} : memref<20480xf32, #tpu.memory_space<vmem>>, vector<16xf32>,
          tpu.vector_store %arg8[%swap3A_239], %max3A_238 {strides = array<i32>} : memref<20480xf32, #tpu.memory_space<vmem>>, vector<16xf32>,
          %add3A_241 = arith.constant 32 : i32
          %add3A_242 = arith.addi %mul3A_220, %add3A_241 : i32
          %get3A_243 = arith.index_cast %add3A_242 : i32 to index
          %get3A_244 = tpu.vector_load %arg8[%get3A_243] {strides = array<i32>} : memref<20480xf32, #tpu.memory_space<vmem>>, vector<16xf32>,
          %get3A_245 = arith.index_cast %rem3A_177 : i32 to index
          %get3A_246 = arith.index_cast %while3A_210 : i32 to index
          %get3A_247 = arith.constant 32 : index
          %get3A_248 = tpu.vector_load %arg14[%get3A_245, %get3A_246, %get3A_247] {strides = array<i32>} : memref<2x128x64xf32, #tpu.memory_space<vmem>>, vector<16xf32>,
          %max3A_249 = arith.maximumf %get3A_244, %get3A_248 : vector<16xf32>
          %swap3A_250 = arith.index_cast %add3A_242 : i32 to index
          %swap3A_251 = tpu.vector_load %arg8[%swap3A_250] {strides = array<i32>} : memref<20480xf32, #tpu.memory_space<vmem>>, vector<16xf32>,
          tpu.vector_store %arg8[%swap3A_250], %max3A_249 {strides = array<i32>} : memref<20480xf32, #tpu.memory_space<vmem>>, vector<16xf32>,
          %add3A_252 = arith.constant 48 : i32
          %add3A_253 = arith.addi %mul3A_220, %add3A_252 : i32
          %get3A_254 = arith.index_cast %add3A_253 : i32 to index
          %get3A_255 = tpu.vector_load %arg8[%get3A_254] {strides = array<i32>} : memref<20480xf32, #tpu.memory_space<vmem>>, vector<16xf32>,
          %get3A_256 = arith.index_cast %rem3A_177 : i32 to index
          %get3A_257 = arith.index_cast %while3A_210 : i32 to index
          %get3A_258 = arith.constant 48 : index
          %get3A_259 = tpu.vector_load %arg14[%get3A_256, %get3A_257, %get3A_258] {strides = array<i32>} : memref<2x128x64xf32, #tpu.memory_space<vmem>>, vector<16xf32>,
          %max3A_260 = arith.maximumf %get3A_255, %get3A_259 : vector<16xf32>
          %swap3A_261 = arith.index_cast %add3A_253 : i32 to index
          %swap3A_262 = tpu.vector_load %arg8[%swap3A_261] {strides = array<i32>} : memref<20480xf32, #tpu.memory_space<vmem>>, vector<16xf32>,
          tpu.vector_store %arg8[%swap3A_261], %max3A_260 {strides = array<i32>} : memref<20480xf32, #tpu.memory_space<vmem>>, vector<16xf32>,
          %while3A_263 = arith.constant 0 : i32
          scf.yield %while3A_263 : i32
        }
        %while3A_209 = arith.constant 0 : i32
        scf.yield %while3A_209 : i32
      }
      %scan3A_173 = arith.constant 0 : i32
      scf.yield %scan3A_173 : i32
    }
    %scan3A_48 = arith.constant 40 : i32
    %mul3A_49 = arith.constant 64 : i32
    %mul3A_50 = arith.muli %mul3A_2, %mul3A_49 : i32
    %dma_wait3A = tpu.memref_slice %arg2[%mul3A_50] : memref<655360xf32, #tpu.memory_space<hbm>> -> memref<20480xf32, #tpu.memory_space<hbm>>
    %dma_wait3A_51 = tpu.memref_slice %arg2[%mul3A_50] : memref<655360xf32, #tpu.memory_space<hbm>> -> memref<20480xf32, #tpu.memory_space<hbm>>
    tpu.wait_dma2 semaphore(%arg19 : memref<!tpu.dma_semaphore, #tpu.memory_space<semaphore_mem>>) src(%dma_wait3A_51 : memref<20480xf32, #tpu.memory_space<hbm>>) dst(%arg9 : memref<20480xf32, #tpu.memory_space<vmem>>)
    tpu.wait_dma2 semaphore(%arg19 : memref<!tpu.dma_semaphore, #tpu.memory_space<semaphore_mem>>) src(%arg6 : memref<64xf32, #tpu.memory_space<hbm>>) dst(%arg15 : memref<64xf32, #tpu.memory_space<vmem>>)
    %scan3A_52 = arith.constant 0 : i32
    %scan3A_53 = arith.constant 0 : i32
    %scan3A_54 = arith.constant 320 : i32
    %scan3A_55 = arith.addi %scan3A_53, %scan3A_54 : i32
    %scan3A_56 = arith.constant 1 : i32
    %scan3A_57 = scf.for %scan3A_61 = %scan3A_53 to %scan3A_55 step %scan3A_56 iter_args(%scan3A_62 = %scan3A_52) -> (i32)  : i32 {
      %mul3A_63 = arith.constant 64 : i32
      %mul3A_64 = arith.muli %scan3A_61, %mul3A_63 : i32
      %add3A_65 = arith.constant 0 : i32
      %add3A_66 = arith.addi %mul3A_64, %add3A_65 : i32
      %get3A = arith.index_cast %add3A_66 : i32 to index
      %get3A_67 = tpu.vector_load %arg8[%get3A] {strides = array<i32>} : memref<20480xf32, #tpu.memory_space<vmem>>, vector<16xf32>,
      %get3A_68 = arith.index_cast %add3A_66 : i32 to index
      %get3A_69 = tpu.vector_load %arg9[%get3A_68] {strides = array<i32>} : memref<20480xf32, #tpu.memory_space<vmem>>, vector<16xf32>,
      %add3A_70 = arith.addf %get3A_67, %get3A_69 : vector<16xf32>
      %get3A_71 = arith.constant 0 : index
      %get3A_72 = tpu.vector_load %arg15[%get3A_71] {strides = array<i32>} : memref<64xf32, #tpu.memory_space<vmem>>, vector<16xf32>,
      %add3A_73 = arith.addf %add3A_70, %get3A_72 : vector<16xf32>
      %max3A = arith.constant 0.000000e+00 : f32
      %max3A_74 = vector.broadcast %max3A : f32 to vector<16xf32>
      %max3A_75 = arith.maximumf %add3A_73, %max3A_74 : vector<16xf32>
      %swap3A = arith.index_cast %add3A_66 : i32 to index
      %swap3A_76 = tpu.vector_load %arg9[%swap3A] {strides = array<i32>} : memref<20480xf32, #tpu.memory_space<vmem>>, vector<16xf32>,
      tpu.vector_store %arg9[%swap3A], %max3A_75 {strides = array<i32>} : memref<20480xf32, #tpu.memory_space<vmem>>, vector<16xf32>,
      %mul3A_77 = arith.constant 64 : i32
      %mul3A_78 = arith.muli %scan3A_61, %mul3A_77 : i32
      %add3A_79 = arith.constant 16 : i32
      %add3A_80 = arith.addi %mul3A_78, %add3A_79 : i32
      %get3A_81 = arith.index_cast %add3A_80 : i32 to index
      %get3A_82 = tpu.vector_load %arg8[%get3A_81] {strides = array<i32>} : memref<20480xf32, #tpu.memory_space<vmem>>, vector<16xf32>,
      %get3A_83 = arith.index_cast %add3A_80 : i32 to index
      %get3A_84 = tpu.vector_load %arg9[%get3A_83] {strides = array<i32>} : memref<20480xf32, #tpu.memory_space<vmem>>, vector<16xf32>,
      %add3A_85 = arith.addf %get3A_82, %get3A_84 : vector<16xf32>
      %get3A_86 = arith.constant 16 : index
      %get3A_87 = tpu.vector_load %arg15[%get3A_86] {strides = array<i32>} : memref<64xf32, #tpu.memory_space<vmem>>, vector<16xf32>,
      %add3A_88 = arith.addf %add3A_85, %get3A_87 : vector<16xf32>
      %max3A_89 = arith.constant 0.000000e+00 : f32
      %max3A_90 = vector.broadcast %max3A_89 : f32 to vector<16xf32>
      %max3A_91 = arith.maximumf %add3A_88, %max3A_90 : vector<16xf32>
      %swap3A_92 = arith.index_cast %add3A_80 : i32 to index
      %swap3A_93 = tpu.vector_load %arg9[%swap3A_92] {strides = array<i32>} : memref<20480xf32, #tpu.memory_space<vmem>>, vector<16xf32>,
      tpu.vector_store %arg9[%swap3A_92], %max3A_91 {strides = array<i32>} : memref<20480xf32, #tpu.memory_space<vmem>>, vector<16xf32>,
      %mul3A_94 = arith.constant 64 : i32
      %mul3A_95 = arith.muli %scan3A_61, %mul3A_94 : i32
      %add3A_96 = arith.constant 32 : i32
      %add3A_97 = arith.addi %mul3A_95, %add3A_96 : i32
      %get3A_98 = arith.index_cast %add3A_97 : i32 to index
      %get3A_99 = tpu.vector_load %arg8[%get3A_98] {strides = array<i32>} : memref<20480xf32, #tpu.memory_space<vmem>>, vector<16xf32>,
      %get3A_100 = arith.index_cast %add3A_97 : i32 to index
      %get3A_101 = tpu.vector_load %arg9[%get3A_100] {strides = array<i32>} : memref<20480xf32, #tpu.memory_space<vmem>>, vector<16xf32>,
      %add3A_102 = arith.addf %get3A_99, %get3A_101 : vector<16xf32>
      %get3A_103 = arith.constant 32 : index
      %get3A_104 = tpu.vector_load %arg15[%get3A_103] {strides = array<i32>} : memref<64xf32, #tpu.memory_space<vmem>>, vector<16xf32>,
      %add3A_105 = arith.addf %add3A_102, %get3A_104 : vector<16xf32>
      %max3A_106 = arith.constant 0.000000e+00 : f32
      %max3A_107 = vector.broadcast %max3A_106 : f32 to vector<16xf32>
      %max3A_108 = arith.maximumf %add3A_105, %max3A_107 : vector<16xf32>
      %swap3A_109 = arith.index_cast %add3A_97 : i32 to index
      %swap3A_110 = tpu.vector_load %arg9[%swap3A_109] {strides = array<i32>} : memref<20480xf32, #tpu.memory_space<vmem>>, vector<16xf32>,
      tpu.vector_store %arg9[%swap3A_109], %max3A_108 {strides = array<i32>} : memref<20480xf32, #tpu.memory_space<vmem>>, vector<16xf32>,
      %mul3A_111 = arith.constant 64 : i32
      %mul3A_112 = arith.muli %scan3A_61, %mul3A_111 : i32
      %add3A_113 = arith.constant 48 : i32
      %add3A_114 = arith.addi %mul3A_112, %add3A_113 : i32
      %get3A_115 = arith.index_cast %add3A_114 : i32 to index
      %get3A_116 = tpu.vector_load %arg8[%get3A_115] {strides = array<i32>} : memref<20480xf32, #tpu.memory_space<vmem>>, vector<16xf32>,
      %get3A_117 = arith.index_cast %add3A_114 : i32 to index
      %get3A_118 = tpu.vector_load %arg9[%get3A_117] {strides = array<i32>} : memref<20480xf32, #tpu.memory_space<vmem>>, vector<16xf32>,
      %add3A_119 = arith.addf %get3A_116, %get3A_118 : vector<16xf32>
      %get3A_120 = arith.constant 48 : index
      %get3A_121 = tpu.vector_load %arg15[%get3A_120] {strides = array<i32>} : memref<64xf32, #tpu.memory_space<vmem>>, vector<16xf32>,
      %add3A_122 = arith.addf %add3A_119, %get3A_121 : vector<16xf32>
      %max3A_123 = arith.constant 0.000000e+00 : f32
      %max3A_124 = vector.broadcast %max3A_123 : f32 to vector<16xf32>
      %max3A_125 = arith.maximumf %add3A_122, %max3A_124 : vector<16xf32>
      %swap3A_126 = arith.index_cast %add3A_114 : i32 to index
      %swap3A_127 = tpu.vector_load %arg9[%swap3A_126] {strides = array<i32>} : memref<20480xf32, #tpu.memory_space<vmem>>, vector<16xf32>,
      tpu.vector_store %arg9[%swap3A_126], %max3A_125 {strides = array<i32>} : memref<20480xf32, #tpu.memory_space<vmem>>, vector<16xf32>,
      %scan3A_128 = arith.constant 0 : i32
      scf.yield %scan3A_128 : i32
    }
    %scan3A_58 = arith.constant 320 : i32
    %mul3A_59 = arith.constant 64 : i32
    %mul3A_60 = arith.muli %mul3A_2, %mul3A_59 : i32
    "tpu.region"() ({
      %run_scoped3A = tpu.sem_alloc : memref<!tpu.dma_semaphore, #tpu.memory_space<semaphore_mem>>
      %dma_start3A_61 = tpu.memref_slice %arg7[%mul3A_60] : memref<655360xf32, #tpu.memory_space<hbm>> -> memref<20480xf32, #tpu.memory_space<hbm>>
      %dma_start3A_62 = tpu.memref_slice %arg7[%mul3A_60] : memref<655360xf32, #tpu.memory_space<hbm>> -> memref<20480xf32, #tpu.memory_space<hbm>>
      tpu.enqueue_dma source(%arg9 : memref<20480xf32, #tpu.memory_space<vmem>>) target(%dma_start3A_62 : memref<20480xf32, #tpu.memory_space<hbm>>) target_semaphore(%run_scoped3A : memref<!tpu.dma_semaphore, #tpu.memory_space<semaphore_mem>>)
      %dma_wait3A_63 = tpu.memref_slice %arg7[%mul3A_60] : memref<655360xf32, #tpu.memory_space<hbm>> -> memref<20480xf32, #tpu.memory_space<hbm>>
      %dma_wait3A_64 = tpu.memref_slice %arg7[%mul3A_60] : memref<655360xf32, #tpu.memory_space<hbm>> -> memref<20480xf32, #tpu.memory_space<hbm>>
      tpu.wait_dma2 semaphore(%run_scoped3A : memref<!tpu.dma_semaphore, #tpu.memory_space<semaphore_mem>>) src(%arg9 : memref<20480xf32, #tpu.memory_space<vmem>>) dst(%dma_wait3A_64 : memref<20480xf32, #tpu.memory_space<hbm>>)
      tpu.yield
    }) : () -> ()
    return
  }
}

#map = affine_map<(d0, d1) -> (0)>
#map1 = affine_map<(d0, d1) -> (0, 0)>
module attributes {stable_mosaic.version = 14 : i64} {
  func.func @k(%arg0: i32, %arg1: i32, %arg2: memref<655360xf32, #tpu.memory_space<hbm>>, %arg3: memref<10240x64xf32, #tpu.memory_space<hbm>>, %arg4: memref<160000xi32, #tpu.memory_space<hbm>>, %arg5: memref<160000xi32, #tpu.memory_space<hbm>>, %arg6: memref<64xf32, #tpu.memory_space<hbm>>, %arg7: memref<655360xf32, #tpu.memory_space<hbm>>, %arg8: memref<20480xf32, #tpu.memory_space<vmem>>, %arg9: memref<20480xf32, #tpu.memory_space<vmem>>, %arg10: memref<2x4000xi32, #tpu.memory_space<vmem>>, %arg11: memref<2x4000xi32, #tpu.memory_space<vmem>>, %arg12: memref<4016xi32, #tpu.memory_space<vmem>>, %arg13: memref<4016xi32, #tpu.memory_space<vmem>>, %arg14: memref<2x128x64xf32, #tpu.memory_space<vmem>>, %arg15: memref<64xf32, #tpu.memory_space<vmem>>, %arg16: memref<20480xf32, #tpu.memory_space<vmem>>, %arg17: memref<!tpu.dma_semaphore, #tpu.memory_space<semaphore_mem>>, %arg18: memref<!tpu.dma_semaphore, #tpu.memory_space<semaphore_mem>>, %arg19: memref<!tpu.dma_semaphore, #tpu.memory_space<semaphore_mem>>) attributes {dimension_semantics = [#tpu.dimension_semantics<core_parallel>, #tpu.dimension_semantics<subcore_parallel>], iteration_bounds = array<i64: 2, 16>, scalar_prefetch = 0 : i64, scratch_operands = 12 : i64, tpu.core_type = #tpu.core_type<sc_vector_subcore>, window_params = [{transform_indices = #map}, {transform_indices = #map1}, {transform_indices = #map}, {transform_indices = #map}, {transform_indices = #map}, {transform_indices = #map}]} {
    %mul3A = arith.constant 2 : i32
    %mul3A_0 = arith.muli %arg1, %mul3A : i32
    %add3A = arith.addi %mul3A_0, %arg0 : i32
    %mul3A_1 = arith.constant 320 : i32
    %mul3A_2 = arith.muli %add3A, %mul3A_1 : i32
    %mul3A_3 = arith.constant 64 : i32
    %mul3A_4 = arith.muli %mul3A_2, %mul3A_3 : i32
    %dma_start3A = tpu.memref_slice %arg2[%mul3A_4] : memref<655360xf32, #tpu.memory_space<hbm>> -> memref<20480xf32, #tpu.memory_space<hbm>>
    %dma_start3A_5 = tpu.memref_slice %arg2[%mul3A_4] : memref<655360xf32, #tpu.memory_space<hbm>> -> memref<20480xf32, #tpu.memory_space<hbm>>
    tpu.enqueue_dma source(%dma_start3A_5 : memref<20480xf32, #tpu.memory_space<hbm>>) target(%arg9 : memref<20480xf32, #tpu.memory_space<vmem>>) target_semaphore(%arg19 : memref<!tpu.dma_semaphore, #tpu.memory_space<semaphore_mem>>)
    tpu.enqueue_dma source(%arg6 : memref<64xf32, #tpu.memory_space<hbm>>) target(%arg15 : memref<64xf32, #tpu.memory_space<vmem>>) target_semaphore(%arg19 : memref<!tpu.dma_semaphore, #tpu.memory_space<semaphore_mem>>)
    %broadcast_in_dim3A = arith.constant 0xFF800000 : f32
    %broadcast_in_dim3A_6 = vector.broadcast %broadcast_in_dim3A : f32 to vector<16xf32>
    %scan3A = arith.constant 0 : i32
    %scan3A_7 = arith.constant 0 : i32
    %scan3A_8 = arith.constant 1280 : i32
    %scan3A_9 = arith.addi %scan3A_7, %scan3A_8 : i32
    %scan3A_10 = arith.constant 1 : i32
    %scan3A_11 = scf.for %scan3A_61 = %scan3A_7 to %scan3A_9 step %scan3A_10 iter_args(%scan3A_62 = %scan3A) -> (i32)  : i32 {
      %mul3A_63 = arith.constant 16 : i32
      %mul3A_64 = arith.muli %scan3A_61, %mul3A_63 : i32
      %swap3A = arith.index_cast %mul3A_64 : i32 to index
      %swap3A_65 = tpu.vector_load %arg8[%swap3A] {strides = array<i32>} : memref<20480xf32, #tpu.memory_space<vmem>>, vector<16xf32>,
      tpu.vector_store %arg8[%swap3A], %broadcast_in_dim3A_6 {strides = array<i32>} : memref<20480xf32, #tpu.memory_space<vmem>>, vector<16xf32>,
      %scan3A_66 = arith.constant 0 : i32
      scf.yield %scan3A_66 : i32
    }
    %scan3A_12 = arith.constant 1280 : i32
    %scan3A_13 = arith.constant 0 : i32
    %scan3A_14 = arith.constant 0 : i32
    %scan3A_15 = arith.constant 251 : i32
    %scan3A_16 = arith.addi %scan3A_14, %scan3A_15 : i32
    %scan3A_17 = arith.constant 1 : i32
    %scan3A_18 = scf.for %scan3A_61 = %scan3A_14 to %scan3A_16 step %scan3A_17 iter_args(%scan3A_62 = %scan3A_13) -> (i32)  : i32 {
      %broadcast_in_dim3A_63 = arith.constant 0 : i32
      %broadcast_in_dim3A_64 = vector.broadcast %broadcast_in_dim3A_63 : i32 to vector<16xi32>
      %mul3A_65 = arith.constant 16 : i32
      %mul3A_66 = arith.muli %scan3A_61, %mul3A_65 : i32
      %swap3A = arith.index_cast %mul3A_66 : i32 to index
      %swap3A_67 = tpu.vector_load %arg12[%swap3A] {strides = array<i32>} : memref<4016xi32, #tpu.memory_space<vmem>>, vector<16xi32>,
      tpu.vector_store %arg12[%swap3A], %broadcast_in_dim3A_64 {strides = array<i32>} : memref<4016xi32, #tpu.memory_space<vmem>>, vector<16xi32>,
      %scan3A_68 = arith.constant 0 : i32
      scf.yield %scan3A_68 : i32
    }
    %scan3A_19 = arith.constant 251 : i32
    %rem3A = arith.constant 0 : i32
    %rem3A_20 = arith.constant 2 : i32
    %rem3A_21 = arith.remsi %rem3A, %rem3A_20 : i32
    %dma_start3A_22 = arith.constant 0 : i32
    %dma_start3A_23 = tpu.memref_slice %arg10[%rem3A_21, %dma_start3A_22] : memref<2x4000xi32, #tpu.memory_space<vmem>> -> memref<1x4000xi32, #tpu.memory_space<vmem>>
    %dma_start3A_24 = tpu.memref_squeeze %dma_start3A_23 : memref<1x4000xi32, #tpu.memory_space<vmem>> -> memref<4000xi32, #tpu.memory_space<vmem>>
    %dma_start3A_25 = arith.constant 0 : i32
    %dma_start3A_26 = tpu.memref_slice %arg5[%dma_start3A_25] : memref<160000xi32, #tpu.memory_space<hbm>> -> memref<4000xi32, #tpu.memory_space<hbm>>
    %dma_start3A_27 = arith.constant 0 : i32
    %dma_start3A_28 = tpu.memref_slice %arg10[%rem3A_21, %dma_start3A_27] : memref<2x4000xi32, #tpu.memory_space<vmem>> -> memref<1x4000xi32, #tpu.memory_space<vmem>>
    %dma_start3A_29 = tpu.memref_squeeze %dma_start3A_28 : memref<1x4000xi32, #tpu.memory_space<vmem>> -> memref<4000xi32, #tpu.memory_space<vmem>>
    %dma_start3A_30 = arith.constant 0 : i32
    %dma_start3A_31 = tpu.memref_slice %arg5[%dma_start3A_30] : memref<160000xi32, #tpu.memory_space<hbm>> -> memref<4000xi32, #tpu.memory_space<hbm>>
    tpu.enqueue_dma source(%dma_start3A_31 : memref<4000xi32, #tpu.memory_space<hbm>>) target(%dma_start3A_29 : memref<4000xi32, #tpu.memory_space<vmem>>) target_semaphore(%arg17 : memref<!tpu.dma_semaphore, #tpu.memory_space<semaphore_mem>>)
    %dma_start3A_32 = arith.constant 0 : i32
    %dma_start3A_33 = tpu.memref_slice %arg11[%rem3A_21, %dma_start3A_32] : memref<2x4000xi32, #tpu.memory_space<vmem>> -> memref<1x4000xi32, #tpu.memory_space<vmem>>
    %dma_start3A_34 = tpu.memref_squeeze %dma_start3A_33 : memref<1x4000xi32, #tpu.memory_space<vmem>> -> memref<4000xi32, #tpu.memory_space<vmem>>
    %dma_start3A_35 = arith.constant 0 : i32
    %dma_start3A_36 = tpu.memref_slice %arg4[%dma_start3A_35] : memref<160000xi32, #tpu.memory_space<hbm>> -> memref<4000xi32, #tpu.memory_space<hbm>>
    %dma_start3A_37 = arith.constant 0 : i32
    %dma_start3A_38 = tpu.memref_slice %arg11[%rem3A_21, %dma_start3A_37] : memref<2x4000xi32, #tpu.memory_space<vmem>> -> memref<1x4000xi32, #tpu.memory_space<vmem>>
    %dma_start3A_39 = tpu.memref_squeeze %dma_start3A_38 : memref<1x4000xi32, #tpu.memory_space<vmem>> -> memref<4000xi32, #tpu.memory_space<vmem>>
    %dma_start3A_40 = arith.constant 0 : i32
    %dma_start3A_41 = tpu.memref_slice %arg4[%dma_start3A_40] : memref<160000xi32, #tpu.memory_space<hbm>> -> memref<4000xi32, #tpu.memory_space<hbm>>
    tpu.enqueue_dma source(%dma_start3A_41 : memref<4000xi32, #tpu.memory_space<hbm>>) target(%dma_start3A_39 : memref<4000xi32, #tpu.memory_space<vmem>>) target_semaphore(%arg17 : memref<!tpu.dma_semaphore, #tpu.memory_space<semaphore_mem>>)
    %scan3A_42 = arith.constant 0 : i32
    %scan3A_43 = arith.constant 0 : i32
    %scan3A_44 = arith.constant 40 : i32
    %scan3A_45 = arith.addi %scan3A_43, %scan3A_44 : i32
    %scan3A_46 = arith.constant 1 : i32
    %scan3A_47 = scf.for %scan3A_61 = %scan3A_43 to %scan3A_45 step %scan3A_46 iter_args(%scan3A_62 = %scan3A_42) -> (i32)  : i32 {
      %rem3A_63 = arith.constant 2 : i32
      %rem3A_64 = arith.remsi %scan3A_61, %rem3A_63 : i32
      %dma_wait3A_65 = arith.constant 0 : i32
      %dma_wait3A_66 = tpu.memref_slice %arg10[%rem3A_64, %dma_wait3A_65] : memref<2x4000xi32, #tpu.memory_space<vmem>> -> memref<1x4000xi32, #tpu.memory_space<vmem>>
      %dma_wait3A_67 = tpu.memref_squeeze %dma_wait3A_66 : memref<1x4000xi32, #tpu.memory_space<vmem>> -> memref<4000xi32, #tpu.memory_space<vmem>>
      %dma_wait3A_68 = arith.constant 0 : i32
      %dma_wait3A_69 = tpu.memref_slice %arg5[%dma_wait3A_68] : memref<160000xi32, #tpu.memory_space<hbm>> -> memref<4000xi32, #tpu.memory_space<hbm>>
      %dma_wait3A_70 = arith.constant 0 : i32
      %dma_wait3A_71 = tpu.memref_slice %arg10[%rem3A_64, %dma_wait3A_70] : memref<2x4000xi32, #tpu.memory_space<vmem>> -> memref<1x4000xi32, #tpu.memory_space<vmem>>
      %dma_wait3A_72 = tpu.memref_squeeze %dma_wait3A_71 : memref<1x4000xi32, #tpu.memory_space<vmem>> -> memref<4000xi32, #tpu.memory_space<vmem>>
      %dma_wait3A_73 = arith.constant 0 : i32
      %dma_wait3A_74 = tpu.memref_slice %arg5[%dma_wait3A_73] : memref<160000xi32, #tpu.memory_space<hbm>> -> memref<4000xi32, #tpu.memory_space<hbm>>
      tpu.wait_dma2 semaphore(%arg17 : memref<!tpu.dma_semaphore, #tpu.memory_space<semaphore_mem>>) src(%dma_wait3A_74 : memref<4000xi32, #tpu.memory_space<hbm>>) dst(%dma_wait3A_72 : memref<4000xi32, #tpu.memory_space<vmem>>)
      %dma_wait3A_75 = arith.constant 0 : i32
      %dma_wait3A_76 = tpu.memref_slice %arg11[%rem3A_64, %dma_wait3A_75] : memref<2x4000xi32, #tpu.memory_space<vmem>> -> memref<1x4000xi32, #tpu.memory_space<vmem>>
      %dma_wait3A_77 = tpu.memref_squeeze %dma_wait3A_76 : memref<1x4000xi32, #tpu.memory_space<vmem>> -> memref<4000xi32, #tpu.memory_space<vmem>>
      %dma_wait3A_78 = arith.constant 0 : i32
      %dma_wait3A_79 = tpu.memref_slice %arg4[%dma_wait3A_78] : memref<160000xi32, #tpu.memory_space<hbm>> -> memref<4000xi32, #tpu.memory_space<hbm>>
      %dma_wait3A_80 = arith.constant 0 : i32
      %dma_wait3A_81 = tpu.memref_slice %arg11[%rem3A_64, %dma_wait3A_80] : memref<2x4000xi32, #tpu.memory_space<vmem>> -> memref<1x4000xi32, #tpu.memory_space<vmem>>
      %dma_wait3A_82 = tpu.memref_squeeze %dma_wait3A_81 : memref<1x4000xi32, #tpu.memory_space<vmem>> -> memref<4000xi32, #tpu.memory_space<vmem>>
      %dma_wait3A_83 = arith.constant 0 : i32
      %dma_wait3A_84 = tpu.memref_slice %arg4[%dma_wait3A_83] : memref<160000xi32, #tpu.memory_space<hbm>> -> memref<4000xi32, #tpu.memory_space<hbm>>
      tpu.wait_dma2 semaphore(%arg17 : memref<!tpu.dma_semaphore, #tpu.memory_space<semaphore_mem>>) src(%dma_wait3A_84 : memref<4000xi32, #tpu.memory_space<hbm>>) dst(%dma_wait3A_82 : memref<4000xi32, #tpu.memory_space<vmem>>)
      %add3A_85 = arith.constant 1 : i32
      %add3A_86 = arith.addi %scan3A_61, %add3A_85 : i32
      %lt3A = arith.constant 40 : i32
      %lt3A_87 = arith.cmpi slt, %add3A_86, %lt3A : i32
      %convert_element_type3A = arith.extui %lt3A_87 : i1 to i32
      %cond3A = arith.constant 0 : i32
      %cond3A_88 = arith.cmpi ne, %convert_element_type3A, %cond3A : i32
      scf.if %cond3A_88 {
        %add3A_174 = arith.constant 1 : i32
        %add3A_175 = arith.addi %scan3A_61, %add3A_174 : i32
        %rem3A_176 = arith.constant 2 : i32
        %rem3A_177 = arith.remsi %add3A_175, %rem3A_176 : i32
        %mul3A_178 = arith.constant 4000 : i32
        %mul3A_179 = arith.muli %add3A_175, %mul3A_178 : i32
        %dma_start3A_180 = arith.constant 0 : i32
        %dma_start3A_181 = tpu.memref_slice %arg10[%rem3A_177, %dma_start3A_180] : memref<2x4000xi32, #tpu.memory_space<vmem>> -> memref<1x4000xi32, #tpu.memory_space<vmem>>
        %dma_start3A_182 = tpu.memref_squeeze %dma_start3A_181 : memref<1x4000xi32, #tpu.memory_space<vmem>> -> memref<4000xi32, #tpu.memory_space<vmem>>
        %dma_start3A_183 = tpu.memref_slice %arg5[%mul3A_179] : memref<160000xi32, #tpu.memory_space<hbm>> -> memref<4000xi32, #tpu.memory_space<hbm>>
        %dma_start3A_184 = arith.constant 0 : i32
        %dma_start3A_185 = tpu.memref_slice %arg10[%rem3A_177, %dma_start3A_184] : memref<2x4000xi32, #tpu.memory_space<vmem>> -> memref<1x4000xi32, #tpu.memory_space<vmem>>
        %dma_start3A_186 = tpu.memref_squeeze %dma_start3A_185 : memref<1x4000xi32, #tpu.memory_space<vmem>> -> memref<4000xi32, #tpu.memory_space<vmem>>
        %dma_start3A_187 = tpu.memref_slice %arg5[%mul3A_179] : memref<160000xi32, #tpu.memory_space<hbm>> -> memref<4000xi32, #tpu.memory_space<hbm>>
        tpu.enqueue_dma source(%dma_start3A_187 : memref<4000xi32, #tpu.memory_space<hbm>>) target(%dma_start3A_186 : memref<4000xi32, #tpu.memory_space<vmem>>) target_semaphore(%arg17 : memref<!tpu.dma_semaphore, #tpu.memory_space<semaphore_mem>>)
        %mul3A_188 = arith.constant 4000 : i32
        %mul3A_189 = arith.muli %add3A_175, %mul3A_188 : i32
        %dma_start3A_190 = arith.constant 0 : i32
        %dma_start3A_191 = tpu.memref_slice %arg11[%rem3A_177, %dma_start3A_190] : memref<2x4000xi32, #tpu.memory_space<vmem>> -> memref<1x4000xi32, #tpu.memory_space<vmem>>
        %dma_start3A_192 = tpu.memref_squeeze %dma_start3A_191 : memref<1x4000xi32, #tpu.memory_space<vmem>> -> memref<4000xi32, #tpu.memory_space<vmem>>
        %dma_start3A_193 = tpu.memref_slice %arg4[%mul3A_189] : memref<160000xi32, #tpu.memory_space<hbm>> -> memref<4000xi32, #tpu.memory_space<hbm>>
        %dma_start3A_194 = arith.constant 0 : i32
        %dma_start3A_195 = tpu.memref_slice %arg11[%rem3A_177, %dma_start3A_194] : memref<2x4000xi32, #tpu.memory_space<vmem>> -> memref<1x4000xi32, #tpu.memory_space<vmem>>
        %dma_start3A_196 = tpu.memref_squeeze %dma_start3A_195 : memref<1x4000xi32, #tpu.memory_space<vmem>> -> memref<4000xi32, #tpu.memory_space<vmem>>
        %dma_start3A_197 = tpu.memref_slice %arg4[%mul3A_189] : memref<160000xi32, #tpu.memory_space<hbm>> -> memref<4000xi32, #tpu.memory_space<hbm>>
        tpu.enqueue_dma source(%dma_start3A_197 : memref<4000xi32, #tpu.memory_space<hbm>>) target(%dma_start3A_196 : memref<4000xi32, #tpu.memory_space<vmem>>) target_semaphore(%arg17 : memref<!tpu.dma_semaphore, #tpu.memory_space<semaphore_mem>>)
      } else {
      }
      %scan3A_89 = arith.constant 0 : i32
      %scan3A_90 = arith.constant 0 : i32
      %scan3A_91 = arith.constant 248 : i32
      %scan3A_92 = arith.addi %scan3A_90, %scan3A_91 : i32
      %scan3A_93 = arith.constant 4 : i32
      %scan3A_94 = scf.for %scan3A_174 = %scan3A_90 to %scan3A_92 step %scan3A_93 iter_args(%scan3A_175 = %scan3A_89) -> (i32)  : i32 {
        %mul3A_176 = arith.constant 16 : i32
        %mul3A_177 = arith.muli %scan3A_174, %mul3A_176 : i32
        %get3A_178 = arith.index_cast %rem3A_64 : i32 to index
        %get3A_179 = arith.index_cast %mul3A_177 : i32 to index
        %get3A_180 = tpu.vector_load %arg10[%get3A_178, %get3A_179] {strides = array<i32>} : memref<2x4000xi32, #tpu.memory_space<vmem>>, vector<16xi32>,
        %mul3A_181 = arith.constant 16 : i32
        %mul3A_182 = arith.muli %scan3A_174, %mul3A_181 : i32
        %get3A_183 = arith.index_cast %rem3A_64 : i32 to index
        %get3A_184 = arith.index_cast %mul3A_182 : i32 to index
        %get3A_185 = tpu.vector_load %arg11[%get3A_183, %get3A_184] {strides = array<i32>} : memref<2x4000xi32, #tpu.memory_space<vmem>>, vector<16xi32>,
        %sub3A_186 = vector.broadcast %mul3A_2 : i32 to vector<16xi32>
        %sub3A_187 = arith.subi %get3A_180, %sub3A_186 : vector<16xi32>
        %ge3A_188 = arith.constant 0 : i32
        %ge3A_189 = vector.broadcast %ge3A_188 : i32 to vector<16xi32>
        %ge3A_190 = arith.cmpi sge, %sub3A_187, %ge3A_189 : vector<16xi32>
        %lt3A_191 = arith.constant 320 : i32
        %lt3A_192 = vector.broadcast %lt3A_191 : i32 to vector<16xi32>
        %lt3A_193 = arith.cmpi slt, %sub3A_187, %lt3A_192 : vector<16xi32>
        %and3A_194 = arith.andi %ge3A_190, %lt3A_193 : vector<16xi1>
        %convert_element_type3A_195 = arith.extui %and3A_194 : vector<16xi1> to vector<16xi32>
        %broadcast_in_dim3A_196 = arith.constant true
        %broadcast_in_dim3A_197 = vector.broadcast %broadcast_in_dim3A_196 : i1 to vector<16xi1>
        %masked_cumsum3A_198 = tpu.scan <sum>, %convert_element_type3A_195 masked %broadcast_in_dim3A_197 : vector<16xi32>, vector<16xi1> -> vector<16xi32>
        %add3A_199 = vector.broadcast %scan3A_175 : i32 to vector<16xi32>
        %add3A_200 = arith.addi %add3A_199, %masked_cumsum3A_198 : vector<16xi32>
        %sub3A_201 = arith.constant 1 : i32
        %sub3A_202 = vector.broadcast %sub3A_201 : i32 to vector<16xi32>
        %sub3A_203 = arith.subi %add3A_200, %sub3A_202 : vector<16xi32>
        tpu.vector_store_idx %arg12[%sub3A_203], %get3A_185 masked %and3A_194 : memref<4016xi32, #tpu.memory_space<vmem>>[vector<16xi32>], vector<16xi32>, vector<16xi1>
        tpu.vector_store_idx %arg13[%sub3A_203], %sub3A_187 masked %and3A_194 : memref<4016xi32, #tpu.memory_space<vmem>>[vector<16xi32>], vector<16xi32>, vector<16xi1>
        %slice3A_204 = vector.extract_strided_slice %masked_cumsum3A_198 {offsets = [15], sizes = [1], strides = [1]} : vector<16xi32> to vector<1xi32>
        %squeeze3A_205 = vector.extract %slice3A_204[0] : i32 from vector<1xi32>
        %add3A_206 = arith.addi %scan3A_175, %squeeze3A_205 : i32
        %scan3A_207 = arith.constant 1 : i32
        %scan3A_208 = arith.addi %scan3A_174, %scan3A_207 : i32
        %mul3A_209 = arith.constant 16 : i32
        %mul3A_210 = arith.muli %scan3A_208, %mul3A_209 : i32
        %get3A_211 = arith.index_cast %rem3A_64 : i32 to index
        %get3A_212 = arith.index_cast %mul3A_210 : i32 to index
        %get3A_213 = tpu.vector_load %arg10[%get3A_211, %get3A_212] {strides = array<i32>} : memref<2x4000xi32, #tpu.memory_space<vmem>>, vector<16xi32>,
        %mul3A_214 = arith.constant 16 : i32
        %mul3A_215 = arith.muli %scan3A_208, %mul3A_214 : i32
        %get3A_216 = arith.index_cast %rem3A_64 : i32 to index
        %get3A_217 = arith.index_cast %mul3A_215 : i32 to index
        %get3A_218 = tpu.vector_load %arg11[%get3A_216, %get3A_217] {strides = array<i32>} : memref<2x4000xi32, #tpu.memory_space<vmem>>, vector<16xi32>,
        %sub3A_219 = vector.broadcast %mul3A_2 : i32 to vector<16xi32>
        %sub3A_220 = arith.subi %get3A_213, %sub3A_219 : vector<16xi32>
        %ge3A_221 = arith.constant 0 : i32
        %ge3A_222 = vector.broadcast %ge3A_221 : i32 to vector<16xi32>
        %ge3A_223 = arith.cmpi sge, %sub3A_220, %ge3A_222 : vector<16xi32>
        %lt3A_224 = arith.constant 320 : i32
        %lt3A_225 = vector.broadcast %lt3A_224 : i32 to vector<16xi32>
        %lt3A_226 = arith.cmpi slt, %sub3A_220, %lt3A_225 : vector<16xi32>
        %and3A_227 = arith.andi %ge3A_223, %lt3A_226 : vector<16xi1>
        %convert_element_type3A_228 = arith.extui %and3A_227 : vector<16xi1> to vector<16xi32>
        %broadcast_in_dim3A_229 = arith.constant true
        %broadcast_in_dim3A_230 = vector.broadcast %broadcast_in_dim3A_229 : i1 to vector<16xi1>
        %masked_cumsum3A_231 = tpu.scan <sum>, %convert_element_type3A_228 masked %broadcast_in_dim3A_230 : vector<16xi32>, vector<16xi1> -> vector<16xi32>
        %add3A_232 = vector.broadcast %add3A_206 : i32 to vector<16xi32>
        %add3A_233 = arith.addi %add3A_232, %masked_cumsum3A_231 : vector<16xi32>
        %sub3A_234 = arith.constant 1 : i32
        %sub3A_235 = vector.broadcast %sub3A_234 : i32 to vector<16xi32>
        %sub3A_236 = arith.subi %add3A_233, %sub3A_235 : vector<16xi32>
        tpu.vector_store_idx %arg12[%sub3A_236], %get3A_218 masked %and3A_227 : memref<4016xi32, #tpu.memory_space<vmem>>[vector<16xi32>], vector<16xi32>, vector<16xi1>
        tpu.vector_store_idx %arg13[%sub3A_236], %sub3A_220 masked %and3A_227 : memref<4016xi32, #tpu.memory_space<vmem>>[vector<16xi32>], vector<16xi32>, vector<16xi1>
        %slice3A_237 = vector.extract_strided_slice %masked_cumsum3A_231 {offsets = [15], sizes = [1], strides = [1]} : vector<16xi32> to vector<1xi32>
        %squeeze3A_238 = vector.extract %slice3A_237[0] : i32 from vector<1xi32>
        %add3A_239 = arith.addi %add3A_206, %squeeze3A_238 : i32
        %scan3A_240 = arith.constant 2 : i32
        %scan3A_241 = arith.addi %scan3A_174, %scan3A_240 : i32
        %mul3A_242 = arith.constant 16 : i32
        %mul3A_243 = arith.muli %scan3A_241, %mul3A_242 : i32
        %get3A_244 = arith.index_cast %rem3A_64 : i32 to index
        %get3A_245 = arith.index_cast %mul3A_243 : i32 to index
        %get3A_246 = tpu.vector_load %arg10[%get3A_244, %get3A_245] {strides = array<i32>} : memref<2x4000xi32, #tpu.memory_space<vmem>>, vector<16xi32>,
        %mul3A_247 = arith.constant 16 : i32
        %mul3A_248 = arith.muli %scan3A_241, %mul3A_247 : i32
        %get3A_249 = arith.index_cast %rem3A_64 : i32 to index
        %get3A_250 = arith.index_cast %mul3A_248 : i32 to index
        %get3A_251 = tpu.vector_load %arg11[%get3A_249, %get3A_250] {strides = array<i32>} : memref<2x4000xi32, #tpu.memory_space<vmem>>, vector<16xi32>,
        %sub3A_252 = vector.broadcast %mul3A_2 : i32 to vector<16xi32>
        %sub3A_253 = arith.subi %get3A_246, %sub3A_252 : vector<16xi32>
        %ge3A_254 = arith.constant 0 : i32
        %ge3A_255 = vector.broadcast %ge3A_254 : i32 to vector<16xi32>
        %ge3A_256 = arith.cmpi sge, %sub3A_253, %ge3A_255 : vector<16xi32>
        %lt3A_257 = arith.constant 320 : i32
        %lt3A_258 = vector.broadcast %lt3A_257 : i32 to vector<16xi32>
        %lt3A_259 = arith.cmpi slt, %sub3A_253, %lt3A_258 : vector<16xi32>
        %and3A_260 = arith.andi %ge3A_256, %lt3A_259 : vector<16xi1>
        %convert_element_type3A_261 = arith.extui %and3A_260 : vector<16xi1> to vector<16xi32>
        %broadcast_in_dim3A_262 = arith.constant true
        %broadcast_in_dim3A_263 = vector.broadcast %broadcast_in_dim3A_262 : i1 to vector<16xi1>
        %masked_cumsum3A_264 = tpu.scan <sum>, %convert_element_type3A_261 masked %broadcast_in_dim3A_263 : vector<16xi32>, vector<16xi1> -> vector<16xi32>
        %add3A_265 = vector.broadcast %add3A_239 : i32 to vector<16xi32>
        %add3A_266 = arith.addi %add3A_265, %masked_cumsum3A_264 : vector<16xi32>
        %sub3A_267 = arith.constant 1 : i32
        %sub3A_268 = vector.broadcast %sub3A_267 : i32 to vector<16xi32>
        %sub3A_269 = arith.subi %add3A_266, %sub3A_268 : vector<16xi32>
        tpu.vector_store_idx %arg12[%sub3A_269], %get3A_251 masked %and3A_260 : memref<4016xi32, #tpu.memory_space<vmem>>[vector<16xi32>], vector<16xi32>, vector<16xi1>
        tpu.vector_store_idx %arg13[%sub3A_269], %sub3A_253 masked %and3A_260 : memref<4016xi32, #tpu.memory_space<vmem>>[vector<16xi32>], vector<16xi32>, vector<16xi1>
        %slice3A_270 = vector.extract_strided_slice %masked_cumsum3A_264 {offsets = [15], sizes = [1], strides = [1]} : vector<16xi32> to vector<1xi32>
        %squeeze3A_271 = vector.extract %slice3A_270[0] : i32 from vector<1xi32>
        %add3A_272 = arith.addi %add3A_239, %squeeze3A_271 : i32
        %scan3A_273 = arith.constant 3 : i32
        %scan3A_274 = arith.addi %scan3A_174, %scan3A_273 : i32
        %mul3A_275 = arith.constant 16 : i32
        %mul3A_276 = arith.muli %scan3A_274, %mul3A_275 : i32
        %get3A_277 = arith.index_cast %rem3A_64 : i32 to index
        %get3A_278 = arith.index_cast %mul3A_276 : i32 to index
        %get3A_279 = tpu.vector_load %arg10[%get3A_277, %get3A_278] {strides = array<i32>} : memref<2x4000xi32, #tpu.memory_space<vmem>>, vector<16xi32>,
        %mul3A_280 = arith.constant 16 : i32
        %mul3A_281 = arith.muli %scan3A_274, %mul3A_280 : i32
        %get3A_282 = arith.index_cast %rem3A_64 : i32 to index
        %get3A_283 = arith.index_cast %mul3A_281 : i32 to index
        %get3A_284 = tpu.vector_load %arg11[%get3A_282, %get3A_283] {strides = array<i32>} : memref<2x4000xi32, #tpu.memory_space<vmem>>, vector<16xi32>,
        %sub3A_285 = vector.broadcast %mul3A_2 : i32 to vector<16xi32>
        %sub3A_286 = arith.subi %get3A_279, %sub3A_285 : vector<16xi32>
        %ge3A_287 = arith.constant 0 : i32
        %ge3A_288 = vector.broadcast %ge3A_287 : i32 to vector<16xi32>
        %ge3A_289 = arith.cmpi sge, %sub3A_286, %ge3A_288 : vector<16xi32>
        %lt3A_290 = arith.constant 320 : i32
        %lt3A_291 = vector.broadcast %lt3A_290 : i32 to vector<16xi32>
        %lt3A_292 = arith.cmpi slt, %sub3A_286, %lt3A_291 : vector<16xi32>
        %and3A_293 = arith.andi %ge3A_289, %lt3A_292 : vector<16xi1>
        %convert_element_type3A_294 = arith.extui %and3A_293 : vector<16xi1> to vector<16xi32>
        %broadcast_in_dim3A_295 = arith.constant true
        %broadcast_in_dim3A_296 = vector.broadcast %broadcast_in_dim3A_295 : i1 to vector<16xi1>
        %masked_cumsum3A_297 = tpu.scan <sum>, %convert_element_type3A_294 masked %broadcast_in_dim3A_296 : vector<16xi32>, vector<16xi1> -> vector<16xi32>
        %add3A_298 = vector.broadcast %add3A_272 : i32 to vector<16xi32>
        %add3A_299 = arith.addi %add3A_298, %masked_cumsum3A_297 : vector<16xi32>
        %sub3A_300 = arith.constant 1 : i32
        %sub3A_301 = vector.broadcast %sub3A_300 : i32 to vector<16xi32>
        %sub3A_302 = arith.subi %add3A_299, %sub3A_301 : vector<16xi32>
        tpu.vector_store_idx %arg12[%sub3A_302], %get3A_284 masked %and3A_293 : memref<4016xi32, #tpu.memory_space<vmem>>[vector<16xi32>], vector<16xi32>, vector<16xi1>
        tpu.vector_store_idx %arg13[%sub3A_302], %sub3A_286 masked %and3A_293 : memref<4016xi32, #tpu.memory_space<vmem>>[vector<16xi32>], vector<16xi32>, vector<16xi1>
        %slice3A_303 = vector.extract_strided_slice %masked_cumsum3A_297 {offsets = [15], sizes = [1], strides = [1]} : vector<16xi32> to vector<1xi32>
        %squeeze3A_304 = vector.extract %slice3A_303[0] : i32 from vector<1xi32>
        %add3A_305 = arith.addi %add3A_272, %squeeze3A_304 : i32
        scf.yield %add3A_305 : i32
      }
      %scan3A_95 = arith.constant 248 : i32
      %scan3A_96 = arith.addi %scan3A_90, %scan3A_95 : i32
      %mul3A_97 = arith.constant 16 : i32
      %mul3A_98 = arith.muli %scan3A_96, %mul3A_97 : i32
      %get3A = arith.index_cast %rem3A_64 : i32 to index
      %get3A_99 = arith.index_cast %mul3A_98 : i32 to index
      %get3A_100 = tpu.vector_load %arg10[%get3A, %get3A_99] {strides = array<i32>} : memref<2x4000xi32, #tpu.memory_space<vmem>>, vector<16xi32>,
      %mul3A_101 = arith.constant 16 : i32
      %mul3A_102 = arith.muli %scan3A_96, %mul3A_101 : i32
      %get3A_103 = arith.index_cast %rem3A_64 : i32 to index
      %get3A_104 = arith.index_cast %mul3A_102 : i32 to index
      %get3A_105 = tpu.vector_load %arg11[%get3A_103, %get3A_104] {strides = array<i32>} : memref<2x4000xi32, #tpu.memory_space<vmem>>, vector<16xi32>,
      %sub3A = vector.broadcast %mul3A_2 : i32 to vector<16xi32>
      %sub3A_106 = arith.subi %get3A_100, %sub3A : vector<16xi32>
      %ge3A = arith.constant 0 : i32
      %ge3A_107 = vector.broadcast %ge3A : i32 to vector<16xi32>
      %ge3A_108 = arith.cmpi sge, %sub3A_106, %ge3A_107 : vector<16xi32>
      %lt3A_109 = arith.constant 320 : i32
      %lt3A_110 = vector.broadcast %lt3A_109 : i32 to vector<16xi32>
      %lt3A_111 = arith.cmpi slt, %sub3A_106, %lt3A_110 : vector<16xi32>
      %and3A = arith.andi %ge3A_108, %lt3A_111 : vector<16xi1>
      %convert_element_type3A_112 = arith.extui %and3A : vector<16xi1> to vector<16xi32>
      %broadcast_in_dim3A_113 = arith.constant true
      %broadcast_in_dim3A_114 = vector.broadcast %broadcast_in_dim3A_113 : i1 to vector<16xi1>
      %masked_cumsum3A = tpu.scan <sum>, %convert_element_type3A_112 masked %broadcast_in_dim3A_114 : vector<16xi32>, vector<16xi1> -> vector<16xi32>
      %add3A_115 = vector.broadcast %scan3A_94 : i32 to vector<16xi32>
      %add3A_116 = arith.addi %add3A_115, %masked_cumsum3A : vector<16xi32>
      %sub3A_117 = arith.constant 1 : i32
      %sub3A_118 = vector.broadcast %sub3A_117 : i32 to vector<16xi32>
      %sub3A_119 = arith.subi %add3A_116, %sub3A_118 : vector<16xi32>
      tpu.vector_store_idx %arg12[%sub3A_119], %get3A_105 masked %and3A : memref<4016xi32, #tpu.memory_space<vmem>>[vector<16xi32>], vector<16xi32>, vector<16xi1>
      tpu.vector_store_idx %arg13[%sub3A_119], %sub3A_106 masked %and3A : memref<4016xi32, #tpu.memory_space<vmem>>[vector<16xi32>], vector<16xi32>, vector<16xi1>
      %slice3A = vector.extract_strided_slice %masked_cumsum3A {offsets = [15], sizes = [1], strides = [1]} : vector<16xi32> to vector<1xi32>
      %squeeze3A = vector.extract %slice3A[0] : i32 from vector<1xi32>
      %add3A_120 = arith.addi %scan3A_94, %squeeze3A : i32
      %scan3A_121 = arith.constant 249 : i32
      %scan3A_122 = arith.addi %scan3A_90, %scan3A_121 : i32
      %mul3A_123 = arith.constant 16 : i32
      %mul3A_124 = arith.muli %scan3A_122, %mul3A_123 : i32
      %get3A_125 = arith.index_cast %rem3A_64 : i32 to index
      %get3A_126 = arith.index_cast %mul3A_124 : i32 to index
      %get3A_127 = tpu.vector_load %arg10[%get3A_125, %get3A_126] {strides = array<i32>} : memref<2x4000xi32, #tpu.memory_space<vmem>>, vector<16xi32>,
      %mul3A_128 = arith.constant 16 : i32
      %mul3A_129 = arith.muli %scan3A_122, %mul3A_128 : i32
      %get3A_130 = arith.index_cast %rem3A_64 : i32 to index
      %get3A_131 = arith.index_cast %mul3A_129 : i32 to index
      %get3A_132 = tpu.vector_load %arg11[%get3A_130, %get3A_131] {strides = array<i32>} : memref<2x4000xi32, #tpu.memory_space<vmem>>, vector<16xi32>,
      %sub3A_133 = vector.broadcast %mul3A_2 : i32 to vector<16xi32>
      %sub3A_134 = arith.subi %get3A_127, %sub3A_133 : vector<16xi32>
      %ge3A_135 = arith.constant 0 : i32
      %ge3A_136 = vector.broadcast %ge3A_135 : i32 to vector<16xi32>
      %ge3A_137 = arith.cmpi sge, %sub3A_134, %ge3A_136 : vector<16xi32>
      %lt3A_138 = arith.constant 320 : i32
      %lt3A_139 = vector.broadcast %lt3A_138 : i32 to vector<16xi32>
      %lt3A_140 = arith.cmpi slt, %sub3A_134, %lt3A_139 : vector<16xi32>
      %and3A_141 = arith.andi %ge3A_137, %lt3A_140 : vector<16xi1>
      %convert_element_type3A_142 = arith.extui %and3A_141 : vector<16xi1> to vector<16xi32>
      %broadcast_in_dim3A_143 = arith.constant true
      %broadcast_in_dim3A_144 = vector.broadcast %broadcast_in_dim3A_143 : i1 to vector<16xi1>
      %masked_cumsum3A_145 = tpu.scan <sum>, %convert_element_type3A_142 masked %broadcast_in_dim3A_144 : vector<16xi32>, vector<16xi1> -> vector<16xi32>
      %add3A_146 = vector.broadcast %add3A_120 : i32 to vector<16xi32>
      %add3A_147 = arith.addi %add3A_146, %masked_cumsum3A_145 : vector<16xi32>
      %sub3A_148 = arith.constant 1 : i32
      %sub3A_149 = vector.broadcast %sub3A_148 : i32 to vector<16xi32>
      %sub3A_150 = arith.subi %add3A_147, %sub3A_149 : vector<16xi32>
      tpu.vector_store_idx %arg12[%sub3A_150], %get3A_132 masked %and3A_141 : memref<4016xi32, #tpu.memory_space<vmem>>[vector<16xi32>], vector<16xi32>, vector<16xi1>
      tpu.vector_store_idx %arg13[%sub3A_150], %sub3A_134 masked %and3A_141 : memref<4016xi32, #tpu.memory_space<vmem>>[vector<16xi32>], vector<16xi32>, vector<16xi1>
      %slice3A_151 = vector.extract_strided_slice %masked_cumsum3A_145 {offsets = [15], sizes = [1], strides = [1]} : vector<16xi32> to vector<1xi32>
      %squeeze3A_152 = vector.extract %slice3A_151[0] : i32 from vector<1xi32>
      %add3A_153 = arith.addi %add3A_120, %squeeze3A_152 : i32
      %scan3A_154 = arith.constant 250 : i32
      %add3A_155 = arith.constant 127 : i32
      %add3A_156 = arith.addi %add3A_153, %add3A_155 : i32
      %div3A = arith.constant 128 : i32
      %div3A_157 = arith.divsi %add3A_156, %div3A : i32
      %gt3A = arith.constant 0 : i32
      %gt3A_158 = arith.cmpi sgt, %div3A_157, %gt3A : i32
      %convert_element_type3A_159 = arith.extui %gt3A_158 : i1 to i32
      %cond3A_160 = arith.constant 0 : i32
      %cond3A_161 = arith.cmpi ne, %convert_element_type3A_159, %cond3A_160 : i32
      scf.if %cond3A_161 {
        %rem3A_174 = arith.constant 0 : i32
        %rem3A_175 = arith.constant 2 : i32
        %rem3A_176 = arith.remsi %rem3A_174, %rem3A_175 : i32
        %dma_start3A_177 = arith.constant 0 : i32
        %dma_start3A_178 = arith.constant 0 : i32
        %dma_start3A_179 = tpu.memref_slice %arg14[%rem3A_176, %dma_start3A_177, %dma_start3A_178] : memref<2x128x64xf32, #tpu.memory_space<vmem>> -> memref<1x128x64xf32, #tpu.memory_space<vmem>>
        %dma_start3A_180 = tpu.memref_squeeze %dma_start3A_179 : memref<1x128x64xf32, #tpu.memory_space<vmem>> -> memref<128x64xf32, #tpu.memory_space<vmem>>
        %dma_start3A_181 = arith.constant 0 : i32
        %dma_start3A_182 = tpu.memref_slice %arg12[%dma_start3A_181] : memref<4016xi32, #tpu.memory_space<vmem>> -> memref<128xi32, #tpu.memory_space<vmem>>
        %dma_start3A_183 = arith.constant 0 : i32
        %dma_start3A_184 = arith.constant 0 : i32
        %dma_start3A_185 = tpu.memref_slice %arg3[%dma_start3A_183, %dma_start3A_184] : memref<10240x64xf32, #tpu.memory_space<hbm>> -> memref<10240x64xf32, #tpu.memory_space<hbm>>
        tpu.enqueue_indirect_dma source(%dma_start3A_185 : memref<10240x64xf32, #tpu.memory_space<hbm>>) target(%dma_start3A_180 : memref<128x64xf32, #tpu.memory_space<vmem>>) offsets(%dma_start3A_182 : memref<128xi32, #tpu.memory_space<vmem>>) semaphore(%arg18 : memref<!tpu.dma_semaphore, #tpu.memory_space<semaphore_mem>>)
      } else {
      }
      %while3A = arith.constant 0 : i32
      %while3A_162 = arith.constant 0 : i32
      %while3A_163 = arith.subi %div3A_157, %while3A : i32
      %while3A_164 = arith.addi %while3A, %while3A_163 : i32
      %while3A_165 = arith.constant 1 : i32
      %while3A_166 = arith.divsi %while3A_163, %while3A_165 : i32
      %while3A_167 = arith.muli %while3A_166, %while3A_165 : i32
      %while3A_168 = arith.addi %while3A, %while3A_167 : i32
      %while3A_169 = arith.constant 1 : i32
      %while3A_170 = scf.for %while3A_174 = %while3A to %while3A_168 step %while3A_169 iter_args(%while3A_175 = %while3A_162) -> (i32)  : i32 {
        %rem3A_176 = arith.constant 2 : i32
        %rem3A_177 = arith.remsi %while3A_174, %rem3A_176 : i32
        %dma_wait3A_178 = arith.constant 0 : i32
        %dma_wait3A_179 = arith.constant 0 : i32
        %dma_wait3A_180 = tpu.memref_slice %arg14[%rem3A_177, %dma_wait3A_178, %dma_wait3A_179] : memref<2x128x64xf32, #tpu.memory_space<vmem>> -> memref<1x128x64xf32, #tpu.memory_space<vmem>>
        %dma_wait3A_181 = tpu.memref_squeeze %dma_wait3A_180 : memref<1x128x64xf32, #tpu.memory_space<vmem>> -> memref<128x64xf32, #tpu.memory_space<vmem>>
        %dma_wait3A_182 = arith.constant 0 : i32
        %dma_wait3A_183 = tpu.memref_slice %arg12[%dma_wait3A_182] : memref<4016xi32, #tpu.memory_space<vmem>> -> memref<128xi32, #tpu.memory_space<vmem>>
        %dma_wait3A_184 = arith.constant 0 : i32
        %dma_wait3A_185 = arith.constant 0 : i32
        %dma_wait3A_186 = tpu.memref_slice %arg3[%dma_wait3A_184, %dma_wait3A_185] : memref<10240x64xf32, #tpu.memory_space<hbm>> -> memref<10240x64xf32, #tpu.memory_space<hbm>>
        tpu.wait_indirect_dma semaphore(%arg18 : memref<!tpu.dma_semaphore, #tpu.memory_space<semaphore_mem>>) src(%dma_wait3A_186 : memref<10240x64xf32, #tpu.memory_space<hbm>>) dst(%dma_wait3A_181 : memref<128x64xf32, #tpu.memory_space<vmem>>)
        %add3A_187 = arith.constant 1 : i32
        %add3A_188 = arith.addi %while3A_174, %add3A_187 : i32
        %lt3A_189 = arith.cmpi slt, %add3A_188, %div3A_157 : i32
        %convert_element_type3A_190 = arith.extui %lt3A_189 : i1 to i32
        %cond3A_191 = arith.constant 0 : i32
        %cond3A_192 = arith.cmpi ne, %convert_element_type3A_190, %cond3A_191 : i32
        scf.if %cond3A_192 {
          %add3A_210 = arith.constant 1 : i32
          %add3A_211 = arith.addi %while3A_174, %add3A_210 : i32
          %mul3A_212 = arith.constant 128 : i32
          %mul3A_213 = arith.muli %add3A_211, %mul3A_212 : i32
          %rem3A_214 = arith.constant 2 : i32
          %rem3A_215 = arith.remsi %add3A_211, %rem3A_214 : i32
          %dma_start3A_216 = arith.constant 0 : i32
          %dma_start3A_217 = arith.constant 0 : i32
          %dma_start3A_218 = tpu.memref_slice %arg14[%rem3A_215, %dma_start3A_216, %dma_start3A_217] : memref<2x128x64xf32, #tpu.memory_space<vmem>> -> memref<1x128x64xf32, #tpu.memory_space<vmem>>
          %dma_start3A_219 = tpu.memref_squeeze %dma_start3A_218 : memref<1x128x64xf32, #tpu.memory_space<vmem>> -> memref<128x64xf32, #tpu.memory_space<vmem>>
          %dma_start3A_220 = tpu.memref_slice %arg12[%mul3A_213] : memref<4016xi32, #tpu.memory_space<vmem>> -> memref<128xi32, #tpu.memory_space<vmem>>
          %dma_start3A_221 = arith.constant 0 : i32
          %dma_start3A_222 = arith.constant 0 : i32
          %dma_start3A_223 = tpu.memref_slice %arg3[%dma_start3A_221, %dma_start3A_222] : memref<10240x64xf32, #tpu.memory_space<hbm>> -> memref<10240x64xf32, #tpu.memory_space<hbm>>
          tpu.enqueue_indirect_dma source(%dma_start3A_223 : memref<10240x64xf32, #tpu.memory_space<hbm>>) target(%dma_start3A_219 : memref<128x64xf32, #tpu.memory_space<vmem>>) offsets(%dma_start3A_220 : memref<128xi32, #tpu.memory_space<vmem>>) semaphore(%arg18 : memref<!tpu.dma_semaphore, #tpu.memory_space<semaphore_mem>>)
        } else {
        }
        %mul3A_193 = arith.constant 128 : i32
        %mul3A_194 = arith.muli %while3A_174, %mul3A_193 : i32
        %sub3A_195 = arith.subi %add3A_153, %mul3A_194 : i32
        %min3A = arith.constant 128 : i32
        %min3A_196 = arith.minsi %sub3A_195, %min3A : i32
        %while3A_197 = arith.constant 0 : i32
        %while3A_198 = arith.constant 0 : i32
        %while3A_199 = arith.subi %min3A_196, %while3A_197 : i32
        %while3A_200 = arith.addi %while3A_197, %while3A_199 : i32
        %while3A_201 = arith.constant 1 : i32
        %while3A_202 = arith.divsi %while3A_199, %while3A_201 : i32
        %while3A_203 = arith.muli %while3A_202, %while3A_201 : i32
        %while3A_204 = arith.addi %while3A_197, %while3A_203 : i32
        %while3A_205 = arith.constant 1 : i32
        %while3A_206 = scf.for %while3A_210 = %while3A_197 to %while3A_204 step %while3A_205 iter_args(%while3A_211 = %while3A_198) -> (i32)  : i32 {
          %mul3A_212 = arith.constant 128 : i32
          %mul3A_213 = arith.muli %while3A_174, %mul3A_212 : i32
          %add3A_214 = arith.addi %mul3A_213, %while3A_210 : i32
          %get3A_215 = arith.index_cast %add3A_214 : i32 to index
          %get3A_216 = tpu.vector_load %arg13[%get3A_215] {strides = array<i32>} : memref<4016xi32, #tpu.memory_space<vmem>>, vector<16xi32>,
          %slice3A_217 = vector.extract_strided_slice %get3A_216 {offsets = [0], sizes = [1], strides = [1]} : vector<16xi32> to vector<1xi32>
          %squeeze3A_218 = vector.extract %slice3A_217[0] : i32 from vector<1xi32>
          %mul3A_219 = arith.constant 64 : i32
          %mul3A_220 = arith.muli %squeeze3A_218, %mul3A_219 : i32
          %add3A_221 = arith.constant 0 : i32
          %add3A_222 = arith.addi %mul3A_220, %add3A_221 : i32
          %get3A_223 = arith.index_cast %add3A_222 : i32 to index
          %get3A_224 = tpu.vector_load %arg8[%get3A_223] {strides = array<i32>} : memref<20480xf32, #tpu.memory_space<vmem>>, vector<16xf32>,
          %get3A_225 = arith.index_cast %rem3A_177 : i32 to index
          %get3A_226 = arith.index_cast %while3A_210 : i32 to index
          %get3A_227 = arith.constant 0 : index
          %get3A_228 = tpu.vector_load %arg14[%get3A_225, %get3A_226, %get3A_227] {strides = array<i32>} : memref<2x128x64xf32, #tpu.memory_space<vmem>>, vector<16xf32>,
          %max3A = arith.maximumf %get3A_224, %get3A_228 : vector<16xf32>
          %swap3A = arith.index_cast %add3A_222 : i32 to index
          %swap3A_229 = tpu.vector_load %arg8[%swap3A] {strides = array<i32>} : memref<20480xf32, #tpu.memory_space<vmem>>, vector<16xf32>,
          tpu.vector_store %arg8[%swap3A], %max3A {strides = array<i32>} : memref<20480xf32, #tpu.memory_space<vmem>>, vector<16xf32>,
          %add3A_230 = arith.constant 16 : i32
          %add3A_231 = arith.addi %mul3A_220, %add3A_230 : i32
          %get3A_232 = arith.index_cast %add3A_231 : i32 to index
          %get3A_233 = tpu.vector_load %arg8[%get3A_232] {strides = array<i32>} : memref<20480xf32, #tpu.memory_space<vmem>>, vector<16xf32>,
          %get3A_234 = arith.index_cast %rem3A_177 : i32 to index
          %get3A_235 = arith.index_cast %while3A_210 : i32 to index
          %get3A_236 = arith.constant 16 : index
          %get3A_237 = tpu.vector_load %arg14[%get3A_234, %get3A_235, %get3A_236] {strides = array<i32>} : memref<2x128x64xf32, #tpu.memory_space<vmem>>, vector<16xf32>,
          %max3A_238 = arith.maximumf %get3A_233, %get3A_237 : vector<16xf32>
          %swap3A_239 = arith.index_cast %add3A_231 : i32 to index
          %swap3A_240 = tpu.vector_load %arg8[%swap3A_239] {strides = array<i32>} : memref<20480xf32, #tpu.memory_space<vmem>>, vector<16xf32>,
          tpu.vector_store %arg8[%swap3A_239], %max3A_238 {strides = array<i32>} : memref<20480xf32, #tpu.memory_space<vmem>>, vector<16xf32>,
          %add3A_241 = arith.constant 32 : i32
          %add3A_242 = arith.addi %mul3A_220, %add3A_241 : i32
          %get3A_243 = arith.index_cast %add3A_242 : i32 to index
          %get3A_244 = tpu.vector_load %arg8[%get3A_243] {strides = array<i32>} : memref<20480xf32, #tpu.memory_space<vmem>>, vector<16xf32>,
          %get3A_245 = arith.index_cast %rem3A_177 : i32 to index
          %get3A_246 = arith.index_cast %while3A_210 : i32 to index
          %get3A_247 = arith.constant 32 : index
          %get3A_248 = tpu.vector_load %arg14[%get3A_245, %get3A_246, %get3A_247] {strides = array<i32>} : memref<2x128x64xf32, #tpu.memory_space<vmem>>, vector<16xf32>,
          %max3A_249 = arith.maximumf %get3A_244, %get3A_248 : vector<16xf32>
          %swap3A_250 = arith.index_cast %add3A_242 : i32 to index
          %swap3A_251 = tpu.vector_load %arg8[%swap3A_250] {strides = array<i32>} : memref<20480xf32, #tpu.memory_space<vmem>>, vector<16xf32>,
          tpu.vector_store %arg8[%swap3A_250], %max3A_249 {strides = array<i32>} : memref<20480xf32, #tpu.memory_space<vmem>>, vector<16xf32>,
          %add3A_252 = arith.constant 48 : i32
          %add3A_253 = arith.addi %mul3A_220, %add3A_252 : i32
          %get3A_254 = arith.index_cast %add3A_253 : i32 to index
          %get3A_255 = tpu.vector_load %arg8[%get3A_254] {strides = array<i32>} : memref<20480xf32, #tpu.memory_space<vmem>>, vector<16xf32>,
          %get3A_256 = arith.index_cast %rem3A_177 : i32 to index
          %get3A_257 = arith.index_cast %while3A_210 : i32 to index
          %get3A_258 = arith.constant 48 : index
          %get3A_259 = tpu.vector_load %arg14[%get3A_256, %get3A_257, %get3A_258] {strides = array<i32>} : memref<2x128x64xf32, #tpu.memory_space<vmem>>, vector<16xf32>,
          %max3A_260 = arith.maximumf %get3A_255, %get3A_259 : vector<16xf32>
          %swap3A_261 = arith.index_cast %add3A_253 : i32 to index
          %swap3A_262 = tpu.vector_load %arg8[%swap3A_261] {strides = array<i32>} : memref<20480xf32, #tpu.memory_space<vmem>>, vector<16xf32>,
          tpu.vector_store %arg8[%swap3A_261], %max3A_260 {strides = array<i32>} : memref<20480xf32, #tpu.memory_space<vmem>>, vector<16xf32>,
          %while3A_263 = arith.constant 0 : i32
          scf.yield %while3A_263 : i32
        }
        %while3A_207 = arith.constant 1 : i32
        %while3A_208 = scf.for %while3A_210 = %while3A_204 to %while3A_200 step %while3A_207 iter_args(%while3A_211 = %while3A_206) -> (i32)  : i32 {
          %mul3A_212 = arith.constant 128 : i32
          %mul3A_213 = arith.muli %while3A_174, %mul3A_212 : i32
          %add3A_214 = arith.addi %mul3A_213, %while3A_210 : i32
          %get3A_215 = arith.index_cast %add3A_214 : i32 to index
          %get3A_216 = tpu.vector_load %arg13[%get3A_215] {strides = array<i32>} : memref<4016xi32, #tpu.memory_space<vmem>>, vector<16xi32>,
          %slice3A_217 = vector.extract_strided_slice %get3A_216 {offsets = [0], sizes = [1], strides = [1]} : vector<16xi32> to vector<1xi32>
          %squeeze3A_218 = vector.extract %slice3A_217[0] : i32 from vector<1xi32>
          %mul3A_219 = arith.constant 64 : i32
          %mul3A_220 = arith.muli %squeeze3A_218, %mul3A_219 : i32
          %add3A_221 = arith.constant 0 : i32
          %add3A_222 = arith.addi %mul3A_220, %add3A_221 : i32
          %get3A_223 = arith.index_cast %add3A_222 : i32 to index
          %get3A_224 = tpu.vector_load %arg8[%get3A_223] {strides = array<i32>} : memref<20480xf32, #tpu.memory_space<vmem>>, vector<16xf32>,
          %get3A_225 = arith.index_cast %rem3A_177 : i32 to index
          %get3A_226 = arith.index_cast %while3A_210 : i32 to index
          %get3A_227 = arith.constant 0 : index
          %get3A_228 = tpu.vector_load %arg14[%get3A_225, %get3A_226, %get3A_227] {strides = array<i32>} : memref<2x128x64xf32, #tpu.memory_space<vmem>>, vector<16xf32>,
          %max3A = arith.maximumf %get3A_224, %get3A_228 : vector<16xf32>
          %swap3A = arith.index_cast %add3A_222 : i32 to index
          %swap3A_229 = tpu.vector_load %arg8[%swap3A] {strides = array<i32>} : memref<20480xf32, #tpu.memory_space<vmem>>, vector<16xf32>,
          tpu.vector_store %arg8[%swap3A], %max3A {strides = array<i32>} : memref<20480xf32, #tpu.memory_space<vmem>>, vector<16xf32>,
          %add3A_230 = arith.constant 16 : i32
          %add3A_231 = arith.addi %mul3A_220, %add3A_230 : i32
          %get3A_232 = arith.index_cast %add3A_231 : i32 to index
          %get3A_233 = tpu.vector_load %arg8[%get3A_232] {strides = array<i32>} : memref<20480xf32, #tpu.memory_space<vmem>>, vector<16xf32>,
          %get3A_234 = arith.index_cast %rem3A_177 : i32 to index
          %get3A_235 = arith.index_cast %while3A_210 : i32 to index
          %get3A_236 = arith.constant 16 : index
          %get3A_237 = tpu.vector_load %arg14[%get3A_234, %get3A_235, %get3A_236] {strides = array<i32>} : memref<2x128x64xf32, #tpu.memory_space<vmem>>, vector<16xf32>,
          %max3A_238 = arith.maximumf %get3A_233, %get3A_237 : vector<16xf32>
          %swap3A_239 = arith.index_cast %add3A_231 : i32 to index
          %swap3A_240 = tpu.vector_load %arg8[%swap3A_239] {strides = array<i32>} : memref<20480xf32, #tpu.memory_space<vmem>>, vector<16xf32>,
          tpu.vector_store %arg8[%swap3A_239], %max3A_238 {strides = array<i32>} : memref<20480xf32, #tpu.memory_space<vmem>>, vector<16xf32>,
          %add3A_241 = arith.constant 32 : i32
          %add3A_242 = arith.addi %mul3A_220, %add3A_241 : i32
          %get3A_243 = arith.index_cast %add3A_242 : i32 to index
          %get3A_244 = tpu.vector_load %arg8[%get3A_243] {strides = array<i32>} : memref<20480xf32, #tpu.memory_space<vmem>>, vector<16xf32>,
          %get3A_245 = arith.index_cast %rem3A_177 : i32 to index
          %get3A_246 = arith.index_cast %while3A_210 : i32 to index
          %get3A_247 = arith.constant 32 : index
          %get3A_248 = tpu.vector_load %arg14[%get3A_245, %get3A_246, %get3A_247] {strides = array<i32>} : memref<2x128x64xf32, #tpu.memory_space<vmem>>, vector<16xf32>,
          %max3A_249 = arith.maximumf %get3A_244, %get3A_248 : vector<16xf32>
          %swap3A_250 = arith.index_cast %add3A_242 : i32 to index
          %swap3A_251 = tpu.vector_load %arg8[%swap3A_250] {strides = array<i32>} : memref<20480xf32, #tpu.memory_space<vmem>>, vector<16xf32>,
          tpu.vector_store %arg8[%swap3A_250], %max3A_249 {strides = array<i32>} : memref<20480xf32, #tpu.memory_space<vmem>>, vector<16xf32>,
          %add3A_252 = arith.constant 48 : i32
          %add3A_253 = arith.addi %mul3A_220, %add3A_252 : i32
          %get3A_254 = arith.index_cast %add3A_253 : i32 to index
          %get3A_255 = tpu.vector_load %arg8[%get3A_254] {strides = array<i32>} : memref<20480xf32, #tpu.memory_space<vmem>>, vector<16xf32>,
          %get3A_256 = arith.index_cast %rem3A_177 : i32 to index
          %get3A_257 = arith.index_cast %while3A_210 : i32 to index
          %get3A_258 = arith.constant 48 : index
          %get3A_259 = tpu.vector_load %arg14[%get3A_256, %get3A_257, %get3A_258] {strides = array<i32>} : memref<2x128x64xf32, #tpu.memory_space<vmem>>, vector<16xf32>,
          %max3A_260 = arith.maximumf %get3A_255, %get3A_259 : vector<16xf32>
          %swap3A_261 = arith.index_cast %add3A_253 : i32 to index
          %swap3A_262 = tpu.vector_load %arg8[%swap3A_261] {strides = array<i32>} : memref<20480xf32, #tpu.memory_space<vmem>>, vector<16xf32>,
          tpu.vector_store %arg8[%swap3A_261], %max3A_260 {strides = array<i32>} : memref<20480xf32, #tpu.memory_space<vmem>>, vector<16xf32>,
          %while3A_263 = arith.constant 0 : i32
          scf.yield %while3A_263 : i32
        }
        %while3A_209 = arith.constant 0 : i32
        scf.yield %while3A_209 : i32
      }
      %while3A_171 = arith.constant 1 : i32
      %while3A_172 = scf.for %while3A_174 = %while3A_168 to %while3A_164 step %while3A_171 iter_args(%while3A_175 = %while3A_170) -> (i32)  : i32 {
        %rem3A_176 = arith.constant 2 : i32
        %rem3A_177 = arith.remsi %while3A_174, %rem3A_176 : i32
        %dma_wait3A_178 = arith.constant 0 : i32
        %dma_wait3A_179 = arith.constant 0 : i32
        %dma_wait3A_180 = tpu.memref_slice %arg14[%rem3A_177, %dma_wait3A_178, %dma_wait3A_179] : memref<2x128x64xf32, #tpu.memory_space<vmem>> -> memref<1x128x64xf32, #tpu.memory_space<vmem>>
        %dma_wait3A_181 = tpu.memref_squeeze %dma_wait3A_180 : memref<1x128x64xf32, #tpu.memory_space<vmem>> -> memref<128x64xf32, #tpu.memory_space<vmem>>
        %dma_wait3A_182 = arith.constant 0 : i32
        %dma_wait3A_183 = tpu.memref_slice %arg12[%dma_wait3A_182] : memref<4016xi32, #tpu.memory_space<vmem>> -> memref<128xi32, #tpu.memory_space<vmem>>
        %dma_wait3A_184 = arith.constant 0 : i32
        %dma_wait3A_185 = arith.constant 0 : i32
        %dma_wait3A_186 = tpu.memref_slice %arg3[%dma_wait3A_184, %dma_wait3A_185] : memref<10240x64xf32, #tpu.memory_space<hbm>> -> memref<10240x64xf32, #tpu.memory_space<hbm>>
        tpu.wait_indirect_dma semaphore(%arg18 : memref<!tpu.dma_semaphore, #tpu.memory_space<semaphore_mem>>) src(%dma_wait3A_186 : memref<10240x64xf32, #tpu.memory_space<hbm>>) dst(%dma_wait3A_181 : memref<128x64xf32, #tpu.memory_space<vmem>>)
        %add3A_187 = arith.constant 1 : i32
        %add3A_188 = arith.addi %while3A_174, %add3A_187 : i32
        %lt3A_189 = arith.cmpi slt, %add3A_188, %div3A_157 : i32
        %convert_element_type3A_190 = arith.extui %lt3A_189 : i1 to i32
        %cond3A_191 = arith.constant 0 : i32
        %cond3A_192 = arith.cmpi ne, %convert_element_type3A_190, %cond3A_191 : i32
        scf.if %cond3A_192 {
          %add3A_210 = arith.constant 1 : i32
          %add3A_211 = arith.addi %while3A_174, %add3A_210 : i32
          %mul3A_212 = arith.constant 128 : i32
          %mul3A_213 = arith.muli %add3A_211, %mul3A_212 : i32
          %rem3A_214 = arith.constant 2 : i32
          %rem3A_215 = arith.remsi %add3A_211, %rem3A_214 : i32
          %dma_start3A_216 = arith.constant 0 : i32
          %dma_start3A_217 = arith.constant 0 : i32
          %dma_start3A_218 = tpu.memref_slice %arg14[%rem3A_215, %dma_start3A_216, %dma_start3A_217] : memref<2x128x64xf32, #tpu.memory_space<vmem>> -> memref<1x128x64xf32, #tpu.memory_space<vmem>>
          %dma_start3A_219 = tpu.memref_squeeze %dma_start3A_218 : memref<1x128x64xf32, #tpu.memory_space<vmem>> -> memref<128x64xf32, #tpu.memory_space<vmem>>
          %dma_start3A_220 = tpu.memref_slice %arg12[%mul3A_213] : memref<4016xi32, #tpu.memory_space<vmem>> -> memref<128xi32, #tpu.memory_space<vmem>>
          %dma_start3A_221 = arith.constant 0 : i32
          %dma_start3A_222 = arith.constant 0 : i32
          %dma_start3A_223 = tpu.memref_slice %arg3[%dma_start3A_221, %dma_start3A_222] : memref<10240x64xf32, #tpu.memory_space<hbm>> -> memref<10240x64xf32, #tpu.memory_space<hbm>>
          tpu.enqueue_indirect_dma source(%dma_start3A_223 : memref<10240x64xf32, #tpu.memory_space<hbm>>) target(%dma_start3A_219 : memref<128x64xf32, #tpu.memory_space<vmem>>) offsets(%dma_start3A_220 : memref<128xi32, #tpu.memory_space<vmem>>) semaphore(%arg18 : memref<!tpu.dma_semaphore, #tpu.memory_space<semaphore_mem>>)
        } else {
        }
        %mul3A_193 = arith.constant 128 : i32
        %mul3A_194 = arith.muli %while3A_174, %mul3A_193 : i32
        %sub3A_195 = arith.subi %add3A_153, %mul3A_194 : i32
        %min3A = arith.constant 128 : i32
        %min3A_196 = arith.minsi %sub3A_195, %min3A : i32
        %while3A_197 = arith.constant 0 : i32
        %while3A_198 = arith.constant 0 : i32
        %while3A_199 = arith.subi %min3A_196, %while3A_197 : i32
        %while3A_200 = arith.addi %while3A_197, %while3A_199 : i32
        %while3A_201 = arith.constant 1 : i32
        %while3A_202 = arith.divsi %while3A_199, %while3A_201 : i32
        %while3A_203 = arith.muli %while3A_202, %while3A_201 : i32
        %while3A_204 = arith.addi %while3A_197, %while3A_203 : i32
        %while3A_205 = arith.constant 1 : i32
        %while3A_206 = scf.for %while3A_210 = %while3A_197 to %while3A_204 step %while3A_205 iter_args(%while3A_211 = %while3A_198) -> (i32)  : i32 {
          %mul3A_212 = arith.constant 128 : i32
          %mul3A_213 = arith.muli %while3A_174, %mul3A_212 : i32
          %add3A_214 = arith.addi %mul3A_213, %while3A_210 : i32
          %get3A_215 = arith.index_cast %add3A_214 : i32 to index
          %get3A_216 = tpu.vector_load %arg13[%get3A_215] {strides = array<i32>} : memref<4016xi32, #tpu.memory_space<vmem>>, vector<16xi32>,
          %slice3A_217 = vector.extract_strided_slice %get3A_216 {offsets = [0], sizes = [1], strides = [1]} : vector<16xi32> to vector<1xi32>
          %squeeze3A_218 = vector.extract %slice3A_217[0] : i32 from vector<1xi32>
          %mul3A_219 = arith.constant 64 : i32
          %mul3A_220 = arith.muli %squeeze3A_218, %mul3A_219 : i32
          %add3A_221 = arith.constant 0 : i32
          %add3A_222 = arith.addi %mul3A_220, %add3A_221 : i32
          %get3A_223 = arith.index_cast %add3A_222 : i32 to index
          %get3A_224 = tpu.vector_load %arg8[%get3A_223] {strides = array<i32>} : memref<20480xf32, #tpu.memory_space<vmem>>, vector<16xf32>,
          %get3A_225 = arith.index_cast %rem3A_177 : i32 to index
          %get3A_226 = arith.index_cast %while3A_210 : i32 to index
          %get3A_227 = arith.constant 0 : index
          %get3A_228 = tpu.vector_load %arg14[%get3A_225, %get3A_226, %get3A_227] {strides = array<i32>} : memref<2x128x64xf32, #tpu.memory_space<vmem>>, vector<16xf32>,
          %max3A = arith.maximumf %get3A_224, %get3A_228 : vector<16xf32>
          %swap3A = arith.index_cast %add3A_222 : i32 to index
          %swap3A_229 = tpu.vector_load %arg8[%swap3A] {strides = array<i32>} : memref<20480xf32, #tpu.memory_space<vmem>>, vector<16xf32>,
          tpu.vector_store %arg8[%swap3A], %max3A {strides = array<i32>} : memref<20480xf32, #tpu.memory_space<vmem>>, vector<16xf32>,
          %add3A_230 = arith.constant 16 : i32
          %add3A_231 = arith.addi %mul3A_220, %add3A_230 : i32
          %get3A_232 = arith.index_cast %add3A_231 : i32 to index
          %get3A_233 = tpu.vector_load %arg8[%get3A_232] {strides = array<i32>} : memref<20480xf32, #tpu.memory_space<vmem>>, vector<16xf32>,
          %get3A_234 = arith.index_cast %rem3A_177 : i32 to index
          %get3A_235 = arith.index_cast %while3A_210 : i32 to index
          %get3A_236 = arith.constant 16 : index
          %get3A_237 = tpu.vector_load %arg14[%get3A_234, %get3A_235, %get3A_236] {strides = array<i32>} : memref<2x128x64xf32, #tpu.memory_space<vmem>>, vector<16xf32>,
          %max3A_238 = arith.maximumf %get3A_233, %get3A_237 : vector<16xf32>
          %swap3A_239 = arith.index_cast %add3A_231 : i32 to index
          %swap3A_240 = tpu.vector_load %arg8[%swap3A_239] {strides = array<i32>} : memref<20480xf32, #tpu.memory_space<vmem>>, vector<16xf32>,
          tpu.vector_store %arg8[%swap3A_239], %max3A_238 {strides = array<i32>} : memref<20480xf32, #tpu.memory_space<vmem>>, vector<16xf32>,
          %add3A_241 = arith.constant 32 : i32
          %add3A_242 = arith.addi %mul3A_220, %add3A_241 : i32
          %get3A_243 = arith.index_cast %add3A_242 : i32 to index
          %get3A_244 = tpu.vector_load %arg8[%get3A_243] {strides = array<i32>} : memref<20480xf32, #tpu.memory_space<vmem>>, vector<16xf32>,
          %get3A_245 = arith.index_cast %rem3A_177 : i32 to index
          %get3A_246 = arith.index_cast %while3A_210 : i32 to index
          %get3A_247 = arith.constant 32 : index
          %get3A_248 = tpu.vector_load %arg14[%get3A_245, %get3A_246, %get3A_247] {strides = array<i32>} : memref<2x128x64xf32, #tpu.memory_space<vmem>>, vector<16xf32>,
          %max3A_249 = arith.maximumf %get3A_244, %get3A_248 : vector<16xf32>
          %swap3A_250 = arith.index_cast %add3A_242 : i32 to index
          %swap3A_251 = tpu.vector_load %arg8[%swap3A_250] {strides = array<i32>} : memref<20480xf32, #tpu.memory_space<vmem>>, vector<16xf32>,
          tpu.vector_store %arg8[%swap3A_250], %max3A_249 {strides = array<i32>} : memref<20480xf32, #tpu.memory_space<vmem>>, vector<16xf32>,
          %add3A_252 = arith.constant 48 : i32
          %add3A_253 = arith.addi %mul3A_220, %add3A_252 : i32
          %get3A_254 = arith.index_cast %add3A_253 : i32 to index
          %get3A_255 = tpu.vector_load %arg8[%get3A_254] {strides = array<i32>} : memref<20480xf32, #tpu.memory_space<vmem>>, vector<16xf32>,
          %get3A_256 = arith.index_cast %rem3A_177 : i32 to index
          %get3A_257 = arith.index_cast %while3A_210 : i32 to index
          %get3A_258 = arith.constant 48 : index
          %get3A_259 = tpu.vector_load %arg14[%get3A_256, %get3A_257, %get3A_258] {strides = array<i32>} : memref<2x128x64xf32, #tpu.memory_space<vmem>>, vector<16xf32>,
          %max3A_260 = arith.maximumf %get3A_255, %get3A_259 : vector<16xf32>
          %swap3A_261 = arith.index_cast %add3A_253 : i32 to index
          %swap3A_262 = tpu.vector_load %arg8[%swap3A_261] {strides = array<i32>} : memref<20480xf32, #tpu.memory_space<vmem>>, vector<16xf32>,
          tpu.vector_store %arg8[%swap3A_261], %max3A_260 {strides = array<i32>} : memref<20480xf32, #tpu.memory_space<vmem>>, vector<16xf32>,
          %while3A_263 = arith.constant 0 : i32
          scf.yield %while3A_263 : i32
        }
        %while3A_207 = arith.constant 1 : i32
        %while3A_208 = scf.for %while3A_210 = %while3A_204 to %while3A_200 step %while3A_207 iter_args(%while3A_211 = %while3A_206) -> (i32)  : i32 {
          %mul3A_212 = arith.constant 128 : i32
          %mul3A_213 = arith.muli %while3A_174, %mul3A_212 : i32
          %add3A_214 = arith.addi %mul3A_213, %while3A_210 : i32
          %get3A_215 = arith.index_cast %add3A_214 : i32 to index
          %get3A_216 = tpu.vector_load %arg13[%get3A_215] {strides = array<i32>} : memref<4016xi32, #tpu.memory_space<vmem>>, vector<16xi32>,
          %slice3A_217 = vector.extract_strided_slice %get3A_216 {offsets = [0], sizes = [1], strides = [1]} : vector<16xi32> to vector<1xi32>
          %squeeze3A_218 = vector.extract %slice3A_217[0] : i32 from vector<1xi32>
          %mul3A_219 = arith.constant 64 : i32
          %mul3A_220 = arith.muli %squeeze3A_218, %mul3A_219 : i32
          %add3A_221 = arith.constant 0 : i32
          %add3A_222 = arith.addi %mul3A_220, %add3A_221 : i32
          %get3A_223 = arith.index_cast %add3A_222 : i32 to index
          %get3A_224 = tpu.vector_load %arg8[%get3A_223] {strides = array<i32>} : memref<20480xf32, #tpu.memory_space<vmem>>, vector<16xf32>,
          %get3A_225 = arith.index_cast %rem3A_177 : i32 to index
          %get3A_226 = arith.index_cast %while3A_210 : i32 to index
          %get3A_227 = arith.constant 0 : index
          %get3A_228 = tpu.vector_load %arg14[%get3A_225, %get3A_226, %get3A_227] {strides = array<i32>} : memref<2x128x64xf32, #tpu.memory_space<vmem>>, vector<16xf32>,
          %max3A = arith.maximumf %get3A_224, %get3A_228 : vector<16xf32>
          %swap3A = arith.index_cast %add3A_222 : i32 to index
          %swap3A_229 = tpu.vector_load %arg8[%swap3A] {strides = array<i32>} : memref<20480xf32, #tpu.memory_space<vmem>>, vector<16xf32>,
          tpu.vector_store %arg8[%swap3A], %max3A {strides = array<i32>} : memref<20480xf32, #tpu.memory_space<vmem>>, vector<16xf32>,
          %add3A_230 = arith.constant 16 : i32
          %add3A_231 = arith.addi %mul3A_220, %add3A_230 : i32
          %get3A_232 = arith.index_cast %add3A_231 : i32 to index
          %get3A_233 = tpu.vector_load %arg8[%get3A_232] {strides = array<i32>} : memref<20480xf32, #tpu.memory_space<vmem>>, vector<16xf32>,
          %get3A_234 = arith.index_cast %rem3A_177 : i32 to index
          %get3A_235 = arith.index_cast %while3A_210 : i32 to index
          %get3A_236 = arith.constant 16 : index
          %get3A_237 = tpu.vector_load %arg14[%get3A_234, %get3A_235, %get3A_236] {strides = array<i32>} : memref<2x128x64xf32, #tpu.memory_space<vmem>>, vector<16xf32>,
          %max3A_238 = arith.maximumf %get3A_233, %get3A_237 : vector<16xf32>
          %swap3A_239 = arith.index_cast %add3A_231 : i32 to index
          %swap3A_240 = tpu.vector_load %arg8[%swap3A_239] {strides = array<i32>} : memref<20480xf32, #tpu.memory_space<vmem>>, vector<16xf32>,
          tpu.vector_store %arg8[%swap3A_239], %max3A_238 {strides = array<i32>} : memref<20480xf32, #tpu.memory_space<vmem>>, vector<16xf32>,
          %add3A_241 = arith.constant 32 : i32
          %add3A_242 = arith.addi %mul3A_220, %add3A_241 : i32
          %get3A_243 = arith.index_cast %add3A_242 : i32 to index
          %get3A_244 = tpu.vector_load %arg8[%get3A_243] {strides = array<i32>} : memref<20480xf32, #tpu.memory_space<vmem>>, vector<16xf32>,
          %get3A_245 = arith.index_cast %rem3A_177 : i32 to index
          %get3A_246 = arith.index_cast %while3A_210 : i32 to index
          %get3A_247 = arith.constant 32 : index
          %get3A_248 = tpu.vector_load %arg14[%get3A_245, %get3A_246, %get3A_247] {strides = array<i32>} : memref<2x128x64xf32, #tpu.memory_space<vmem>>, vector<16xf32>,
          %max3A_249 = arith.maximumf %get3A_244, %get3A_248 : vector<16xf32>
          %swap3A_250 = arith.index_cast %add3A_242 : i32 to index
          %swap3A_251 = tpu.vector_load %arg8[%swap3A_250] {strides = array<i32>} : memref<20480xf32, #tpu.memory_space<vmem>>, vector<16xf32>,
          tpu.vector_store %arg8[%swap3A_250], %max3A_249 {strides = array<i32>} : memref<20480xf32, #tpu.memory_space<vmem>>, vector<16xf32>,
          %add3A_252 = arith.constant 48 : i32
          %add3A_253 = arith.addi %mul3A_220, %add3A_252 : i32
          %get3A_254 = arith.index_cast %add3A_253 : i32 to index
          %get3A_255 = tpu.vector_load %arg8[%get3A_254] {strides = array<i32>} : memref<20480xf32, #tpu.memory_space<vmem>>, vector<16xf32>,
          %get3A_256 = arith.index_cast %rem3A_177 : i32 to index
          %get3A_257 = arith.index_cast %while3A_210 : i32 to index
          %get3A_258 = arith.constant 48 : index
          %get3A_259 = tpu.vector_load %arg14[%get3A_256, %get3A_257, %get3A_258] {strides = array<i32>} : memref<2x128x64xf32, #tpu.memory_space<vmem>>, vector<16xf32>,
          %max3A_260 = arith.maximumf %get3A_255, %get3A_259 : vector<16xf32>
          %swap3A_261 = arith.index_cast %add3A_253 : i32 to index
          %swap3A_262 = tpu.vector_load %arg8[%swap3A_261] {strides = array<i32>} : memref<20480xf32, #tpu.memory_space<vmem>>, vector<16xf32>,
          tpu.vector_store %arg8[%swap3A_261], %max3A_260 {strides = array<i32>} : memref<20480xf32, #tpu.memory_space<vmem>>, vector<16xf32>,
          %while3A_263 = arith.constant 0 : i32
          scf.yield %while3A_263 : i32
        }
        %while3A_209 = arith.constant 0 : i32
        scf.yield %while3A_209 : i32
      }
      %scan3A_173 = arith.constant 0 : i32
      scf.yield %scan3A_173 : i32
    }
    %scan3A_48 = arith.constant 40 : i32
    %mul3A_49 = arith.constant 64 : i32
    %mul3A_50 = arith.muli %mul3A_2, %mul3A_49 : i32
    %dma_wait3A = tpu.memref_slice %arg2[%mul3A_50] : memref<655360xf32, #tpu.memory_space<hbm>> -> memref<20480xf32, #tpu.memory_space<hbm>>
    %dma_wait3A_51 = tpu.memref_slice %arg2[%mul3A_50] : memref<655360xf32, #tpu.memory_space<hbm>> -> memref<20480xf32, #tpu.memory_space<hbm>>
    tpu.wait_dma2 semaphore(%arg19 : memref<!tpu.dma_semaphore, #tpu.memory_space<semaphore_mem>>) src(%dma_wait3A_51 : memref<20480xf32, #tpu.memory_space<hbm>>) dst(%arg9 : memref<20480xf32, #tpu.memory_space<vmem>>)
    tpu.wait_dma2 semaphore(%arg19 : memref<!tpu.dma_semaphore, #tpu.memory_space<semaphore_mem>>) src(%arg6 : memref<64xf32, #tpu.memory_space<hbm>>) dst(%arg15 : memref<64xf32, #tpu.memory_space<vmem>>)
    %scan3A_52 = arith.constant 0 : i32
    %scan3A_53 = arith.constant 0 : i32
    %scan3A_54 = arith.constant 320 : i32
    %scan3A_55 = arith.addi %scan3A_53, %scan3A_54 : i32
    %scan3A_56 = arith.constant 1 : i32
    %scan3A_57 = scf.for %scan3A_61 = %scan3A_53 to %scan3A_55 step %scan3A_56 iter_args(%scan3A_62 = %scan3A_52) -> (i32)  : i32 {
      %mul3A_63 = arith.constant 64 : i32
      %mul3A_64 = arith.muli %scan3A_61, %mul3A_63 : i32
      %add3A_65 = arith.constant 0 : i32
      %add3A_66 = arith.addi %mul3A_64, %add3A_65 : i32
      %get3A = arith.index_cast %add3A_66 : i32 to index
      %get3A_67 = tpu.vector_load %arg8[%get3A] {strides = array<i32>} : memref<20480xf32, #tpu.memory_space<vmem>>, vector<16xf32>,
      %get3A_68 = arith.index_cast %add3A_66 : i32 to index
      %get3A_69 = tpu.vector_load %arg9[%get3A_68] {strides = array<i32>} : memref<20480xf32, #tpu.memory_space<vmem>>, vector<16xf32>,
      %add3A_70 = arith.addf %get3A_67, %get3A_69 : vector<16xf32>
      %get3A_71 = arith.constant 0 : index
      %get3A_72 = tpu.vector_load %arg15[%get3A_71] {strides = array<i32>} : memref<64xf32, #tpu.memory_space<vmem>>, vector<16xf32>,
      %add3A_73 = arith.addf %add3A_70, %get3A_72 : vector<16xf32>
      %max3A = arith.constant 0.000000e+00 : f32
      %max3A_74 = vector.broadcast %max3A : f32 to vector<16xf32>
      %max3A_75 = arith.maximumf %add3A_73, %max3A_74 : vector<16xf32>
      %swap3A = arith.index_cast %add3A_66 : i32 to index
      %swap3A_76 = tpu.vector_load %arg9[%swap3A] {strides = array<i32>} : memref<20480xf32, #tpu.memory_space<vmem>>, vector<16xf32>,
      tpu.vector_store %arg9[%swap3A], %max3A_75 {strides = array<i32>} : memref<20480xf32, #tpu.memory_space<vmem>>, vector<16xf32>,
      %mul3A_77 = arith.constant 64 : i32
      %mul3A_78 = arith.muli %scan3A_61, %mul3A_77 : i32
      %add3A_79 = arith.constant 16 : i32
      %add3A_80 = arith.addi %mul3A_78, %add3A_79 : i32
      %get3A_81 = arith.index_cast %add3A_80 : i32 to index
      %get3A_82 = tpu.vector_load %arg8[%get3A_81] {strides = array<i32>} : memref<20480xf32, #tpu.memory_space<vmem>>, vector<16xf32>,
      %get3A_83 = arith.index_cast %add3A_80 : i32 to index
      %get3A_84 = tpu.vector_load %arg9[%get3A_83] {strides = array<i32>} : memref<20480xf32, #tpu.memory_space<vmem>>, vector<16xf32>,
      %add3A_85 = arith.addf %get3A_82, %get3A_84 : vector<16xf32>
      %get3A_86 = arith.constant 16 : index
      %get3A_87 = tpu.vector_load %arg15[%get3A_86] {strides = array<i32>} : memref<64xf32, #tpu.memory_space<vmem>>, vector<16xf32>,
      %add3A_88 = arith.addf %add3A_85, %get3A_87 : vector<16xf32>
      %max3A_89 = arith.constant 0.000000e+00 : f32
      %max3A_90 = vector.broadcast %max3A_89 : f32 to vector<16xf32>
      %max3A_91 = arith.maximumf %add3A_88, %max3A_90 : vector<16xf32>
      %swap3A_92 = arith.index_cast %add3A_80 : i32 to index
      %swap3A_93 = tpu.vector_load %arg9[%swap3A_92] {strides = array<i32>} : memref<20480xf32, #tpu.memory_space<vmem>>, vector<16xf32>,
      tpu.vector_store %arg9[%swap3A_92], %max3A_91 {strides = array<i32>} : memref<20480xf32, #tpu.memory_space<vmem>>, vector<16xf32>,
      %mul3A_94 = arith.constant 64 : i32
      %mul3A_95 = arith.muli %scan3A_61, %mul3A_94 : i32
      %add3A_96 = arith.constant 32 : i32
      %add3A_97 = arith.addi %mul3A_95, %add3A_96 : i32
      %get3A_98 = arith.index_cast %add3A_97 : i32 to index
      %get3A_99 = tpu.vector_load %arg8[%get3A_98] {strides = array<i32>} : memref<20480xf32, #tpu.memory_space<vmem>>, vector<16xf32>,
      %get3A_100 = arith.index_cast %add3A_97 : i32 to index
      %get3A_101 = tpu.vector_load %arg9[%get3A_100] {strides = array<i32>} : memref<20480xf32, #tpu.memory_space<vmem>>, vector<16xf32>,
      %add3A_102 = arith.addf %get3A_99, %get3A_101 : vector<16xf32>
      %get3A_103 = arith.constant 32 : index
      %get3A_104 = tpu.vector_load %arg15[%get3A_103] {strides = array<i32>} : memref<64xf32, #tpu.memory_space<vmem>>, vector<16xf32>,
      %add3A_105 = arith.addf %add3A_102, %get3A_104 : vector<16xf32>
      %max3A_106 = arith.constant 0.000000e+00 : f32
      %max3A_107 = vector.broadcast %max3A_106 : f32 to vector<16xf32>
      %max3A_108 = arith.maximumf %add3A_105, %max3A_107 : vector<16xf32>
      %swap3A_109 = arith.index_cast %add3A_97 : i32 to index
      %swap3A_110 = tpu.vector_load %arg9[%swap3A_109] {strides = array<i32>} : memref<20480xf32, #tpu.memory_space<vmem>>, vector<16xf32>,
      tpu.vector_store %arg9[%swap3A_109], %max3A_108 {strides = array<i32>} : memref<20480xf32, #tpu.memory_space<vmem>>, vector<16xf32>,
      %mul3A_111 = arith.constant 64 : i32
      %mul3A_112 = arith.muli %scan3A_61, %mul3A_111 : i32
      %add3A_113 = arith.constant 48 : i32
      %add3A_114 = arith.addi %mul3A_112, %add3A_113 : i32
      %get3A_115 = arith.index_cast %add3A_114 : i32 to index
      %get3A_116 = tpu.vector_load %arg8[%get3A_115] {strides = array<i32>} : memref<20480xf32, #tpu.memory_space<vmem>>, vector<16xf32>,
      %get3A_117 = arith.index_cast %add3A_114 : i32 to index
      %get3A_118 = tpu.vector_load %arg9[%get3A_117] {strides = array<i32>} : memref<20480xf32, #tpu.memory_space<vmem>>, vector<16xf32>,
      %add3A_119 = arith.addf %get3A_116, %get3A_118 : vector<16xf32>
      %get3A_120 = arith.constant 48 : index
      %get3A_121 = tpu.vector_load %arg15[%get3A_120] {strides = array<i32>} : memref<64xf32, #tpu.memory_space<vmem>>, vector<16xf32>,
      %add3A_122 = arith.addf %add3A_119, %get3A_121 : vector<16xf32>
      %max3A_123 = arith.constant 0.000000e+00 : f32
      %max3A_124 = vector.broadcast %max3A_123 : f32 to vector<16xf32>
      %max3A_125 = arith.maximumf %add3A_122, %max3A_124 : vector<16xf32>
      %swap3A_126 = arith.index_cast %add3A_114 : i32 to index
      %swap3A_127 = tpu.vector_load %arg9[%swap3A_126] {strides = array<i32>} : memref<20480xf32, #tpu.memory_space<vmem>>, vector<16xf32>,
      tpu.vector_store %arg9[%swap3A_126], %max3A_125 {strides = array<i32>} : memref<20480xf32, #tpu.memory_space<vmem>>, vector<16xf32>,
      %scan3A_128 = arith.constant 0 : i32
      scf.yield %scan3A_128 : i32
    }
    %scan3A_58 = arith.constant 320 : i32
    %mul3A_59 = arith.constant 64 : i32
    %mul3A_60 = arith.muli %mul3A_2, %mul3A_59 : i32
    "tpu.region"() ({
      %run_scoped3A = tpu.sem_alloc : memref<!tpu.dma_semaphore, #tpu.memory_space<semaphore_mem>>
      %dma_start3A_61 = tpu.memref_slice %arg7[%mul3A_60] : memref<655360xf32, #tpu.memory_space<hbm>> -> memref<20480xf32, #tpu.memory_space<hbm>>
      %dma_start3A_62 = tpu.memref_slice %arg7[%mul3A_60] : memref<655360xf32, #tpu.memory_space<hbm>> -> memref<20480xf32, #tpu.memory_space<hbm>>
      tpu.enqueue_dma source(%arg9 : memref<20480xf32, #tpu.memory_space<vmem>>) target(%dma_start3A_62 : memref<20480xf32, #tpu.memory_space<hbm>>) target_semaphore(%run_scoped3A : memref<!tpu.dma_semaphore, #tpu.memory_space<semaphore_mem>>)
      %dma_wait3A_63 = tpu.memref_slice %arg7[%mul3A_60] : memref<655360xf32, #tpu.memory_space<hbm>> -> memref<20480xf32, #tpu.memory_space<hbm>>
      %dma_wait3A_64 = tpu.memref_slice %arg7[%mul3A_60] : memref<655360xf32, #tpu.memory_space<hbm>> -> memref<20480xf32, #tpu.memory_space<hbm>>
      tpu.wait_dma2 semaphore(%run_scoped3A : memref<!tpu.dma_semaphore, #tpu.memory_space<semaphore_mem>>) src(%arg9 : memref<20480xf32, #tpu.memory_space<vmem>>) dst(%dma_wait3A_64 : memref<20480xf32, #tpu.memory_space<hbm>>)
      tpu.yield
    }) : () -> ()
    return
  }
}

#map = affine_map<(d0, d1) -> (0, 0)>
#map1 = affine_map<(d0, d1) -> (0)>
module attributes {stable_mosaic.version = 14 : i64} {
  func.func @k(%arg0: i32, %arg1: i32, %arg2: memref<10240x64xf32, #tpu.memory_space<hbm>>, %arg3: memref<151552xi32, #tpu.memory_space<hbm>>, %arg4: memref<151552x64xf32, #tpu.memory_space<hbm>>, %arg5: memref<4736xi32, #tpu.memory_space<vmem>>, %arg6: memref<8x128x64xf32, #tpu.memory_space<vmem>>, %arg7: memref<!tpu.dma_semaphore, #tpu.memory_space<semaphore_mem>>, %arg8: memref<!tpu.dma_semaphore, #tpu.memory_space<semaphore_mem>>) attributes {dimension_semantics = [#tpu.dimension_semantics<core_parallel>, #tpu.dimension_semantics<subcore_parallel>], iteration_bounds = array<i64: 2, 16>, scalar_prefetch = 0 : i64, scratch_operands = 4 : i64, tpu.core_type = #tpu.core_type<sc_vector_subcore>, window_params = [{transform_indices = #map}, {transform_indices = #map1}, {transform_indices = #map}]} {
    %mul3A = arith.constant 2 : i32
    %mul3A_0 = arith.muli %arg1, %mul3A : i32
    %add3A = arith.addi %mul3A_0, %arg0 : i32
    %mul3A_1 = arith.constant 4736 : i32
    %mul3A_2 = arith.muli %add3A, %mul3A_1 : i32
    "tpu.region"() ({
      %run_scoped3A = tpu.sem_alloc : memref<!tpu.dma_semaphore, #tpu.memory_space<semaphore_mem>>
      %dma_start3A_88 = tpu.memref_slice %arg3[%mul3A_2] : memref<151552xi32, #tpu.memory_space<hbm>> -> memref<4736xi32, #tpu.memory_space<hbm>>
      %dma_start3A_89 = tpu.memref_slice %arg3[%mul3A_2] : memref<151552xi32, #tpu.memory_space<hbm>> -> memref<4736xi32, #tpu.memory_space<hbm>>
      tpu.enqueue_dma source(%dma_start3A_89 : memref<4736xi32, #tpu.memory_space<hbm>>) target(%arg5 : memref<4736xi32, #tpu.memory_space<vmem>>) target_semaphore(%run_scoped3A : memref<!tpu.dma_semaphore, #tpu.memory_space<semaphore_mem>>)
      %dma_wait3A = tpu.memref_slice %arg3[%mul3A_2] : memref<151552xi32, #tpu.memory_space<hbm>> -> memref<4736xi32, #tpu.memory_space<hbm>>
      %dma_wait3A_90 = tpu.memref_slice %arg3[%mul3A_2] : memref<151552xi32, #tpu.memory_space<hbm>> -> memref<4736xi32, #tpu.memory_space<hbm>>
      tpu.wait_dma2 semaphore(%run_scoped3A : memref<!tpu.dma_semaphore, #tpu.memory_space<semaphore_mem>>) src(%dma_wait3A_90 : memref<4736xi32, #tpu.memory_space<hbm>>) dst(%arg5 : memref<4736xi32, #tpu.memory_space<vmem>>)
      tpu.yield
    }) : () -> ()
    %dma_start3A = arith.constant 0 : i32
    %dma_start3A_3 = arith.constant 0 : i32
    %dma_start3A_4 = arith.constant 0 : i32
    %dma_start3A_5 = tpu.memref_slice %arg6[%dma_start3A, %dma_start3A_3, %dma_start3A_4] : memref<8x128x64xf32, #tpu.memory_space<vmem>> -> memref<1x128x64xf32, #tpu.memory_space<vmem>>
    %dma_start3A_6 = tpu.memref_squeeze %dma_start3A_5 : memref<1x128x64xf32, #tpu.memory_space<vmem>> -> memref<128x64xf32, #tpu.memory_space<vmem>>
    %dma_start3A_7 = arith.constant 0 : i32
    %dma_start3A_8 = tpu.memref_slice %arg5[%dma_start3A_7] : memref<4736xi32, #tpu.memory_space<vmem>> -> memref<128xi32, #tpu.memory_space<vmem>>
    %dma_start3A_9 = arith.constant 0 : i32
    %dma_start3A_10 = arith.constant 0 : i32
    %dma_start3A_11 = tpu.memref_slice %arg2[%dma_start3A_9, %dma_start3A_10] : memref<10240x64xf32, #tpu.memory_space<hbm>> -> memref<10240x64xf32, #tpu.memory_space<hbm>>
    tpu.enqueue_indirect_dma source(%dma_start3A_11 : memref<10240x64xf32, #tpu.memory_space<hbm>>) target(%dma_start3A_6 : memref<128x64xf32, #tpu.memory_space<vmem>>) offsets(%dma_start3A_8 : memref<128xi32, #tpu.memory_space<vmem>>) semaphore(%arg7 : memref<!tpu.dma_semaphore, #tpu.memory_space<semaphore_mem>>)
    %dma_start3A_12 = arith.constant 1 : i32
    %dma_start3A_13 = arith.constant 0 : i32
    %dma_start3A_14 = arith.constant 0 : i32
    %dma_start3A_15 = tpu.memref_slice %arg6[%dma_start3A_12, %dma_start3A_13, %dma_start3A_14] : memref<8x128x64xf32, #tpu.memory_space<vmem>> -> memref<1x128x64xf32, #tpu.memory_space<vmem>>
    %dma_start3A_16 = tpu.memref_squeeze %dma_start3A_15 : memref<1x128x64xf32, #tpu.memory_space<vmem>> -> memref<128x64xf32, #tpu.memory_space<vmem>>
    %dma_start3A_17 = arith.constant 128 : i32
    %dma_start3A_18 = tpu.memref_slice %arg5[%dma_start3A_17] : memref<4736xi32, #tpu.memory_space<vmem>> -> memref<128xi32, #tpu.memory_space<vmem>>
    %dma_start3A_19 = arith.constant 0 : i32
    %dma_start3A_20 = arith.constant 0 : i32
    %dma_start3A_21 = tpu.memref_slice %arg2[%dma_start3A_19, %dma_start3A_20] : memref<10240x64xf32, #tpu.memory_space<hbm>> -> memref<10240x64xf32, #tpu.memory_space<hbm>>
    tpu.enqueue_indirect_dma source(%dma_start3A_21 : memref<10240x64xf32, #tpu.memory_space<hbm>>) target(%dma_start3A_16 : memref<128x64xf32, #tpu.memory_space<vmem>>) offsets(%dma_start3A_18 : memref<128xi32, #tpu.memory_space<vmem>>) semaphore(%arg7 : memref<!tpu.dma_semaphore, #tpu.memory_space<semaphore_mem>>)
    %dma_start3A_22 = arith.constant 2 : i32
    %dma_start3A_23 = arith.constant 0 : i32
    %dma_start3A_24 = arith.constant 0 : i32
    %dma_start3A_25 = tpu.memref_slice %arg6[%dma_start3A_22, %dma_start3A_23, %dma_start3A_24] : memref<8x128x64xf32, #tpu.memory_space<vmem>> -> memref<1x128x64xf32, #tpu.memory_space<vmem>>
    %dma_start3A_26 = tpu.memref_squeeze %dma_start3A_25 : memref<1x128x64xf32, #tpu.memory_space<vmem>> -> memref<128x64xf32, #tpu.memory_space<vmem>>
    %dma_start3A_27 = arith.constant 256 : i32
    %dma_start3A_28 = tpu.memref_slice %arg5[%dma_start3A_27] : memref<4736xi32, #tpu.memory_space<vmem>> -> memref<128xi32, #tpu.memory_space<vmem>>
    %dma_start3A_29 = arith.constant 0 : i32
    %dma_start3A_30 = arith.constant 0 : i32
    %dma_start3A_31 = tpu.memref_slice %arg2[%dma_start3A_29, %dma_start3A_30] : memref<10240x64xf32, #tpu.memory_space<hbm>> -> memref<10240x64xf32, #tpu.memory_space<hbm>>
    tpu.enqueue_indirect_dma source(%dma_start3A_31 : memref<10240x64xf32, #tpu.memory_space<hbm>>) target(%dma_start3A_26 : memref<128x64xf32, #tpu.memory_space<vmem>>) offsets(%dma_start3A_28 : memref<128xi32, #tpu.memory_space<vmem>>) semaphore(%arg7 : memref<!tpu.dma_semaphore, #tpu.memory_space<semaphore_mem>>)
    %dma_start3A_32 = arith.constant 3 : i32
    %dma_start3A_33 = arith.constant 0 : i32
    %dma_start3A_34 = arith.constant 0 : i32
    %dma_start3A_35 = tpu.memref_slice %arg6[%dma_start3A_32, %dma_start3A_33, %dma_start3A_34] : memref<8x128x64xf32, #tpu.memory_space<vmem>> -> memref<1x128x64xf32, #tpu.memory_space<vmem>>
    %dma_start3A_36 = tpu.memref_squeeze %dma_start3A_35 : memref<1x128x64xf32, #tpu.memory_space<vmem>> -> memref<128x64xf32, #tpu.memory_space<vmem>>
    %dma_start3A_37 = arith.constant 384 : i32
    %dma_start3A_38 = tpu.memref_slice %arg5[%dma_start3A_37] : memref<4736xi32, #tpu.memory_space<vmem>> -> memref<128xi32, #tpu.memory_space<vmem>>
    %dma_start3A_39 = arith.constant 0 : i32
    %dma_start3A_40 = arith.constant 0 : i32
    %dma_start3A_41 = tpu.memref_slice %arg2[%dma_start3A_39, %dma_start3A_40] : memref<10240x64xf32, #tpu.memory_space<hbm>> -> memref<10240x64xf32, #tpu.memory_space<hbm>>
    tpu.enqueue_indirect_dma source(%dma_start3A_41 : memref<10240x64xf32, #tpu.memory_space<hbm>>) target(%dma_start3A_36 : memref<128x64xf32, #tpu.memory_space<vmem>>) offsets(%dma_start3A_38 : memref<128xi32, #tpu.memory_space<vmem>>) semaphore(%arg7 : memref<!tpu.dma_semaphore, #tpu.memory_space<semaphore_mem>>)
    %dma_start3A_42 = arith.constant 4 : i32
    %dma_start3A_43 = arith.constant 0 : i32
    %dma_start3A_44 = arith.constant 0 : i32
    %dma_start3A_45 = tpu.memref_slice %arg6[%dma_start3A_42, %dma_start3A_43, %dma_start3A_44] : memref<8x128x64xf32, #tpu.memory_space<vmem>> -> memref<1x128x64xf32, #tpu.memory_space<vmem>>
    %dma_start3A_46 = tpu.memref_squeeze %dma_start3A_45 : memref<1x128x64xf32, #tpu.memory_space<vmem>> -> memref<128x64xf32, #tpu.memory_space<vmem>>
    %dma_start3A_47 = arith.constant 512 : i32
    %dma_start3A_48 = tpu.memref_slice %arg5[%dma_start3A_47] : memref<4736xi32, #tpu.memory_space<vmem>> -> memref<128xi32, #tpu.memory_space<vmem>>
    %dma_start3A_49 = arith.constant 0 : i32
    %dma_start3A_50 = arith.constant 0 : i32
    %dma_start3A_51 = tpu.memref_slice %arg2[%dma_start3A_49, %dma_start3A_50] : memref<10240x64xf32, #tpu.memory_space<hbm>> -> memref<10240x64xf32, #tpu.memory_space<hbm>>
    tpu.enqueue_indirect_dma source(%dma_start3A_51 : memref<10240x64xf32, #tpu.memory_space<hbm>>) target(%dma_start3A_46 : memref<128x64xf32, #tpu.memory_space<vmem>>) offsets(%dma_start3A_48 : memref<128xi32, #tpu.memory_space<vmem>>) semaphore(%arg7 : memref<!tpu.dma_semaphore, #tpu.memory_space<semaphore_mem>>)
    %dma_start3A_52 = arith.constant 5 : i32
    %dma_start3A_53 = arith.constant 0 : i32
    %dma_start3A_54 = arith.constant 0 : i32
    %dma_start3A_55 = tpu.memref_slice %arg6[%dma_start3A_52, %dma_start3A_53, %dma_start3A_54] : memref<8x128x64xf32, #tpu.memory_space<vmem>> -> memref<1x128x64xf32, #tpu.memory_space<vmem>>
    %dma_start3A_56 = tpu.memref_squeeze %dma_start3A_55 : memref<1x128x64xf32, #tpu.memory_space<vmem>> -> memref<128x64xf32, #tpu.memory_space<vmem>>
    %dma_start3A_57 = arith.constant 640 : i32
    %dma_start3A_58 = tpu.memref_slice %arg5[%dma_start3A_57] : memref<4736xi32, #tpu.memory_space<vmem>> -> memref<128xi32, #tpu.memory_space<vmem>>
    %dma_start3A_59 = arith.constant 0 : i32
    %dma_start3A_60 = arith.constant 0 : i32
    %dma_start3A_61 = tpu.memref_slice %arg2[%dma_start3A_59, %dma_start3A_60] : memref<10240x64xf32, #tpu.memory_space<hbm>> -> memref<10240x64xf32, #tpu.memory_space<hbm>>
    tpu.enqueue_indirect_dma source(%dma_start3A_61 : memref<10240x64xf32, #tpu.memory_space<hbm>>) target(%dma_start3A_56 : memref<128x64xf32, #tpu.memory_space<vmem>>) offsets(%dma_start3A_58 : memref<128xi32, #tpu.memory_space<vmem>>) semaphore(%arg7 : memref<!tpu.dma_semaphore, #tpu.memory_space<semaphore_mem>>)
    %dma_start3A_62 = arith.constant 6 : i32
    %dma_start3A_63 = arith.constant 0 : i32
    %dma_start3A_64 = arith.constant 0 : i32
    %dma_start3A_65 = tpu.memref_slice %arg6[%dma_start3A_62, %dma_start3A_63, %dma_start3A_64] : memref<8x128x64xf32, #tpu.memory_space<vmem>> -> memref<1x128x64xf32, #tpu.memory_space<vmem>>
    %dma_start3A_66 = tpu.memref_squeeze %dma_start3A_65 : memref<1x128x64xf32, #tpu.memory_space<vmem>> -> memref<128x64xf32, #tpu.memory_space<vmem>>
    %dma_start3A_67 = arith.constant 768 : i32
    %dma_start3A_68 = tpu.memref_slice %arg5[%dma_start3A_67] : memref<4736xi32, #tpu.memory_space<vmem>> -> memref<128xi32, #tpu.memory_space<vmem>>
    %dma_start3A_69 = arith.constant 0 : i32
    %dma_start3A_70 = arith.constant 0 : i32
    %dma_start3A_71 = tpu.memref_slice %arg2[%dma_start3A_69, %dma_start3A_70] : memref<10240x64xf32, #tpu.memory_space<hbm>> -> memref<10240x64xf32, #tpu.memory_space<hbm>>
    tpu.enqueue_indirect_dma source(%dma_start3A_71 : memref<10240x64xf32, #tpu.memory_space<hbm>>) target(%dma_start3A_66 : memref<128x64xf32, #tpu.memory_space<vmem>>) offsets(%dma_start3A_68 : memref<128xi32, #tpu.memory_space<vmem>>) semaphore(%arg7 : memref<!tpu.dma_semaphore, #tpu.memory_space<semaphore_mem>>)
    %dma_start3A_72 = arith.constant 7 : i32
    %dma_start3A_73 = arith.constant 0 : i32
    %dma_start3A_74 = arith.constant 0 : i32
    %dma_start3A_75 = tpu.memref_slice %arg6[%dma_start3A_72, %dma_start3A_73, %dma_start3A_74] : memref<8x128x64xf32, #tpu.memory_space<vmem>> -> memref<1x128x64xf32, #tpu.memory_space<vmem>>
    %dma_start3A_76 = tpu.memref_squeeze %dma_start3A_75 : memref<1x128x64xf32, #tpu.memory_space<vmem>> -> memref<128x64xf32, #tpu.memory_space<vmem>>
    %dma_start3A_77 = arith.constant 896 : i32
    %dma_start3A_78 = tpu.memref_slice %arg5[%dma_start3A_77] : memref<4736xi32, #tpu.memory_space<vmem>> -> memref<128xi32, #tpu.memory_space<vmem>>
    %dma_start3A_79 = arith.constant 0 : i32
    %dma_start3A_80 = arith.constant 0 : i32
    %dma_start3A_81 = tpu.memref_slice %arg2[%dma_start3A_79, %dma_start3A_80] : memref<10240x64xf32, #tpu.memory_space<hbm>> -> memref<10240x64xf32, #tpu.memory_space<hbm>>
    tpu.enqueue_indirect_dma source(%dma_start3A_81 : memref<10240x64xf32, #tpu.memory_space<hbm>>) target(%dma_start3A_76 : memref<128x64xf32, #tpu.memory_space<vmem>>) offsets(%dma_start3A_78 : memref<128xi32, #tpu.memory_space<vmem>>) semaphore(%arg7 : memref<!tpu.dma_semaphore, #tpu.memory_space<semaphore_mem>>)
    %scan3A = arith.constant 0 : i32
    %scan3A_82 = arith.constant 0 : i32
    %scan3A_83 = arith.constant 37 : i32
    %scan3A_84 = arith.addi %scan3A_82, %scan3A_83 : i32
    %scan3A_85 = arith.constant 1 : i32
    %scan3A_86 = scf.for %scan3A_88 = %scan3A_82 to %scan3A_84 step %scan3A_85 iter_args(%scan3A_89 = %scan3A) -> (i32)  : i32 {
      %rem3A = arith.constant 8 : i32
      %rem3A_90 = arith.remsi %scan3A_88, %rem3A : i32
      %dma_wait3A = arith.constant 0 : i32
      %dma_wait3A_91 = arith.constant 0 : i32
      %dma_wait3A_92 = tpu.memref_slice %arg6[%rem3A_90, %dma_wait3A, %dma_wait3A_91] : memref<8x128x64xf32, #tpu.memory_space<vmem>> -> memref<1x128x64xf32, #tpu.memory_space<vmem>>
      %dma_wait3A_93 = tpu.memref_squeeze %dma_wait3A_92 : memref<1x128x64xf32, #tpu.memory_space<vmem>> -> memref<128x64xf32, #tpu.memory_space<vmem>>
      %dma_wait3A_94 = arith.constant 0 : i32
      %dma_wait3A_95 = tpu.memref_slice %arg5[%dma_wait3A_94] : memref<4736xi32, #tpu.memory_space<vmem>> -> memref<128xi32, #tpu.memory_space<vmem>>
      %dma_wait3A_96 = arith.constant 0 : i32
      %dma_wait3A_97 = arith.constant 0 : i32
      %dma_wait3A_98 = tpu.memref_slice %arg2[%dma_wait3A_96, %dma_wait3A_97] : memref<10240x64xf32, #tpu.memory_space<hbm>> -> memref<10240x64xf32, #tpu.memory_space<hbm>>
      tpu.wait_indirect_dma semaphore(%arg7 : memref<!tpu.dma_semaphore, #tpu.memory_space<semaphore_mem>>) src(%dma_wait3A_98 : memref<10240x64xf32, #tpu.memory_space<hbm>>) dst(%dma_wait3A_93 : memref<128x64xf32, #tpu.memory_space<vmem>>)
      %mul3A_99 = arith.constant 128 : i32
      %mul3A_100 = arith.muli %scan3A_88, %mul3A_99 : i32
      %add3A_101 = arith.addi %mul3A_2, %mul3A_100 : i32
      %dma_start3A_102 = arith.constant 0 : i32
      %dma_start3A_103 = arith.constant 0 : i32
      %dma_start3A_104 = tpu.memref_slice %arg6[%rem3A_90, %dma_start3A_102, %dma_start3A_103] : memref<8x128x64xf32, #tpu.memory_space<vmem>> -> memref<1x128x64xf32, #tpu.memory_space<vmem>>
      %dma_start3A_105 = tpu.memref_squeeze %dma_start3A_104 : memref<1x128x64xf32, #tpu.memory_space<vmem>> -> memref<128x64xf32, #tpu.memory_space<vmem>>
      %dma_start3A_106 = arith.constant 0 : i32
      %dma_start3A_107 = tpu.memref_slice %arg4[%add3A_101, %dma_start3A_106] : memref<151552x64xf32, #tpu.memory_space<hbm>> -> memref<128x64xf32, #tpu.memory_space<hbm>>
      %dma_start3A_108 = arith.constant 0 : i32
      %dma_start3A_109 = tpu.memref_slice %arg4[%add3A_101, %dma_start3A_108] : memref<151552x64xf32, #tpu.memory_space<hbm>> -> memref<128x64xf32, #tpu.memory_space<hbm>>
      %dma_start3A_110 = arith.constant 0 : i32
      %dma_start3A_111 = arith.constant 0 : i32
      %dma_start3A_112 = tpu.memref_slice %arg6[%rem3A_90, %dma_start3A_110, %dma_start3A_111] : memref<8x128x64xf32, #tpu.memory_space<vmem>> -> memref<1x128x64xf32, #tpu.memory_space<vmem>>
      %dma_start3A_113 = tpu.memref_squeeze %dma_start3A_112 : memref<1x128x64xf32, #tpu.memory_space<vmem>> -> memref<128x64xf32, #tpu.memory_space<vmem>>
      tpu.enqueue_dma source(%dma_start3A_113 : memref<128x64xf32, #tpu.memory_space<vmem>>) target(%dma_start3A_109 : memref<128x64xf32, #tpu.memory_space<hbm>>) target_semaphore(%arg8 : memref<!tpu.dma_semaphore, #tpu.memory_space<semaphore_mem>>)
      %dma_wait3A_114 = arith.constant 0 : i32
      %dma_wait3A_115 = arith.constant 0 : i32
      %dma_wait3A_116 = tpu.memref_slice %arg6[%rem3A_90, %dma_wait3A_114, %dma_wait3A_115] : memref<8x128x64xf32, #tpu.memory_space<vmem>> -> memref<1x128x64xf32, #tpu.memory_space<vmem>>
      %dma_wait3A_117 = tpu.memref_squeeze %dma_wait3A_116 : memref<1x128x64xf32, #tpu.memory_space<vmem>> -> memref<128x64xf32, #tpu.memory_space<vmem>>
      %dma_wait3A_118 = arith.constant 0 : i32
      %dma_wait3A_119 = tpu.memref_slice %arg4[%add3A_101, %dma_wait3A_118] : memref<151552x64xf32, #tpu.memory_space<hbm>> -> memref<128x64xf32, #tpu.memory_space<hbm>>
      %dma_wait3A_120 = arith.constant 0 : i32
      %dma_wait3A_121 = tpu.memref_slice %arg4[%add3A_101, %dma_wait3A_120] : memref<151552x64xf32, #tpu.memory_space<hbm>> -> memref<128x64xf32, #tpu.memory_space<hbm>>
      %dma_wait3A_122 = arith.constant 0 : i32
      %dma_wait3A_123 = arith.constant 0 : i32
      %dma_wait3A_124 = tpu.memref_slice %arg6[%rem3A_90, %dma_wait3A_122, %dma_wait3A_123] : memref<8x128x64xf32, #tpu.memory_space<vmem>> -> memref<1x128x64xf32, #tpu.memory_space<vmem>>
      %dma_wait3A_125 = tpu.memref_squeeze %dma_wait3A_124 : memref<1x128x64xf32, #tpu.memory_space<vmem>> -> memref<128x64xf32, #tpu.memory_space<vmem>>
      tpu.wait_dma2 semaphore(%arg8 : memref<!tpu.dma_semaphore, #tpu.memory_space<semaphore_mem>>) src(%dma_wait3A_125 : memref<128x64xf32, #tpu.memory_space<vmem>>) dst(%dma_wait3A_121 : memref<128x64xf32, #tpu.memory_space<hbm>>)
      %add3A_126 = arith.constant 8 : i32
      %add3A_127 = arith.addi %scan3A_88, %add3A_126 : i32
      %lt3A = arith.constant 37 : i32
      %lt3A_128 = arith.cmpi slt, %add3A_127, %lt3A : i32
      %convert_element_type3A = arith.extui %lt3A_128 : i1 to i32
      %cond3A = arith.constant 0 : i32
      %cond3A_129 = arith.cmpi ne, %convert_element_type3A, %cond3A : i32
      scf.if %cond3A_129 {
        %add3A_131 = arith.constant 8 : i32
        %add3A_132 = arith.addi %scan3A_88, %add3A_131 : i32
        %mul3A_133 = arith.constant 128 : i32
        %mul3A_134 = arith.muli %add3A_132, %mul3A_133 : i32
        %dma_start3A_135 = arith.constant 0 : i32
        %dma_start3A_136 = arith.constant 0 : i32
        %dma_start3A_137 = tpu.memref_slice %arg6[%rem3A_90, %dma_start3A_135, %dma_start3A_136] : memref<8x128x64xf32, #tpu.memory_space<vmem>> -> memref<1x128x64xf32, #tpu.memory_space<vmem>>
        %dma_start3A_138 = tpu.memref_squeeze %dma_start3A_137 : memref<1x128x64xf32, #tpu.memory_space<vmem>> -> memref<128x64xf32, #tpu.memory_space<vmem>>
        %dma_start3A_139 = tpu.memref_slice %arg5[%mul3A_134] : memref<4736xi32, #tpu.memory_space<vmem>> -> memref<128xi32, #tpu.memory_space<vmem>>
        %dma_start3A_140 = arith.constant 0 : i32
        %dma_start3A_141 = arith.constant 0 : i32
        %dma_start3A_142 = tpu.memref_slice %arg2[%dma_start3A_140, %dma_start3A_141] : memref<10240x64xf32, #tpu.memory_space<hbm>> -> memref<10240x64xf32, #tpu.memory_space<hbm>>
        tpu.enqueue_indirect_dma source(%dma_start3A_142 : memref<10240x64xf32, #tpu.memory_space<hbm>>) target(%dma_start3A_138 : memref<128x64xf32, #tpu.memory_space<vmem>>) offsets(%dma_start3A_139 : memref<128xi32, #tpu.memory_space<vmem>>) semaphore(%arg7 : memref<!tpu.dma_semaphore, #tpu.memory_space<semaphore_mem>>)
      } else {
      }
      %scan3A_130 = arith.constant 0 : i32
      scf.yield %scan3A_130 : i32
    }
    %scan3A_87 = arith.constant 37 : i32
    return
  }
}

module attributes {stable_mosaic.version = 14 : i64} {
  func.func @_mm_body(%arg0: memref<10240x128xf32, #tpu.memory_space<vmem>>, %arg1: memref<128x128xf32, #tpu.memory_space<vmem>>, %arg2: memref<10240x64xf32, #tpu.memory_space<vmem>>, %arg3: memref<10240x64xf32, #tpu.memory_space<vmem>>) attributes {dimension_semantics = [], scalar_prefetch = 0 : i64, scratch_operands = 0 : i64, tpu.core_type = #tpu.core_type<tc>} {
    %get3A = arith.constant 0 : index
    %get3A_0 = arith.constant 0 : index
    %get3A_1 = vector.load %arg0[%get3A, %get3A_0] : memref<10240x128xf32, #tpu.memory_space<vmem>>, vector<10240x128xf32>
    %get3A_2 = arith.constant 0 : index
    %get3A_3 = arith.constant 0 : index
    %get3A_4 = vector.load %arg1[%get3A_2, %get3A_3] : memref<128x128xf32, #tpu.memory_space<vmem>>, vector<128x128xf32>
    %dot_general3A = arith.constant dense<0.000000e+00> : vector<10240x128xf32>
    %dot_general3A_5 = tpu.matmul %get3A_1, %get3A_4, %dot_general3A {dimension_numbers = #tpu.dot_dimension_numbers<[1], [0], [0], [1], [0, 0, 1, 1], [], []>, transpose_lhs_hint = false} : vector<10240x128xf32>, vector<128x128xf32>, vector<10240x128xf32> -> vector<10240x128xf32>
    %slice3A = vector.extract_strided_slice %dot_general3A_5 {offsets = [0, 0], sizes = [10240, 64], strides = [1, 1]} : vector<10240x128xf32> to vector<10240x64xf32>
    %swap3A = arith.constant 0 : index
    %swap3A_6 = arith.constant 0 : index
    %swap3A_7 = vector.load %arg2[%swap3A, %swap3A_6] : memref<10240x64xf32, #tpu.memory_space<vmem>>, vector<10240x64xf32>
    tpu.vector_store %arg2[%swap3A, %swap3A_6], %slice3A {strides = array<i32>} : memref<10240x64xf32, #tpu.memory_space<vmem>>, vector<10240x64xf32>,
    %slice3A_8 = vector.extract_strided_slice %dot_general3A_5 {offsets = [0, 64], sizes = [10240, 64], strides = [1, 1]} : vector<10240x128xf32> to vector<10240x64xf32>
    %swap3A_9 = arith.constant 0 : index
    %swap3A_10 = arith.constant 0 : index
    %swap3A_11 = vector.load %arg3[%swap3A_9, %swap3A_10] : memref<10240x64xf32, #tpu.memory_space<vmem>>, vector<10240x64xf32>
    tpu.vector_store %arg3[%swap3A_9, %swap3A_10], %slice3A_8 {strides = array<i32>} : memref<10240x64xf32, #tpu.memory_space<vmem>>, vector<10240x64xf32>,
    return
  }
}

module attributes {stable_mosaic.version = 14 : i64} {
  func.func @_mm_body(%arg0: memref<10240x64xf32, #tpu.memory_space<vmem>>, %arg1: memref<64x128xf32, #tpu.memory_space<vmem>>, %arg2: memref<10240x64xf32, #tpu.memory_space<vmem>>, %arg3: memref<10240x64xf32, #tpu.memory_space<vmem>>) attributes {dimension_semantics = [], scalar_prefetch = 0 : i64, scratch_operands = 0 : i64, tpu.core_type = #tpu.core_type<tc>} {
    %get3A = arith.constant 0 : index
    %get3A_0 = arith.constant 0 : index
    %get3A_1 = vector.load %arg0[%get3A, %get3A_0] : memref<10240x64xf32, #tpu.memory_space<vmem>>, vector<10240x64xf32>
    %get3A_2 = arith.constant 0 : index
    %get3A_3 = arith.constant 0 : index
    %get3A_4 = vector.load %arg1[%get3A_2, %get3A_3] : memref<64x128xf32, #tpu.memory_space<vmem>>, vector<64x128xf32>
    %dot_general3A = arith.constant dense<0.000000e+00> : vector<10240x128xf32>
    %dot_general3A_5 = tpu.matmul %get3A_1, %get3A_4, %dot_general3A {dimension_numbers = #tpu.dot_dimension_numbers<[1], [0], [0], [1], [0, 0, 1, 1], [], []>, transpose_lhs_hint = false} : vector<10240x64xf32>, vector<64x128xf32>, vector<10240x128xf32> -> vector<10240x128xf32>
    %slice3A = vector.extract_strided_slice %dot_general3A_5 {offsets = [0, 0], sizes = [10240, 64], strides = [1, 1]} : vector<10240x128xf32> to vector<10240x64xf32>
    %swap3A = arith.constant 0 : index
    %swap3A_6 = arith.constant 0 : index
    %swap3A_7 = vector.load %arg2[%swap3A, %swap3A_6] : memref<10240x64xf32, #tpu.memory_space<vmem>>, vector<10240x64xf32>
    tpu.vector_store %arg2[%swap3A, %swap3A_6], %slice3A {strides = array<i32>} : memref<10240x64xf32, #tpu.memory_space<vmem>>, vector<10240x64xf32>,
    %slice3A_8 = vector.extract_strided_slice %dot_general3A_5 {offsets = [0, 64], sizes = [10240, 64], strides = [1, 1]} : vector<10240x128xf32> to vector<10240x64xf32>
    %swap3A_9 = arith.constant 0 : index
    %swap3A_10 = arith.constant 0 : index
    %swap3A_11 = vector.load %arg3[%swap3A_9, %swap3A_10] : memref<10240x64xf32, #tpu.memory_space<vmem>>, vector<10240x64xf32>
    tpu.vector_store %arg3[%swap3A_9, %swap3A_10], %slice3A_8 {strides = array<i32>} : memref<10240x64xf32, #tpu.memory_space<vmem>>, vector<10240x64xf32>,
    return
  }
}

module attributes {stable_mosaic.version = 14 : i64} {
  func.func @_conv_lin_body(%arg0: memref<151552x64xf32, #tpu.memory_space<any>>, %arg1: memref<192x48xf32, #tpu.memory_space<vmem>>, %arg2: memref<48xf32, #tpu.memory_space<vmem>>, %arg3: memref<384x384x16xf32, #tpu.memory_space<any>>, %arg4: memref<25476x64xf32, #tpu.memory_space<vmem>>, %arg5: memref<16x384x16xf32, #tpu.memory_space<vmem>>, %arg6: memref<!tpu.dma_semaphore, #tpu.memory_space<semaphore_mem>>, %arg7: memref<!tpu.dma_semaphore, #tpu.memory_space<semaphore_mem>>) attributes {dimension_semantics = [], scalar_prefetch = 0 : i64, scratch_operands = 4 : i64, tpu.core_type = #tpu.core_type<tc>} {
    %scan3A = arith.constant 0 : i32
    %scan3A_0 = arith.constant 6 : i32
    %scan3A_1 = arith.addi %scan3A, %scan3A_0 : i32
    %scan3A_2 = arith.constant 1 : i32
    scf.for %scan3A_4 = %scan3A to %scan3A_1 step %scan3A_2  : i32 {
      %mul3A = arith.constant 64 : i32
      %mul3A_5 = arith.muli %scan3A_4, %mul3A : i32
      %mul3A_6 = arith.constant 386 : i32
      %mul3A_7 = arith.muli %mul3A_5, %mul3A_6 : i32
      %dma_start3A = arith.constant 0 : i32
      %dma_start3A_8 = tpu.memref_slice %arg0[%mul3A_7, %dma_start3A] : memref<151552x64xf32, #tpu.memory_space<any>> -> memref<25476x64xf32, #tpu.memory_space<any>>
      tpu.enqueue_dma source(%dma_start3A_8 : memref<25476x64xf32, #tpu.memory_space<any>>) target(%arg4 : memref<25476x64xf32, #tpu.memory_space<vmem>>) target_semaphore(%arg6 : memref<!tpu.dma_semaphore, #tpu.memory_space<semaphore_mem>>)
      %dma_wait3A = arith.constant 0 : i32
      %dma_wait3A_9 = tpu.memref_slice %arg0[%mul3A_7, %dma_wait3A] : memref<151552x64xf32, #tpu.memory_space<any>> -> memref<25476x64xf32, #tpu.memory_space<any>>
      tpu.wait_dma2 semaphore(%arg6 : memref<!tpu.dma_semaphore, #tpu.memory_space<semaphore_mem>>) src(%dma_wait3A_9 : memref<25476x64xf32, #tpu.memory_space<any>>) dst(%arg4 : memref<25476x64xf32, #tpu.memory_space<vmem>>)
      %scan3A_10 = arith.constant 0 : i32
      %scan3A_11 = arith.constant 4 : i32
      %scan3A_12 = arith.addi %scan3A_10, %scan3A_11 : i32
      %scan3A_13 = arith.constant 1 : i32
      scf.for %scan3A_15 = %scan3A_10 to %scan3A_12 step %scan3A_13  : i32 {
        %mul3A_16 = arith.constant 16 : i32
        %mul3A_17 = arith.muli %scan3A_15, %mul3A_16 : i32
        %mul3A_18 = arith.constant 386 : i32
        %mul3A_19 = arith.muli %mul3A_17, %mul3A_18 : i32
        %get3A = arith.index_cast %mul3A_19 : i32 to index
        %get3A_20 = arith.constant 0 : index
        %get3A_21 = vector.load %arg4[%get3A, %get3A_20] : memref<25476x64xf32, #tpu.memory_space<vmem>>, vector<6176x64xf32>
        %add3A = arith.constant 386 : i32
        %add3A_22 = arith.addi %mul3A_19, %add3A : i32
        %get3A_23 = arith.index_cast %add3A_22 : i32 to index
        %get3A_24 = arith.constant 0 : index
        %get3A_25 = vector.load %arg4[%get3A_23, %get3A_24] : memref<25476x64xf32, #tpu.memory_space<vmem>>, vector<6176x64xf32>
        %add3A_26 = arith.constant 772 : i32
        %add3A_27 = arith.addi %mul3A_19, %add3A_26 : i32
        %get3A_28 = arith.index_cast %add3A_27 : i32 to index
        %get3A_29 = arith.constant 0 : index
        %get3A_30 = vector.load %arg4[%get3A_28, %get3A_29] : memref<25476x64xf32, #tpu.memory_space<vmem>>, vector<6176x64xf32>
        %concatenate3A = tpu.concatenate %get3A_21, %get3A_25, %get3A_30 in 1 : vector<6176x64xf32>, vector<6176x64xf32>, vector<6176x64xf32> -> vector<6176x192xf32>
        %get3A_31 = arith.constant 0 : index
        %get3A_32 = arith.constant 0 : index
        %get3A_33 = vector.load %arg1[%get3A_31, %get3A_32] : memref<192x48xf32, #tpu.memory_space<vmem>>, vector<192x48xf32>
        %dot_general3A = arith.constant dense<0.000000e+00> : vector<6176x48xf32>
        %dot_general3A_34 = tpu.matmul %concatenate3A, %get3A_33, %dot_general3A {dimension_numbers = #tpu.dot_dimension_numbers<[1], [0], [0], [1], [0, 0, 1, 1], [], []>, transpose_lhs_hint = false} : vector<6176x192xf32>, vector<192x48xf32>, vector<6176x48xf32> -> vector<6176x48xf32>
        %reshape3A = vector.shape_cast %dot_general3A_34 : vector<6176x48xf32> to vector<16x386x48xf32>
        %slice3A = vector.extract_strided_slice %reshape3A {offsets = [0, 0, 0], sizes = [16, 384, 16], strides = [1, 1, 1]} : vector<16x386x48xf32> to vector<16x384x16xf32>
        %slice3A_35 = vector.extract_strided_slice %reshape3A {offsets = [0, 1, 16], sizes = [16, 384, 16], strides = [1, 1, 1]} : vector<16x386x48xf32> to vector<16x384x16xf32>
        %add3A_36 = arith.addf %slice3A, %slice3A_35 : vector<16x384x16xf32>
        %slice3A_37 = vector.extract_strided_slice %reshape3A {offsets = [0, 2, 32], sizes = [16, 384, 16], strides = [1, 1, 1]} : vector<16x386x48xf32> to vector<16x384x16xf32>
        %add3A_38 = arith.addf %add3A_36, %slice3A_37 : vector<16x384x16xf32>
        %get3A_39 = arith.constant 0 : index
        %get3A_40 = vector.load %arg2[%get3A_39] : memref<48xf32, #tpu.memory_space<vmem>>, vector<16xf32>
        %broadcast_in_dim3A = vector.shape_cast %get3A_40 : vector<16xf32> to vector<1x1x16xf32>
        %add3A_41 = vector.broadcast %broadcast_in_dim3A : vector<1x1x16xf32> to vector<16x384x16xf32>
        %add3A_42 = arith.addf %add3A_38, %add3A_41 : vector<16x384x16xf32>
        %swap3A = arith.constant 0 : index
        %swap3A_43 = arith.constant 0 : index
        %swap3A_44 = arith.constant 0 : index
        %swap3A_45 = vector.load %arg5[%swap3A, %swap3A_43, %swap3A_44] : memref<16x384x16xf32, #tpu.memory_space<vmem>>, vector<16x384x16xf32>
        tpu.vector_store %arg5[%swap3A, %swap3A_43, %swap3A_44], %add3A_42 {strides = array<i32>} : memref<16x384x16xf32, #tpu.memory_space<vmem>>, vector<16x384x16xf32>,
        %mul3A_46 = arith.constant 64 : i32
        %mul3A_47 = arith.muli %scan3A_4, %mul3A_46 : i32
        %mul3A_48 = arith.constant 16 : i32
        %mul3A_49 = arith.muli %scan3A_15, %mul3A_48 : i32
        %add3A_50 = arith.addi %mul3A_47, %mul3A_49 : i32
        %dma_start3A_51 = arith.constant 0 : i32
        %dma_start3A_52 = arith.constant 0 : i32
        %dma_start3A_53 = tpu.memref_slice %arg3[%add3A_50, %dma_start3A_51, %dma_start3A_52] : memref<384x384x16xf32, #tpu.memory_space<any>> -> memref<16x384x16xf32, #tpu.memory_space<any>>
        tpu.enqueue_dma source(%arg5 : memref<16x384x16xf32, #tpu.memory_space<vmem>>) target(%dma_start3A_53 : memref<16x384x16xf32, #tpu.memory_space<any>>) target_semaphore(%arg7 : memref<!tpu.dma_semaphore, #tpu.memory_space<semaphore_mem>>)
        %dma_wait3A_54 = arith.constant 0 : i32
        %dma_wait3A_55 = arith.constant 0 : i32
        %dma_wait3A_56 = tpu.memref_slice %arg3[%add3A_50, %dma_wait3A_54, %dma_wait3A_55] : memref<384x384x16xf32, #tpu.memory_space<any>> -> memref<16x384x16xf32, #tpu.memory_space<any>>
        tpu.wait_dma2 semaphore(%arg7 : memref<!tpu.dma_semaphore, #tpu.memory_space<semaphore_mem>>) src(%arg5 : memref<16x384x16xf32, #tpu.memory_space<vmem>>) dst(%dma_wait3A_56 : memref<16x384x16xf32, #tpu.memory_space<any>>)
      }
      %scan3A_14 = arith.constant 4 : i32
    }
    %scan3A_3 = arith.constant 6 : i32
    return
  }
}

</mosaic_0001>

<sc_bundles>
// kernel: kernel.11.cloned.1.call-start
scs
__scs_entry_jumppad:
0x0: {  	(pc) =	sbr.rel $0x88, $3  }
0x1: {  	(tag) =	ssettag $0x0;
	lr =	simm.s32 $0x1  }
0x2: {  	[smem:$0x3F96] =	sst lr;
	_ =	strace $0xD0000000  }
0x3: {  	_ = 	snop  }
0x4: {  	_ = 	snop  }
0x5: {  	_ = 	snop  }
0x6: {  	_ = 	snop  }
0x7: {  	_ = 	snop  }
__scs_overlays_trampoline_lowered:
0x8: {  	[smem:$0x3FA5] =	sst s0  }
0x9: {  	[smem:$0x3FA6] =	sst s1  }
0xa: {  	[smem:$0x3FA7] =	sst s2  }
0xb: {  	[smem:$0x3FA8] =	sst s3  }
0xc: {  	[smem:$0x3FA9] =	sst s4  }
0xd: {  	[smem:$0x3FAA] =	sst s5  }
0xe: {  	[smem:$0x3FAB] =	sst s6  }
0xf: {  	[smem:$0x3FAC] =	sst s7  }
0x10: {  	[smem:$0x3FAD] =	sst s8  }
0x11: {  	[smem:$0x3FAE] =	sst s9;
	s0 =	simm.s32 @!p0 $0x0  }
0x12: {  	s1 =	sld [smem:$0x3F94];
	s0 =	simm.s32 @p0 $0x1  }
0x13: {  	[smem:$0x3FAF] =	sst s0;
	s0 =	simm.s32 @!p1 $0x0  }
0x14: {  	s2 =	sld [smem:$0x3F93];
	s0 =	simm.s32 @p1 $0x1  }
0x15: {  	[smem:$0x3FB0] =	sst s0;
	s0 =	simm.s32 @!p2 $0x0  }
0x16: {  	s3 =	sld [smem:$0x3FDB];
	s0 =	simm.s32 @p2 $0x1  }
0x17: {  	s4 =	simm.s32 $0x1BF5;
	[smem:$0x3FB2] =	sst s0  }
0x18: {  	s0 =	sld [smem:$0x3F95];
	_ =	swait.ge [sflag:s4], $0x0  }
0x19: {  	s7 =	sld [smem:$0x3F96]  }
0x1a: {  	s8 =	sadd.s32 $0xFFFFE003, lr  }
0x1b: {  	s9 =	sadd.s32 $0xFFFFFEF7, lr;
	s5 =	simm.s32 $0xFFFFFFFF;
	p2 =	slt.u32 s8, $0xFFFFF086  }
0x1c: {  	p1 =	slt.u32 s9, $0xF7A;
	s5 =	simm.s32 @!p2 $0x0  }
0x1d: {  	s5 =	simm.s32 @p1 $0x1;
	p0 =	seq.s32 s7, s2  }
0x1e: {  	s7 =	smul.u32 @!p0 $0xF7A, s2;
	p2 =	seq.s32 @!p0 s5, $0x0  }
0x1f: {  	s9 =	smul.u32 $0xF7A, s1;
	s8 =	simm.s32 @!p0 $0x1BF5;
	p2 =	por !p2, p0  }
0x20: {  	[sflag:s8] =	ssyncset.s32 @!p0 $0xFFFFF086;
	s6 =	sadd.s32 @!p0 s3, s7;
	s7 =	simm.s32 @!p0 $0x108  }
0x21: {  	s3 =	sadd.s32 s3, s9;
	s6 =	sadd.s32 @!p0 $0x88, s6;
	s7 =	simm.s32 @p2 $0x1082  }
0x22: {  	[simem:s7], [sflag:s8] =	dma.local @!p0 [hbm:s6], $0xF7A  }
0x23: {  	s9 =	sor.u32 $0xD0000000, s2;
	s6 =	simm.s32 $0x108;
	_ =	swait.ge @!p0 [sflag:s8], $0x0  }
0x24: {  	s3 =	sadd.s32 $0x88, s3;
	s6 =	simm.s32 @!p1 $0x1082;
	[sflag:s4] =	ssyncset.s32 $0xFFFFF086  }
0x25: {  	[simem:s6], [sflag:s4] =	dma.local [hbm:s3], $0xF7A  }
0x26: {  	[smem:$0x3F96] =	sst s1;
	(tag) =	ssettag s2;
	_ =	strace s9  }
0x27: {  	s1 =	sld [smem:$0x3FA6]  }
0x28: {  	s2 =	sld [smem:$0x3FA7]  }
0x29: {  	s4 =	sld [smem:$0x3FA9]  }
0x2a: {  	p0 =	seq.s32 s5, $0x0;
	s5 =	sld [smem:$0x3FAA]  }
0x2b: {  	s6 =	sld [smem:$0x3FAB]  }
0x2c: {  	s7 =	sld [smem:$0x3FAC]  }
0x2d: {  	s3 =	simm.s32 $0x108;
	s8 =	sld [smem:$0x3FAD]  }
0x2e: {  	s3 =	simm.s32 @!p0 $0x1082;
	s9 =	sld [smem:$0x3FAE]  }
0x2f: {  	lr =	sadd.s32 s0, s3;
	s0 =	sld [smem:$0x3FA5]  }
0x30: {  	s3 =	sld [smem:$0x3FA8]  }
0x31: {  	[smem:$0x3FB1] =	sst s10  }
0x32: {  	s10 =	sld [smem:$0x3FAF];
	_ =	sdelay $0x3  }
0x33: {  	p0 =	seq.s32 s10, $0x1;
	s10 =	sld [smem:$0x3FB1];
	_ =	sdelay $0x3  }
0x34: {  	[smem:$0x3FB1] =	sst s10  }
0x35: {  	s10 =	sld [smem:$0x3FB0];
	_ =	sdelay $0x3  }
0x36: {  	p1 =	seq.s32 s10, $0x1;
	s10 =	sld [smem:$0x3FB1];
	_ =	sdelay $0x3  }
0x37: {  	[smem:$0x3FB1] =	sst s10  }
0x38: {  	s10 =	sld [smem:$0x3FB2]  }
0x39: {  	_ = 	snop;
	(pc) =	sbr.ind lr, $3  }
0x3a: {  	_ = 	snop  }
0x3b: {  	_ = 	snop  }
0x3c: {  	p2 =	seq.s32 s10, $0x1;
	s10 =	sld [smem:$0x3FB1]  }
0x3d: {  	_ =	shalt  }
0x3e: {  	_ =	shalt  }
0x3f: {  	_ =	shalt  }
0x40: {  	_ =	shalt  }
0x41: {  	_ =	shalt  }
0x42: {  	_ =	shalt  }
0x43: {  	_ =	shalt  }
0x44: {  	_ =	shalt  }
0x45: {  	_ =	shalt  }
0x46: {  	_ =	shalt  }
0x47: {  	_ =	shalt  }
0x48: {  	_ =	shalt  }
0x49: {  	_ =	shalt  }
0x4a: {  	_ =	shalt  }
0x4b: {  	_ =	shalt  }
0x4c: {  	_ =	shalt  }
0x4d: {  	_ =	shalt  }
0x4e: {  	_ =	shalt  }
0x4f: {  	_ =	shalt  }
0x50: {  	_ =	shalt  }
0x51: {  	_ =	shalt  }
0x52: {  	_ =	shalt  }
0x53: {  	_ =	shalt  }
0x54: {  	_ =	shalt  }
0x55: {  	_ =	shalt  }
0x56: {  	_ =	shalt  }
0x57: {  	_ =	shalt  }
0x58: {  	_ =	shalt  }
0x59: {  	_ =	shalt  }
0x5a: {  	_ =	shalt  }
0x5b: {  	_ =	shalt  }
0x5c: {  	_ =	shalt  }
0x5d: {  	_ =	shalt  }
0x5e: {  	_ =	shalt  }
0x5f: {  	_ =	shalt  }
0x60: {  	_ =	shalt  }
0x61: {  	_ =	shalt  }
0x62: {  	_ =	shalt  }
0x63: {  	_ =	shalt  }
0x64: {  	_ =	shalt  }
0x65: {  	_ =	shalt  }
0x66: {  	_ =	shalt  }
0x67: {  	_ =	shalt  }
0x68: {  	_ =	shalt  }
0x69: {  	_ =	shalt  }
0x6a: {  	_ =	shalt  }
0x6b: {  	_ =	shalt  }
0x6c: {  	_ =	shalt  }
0x6d: {  	_ =	shalt  }
0x6e: {  	_ =	shalt  }
0x6f: {  	_ =	shalt  }
0x70: {  	_ =	shalt  }
0x71: {  	_ =	shalt  }
0x72: {  	_ =	shalt  }
0x73: {  	_ =	shalt  }
0x74: {  	_ =	shalt  }
0x75: {  	_ =	shalt  }
0x76: {  	_ =	shalt  }
0x77: {  	_ =	shalt  }
0x78: {  	_ =	shalt  }
0x79: {  	_ =	shalt  }
0x7a: {  	_ =	shalt  }
0x7b: {  	_ =	shalt  }
0x7c: {  	_ =	shalt  }
0x7d: {  	_ =	shalt  }
0x7e: {  	_ =	shalt  }
0x7f: {  	_ =	shalt  }
0x80: {  	_ =	shalt  }
0x81: {  	_ =	shalt  }
0x82: {  	_ =	shalt  }
0x83: {  	_ =	shalt  }
0x84: {  	_ =	shalt  }
0x85: {  	_ =	shalt  }
0x86: {  	_ =	shalt  }
0x87: {  	_ =	shalt  }
.Lfunc_end0:
.L_simem_size_0:
called_computation_lowered:
.L_overlay_start_0:
0x88: {  	s2 =	sld [smem:$0x3FD9]  }
0x89: {  	s3 =	sld [smem:$0x3FFE];
	_ =	sdelay $0x1  }
0x8a: {  	s1 =	srdreg.scid  }
0x8b: {  	s0 =	sand.u32 $0x1, s1  }
0x8c: {  	s18 =	sshll.u32 s0, $0xA;
	s2 =	sadd.s32 s3, s2  }
0x8d: {  	s2 =	sadd.s32 s2, s18  }
0x8e: {  	[smem:$0x3FBD] =	sst s2  }
0x8f: {  	_ = 	snop  }
0x90: {  	s2 =	sld [smem:$0x3FC9]  }
0x91: {  	s19 =	sld [smem:$0x3FC7]  }
0x92: {  	s4 =	sld [smem:$0x3FD0];
	(tm) =	ssettm $0x1  }
0x93: {  	s5 =	sld [smem:$0x3FFB];
	_ =	sdelay $0x3  }
0x94: {  	_ =	strace s5  }
0x95: {  	s5 =	sld [smem:$0x3FFC];
	_ =	sdelay $0x3  }
0x96: {  	_ =	strace s5  }
0x97: {  	s5 =	sld [smem:$0x3FFD];
	_ =	sdelay $0x3  }
0x98: {  	_ =	strace s5  }
0x99: {  	_ =	strace $0x8FFFFFFF  }
0x9a: {  	s20 =	sld [smem:$0x3FDB];
	_ =	sdelay $0x1  }
0x9b: {  	s6 =	simm.s32 $_scs_section_size  }
0x9c: {  	s7 =	simm.s32 $_size__tile_overlayer_lowered;
	s8 =	simm.s32 $_tile_overlayer_lowered  }
0x9d: {  	s23 =	simm.s32 $0x1BFF;
	s22 =	sshll.u32 s8, $0x1;
	s5 =	sadd.s32 s6, s20  }
0x9e: {  	s9 =	simm.s32 $0x0;
	s21 =	sshll.u32 s7, $0x1;
	s7 =	sadd.s32 s22, s5  }
0x9f: {  	[timem:s9], [sflag:s23] =	dma.local [hbm:s7], s21  }
0xa0: {  	_ =	swait.ge [sflag:s23], s21  }
0xa1: {  	s6 =	ssub.s32 $0x0, s21;
	[sflag:s23] =	ssyncset.done $0x0  }
0xa2: {  	[sflag:s23] =	ssyncadd.s32 s6;
	_ =	sdelay $0x1  }
0xa3: {  	s24 =	simm.s32 $0x1B8B  }
0xa4: {  	_ =	swait.ge [sflag:s24], $0x1  }
0xa5: {  	[sflag:s24] =	ssyncset.done $0x0  }
0xa6: {  	s25 =	simm.s32 $0x1B8E;
	[sflag:s24] =	ssyncadd.s32 $0xFFFFFFFF  }
0xa7: {  	s26 =	simm.s32 $execute0_lowered;
	[smem:$0x3FD2] =	sst s25  }
0xa8: {  	s6 =	sshll.u32 s26, $0x1;
	_ =	strace $0x80000046;
	[dreg:$0x1] =	wrdreg $0xFFFFFFFF  }
0xa9: {  	s28 =	simm.s32 $_size_execute0_lowered;
	s5 =	sadd.s32 s5, s6;
	[dreg:$0x0] =	wrdreg $0x0  }
0xaa: {  	s6 =	sshll.u32 s28, $0x1;
	[dreg:$0x2] =	wrdreg s5  }
0xab: {  	[dreg:$0x3] =	wrdreg s6  }
0xac: {  	[dreg:$0x4] =	wrdreg $0xC0  }
0xad: {  	_ =	task [dreg:s9], $0x5FFFF  }
0xae: {  	[dreg:$0x1] =	wrdreg $0xFFFFFFFF  }
0xaf: {  	[dreg:$0x0] =	wrdreg $0x60  }
0xb0: {  	[dreg:$0x2] =	wrdreg s2  }
0xb1: {  	[dreg:$0x3] =	wrdreg s19  }
0xb2: {  	[dreg:$0x4] =	wrdreg s4  }
0xb3: {  	[dreg:$0x5] =	wrdreg $0x9  }
0xb4: {  	_ =	task.clear_ibuf [dreg:s9], $0x6FFFF;
	_ =	strace $0x90000046  }
0xb5: {  	s29 =	simm.s32 $0x9;
	_ =	strace $0x80000048  }
0xb6: {  	_ =	swait.ge [sflag:s29], $0x1  }
0xb7: {  	[sflag:s29] =	ssyncadd.s32 $0xFFFFFFFF  }
0xb8: {  	_ =	strace $0x90000048  }
0xb9: {  	_ =	sfence  }
0xba: {  	s30 =	sld [smem:$0x0];
	_ =	sdelay $0x2  }
0xbb: {  	s31 =	sshll.u32 s1, $0xD;
	s1 =	sshrl.u32 s1, $0x2  }
0xbc: {  	s3 =	sand.u32 $0x4000, s31;
	s1 =	sadd.s32 s1, s30  }
0xbd: {  	s0 =	sor.u32 s3, s0;
	s1 =	sshll.u32 s1, $0x11  }
0xbe: {  	s0 =	sor.u32 s1, s0  }
0xbf: {  	s0 =	sadd.s32 $0x8F2B, s0  }
0xc0: {  	[sflag:s0] =	ssyncadd.remote.s32 $0x1  }
0xc1: {  	_ =	sfence.sel $0xFFFF  }
0xc2: {  	[dreg:$0x0] =	wrdreg $0xFFFFFFFF;
	(pc) =	sbr.abs _section_cstart, $3  }
0xc3: {  	[dreg:$0x1] =	wrdreg $0xFFFFFFFF  }
0xc4: {  	_ =	task.clear_ibuf [dreg:s9], $0x2FFFF;
	_ =	strace $0x9FFFFFFF  }
0xc5: {  	(tm) =	ssettm $0x7FFFFFFF  }
tec
execute0_lowered:
.L_overlay_start_1:
0x0: {  	(tag) =	ssettag $0x1  }
0x1: {  	s2 =	rddreg [dreg:$0x0]  }
0x2: {  	s3 =	rddreg [dreg:$0x1]  }
0x3: {  	s5 =	rddreg [dreg:$0x2];
	s4 =	srdreg.scid  }
0x4: {  	s1 =	stileid.u32;
	s0 =	rddreg [dreg:$0x3];
	s11 =	simm.s32 $0x80  }
0x5: {  	s12 =	simm.s32 $0xF420;
	s13 =	simm.s32 $0x2;
	s14 =	simm.s32 $0x3  }
0x6: {  	s15 =	simm.s32 $0x0;
	s6 =	sand.u32 $0x1, s4;
	s7 =	sshll.u32 s1, $0x1  }
0x7: {  	s4 =	simm.s32 $0x0;
	s8 =	ssub.s32 $0x2, s6;
	s6 =	sor.u32 s6, s7  }
0x8: {  	[smem:$0x7FF] =	sst s4;
	s31 =	sshrl.u32 s8, $0x1;
	s9 =	smul.u32 $0x1400, s6  }
0x9: {  	_ =	strace $0x80000047;
	s10 =	smul.u32 $0x140, s6;
	s7 =	ssub.s32 s8, s31  }
0xa: {  	v1 =	vimm.f32 $0.0e+00;
	s8 =	simm.s32 $0x1;
	s5 =	sadd.s32 s5, s9;
	s6 =	smax.u32 s7, $0x1  }
0xb: {  	v2 =	vimm.s32 $0x0;
	v3 =	vlaneseq.u32;
	s7 =	simm.s32 $0xB400;
	s9 =	simm.s32 $0xD400;
	v0 =	vmov s10;
	s10 =	simm.s32 $0xE410  }
.LBB2_1:
0xc: {  	s16 =	simm.s32 $0x40;
	s17 =	simm.s32 $0x0  }
.LBB2_2:
0xd: {  	p0 =	sne.s32 s16, $0x27FC0;
	[tilespmem:s17+$0x0] =	vst v1;
	s17 =	smov.u32 s16;
	s16 =	sadd.s32 $0x40, s16  }
.Ltmp0:
0xe: {  	(pc) =	sbr.rel @p0 .LBB2_2-.Ltmp0, $2  }
0xf: {  	_ =	sdelay $0x2  }
0x10: {  	s17 =	sshra.s32 s17, $0x2  }
0x11: {  	[tilespmem:s17+$0x0] =	vst v1;
	s16 =	simm.s32 $0x40;
	s17 =	simm.s32 $0x0  }
.LBB2_4:
0x12: {  	p0 =	sne.s32 s16, $0x4FC0;
	[tilespmem:s17+$0xA000] =	vst v1;
	s17 =	smov.u32 s16;
	s16 =	sadd.s32 $0x40, s16  }
.Ltmp1:
0x13: {  	(pc) =	sbr.rel @p0 .LBB2_4-.Ltmp1, $2  }
0x14: {  	_ =	sdelay $0x2  }
0x15: {  	s17 =	sshra.s32 s17, $0x2  }
0x16: {  	[tilespmem:s17+$0xA000] =	vst v1;
	s16 =	simm.s32 $0x40;
	s17 =	simm.s32 $0x0  }
.LBB2_6:
0x17: {  	p0 =	sne.s32 s16, $0x4000;
	[tilespmem:s17+$0xD400] =	vst v2;
	s17 =	smov.u32 s16;
	s16 =	sadd.s32 $0x40, s16  }
.Ltmp2:
0x18: {  	(pc) =	sbr.rel @p0 .LBB2_6-.Ltmp2, $2  }
0x19: {  	_ =	sdelay $0x2  }
0x1a: {  	s17 =	sshra.s32 s17, $0x2  }
.Ltmp3:
0x1b: {  	(pc) =	sbr.rel .LBB2_8-.Ltmp3, $4  }
0x1c: {  	_ = 	snop  }
0x1d: {  	s16 =	simm.s32 $0x0  }
0x1e: {  	[tilespmem:s17+$0xD400] =	vst v2;
	s17 =	simm.s32 $0x30;
	p0 =	por $0x0, $0x0;
	s18 =	simm.s32 $0x0  }
0x1f: {  	[tilespmem:s7], [sflag:$0x1] =	stream.linear.gather [hbm4b:s3+s16], $0x1000, $0x38;
	[tilespmem:$0x17420] =	vst v63  }
.LBB2_11:
0x20: {  	p1 =	seq.s32 s18, $0x24  }
.Ltmp4:
0x21: {  	_ = 	snop;
	(pc) =	sbr.rel @p1 .LBB2_12-.Ltmp4, $2  }
0x22: {  	_ =	sdelay $0x2  }
0x23: {  	s17 =	sadd.s32 $0x1000, s17;
	p0 =	por !p0, !p0  }
.LBB2_8:
0x24: {  	s19 =	simm.s32 $0x1  }
0x25: {  	s20 =	smov.u32 s18;
	_ =	swait.ge [sflag:s8], $0x1000;
	s18 =	sadd.s32 $0x1, s18  }
0x26: {  	s19 =	simm.s32 @!p0 $0x0;
	p1 =	seq.s32 s20, $0x23;
	[sflag:s8] =	ssyncset.done $0x0  }
0x27: {  	s19 =	sshll.u32 s19, $0xC;
	s20 =	sshll.u32 @!p1 s18, $0xC;
	[sflag:s8] =	ssyncadd.s32 $0xFFFFF000  }
0x28: {  	s21 =	sshll.u32 @!p1 s18, $0x9;
	s22 =	simm.s32 @!p1 $0x0;
	s20 =	sand.u32 @!p1 $0x1000, s20  }
0x29: {  	s19 =	sadd.s32 $0xB420, s19;
	s21 =	sadd.s32 @!p1 s3, s21;
	s20 =	sadd.s32 @!p1 $0xB400, s20  }
0x2a: {  	[tilespmem:s20], [sflag:$0x1] =	stream.linear.gather @!p1 [hbm4b:s21+s22], $0x1000, $0x38;
	[tilespmem:$0x17420] =	vst v63  }
0x2b: {  	v4 =	vld [tilespmem:s19+$0xFFFFFFE0];
	_ =	sdelay $0x4  }
0x2c: {  	v4 =	vsub.s32 v4, v0  }
0x2d: {  	vm0 =	vlt.u32 v4, $0x140  }
0x2e: {  	v5 =	vsel vm0, $0x1, v2  }
0x2f: {  	(xrf0) =	vadd.scan.msk.s32 $0xffff, v5;
	_ =	sdelay $0x2  }
0x30: {  	v5 =	vmov s16  }
0x31: {  	v5 =	vadd.s32 $0xFFFFFFFF, v5  }
0x32: {  	v5 =	vbroadcast v5, $0x0  }
0x33: {  	v6, _, _ =	vpop (xrf0)  }
0x34: {  	v5 =	vadd.s32 v6, v5  }
0x35: {  	(v2sf) =	vpush v6, $0xF;
	_ =	sdelay $0x1  }
0x36: {  	s25 =	sadd.s32 $0xFFFFFFD0, s17  }
0x37: {  	v6 =	vor.u32 s25, v3  }
0x38: {  	[tilespmem:v5+s9+$0x0] =	vst.idx.msk vm0, v6  }
0x39: {  	[tilespmem:v5+s10+$0x0] =	vst.idx.msk vm0, v4  }
0x3a: {  	v4 =	vld [tilespmem:s19+$0xFFFFFFF0];
	_ =	sdelay $0x4  }
0x3b: {  	v4 =	vsub.s32 v4, v0  }
0x3c: {  	vm0 =	vlt.u32 v4, $0x140  }
0x3d: {  	v5 =	vsel vm0, $0x1, v2  }
0x3e: {  	(xrf0) =	vadd.scan.msk.s32 $0xffff, v5  }
0x3f: {  	s26 =	spop (v2sf)  }
0x40: {  	s20 =	sadd.s32 $0x0, s26  }
0x41: {  	v5 =	vmov s20  }
0x42: {  	v5 =	vadd.s32 $0xFFFFFFFF, v5  }
0x43: {  	v5 =	vbroadcast v5, $0x0  }
0x44: {  	v6, _, _ =	vpop (xrf0)  }
0x45: {  	v5 =	vadd.s32 v6, v5  }
0x46: {  	(v2sf) =	vpush v6, $0xF;
	_ =	sdelay $0x1  }
0x47: {  	s28 =	sadd.s32 $0xFFFFFFE0, s17  }
0x48: {  	v6 =	vor.u32 s28, v3  }
0x49: {  	[tilespmem:v5+s9+$0x0] =	vst.idx.msk vm0, v6  }
0x4a: {  	[tilespmem:v5+s10+$0x0] =	vst.idx.msk vm0, v4  }
0x4b: {  	v4 =	vld [tilespmem:s19+$0x0];
	_ =	sdelay $0x4  }
0x4c: {  	v4 =	vsub.s32 v4, v0  }
0x4d: {  	vm0 =	vlt.u32 v4, $0x140  }
0x4e: {  	v5 =	vsel vm0, $0x1, v2  }
0x4f: {  	(xrf0) =	vadd.scan.msk.s32 $0xffff, v5  }
0x50: {  	s29 =	spop (v2sf)  }
0x51: {  	s20 =	sadd.s32 s20, s29  }
0x52: {  	v5 =	vmov s20  }
0x53: {  	v5 =	vadd.s32 $0xFFFFFFFF, v5  }
0x54: {  	v5 =	vbroadcast v5, $0x0  }
0x55: {  	v6, _, _ =	vpop (xrf0)  }
0x56: {  	v5 =	vadd.s32 v6, v5  }
0x57: {  	(v2sf) =	vpush v6, $0xF;
	_ =	sdelay $0x1  }
0x58: {  	s30 =	sadd.s32 $0xFFFFFFF0, s17  }
0x59: {  	v6 =	vor.u32 s30, v3  }
0x5a: {  	[tilespmem:v5+s9+$0x0] =	vst.idx.msk vm0, v6  }
0x5b: {  	[tilespmem:v5+s10+$0x0] =	vst.idx.msk vm0, v4  }
0x5c: {  	v4 =	vld [tilespmem:s19+$0x10];
	_ =	sdelay $0x4  }
0x5d: {  	v4 =	vsub.s32 v4, v0  }
0x5e: {  	vm0 =	vlt.u32 v4, $0x140  }
0x5f: {  	v5 =	vsel vm0, $0x1, v2  }
0x60: {  	(xrf0) =	vadd.scan.msk.s32 $0xffff, v5  }
0x61: {  	s31 =	spop (v2sf)  }
0x62: {  	s22 =	sadd.s32 s20, s31  }
0x63: {  	v5 =	vmov s22  }
0x64: {  	v5 =	vadd.s32 $0xFFFFFFFF, v5  }
0x65: {  	v5 =	vbroadcast v5, $0x0  }
0x66: {  	v6, _, _ =	vpop (xrf0)  }
0x67: {  	v5 =	vadd.s32 v6, v5;
	(v2sf) =	vpush v6, $0xF;
	_ =	sdelay $0x3  }
0x68: {  	v6 =	vor.u32 s17, v3  }
0x69: {  	[tilespmem:v5+s9+$0x0] =	vst.idx.msk vm0, v6  }
0x6a: {  	s19 =	sadd.s32 $0x40, s19;
	[tilespmem:v5+s10+$0x0] =	vst.idx.msk vm0, v4  }
0x6b: {  	v4 =	vld [tilespmem:s19+$0xFFFFFFE0];
	_ =	sdelay $0x4  }
0x6c: {  	v4 =	vsub.s32 v4, v0  }
0x6d: {  	vm0 =	vlt.u32 v4, $0x140  }
0x6e: {  	v5 =	vsel vm0, $0x1, v2  }
0x6f: {  	s21 =	simm.s32 $0x4;
	s20 =	smov.u32 s17;
	(xrf0) =	vadd.scan.msk.s32 $0xffff, v5;
	s23 =	spop (v2sf)  }
.LBB2_9:
0x70: {  	s21 =	sadd.s32 $0x4, s21;
	s22 =	sadd.s32 s22, s23;
	s20 =	sadd.s32 $0x40, s20  }
0x71: {  	p1 =	slt.u32 s21, $0xFC;
	v5 =	vmov s22  }
0x72: {  	v5 =	vadd.s32 $0xFFFFFFFF, v5;
	_ =	sdelay $0x1  }
0x73: {  	v5 =	vbroadcast v5, $0x0  }
0x74: {  	v6, _, _ =	vpop (xrf0)  }
0x75: {  	v5 =	vadd.s32 v6, v5;
	(v2sf) =	vpush v6, $0xF;
	_ =	sdelay $0x2  }
0x76: {  	s23 =	sadd.s32 $0xFFFFFFD0, s20  }
0x77: {  	v6 =	vor.u32 s23, v3  }
0x78: {  	[tilespmem:v5+s9+$0x0] =	vst.idx.msk vm0, v6  }
0x79: {  	[tilespmem:v5+s10+$0x0] =	vst.idx.msk vm0, v4  }
0x7a: {  	v4 =	vld [tilespmem:s19+$0xFFFFFFF0];
	_ =	sdelay $0x4  }
0x7b: {  	v4 =	vsub.s32 v4, v0  }
0x7c: {  	vm0 =	vlt.u32 v4, $0x140  }
0x7d: {  	v5 =	vsel vm0, $0x1, v2  }
0x7e: {  	s23 =	spop (v2sf);
	(xrf0) =	vadd.scan.msk.s32 $0xffff, v5  }
0x7f: {  	s22 =	sadd.s32 s22, s23  }
0x80: {  	v5 =	vmov s22  }
0x81: {  	v5 =	vadd.s32 $0xFFFFFFFF, v5;
	_ =	sdelay $0x1  }
0x82: {  	v5 =	vbroadcast v5, $0x0  }
0x83: {  	v6, _, _ =	vpop (xrf0)  }
0x84: {  	v5 =	vadd.s32 v6, v5;
	(v2sf) =	vpush v6, $0xF;
	_ =	sdelay $0x2  }
0x85: {  	s23 =	sadd.s32 $0xFFFFFFE0, s20  }
0x86: {  	v6 =	vor.u32 s23, v3  }
0x87: {  	[tilespmem:v5+s9+$0x0] =	vst.idx.msk vm0, v6  }
0x88: {  	[tilespmem:v5+s10+$0x0] =	vst.idx.msk vm0, v4  }
0x89: {  	v4 =	vld [tilespmem:s19+$0x0];
	_ =	sdelay $0x4  }
0x8a: {  	v4 =	vsub.s32 v4, v0  }
0x8b: {  	vm0 =	vlt.u32 v4, $0x140  }
0x8c: {  	v5 =	vsel vm0, $0x1, v2  }
0x8d: {  	s23 =	spop (v2sf);
	(xrf0) =	vadd.scan.msk.s32 $0xffff, v5  }
0x8e: {  	s22 =	sadd.s32 s22, s23  }
0x8f: {  	v5 =	vmov s22  }
0x90: {  	v5 =	vadd.s32 $0xFFFFFFFF, v5;
	_ =	sdelay $0x1  }
0x91: {  	v5 =	vbroadcast v5, $0x0  }
0x92: {  	v6, _, _ =	vpop (xrf0)  }
0x93: {  	v5 =	vadd.s32 v6, v5;
	(v2sf) =	vpush v6, $0xF;
	_ =	sdelay $0x2  }
0x94: {  	s23 =	sadd.s32 $0xFFFFFFF0, s20  }
0x95: {  	v6 =	vor.u32 s23, v3  }
0x96: {  	[tilespmem:v5+s9+$0x0] =	vst.idx.msk vm0, v6  }
0x97: {  	[tilespmem:v5+s10+$0x0] =	vst.idx.msk vm0, v4  }
0x98: {  	v4 =	vld [tilespmem:s19+$0x10];
	_ =	sdelay $0x4  }
0x99: {  	v4 =	vsub.s32 v4, v0  }
0x9a: {  	vm0 =	vlt.u32 v4, $0x140  }
0x9b: {  	v5 =	vsel vm0, $0x1, v2  }
0x9c: {  	s23 =	spop (v2sf);
	(xrf0) =	vadd.scan.msk.s32 $0xffff, v5  }
0x9d: {  	s22 =	sadd.s32 s22, s23  }
0x9e: {  	v5 =	vmov s22  }
0x9f: {  	v5 =	vadd.s32 $0xFFFFFFFF, v5;
	_ =	sdelay $0x1  }
0xa0: {  	v5 =	vbroadcast v5, $0x0  }
0xa1: {  	v6, _, _ =	vpop (xrf0)  }
0xa2: {  	v5 =	vadd.s32 v6, v5;
	(v2sf) =	vpush v6, $0xF;
	_ =	sdelay $0x3  }
0xa3: {  	v6 =	vor.u32 s20, v3  }
0xa4: {  	[tilespmem:v5+s9+$0x0] =	vst.idx.msk vm0, v6  }
0xa5: {  	s19 =	sadd.s32 $0x40, s19;
	[tilespmem:v5+s10+$0x0] =	vst.idx.msk vm0, v4  }
0xa6: {  	v4 =	vld [tilespmem:s19+$0xFFFFFFE0];
	_ =	sdelay $0x3  }
.Ltmp5:
0xa7: {  	(pc) =	sbr.rel @p1 .LBB2_9-.Ltmp5, $4  }
0xa8: {  	v4 =	vsub.s32 v4, v0  }
0xa9: {  	vm0 =	vlt.u32 v4, $0x140  }
0xaa: {  	v5 =	vsel vm0, $0x1, v2  }
0xab: {  	(xrf0) =	vadd.scan.msk.s32 $0xffff, v5;
	s23 =	spop (v2sf)  }
0xac: {  	_ = 	snop  }
0xad: {  	s21 =	sadd.s32 s22, s23  }
0xae: {  	v5 =	vmov s21  }
0xaf: {  	v5 =	vadd.s32 $0xFFFFFFFF, v5  }
0xb0: {  	v5 =	vbroadcast v5, $0x0  }
0xb1: {  	v6, _, _ =	vpop (xrf0)  }
0xb2: {  	v5 =	vadd.s32 v6, v5  }
0xb3: {  	(v2sf) =	vpush v6, $0xF  }
0xb4: {  	s20 =	sadd.s32 $0x40, s20  }
0xb5: {  	s24 =	sadd.s32 $0xFFFFFFD0, s20  }
0xb6: {  	v58 =	vor.u32 s24, v3  }
0xb7: {  	[tilespmem:v5+s9+$0x0] =	vst.idx.msk vm0, v58  }
0xb8: {  	[tilespmem:v5+s10+$0x0] =	vst.idx.msk vm0, v4  }
0xb9: {  	v4 =	vld [tilespmem:s19+$0xFFFFFFF0];
	_ =	sdelay $0x4  }
0xba: {  	v4 =	vsub.s32 v4, v0  }
0xbb: {  	vm13 =	vlt.u32 v4, $0x140  }
0xbc: {  	v5 =	vsel vm13, $0x1, v2  }
0xbd: {  	(xrf0) =	vadd.scan.msk.s32 $0xffff, v5  }
0xbe: {  	s25 =	spop (v2sf)  }
0xbf: {  	s21 =	sadd.s32 s21, s25  }
0xc0: {  	v5 =	vmov s21  }
0xc1: {  	v5 =	vadd.s32 $0xFFFFFFFF, v5  }
0xc2: {  	v5 =	vbroadcast v5, $0x0  }
0xc3: {  	v59, _, _ =	vpop (xrf0)  }
0xc4: {  	v5 =	vadd.s32 v59, v5  }
0xc5: {  	(v2sf) =	vpush v59, $0xF;
	_ =	sdelay $0x1  }
0xc6: {  	s26 =	sadd.s32 $0xFFFFFFE0, s20  }
0xc7: {  	v60 =	vor.u32 s26, v3  }
0xc8: {  	[tilespmem:v5+s9+$0x0] =	vst.idx.msk vm13, v60  }
0xc9: {  	[tilespmem:v5+s10+$0x0] =	vst.idx.msk vm13, v4  }
0xca: {  	v4 =	vld [tilespmem:s19+$0x0];
	_ =	sdelay $0x4  }
0xcb: {  	v4 =	vsub.s32 v4, v0  }
0xcc: {  	vm14 =	vlt.u32 v4, $0x140  }
0xcd: {  	v5 =	vsel vm14, $0x1, v2  }
0xce: {  	(xrf0) =	vadd.scan.msk.s32 $0xffff, v5  }
0xcf: {  	s28 =	spop (v2sf)  }
0xd0: {  	s21 =	sadd.s32 s21, s28  }
0xd1: {  	v5 =	vmov s21  }
0xd2: {  	v5 =	vadd.s32 $0xFFFFFFFF, v5  }
0xd3: {  	v5 =	vbroadcast v5, $0x0  }
0xd4: {  	v61, _, _ =	vpop (xrf0)  }
0xd5: {  	v5 =	vadd.s32 v61, v5;
	_ =	sdelay $0x2  }
0xd6: {  	s29 =	sadd.s32 $0xFFFFFFF0, s20  }
0xd7: {  	v7 =	vor.u32 s29, v3  }
0xd8: {  	[tilespmem:v5+s9+$0x0] =	vst.idx.msk vm14, v7  }
0xd9: {  	[tilespmem:v5+s10+$0x0] =	vst.idx.msk vm14, v4  }
0xda: {  	v4 =	vld [tilespmem:s19+$0x10];
	_ =	sdelay $0x4  }
0xdb: {  	v4 =	vsub.s32 v4, v0  }
0xdc: {  	vm15 =	vlt.u32 v4, $0x140  }
0xdd: {  	v5 =	vsel vm15, $0x1, v2  }
0xde: {  	(xrf0) =	vadd.scan.msk.s32 $0xffff, v5;
	_ =	sdelay $0x2  }
0xdf: {  	(v2sf) =	vpush v61, $0xF;
	_ =	sdelay $0x2  }
0xe0: {  	v5, _, _ =	vpop (xrf0)  }
0xe1: {  	(v2sf) =	vpush v5, $0xF;
	_ =	sdelay $0xa  }
0xe2: {  	s30 =	spop (v2sf)  }
0xe3: {  	s19 =	sadd.s32 s21, s30  }
0xe4: {  	v62 =	vmov s19  }
0xe5: {  	v6 =	vadd.s32 $0xFFFFFFFF, v62  }
0xe6: {  	v6 =	vbroadcast v6, $0x0;
	s31 =	spop (v2sf)  }
0xe7: {  	s19 =	sadd.s32 s19, s31  }
0xe8: {  	v63 =	vor.u32 s20, v3;
	v5 =	vadd.s32 v5, v6;
	s20 =	sadd.s32 $0x7F, s19  }
0xe9: {  	p1 =	slt.s32 s20, $0x80  }
.Ltmp6:
0xea: {  	_ = 	snop;
	(pc) =	sbr.rel @p1 .LBB2_11-.Ltmp6, $3  }
0xeb: {  	_ =	sdelay $0x1  }
0xec: {  	[tilespmem:v5+s9+$0x0] =	vst.idx.msk vm15, v63  }
0xed: {  	[tilespmem:v5+s10+$0x0] =	vst.idx.msk vm15, v4  }
.Ltmp7:
0xee: {  	s21 =	sshra.s32 s20, $0x1F;
	(pc) =	sbr.rel .LBB2_18-.Ltmp7, $4  }
0xef: {  	[tilespmem:s12], [sflag:$0x2] =	stream.indirect.gather [hbm4b:s2+s11], $0x80, s9, s11, $0xb8;
	[tilespmem:$0x17420] =	vst v63  }
0xf0: {  	s21 =	sshrl.u32 s21, $0x19  }
0xf1: {  	s23 =	simm.s32 $0x0;
	s22 =	simm.s32 $0x0;
	s31 =	sadd.s32 s21, s20  }
0xf2: {  	s24 =	smov.u32 s19;
	s21 =	simm.s32 $0xE410;
	s20 =	sshra.s32 s31, $0x7  }
.LBB2_21:
0xf3: {  	[tilespmem:s29+$0xA000] =	vst v4  }
.LBB2_17:
0xf4: {  	p1 =	seq.s32 s23, s20  }
.Ltmp8:
0xf5: {  	_ = 	snop;
	(pc) =	sbr.rel @p1 .LBB2_11-.Ltmp8, $2  }
0xf6: {  	_ =	sdelay $0x2  }
0xf7: {  	s24 =	sadd.s32 $0xFFFFFF80, s24;
	s21 =	sadd.s32 $0x80, s21;
	s22 =	sadd.s32 $0x4000, s22  }
.LBB2_18:
0xf8: {  	s25 =	smov.u32 s23;
	s23 =	sadd.s32 $0x1, s23;
	_ =	swait.ge [sflag:s13], $0x4000  }
0xf9: {  	p1 =	sge.s32 s23, s20;
	[sflag:s13] =	ssyncset.done $0x0;
	s25 =	sshll.u32 s25, $0x7  }
0xfa: {  	s26 =	sshll.u32 @!p1 s23, $0xE;
	s28 =	sshll.u32 @!p1 s23, $0x9;
	[sflag:s13] =	ssyncadd.s32 $0xFFFFC000  }
0xfb: {  	s29 =	simm.s32 @!p1 $0x80;
	s26 =	sand.u32 @!p1 $0x4000, s26;
	s28 =	sshra.s32 @!p1 s28, $0x2  }
0xfc: {  	s25 =	ssub.s32 s19, s25;
	s26 =	sadd.s32 @!p1 $0xF420, s26;
	s28 =	sadd.s32 @!p1 $0xD400, s28  }
0xfd: {  	[tilespmem:s26], [sflag:$0x2] =	stream.indirect.gather @!p1 [hbm4b:s2+s29], $0x80, s28, s29, $0xb8;
	[tilespmem:$0x17420] =	vst v63  }
0xfe: {  	p1 =	slt.s32 s25, $0x1  }
.Ltmp9:
0xff: {  	_ = 	snop;
	(pc) =	sbr.rel @p1 .LBB2_17-.Ltmp9, $1  }
0x100: {  	_ =	sdelay $0x3  }
0x101: {  	v4 =	vld [tilespmem:s21+$0x0];
	_ =	sdelay $0x4  }
0x102: {  	(v2sf) =	vpush v4, $0x0;
	_ =	sdelay $0xe  }
0x103: {  	s25 =	sand.u32 $0x4000, s22;
	s26 =	spop (v2sf)  }
0x104: {  	s25 =	sadd.s32 $0xF460, s25;
	s28 =	sshll.u32 s26, $0x9  }
0x105: {  	v4 =	vld [tilespmem:s25+$0xFFFFFFC0];
	s28 =	sshra.s32 s28, $0x2  }
0x106: {  	v5 =	vld [tilespmem:s28+$0x0];
	_ =	sdelay $0x4  }
0x107: {  	v4 =	vadd.f32 v4, v5;
	_ =	sdelay $0x1  }
0x108: {  	[tilespmem:s28+$0x0] =	vst v4;
	v4 =	vld [tilespmem:s28+$0x10]  }
0x109: {  	v5 =	vld [tilespmem:s25+$0xFFFFFFD0];
	_ =	sdelay $0x4  }
0x10a: {  	v4 =	vadd.f32 v5, v4;
	_ =	sdelay $0x1  }
0x10b: {  	[tilespmem:s28+$0x10] =	vst v4;
	v4 =	vld [tilespmem:s28+$0x20]  }
0x10c: {  	v5 =	vld [tilespmem:s25+$0xFFFFFFE0];
	_ =	sdelay $0x4  }
0x10d: {  	v4 =	vadd.f32 v5, v4;
	_ =	sdelay $0x1  }
0x10e: {  	[tilespmem:s28+$0x20] =	vst v4;
	v4 =	vld [tilespmem:s28+$0x30]  }
0x10f: {  	v5 =	vld [tilespmem:s25+$0xFFFFFFF0];
	_ =	sdelay $0x4  }
0x110: {  	v4 =	vadd.f32 v5, v4;
	_ =	sdelay $0x1  }
0x111: {  	[tilespmem:s28+$0x30] =	vst v4;
	v4 =	vld [tilespmem:s28+$0x40]  }
0x112: {  	v5 =	vld [tilespmem:s25+$0x0];
	_ =	sdelay $0x4  }
0x113: {  	v4 =	vadd.f32 v5, v4;
	_ =	sdelay $0x1  }
0x114: {  	[tilespmem:s28+$0x40] =	vst v4;
	v4 =	vld [tilespmem:s28+$0x50]  }
0x115: {  	v5 =	vld [tilespmem:s25+$0x10];
	_ =	sdelay $0x4  }
0x116: {  	v4 =	vadd.f32 v5, v4;
	_ =	sdelay $0x1  }
0x117: {  	[tilespmem:s28+$0x50] =	vst v4;
	v4 =	vld [tilespmem:s28+$0x60]  }
0x118: {  	v5 =	vld [tilespmem:s25+$0x20];
	_ =	sdelay $0x4  }
0x119: {  	v4 =	vadd.f32 v5, v4;
	_ =	sdelay $0x1  }
0x11a: {  	[tilespmem:s28+$0x60] =	vst v4;
	v4 =	vld [tilespmem:s28+$0x70]  }
0x11b: {  	v5 =	vld [tilespmem:s25+$0x30];
	_ =	sdelay $0x4  }
0x11c: {  	s26 =	sshll.u32 s26, $0x6;
	v4 =	vadd.f32 v5, v4  }
0x11d: {  	p1 =	sgt.s32 s24, $0x1;
	s29 =	sshra.s32 s26, $0x2;
	s26 =	smov.u32 s24  }
0x11e: {  	s26 =	simm.s32 @!p1 $0x1;
	[tilespmem:s28+$0x70] =	vst v4  }
0x11f: {  	s26 =	smin.u32 s26, $0x80;
	v4 =	vld [tilespmem:s29+$0xA000]  }
0x120: {  	p1 =	seq.s32 s26, $0x1  }
.Ltmp10:
0x121: {  	_ = 	snop;
	(pc) =	sbr.rel @p1 .LBB2_21-.Ltmp10, $3  }
0x122: {  	_ =	sdelay $0x1  }
0x123: {  	v4 =	vadd.f32 $1.000000000e+00, v4  }
0x124: {  	s26 =	sadd.s32 $0xFFFFFFFF, s26;
	s28 =	smov.u32 s21  }
.LBB2_20:
0x125: {  	p1 =	seq.s32 s26, $0x1;
	[tilespmem:s29+$0xA000] =	vst v4;
	s28 =	sadd.s32 $0x1, s28;
	s25 =	sadd.s32 $0x80, s25  }
0x126: {  	s26 =	sadd.s32 $0xFFFFFFFF, s26;
	v4 =	vld [tilespmem:s28+$0x0];
	_ =	sdelay $0x4  }
0x127: {  	(v2sf) =	vpush v4, $0x0;
	_ =	sdelay $0xe  }
0x128: {  	s29 =	spop (v2sf)  }
0x129: {  	s30 =	sshll.u32 s29, $0x9;
	s29 =	sshll.u32 s29, $0x6  }
0x12a: {  	s30 =	sshra.s32 s30, $0x2;
	v4 =	vld [tilespmem:s25+$0xFFFFFFC0]  }
0x12b: {  	v5 =	vld [tilespmem:s30+$0x0];
	_ =	sdelay $0x4  }
0x12c: {  	v4 =	vadd.f32 v4, v5;
	_ =	sdelay $0x1  }
0x12d: {  	[tilespmem:s30+$0x0] =	vst v4;
	v4 =	vld [tilespmem:s30+$0x10]  }
0x12e: {  	v5 =	vld [tilespmem:s25+$0xFFFFFFD0];
	_ =	sdelay $0x4  }
0x12f: {  	v4 =	vadd.f32 v5, v4;
	_ =	sdelay $0x1  }
0x130: {  	[tilespmem:s30+$0x10] =	vst v4;
	v4 =	vld [tilespmem:s30+$0x20]  }
0x131: {  	v5 =	vld [tilespmem:s25+$0xFFFFFFE0];
	_ =	sdelay $0x4  }
0x132: {  	v4 =	vadd.f32 v5, v4;
	_ =	sdelay $0x1  }
0x133: {  	[tilespmem:s30+$0x20] =	vst v4;
	v4 =	vld [tilespmem:s30+$0x30]  }
0x134: {  	v5 =	vld [tilespmem:s25+$0xFFFFFFF0];
	_ =	sdelay $0x4  }
0x135: {  	v4 =	vadd.f32 v5, v4;
	_ =	sdelay $0x1  }
0x136: {  	[tilespmem:s30+$0x30] =	vst v4;
	v4 =	vld [tilespmem:s30+$0x40]  }
0x137: {  	v5 =	vld [tilespmem:s25+$0x0];
	_ =	sdelay $0x4  }
0x138: {  	v4 =	vadd.f32 v5, v4;
	_ =	sdelay $0x1  }
0x139: {  	[tilespmem:s30+$0x40] =	vst v4;
	v4 =	vld [tilespmem:s30+$0x50]  }
0x13a: {  	v5 =	vld [tilespmem:s25+$0x10];
	_ =	sdelay $0x4  }
0x13b: {  	v4 =	vadd.f32 v5, v4;
	_ =	sdelay $0x1  }
0x13c: {  	[tilespmem:s30+$0x50] =	vst v4;
	v4 =	vld [tilespmem:s30+$0x60]  }
0x13d: {  	v5 =	vld [tilespmem:s25+$0x20];
	_ =	sdelay $0x4  }
0x13e: {  	v4 =	vadd.f32 v5, v4;
	_ =	sdelay $0x1  }
0x13f: {  	[tilespmem:s30+$0x60] =	vst v4;
	v4 =	vld [tilespmem:s30+$0x70]  }
0x140: {  	v5 =	vld [tilespmem:s25+$0x30];
	_ =	sdelay $0x4  }
0x141: {  	v4 =	vadd.f32 v5, v4;
	_ =	sdelay $0x1  }
0x142: {  	s29 =	sshra.s32 s29, $0x2;
	[tilespmem:s30+$0x70] =	vst v4  }
0x143: {  	v4 =	vld [tilespmem:s29+$0xA000]  }
.Ltmp11:
0x144: {  	(pc) =	sbr.rel @!p1 .LBB2_20-.Ltmp11, $2  }
0x145: {  	_ =	sdelay $0x2  }
0x146: {  	v4 =	vadd.f32 $1.000000000e+00, v4  }
.Ltmp12:
0x147: {  	_ = 	snop;
	(pc) =	sbr.rel .LBB2_21-.Ltmp12, $1  }
0x148: {  	_ =	sdelay $0x3  }
.LBB2_12:
0x149: {  	s17 =	simm.s32 $0x0  }
0x14a: {  	v4 =	vld [tilespmem:s17+$0xA000];
	_ =	sdelay $0x4  }
0x14b: {  	(v2sf) =	vpush v4, $0x0;
	_ =	sdelay $0xe  }
0x14c: {  	s31 =	spop (v2sf)  }
0x14d: {  	s17 =	smax.f32 s31, $1.000000000e+00  }
0x14e: {  	v4 =	vmov s17  }
0x14f: {  	(erf) = vrcp.f32 v4;
	_ =	sdelay $0x3  }
0x150: {  	s16 =	simm.s32 $0x40  }
0x151: {  	v4 =	vld [tilespmem:s16+$0xFFFFFFC0]  }
0x152: {  	v5 =	vld [tilespmem:s16+$0xFFFFFFD0]  }
0x153: {  	v6 =	vld [tilespmem:s16+$0xFFFFFFE0]  }
0x154: {  	v10 =	vld [tilespmem:s16+$0x10]  }
0x155: {  	v7 =	vld [tilespmem:s16+$0xFFFFFFF0];
	v9 =	vpop (erf)  }
0x156: {  	v8 =	vld [tilespmem:s16+$0x0];
	v4 =	vmul.f32 v9, v4  }
0x157: {  	v11 =	vld [tilespmem:s16+$0x20];
	v5 =	vmul.f32 v9, v5  }
0x158: {  	v12 =	vld [tilespmem:s16+$0x30];
	v6 =	vmul.f32 v9, v6;
	[tilespmem:s16+$0xFFFFFFC0] =	vst v4  }
0x159: {  	v63 =	vmul.f32 v10, v9;
	[tilespmem:s16+$0xFFFFFFD0] =	vst v5  }
0x15a: {  	v4 =	vmul.f32 v7, v9;
	[tilespmem:s16+$0xFFFFFFE0] =	vst v6  }
0x15b: {  	v5 =	vmul.f32 v8, v9;
	[tilespmem:s16+$0x10] =	vst v63  }
0x15c: {  	[tilespmem:s16+$0xFFFFFFF0] =	vst v4;
	v4 =	vmul.f32 v11, v9  }
0x15d: {  	[tilespmem:s16+$0x0] =	vst v5;
	v5 =	vmul.f32 v12, v9  }
0x15e: {  	[tilespmem:s16+$0x20] =	vst v4  }
0x15f: {  	s18 =	simm.s32 $0x10;
	s17 =	simm.s32 $0x80;
	[tilespmem:s16+$0x30] =	vst v5  }
.LBB2_13:
0x160: {  	p0 =	sne.s32 s17, $0x4FC0;
	v4 =	vld [tilespmem:s18+$0xA000];
	_ =	sdelay $0x4  }
0x161: {  	(v2sf) =	vpush v4, $0x0;
	_ =	sdelay $0xe  }
0x162: {  	s18 =	spop (v2sf)  }
0x163: {  	s18 =	smax.f32 s18, $1.000000000e+00  }
0x164: {  	v4 =	vmov s18  }
0x165: {  	s16 =	sadd.s32 $0x80, s16;
	(erf) = vrcp.f32 v4  }
0x166: {  	v4 =	vld [tilespmem:s16+$0xFFFFFFF0]  }
0x167: {  	v5 =	vld [tilespmem:s16+$0x30]  }
0x168: {  	v6 =	vld [tilespmem:s16+$0x10]  }
0x169: {  	v7 =	vld [tilespmem:s16+$0xFFFFFFD0]  }
0x16a: {  	v8 =	vld [tilespmem:s16+$0xFFFFFFC0]  }
0x16b: {  	v9 =	vld [tilespmem:s16+$0xFFFFFFE0]  }
0x16c: {  	v10 =	vld [tilespmem:s16+$0x0]  }
0x16d: {  	v11 =	vld [tilespmem:s16+$0x20]  }
0x16e: {  	v12 =	vpop (erf)  }
0x16f: {  	v8 =	vmul.f32 v12, v8;
	v7 =	vmul.f32 v12, v7  }
0x170: {  	v4 =	vmul.f32 v4, v12;
	v9 =	vmul.f32 v12, v9  }
0x171: {  	v6 =	vmul.f32 v6, v12;
	[tilespmem:s16+$0xFFFFFFC0] =	vst v8;
	v8 =	vmul.f32 v10, v12  }
0x172: {  	v5 =	vmul.f32 v5, v12;
	[tilespmem:s16+$0xFFFFFFD0] =	vst v7;
	v7 =	vmul.f32 v11, v12  }
0x173: {  	[tilespmem:s16+$0xFFFFFFE0] =	vst v9  }
.Ltmp13:
0x174: {  	[tilespmem:s16+$0xFFFFFFF0] =	vst v4;
	(pc) =	sbr.rel @p0 .LBB2_13-.Ltmp13, $4  }
0x175: {  	[tilespmem:s16+$0x0] =	vst v8  }
0x176: {  	[tilespmem:s16+$0x10] =	vst v6  }
0x177: {  	[tilespmem:s16+$0x20] =	vst v7  }
0x178: {  	s18 =	sshra.s32 s17, $0x2;
	s17 =	sadd.s32 $0x40, s17;
	[tilespmem:s16+$0x30] =	vst v5  }
0x179: {  	v4 =	vld [tilespmem:s18+$0xA000];
	_ =	sdelay $0x4  }
0x17a: {  	(v2sf) =	vpush v4, $0x0;
	_ =	sdelay $0xe  }
0x17b: {  	s17 =	spop (v2sf)  }
0x17c: {  	s17 =	smax.f32 s17, $1.000000000e+00  }
0x17d: {  	v4 =	vmov s17  }
0x17e: {  	(erf) = vrcp.f32 v4;
	_ =	sdelay $0x3  }
0x17f: {  	s16 =	sadd.s32 $0x80, s16  }
0x180: {  	v4 =	vld [tilespmem:s16+$0xFFFFFFC0]  }
0x181: {  	v5 =	vld [tilespmem:s16+$0xFFFFFFD0]  }
0x182: {  	v6 =	vld [tilespmem:s16+$0xFFFFFFE0]  }
0x183: {  	v10 =	vld [tilespmem:s16+$0x10]  }
0x184: {  	v7 =	vld [tilespmem:s16+$0xFFFFFFF0];
	v9 =	vpop (erf)  }
0x185: {  	v8 =	vld [tilespmem:s16+$0x0];
	v4 =	vmul.f32 v9, v4  }
0x186: {  	v11 =	vld [tilespmem:s16+$0x20];
	v5 =	vmul.f32 v9, v5  }
0x187: {  	v12 =	vld [tilespmem:s16+$0x30];
	v6 =	vmul.f32 v9, v6;
	[tilespmem:s16+$0xFFFFFFC0] =	vst v4  }
0x188: {  	v63 =	vmul.f32 v10, v9;
	[tilespmem:s16+$0xFFFFFFD0] =	vst v5  }
0x189: {  	v4 =	vmul.f32 v7, v9;
	[tilespmem:s16+$0xFFFFFFE0] =	vst v6  }
0x18a: {  	v5 =	vmul.f32 v8, v9;
	[tilespmem:s16+$0x10] =	vst v63  }
0x18b: {  	[tilespmem:s16+$0xFFFFFFF0] =	vst v4;
	v4 =	vmul.f32 v11, v9  }
0x18c: {  	s15 =	sadd.s32 $0x1, s15;
	[tilespmem:s16+$0x0] =	vst v5;
	v5 =	vmul.f32 v12, v9  }
0x18d: {  	p0 =	sne.s32 s15, s6;
	[tilespmem:s16+$0x20] =	vst v4  }
.Ltmp14:
0x18e: {  	[tilespmem:s16+$0x30] =	vst v5;
	(pc) =	sbr.rel @p0 .LBB2_1-.Ltmp14, $4  }
0x18f: {  	[hbm4b:s5+s4] =	stream.linear.scatter [tilespmem:s4], [sflag:$0x3], $0xA000, $0x38;
	[tilespmem:$0x17420] =	vst v63  }
0x190: {  	_ =	swait.ge [sflag:s14], $0xA000  }
0x191: {  	[sflag:s14] =	ssyncset.done $0x0  }
0x192: {  	[sflag:s14] =	ssyncadd.s32 $0xFFFF6000  }
0x193: {  	_ =	sfence.sel $0x180000  }
0x194: {  	[bflag:$0x0] =	sbarrier.arrive $0xFFFF  }
0x195: {  	p0 =	sne.s32 s1, $0x0;
	_ =	strace $0x90000047  }
0x196: {  	s0 =	sadd.s32 @!p0 $0x100000, s0;
	[bflag:$0x2] =	sbarrier.arrive $0xFFFF  }
0x197: {  	[sflag:s0] =	ssyncadd.tile.s32 @!p0 $0x1;
	_ =	shalt  }
.Lfunc_end2:
_tile_overlayer_lowered:
.L_overlay_start_2:
0x198: {  	(tag) =	ssettag $0x2  }
0x199: {  	s0 =	rddreg [dreg:$0x0];
	s2 =	stileid.u32  }
0x19a: {  	s1 =	rddreg [dreg:$0x1];
	p0 =	sne.s32 s2, $0x0  }
0x19b: {  	s3 =	rddreg [dreg:$0x2];
	[bflag:$0x3] =	sbarrier.arrive $0xFFFF;
	s2 =	simm.s32 @!p0 $0x1C03  }
0x19c: {  	[timem:s3], [sflag:s2] =	dma.local @!p0 [hbm:s0], s1  }
0x19d: {  	s0 =	simm.s32 @!p0 $0x3  }
0x19e: {  	_ =	swait.ge @!p0 [sflag:s0], s1  }
0x19f: {  	s1 =	ssub.s32 @!p0 $0x0, s1;
	[sflag:s0] =	ssyncset.done @!p0 $0x0  }
0x1a0: {  	[sflag:s0] =	ssyncadd.s32 @!p0 s1  }
0x1a1: {  	[bflag:$0x3] =	sbarrier.arrive $0xFFFF  }
0x1a2: {  	_ =	shalt  }

// kernel: kernel.14.cloned.1.call-start
scs
__scs_entry_jumppad:
0x0: {  	(pc) =	sbr.rel $0x88, $3  }
0x1: {  	(tag) =	ssettag $0x0;
	lr =	simm.s32 $0x1  }
0x2: {  	[smem:$0x3F96] =	sst lr;
	_ =	strace $0xD0000000  }
0x3: {  	_ = 	snop  }
0x4: {  	_ = 	snop  }
0x5: {  	_ = 	snop  }
0x6: {  	_ = 	snop  }
0x7: {  	_ = 	snop  }
__scs_overlays_trampoline_lowered:
0x8: {  	[smem:$0x3FA5] =	sst s0  }
0x9: {  	[smem:$0x3FA6] =	sst s1  }
0xa: {  	[smem:$0x3FA7] =	sst s2  }
0xb: {  	[smem:$0x3FA8] =	sst s3  }
0xc: {  	[smem:$0x3FA9] =	sst s4  }
0xd: {  	[smem:$0x3FAA] =	sst s5  }
0xe: {  	[smem:$0x3FAB] =	sst s6  }
0xf: {  	[smem:$0x3FAC] =	sst s7  }
0x10: {  	[smem:$0x3FAD] =	sst s8  }
0x11: {  	[smem:$0x3FAE] =	sst s9;
	s0 =	simm.s32 @!p0 $0x0  }
0x12: {  	s1 =	sld [smem:$0x3F94];
	s0 =	simm.s32 @p0 $0x1  }
0x13: {  	[smem:$0x3FAF] =	sst s0;
	s0 =	simm.s32 @!p1 $0x0  }
0x14: {  	s2 =	sld [smem:$0x3F93];
	s0 =	simm.s32 @p1 $0x1  }
0x15: {  	[smem:$0x3FB0] =	sst s0;
	s0 =	simm.s32 @!p2 $0x0  }
0x16: {  	s3 =	sld [smem:$0x3FDB];
	s0 =	simm.s32 @p2 $0x1  }
0x17: {  	s4 =	simm.s32 $0x1BF5;
	[smem:$0x3FB2] =	sst s0  }
0x18: {  	s0 =	sld [smem:$0x3F95];
	_ =	swait.ge [sflag:s4], $0x0  }
0x19: {  	s7 =	sld [smem:$0x3F96]  }
0x1a: {  	s8 =	sadd.s32 $0xFFFFE003, lr  }
0x1b: {  	s9 =	sadd.s32 $0xFFFFFEF7, lr;
	s5 =	simm.s32 $0xFFFFFFFF;
	p2 =	slt.u32 s8, $0xFFFFF086  }
0x1c: {  	p1 =	slt.u32 s9, $0xF7A;
	s5 =	simm.s32 @!p2 $0x0  }
0x1d: {  	s5 =	simm.s32 @p1 $0x1;
	p0 =	seq.s32 s7, s2  }
0x1e: {  	s7 =	smul.u32 @!p0 $0xF7A, s2;
	p2 =	seq.s32 @!p0 s5, $0x0  }
0x1f: {  	s9 =	smul.u32 $0xF7A, s1;
	s8 =	simm.s32 @!p0 $0x1BF5;
	p2 =	por !p2, p0  }
0x20: {  	[sflag:s8] =	ssyncset.s32 @!p0 $0xFFFFF086;
	s6 =	sadd.s32 @!p0 s3, s7;
	s7 =	simm.s32 @!p0 $0x108  }
0x21: {  	s3 =	sadd.s32 s3, s9;
	s6 =	sadd.s32 @!p0 $0x88, s6;
	s7 =	simm.s32 @p2 $0x1082  }
0x22: {  	[simem:s7], [sflag:s8] =	dma.local @!p0 [hbm:s6], $0xF7A  }
0x23: {  	s9 =	sor.u32 $0xD0000000, s2;
	s6 =	simm.s32 $0x108;
	_ =	swait.ge @!p0 [sflag:s8], $0x0  }
0x24: {  	s3 =	sadd.s32 $0x88, s3;
	s6 =	simm.s32 @!p1 $0x1082;
	[sflag:s4] =	ssyncset.s32 $0xFFFFF086  }
0x25: {  	[simem:s6], [sflag:s4] =	dma.local [hbm:s3], $0xF7A  }
0x26: {  	[smem:$0x3F96] =	sst s1;
	(tag) =	ssettag s2;
	_ =	strace s9  }
0x27: {  	s1 =	sld [smem:$0x3FA6]  }
0x28: {  	s2 =	sld [smem:$0x3FA7]  }
0x29: {  	s4 =	sld [smem:$0x3FA9]  }
0x2a: {  	p0 =	seq.s32 s5, $0x0;
	s5 =	sld [smem:$0x3FAA]  }
0x2b: {  	s6 =	sld [smem:$0x3FAB]  }
0x2c: {  	s7 =	sld [smem:$0x3FAC]  }
0x2d: {  	s3 =	simm.s32 $0x108;
	s8 =	sld [smem:$0x3FAD]  }
0x2e: {  	s3 =	simm.s32 @!p0 $0x1082;
	s9 =	sld [smem:$0x3FAE]  }
0x2f: {  	lr =	sadd.s32 s0, s3;
	s0 =	sld [smem:$0x3FA5]  }
0x30: {  	s3 =	sld [smem:$0x3FA8]  }
0x31: {  	[smem:$0x3FB1] =	sst s10  }
0x32: {  	s10 =	sld [smem:$0x3FAF];
	_ =	sdelay $0x3  }
0x33: {  	p0 =	seq.s32 s10, $0x1;
	s10 =	sld [smem:$0x3FB1];
	_ =	sdelay $0x3  }
0x34: {  	[smem:$0x3FB1] =	sst s10  }
0x35: {  	s10 =	sld [smem:$0x3FB0];
	_ =	sdelay $0x3  }
0x36: {  	p1 =	seq.s32 s10, $0x1;
	s10 =	sld [smem:$0x3FB1];
	_ =	sdelay $0x3  }
0x37: {  	[smem:$0x3FB1] =	sst s10  }
0x38: {  	s10 =	sld [smem:$0x3FB2]  }
0x39: {  	_ = 	snop;
	(pc) =	sbr.ind lr, $3  }
0x3a: {  	_ = 	snop  }
0x3b: {  	_ = 	snop  }
0x3c: {  	p2 =	seq.s32 s10, $0x1;
	s10 =	sld [smem:$0x3FB1]  }
0x3d: {  	_ =	shalt  }
0x3e: {  	_ =	shalt  }
0x3f: {  	_ =	shalt  }
0x40: {  	_ =	shalt  }
0x41: {  	_ =	shalt  }
0x42: {  	_ =	shalt  }
0x43: {  	_ =	shalt  }
0x44: {  	_ =	shalt  }
0x45: {  	_ =	shalt  }
0x46: {  	_ =	shalt  }
0x47: {  	_ =	shalt  }
0x48: {  	_ =	shalt  }
0x49: {  	_ =	shalt  }
0x4a: {  	_ =	shalt  }
0x4b: {  	_ =	shalt  }
0x4c: {  	_ =	shalt  }
0x4d: {  	_ =	shalt  }
0x4e: {  	_ =	shalt  }
0x4f: {  	_ =	shalt  }
0x50: {  	_ =	shalt  }
0x51: {  	_ =	shalt  }
0x52: {  	_ =	shalt  }
0x53: {  	_ =	shalt  }
0x54: {  	_ =	shalt  }
0x55: {  	_ =	shalt  }
0x56: {  	_ =	shalt  }
0x57: {  	_ =	shalt  }
0x58: {  	_ =	shalt  }
0x59: {  	_ =	shalt  }
0x5a: {  	_ =	shalt  }
0x5b: {  	_ =	shalt  }
0x5c: {  	_ =	shalt  }
0x5d: {  	_ =	shalt  }
0x5e: {  	_ =	shalt  }
0x5f: {  	_ =	shalt  }
0x60: {  	_ =	shalt  }
0x61: {  	_ =	shalt  }
0x62: {  	_ =	shalt  }
0x63: {  	_ =	shalt  }
0x64: {  	_ =	shalt  }
0x65: {  	_ =	shalt  }
0x66: {  	_ =	shalt  }
0x67: {  	_ =	shalt  }
0x68: {  	_ =	shalt  }
0x69: {  	_ =	shalt  }
0x6a: {  	_ =	shalt  }
0x6b: {  	_ =	shalt  }
0x6c: {  	_ =	shalt  }
0x6d: {  	_ =	shalt  }
0x6e: {  	_ =	shalt  }
0x6f: {  	_ =	shalt  }
0x70: {  	_ =	shalt  }
0x71: {  	_ =	shalt  }
0x72: {  	_ =	shalt  }
0x73: {  	_ =	shalt  }
0x74: {  	_ =	shalt  }
0x75: {  	_ =	shalt  }
0x76: {  	_ =	shalt  }
0x77: {  	_ =	shalt  }
0x78: {  	_ =	shalt  }
0x79: {  	_ =	shalt  }
0x7a: {  	_ =	shalt  }
0x7b: {  	_ =	shalt  }
0x7c: {  	_ =	shalt  }
0x7d: {  	_ =	shalt  }
0x7e: {  	_ =	shalt  }
0x7f: {  	_ =	shalt  }
0x80: {  	_ =	shalt  }
0x81: {  	_ =	shalt  }
0x82: {  	_ =	shalt  }
0x83: {  	_ =	shalt  }
0x84: {  	_ =	shalt  }
0x85: {  	_ =	shalt  }
0x86: {  	_ =	shalt  }
0x87: {  	_ =	shalt  }
.Lfunc_end0:
.L_simem_size_0:
called_computation.1_lowered:
.L_overlay_start_0:
0x88: {  	s2 =	sld [smem:$0x3FD9]  }
0x89: {  	s3 =	sld [smem:$0x3FFE];
	_ =	sdelay $0x1  }
0x8a: {  	s1 =	srdreg.scid  }
0x8b: {  	s0 =	sand.u32 $0x1, s1  }
0x8c: {  	s17 =	sshll.u32 s0, $0xA;
	s2 =	sadd.s32 s3, s2  }
0x8d: {  	s2 =	sadd.s32 s2, s17  }
0x8e: {  	[smem:$0x3FBD] =	sst s2  }
0x8f: {  	_ = 	snop  }
0x90: {  	s2 =	sld [smem:$0x3FC5]  }
0x91: {  	s18 =	sld [smem:$0x3FD0];
	(tm) =	ssettm $0x1  }
0x92: {  	s4 =	sld [smem:$0x3FFB];
	_ =	sdelay $0x3  }
0x93: {  	_ =	strace s4  }
0x94: {  	s4 =	sld [smem:$0x3FFC];
	_ =	sdelay $0x3  }
0x95: {  	_ =	strace s4  }
0x96: {  	s4 =	sld [smem:$0x3FFD];
	_ =	sdelay $0x3  }
0x97: {  	_ =	strace s4  }
0x98: {  	_ =	strace $0x8FFFFFFF  }
0x99: {  	s19 =	sld [smem:$0x3FDB];
	_ =	sdelay $0x1  }
0x9a: {  	s5 =	simm.s32 $_scs_section_size  }
0x9b: {  	s6 =	simm.s32 $_size__tile_overlayer_lowered;
	s7 =	simm.s32 $_tile_overlayer_lowered  }
0x9c: {  	s22 =	simm.s32 $0x1BFF;
	s21 =	sshll.u32 s7, $0x1;
	s4 =	sadd.s32 s5, s19  }
0x9d: {  	s8 =	simm.s32 $0x0;
	s20 =	sshll.u32 s6, $0x1;
	s6 =	sadd.s32 s21, s4  }
0x9e: {  	[timem:s8], [sflag:s22] =	dma.local [hbm:s6], s20  }
0x9f: {  	_ =	swait.ge [sflag:s22], s20  }
0xa0: {  	s5 =	ssub.s32 $0x0, s20;
	[sflag:s22] =	ssyncset.done $0x0  }
0xa1: {  	[sflag:s22] =	ssyncadd.s32 s5;
	_ =	sdelay $0x1  }
0xa2: {  	s23 =	simm.s32 $0x1B8B  }
0xa3: {  	_ =	swait.ge [sflag:s23], $0x1  }
0xa4: {  	[sflag:s23] =	ssyncset.done $0x0  }
0xa5: {  	s25 =	simm.s32 $0x1B8E;
	s24 =	sld [smem:$0x3FFE];
	[sflag:s23] =	ssyncadd.s32 $0xFFFFFFFF  }
0xa6: {  	s26 =	simm.s32 $execute0_lowered;
	[smem:$0x3FD2] =	sst s25  }
0xa7: {  	s6 =	sshll.u32 s26, $0x1;
	_ =	strace $0x80000049;
	[dreg:$0x1] =	wrdreg $0xFFFFFFFF  }
0xa8: {  	s28 =	simm.s32 $_size_execute0_lowered;
	s4 =	sadd.s32 s4, s6;
	[dreg:$0x0] =	wrdreg $0x0  }
0xa9: {  	s6 =	sshll.u32 s28, $0x1;
	[dreg:$0x2] =	wrdreg s4  }
0xaa: {  	[dreg:$0x3] =	wrdreg s6  }
0xab: {  	[dreg:$0x4] =	wrdreg $0xC0  }
0xac: {  	_ =	task [dreg:s8], $0x5FFFF  }
0xad: {  	[dreg:$0x1] =	wrdreg $0xFFFFFFFF  }
0xae: {  	[dreg:$0x0] =	wrdreg $0x60  }
0xaf: {  	[dreg:$0x2] =	wrdreg s18  }
0xb0: {  	[dreg:$0x3] =	wrdreg s24  }
0xb1: {  	[dreg:$0x4] =	wrdreg s2  }
0xb2: {  	[dreg:$0x5] =	wrdreg $0x9  }
0xb3: {  	_ =	task.clear_ibuf [dreg:s8], $0x6FFFF;
	_ =	strace $0x90000049  }
0xb4: {  	s29 =	simm.s32 $0x9;
	_ =	strace $0x8000004B  }
0xb5: {  	_ =	swait.ge [sflag:s29], $0x1  }
0xb6: {  	[sflag:s29] =	ssyncadd.s32 $0xFFFFFFFF  }
0xb7: {  	_ =	strace $0x9000004B  }
0xb8: {  	_ =	sfence  }
0xb9: {  	s30 =	sld [smem:$0x0];
	_ =	sdelay $0x2  }
0xba: {  	s31 =	sshll.u32 s1, $0xD;
	s1 =	sshrl.u32 s1, $0x2  }
0xbb: {  	s3 =	sand.u32 $0x4000, s31;
	s1 =	sadd.s32 s1, s30  }
0xbc: {  	s0 =	sor.u32 s3, s0;
	s1 =	sshll.u32 s1, $0x11  }
0xbd: {  	s0 =	sor.u32 s1, s0  }
0xbe: {  	s0 =	sadd.s32 $0x8F2B, s0  }
0xbf: {  	[sflag:s0] =	ssyncadd.remote.s32 $0x1  }
0xc0: {  	_ =	sfence.sel $0xFFFF  }
0xc1: {  	[dreg:$0x0] =	wrdreg $0xFFFFFFFF;
	(pc) =	sbr.abs _section_cstart, $3  }
0xc2: {  	[dreg:$0x1] =	wrdreg $0xFFFFFFFF  }
0xc3: {  	_ =	task.clear_ibuf [dreg:s8], $0x2FFFF;
	_ =	strace $0x9FFFFFFF  }
0xc4: {  	(tm) =	ssettm $0x7FFFFFFF  }
0xc5: {  	_ =	shalt  }
tec
execute0_lowered:
.L_overlay_start_1:
0x0: {  	(tag) =	ssettag $0x1  }
0x1: {  	s0 =	rddreg [dreg:$0x0]  }
0x2: {  	s1 =	rddreg [dreg:$0x1]  }
0x3: {  	s2 =	srdreg.scid;
	s4 =	stileid.u32;
	s3 =	simm.s32 $0x0  }
0x4: {  	s10 =	simm.s32 $0x5000;
	s12 =	simm.s32 $0xA000;
	s13 =	simm.s32 $0xBF40  }
0x5: {  	s14 =	simm.s32 $0x1;
	s15 =	simm.s32 $0xDE80;
	s16 =	simm.s32 $0xEE30  }
0x6: {  	s17 =	simm.s32 $0x80;
	s18 =	simm.s32 $0xFDE0;
	s19 =	simm.s32 $0x2  }
0x7: {  	s20 =	simm.s32 $0x3;
	s21 =	simm.s32 $0x4;
	s22 =	simm.s32 $0x0  }
0x8: {  	s23 =	simm.s32 $0x0;
	s2 =	sand.u32 $0x1, s2;
	s4 =	sshll.u32 s4, $0x1  }
0x9: {  	[smem:$0x7FF] =	sst s3;
	s5 =	sadd.s32 $0x8000, s1;
	s7 =	sor.u32 s2, s4  }
0xa: {  	s6 =	sadd.s32 $0x3000, s1;
	s2 =	ssub.s32 $0x2, s2;
	s8 =	smul.u32 $0xA00, s7  }
0xb: {  	_ =	strace $0x8000004A;
	s9 =	sshrl.u32 s2, $0x1;
	s11 =	smul.u32 $0x140, s7  }
0xc: {  	s4 =	sadd.s32 $0xD000, s1;
	s2 =	ssub.s32 s2, s9;
	s1 =	sadd.s32 s8, s1  }
0xd: {  	v1 =	vimm.f32 $-Inf;
	v2 =	vimm.s32 $0x0;
	s7 =	sadd.s32 s0, s8;
	s9 =	smax.u32 s2, $0x1;
	v0 =	vmov s11;
	s8 =	sadd.s32 $0x21000, s1  }
.LBB2_1:
0xe: {  	[tilespmem:s10], [sflag:$0x3] =	stream.linear.gather [hbm4b:s7+s3], $0x5000, $0x38;
	[tilespmem:$0x13E20] =	vst v63  }
0xf: {  	s0 =	rddreg [dreg:$0x2];
	s1 =	simm.s32 $0x13DE0  }
0x10: {  	[tilespmem:s1], [sflag:$0x3] =	stream.linear.gather [hbm4b:s0+s3], $0x40, $0x38;
	[tilespmem:$0x13E20] =	vst v63  }
0x11: {  	s0 =	simm.s32 $0x0  }
.LBB2_2:
0x12: {  	p0 =	sne.s32 s0, $0x13FC0  }
.Ltmp0:
0x13: {  	_ = 	snop;
	(pc) =	sbr.rel @p0 .LBB2_2-.Ltmp0, $3  }
0x14: {  	_ =	sdelay $0x1  }
0x15: {  	s1 =	sshra.s32 s0, $0x2  }
0x16: {  	s0 =	sadd.s32 $0x40, s0;
	[tilespmem:s1+$0x0] =	vst v1  }
0x17: {  	s0 =	simm.s32 $0x40;
	s1 =	simm.s32 $0x0  }
.LBB2_4:
0x18: {  	p0 =	sne.s32 s0, $0x3E80;
	[tilespmem:s1+$0xDE80] =	vst v2;
	s1 =	smov.u32 s0;
	s0 =	sadd.s32 $0x40, s0  }
.Ltmp1:
0x19: {  	(pc) =	sbr.rel @p0 .LBB2_4-.Ltmp1, $2  }
0x1a: {  	_ =	sdelay $0x2  }
0x1b: {  	s1 =	sshra.s32 s1, $0x2  }
.Ltmp2:
0x1c: {  	(pc) =	sbr.rel .LBB2_7-.Ltmp2, $4  }
0x1d: {  	[tilespmem:s1+$0xDE80] =	vst v2  }
0x1e: {  	[tilespmem:s12], [sflag:$0x1] =	stream.linear.gather [hbm4b:s6+s23], $0xFA0, $0x38;
	[tilespmem:$0x13E20] =	vst v63  }
0x1f: {  	s24 =	simm.s32 $0x0  }
0x20: {  	[tilespmem:s13], [sflag:$0x1] =	stream.linear.gather [hbm4b:s5+s23], $0xFA0, $0x38;
	[tilespmem:$0x13E20] =	vst v63  }
.LBB2_6:
0x21: {  	p0 =	seq.s32 s24, $0x28  }
.Ltmp3:
0x22: {  	_ = 	snop;
	(pc) =	sbr.rel @p0 .LBB2_16-.Ltmp3, $1  }
0x23: {  	_ =	sdelay $0x3  }
.LBB2_7:
0x24: {  	s0 =	smov.u32 s24  }
0x25: {  	_ =	swait.ge [sflag:s14], $0xFA0;
	s24 =	sadd.s32 $0x1, s24;
	p0 =	seq.s32 s0, $0x27  }
0x26: {  	[sflag:s14] =	ssyncset.done $0x0;
	s1 =	sand.u32 @!p0 $0x1, s24  }
0x27: {  	[sflag:s14] =	ssyncadd.s32 $0xFFFFF060;
	s2 =	smul.u32 @!p0 $0x1F4, s24;
	p1 =	seq.s32 @!p0 s1, $0x1  }
0x28: {  	_ =	swait.ge [sflag:s14], $0xFA0;
	s1 =	simm.s32 @!p0 $0xFA0;
	p1 =	por !p1, p0  }
0x29: {  	s26 =	simm.s32 @!p0 $0x0;
	[sflag:s14] =	ssyncset.done $0x0;
	s1 =	simm.s32 @p1 $0x0  }
0x2a: {  	s25 =	sadd.s32 @!p0 s6, s2;
	[sflag:s14] =	ssyncadd.s32 $0xFFFFF060;
	s11 =	sor.u32 @!p0 $0xA000, s1  }
0x2b: {  	[tilespmem:s11], [sflag:$0x1] =	stream.linear.gather @!p0 [hbm4b:s25+s26], $0xFA0, $0x38;
	[tilespmem:$0x13E20] =	vst v63  }
0x2c: {  	s0 =	sand.u32 $0x1, s0;
	s2 =	sadd.s32 @!p0 s5, s2;
	s1 =	sadd.s32 @!p0 $0xBF40, s1  }
0x2d: {  	[tilespmem:s1], [sflag:$0x1] =	stream.linear.gather @!p0 [hbm4b:s2+s26], $0xFA0, $0x38;
	[tilespmem:$0x13E20] =	vst v63  }
0x2e: {  	s25 =	simm.s32 $0xFA0;
	p0 =	seq.s32 s0, $0x1  }
0x2f: {  	s25 =	simm.s32 @!p0 $0x0  }
0x30: {  	s0 =	sadd.s32 $0xA020, s25  }
0x31: {  	v3 =	vld [tilespmem:s0+$0xFFFFFFE0];
	_ =	sdelay $0x4  }
0x32: {  	v3 =	vsub.s32 v3, v0  }
0x33: {  	vm0 =	vlt.u32 v3, $0x140  }
0x34: {  	v4 =	vsel vm0, $0x1, v2  }
0x35: {  	(xrf0) =	vadd.scan.msk.s32 $0xffff, v4;
	_ =	sdelay $0x2  }
0x36: {  	v4 =	vmov s23  }
0x37: {  	v4 =	vadd.s32 $0xFFFFFFFF, v4  }
0x38: {  	v4 =	vbroadcast v4, $0x0  }
0x39: {  	s26 =	sadd.s32 $0xBF60, s25;
	v5, _, _ =	vpop (xrf0)  }
0x3a: {  	v6 =	vld [tilespmem:s26+$0xFFFFFFE0];
	v4 =	vadd.s32 v5, v4  }
0x3b: {  	(v2sf) =	vpush v5, $0xF;
	_ =	sdelay $0x3  }
0x3c: {  	[tilespmem:v4+s15+$0x0] =	vst.idx.msk vm0, v6  }
0x3d: {  	[tilespmem:v4+s16+$0x0] =	vst.idx.msk vm0, v3  }
0x3e: {  	v3 =	vld [tilespmem:s0+$0xFFFFFFF0];
	_ =	sdelay $0x4  }
0x3f: {  	v3 =	vsub.s32 v3, v0  }
0x40: {  	vm0 =	vlt.u32 v3, $0x140  }
0x41: {  	v4 =	vsel vm0, $0x1, v2  }
0x42: {  	(xrf0) =	vadd.scan.msk.s32 $0xffff, v4  }
0x43: {  	s11 =	spop (v2sf)  }
0x44: {  	s1 =	sadd.s32 $0x0, s11  }
0x45: {  	v4 =	vmov s1  }
0x46: {  	v4 =	vadd.s32 $0xFFFFFFFF, v4  }
0x47: {  	v4 =	vbroadcast v4, $0x0  }
0x48: {  	v5, _, _ =	vpop (xrf0)  }
0x49: {  	v6 =	vld [tilespmem:s26+$0xFFFFFFF0];
	v4 =	vadd.s32 v5, v4  }
0x4a: {  	(v2sf) =	vpush v5, $0xF;
	_ =	sdelay $0x3  }
0x4b: {  	[tilespmem:v4+s15+$0x0] =	vst.idx.msk vm0, v6  }
0x4c: {  	[tilespmem:v4+s16+$0x0] =	vst.idx.msk vm0, v3  }
0x4d: {  	v3 =	vld [tilespmem:s0+$0x0];
	_ =	sdelay $0x4  }
0x4e: {  	v3 =	vsub.s32 v3, v0  }
0x4f: {  	vm0 =	vlt.u32 v3, $0x140  }
0x50: {  	v4 =	vsel vm0, $0x1, v2  }
0x51: {  	(xrf0) =	vadd.scan.msk.s32 $0xffff, v4  }
0x52: {  	s30 =	spop (v2sf)  }
0x53: {  	s1 =	sadd.s32 s1, s30  }
0x54: {  	v4 =	vmov s1  }
0x55: {  	v4 =	vadd.s32 $0xFFFFFFFF, v4  }
0x56: {  	v4 =	vbroadcast v4, $0x0  }
0x57: {  	v5, _, _ =	vpop (xrf0)  }
0x58: {  	v6 =	vld [tilespmem:s26+$0x0];
	v4 =	vadd.s32 v5, v4  }
0x59: {  	(v2sf) =	vpush v5, $0xF;
	_ =	sdelay $0x3  }
0x5a: {  	[tilespmem:v4+s15+$0x0] =	vst.idx.msk vm0, v6  }
0x5b: {  	[tilespmem:v4+s16+$0x0] =	vst.idx.msk vm0, v3  }
0x5c: {  	v3 =	vld [tilespmem:s0+$0x10];
	_ =	sdelay $0x4  }
0x5d: {  	v3 =	vsub.s32 v3, v0  }
0x5e: {  	vm0 =	vlt.u32 v3, $0x140  }
0x5f: {  	v4 =	vsel vm0, $0x1, v2  }
0x60: {  	(xrf0) =	vadd.scan.msk.s32 $0xffff, v4  }
0x61: {  	s31 =	spop (v2sf)  }
0x62: {  	s1 =	sadd.s32 s1, s31  }
0x63: {  	v4 =	vmov s1  }
0x64: {  	v4 =	vadd.s32 $0xFFFFFFFF, v4  }
0x65: {  	v4 =	vbroadcast v4, $0x0  }
0x66: {  	v5, _, _ =	vpop (xrf0)  }
0x67: {  	v6 =	vld [tilespmem:s26+$0x10];
	v4 =	vadd.s32 v5, v4;
	(v2sf) =	vpush v5, $0xF;
	_ =	sdelay $0x4  }
0x68: {  	[tilespmem:v4+s15+$0x0] =	vst.idx.msk vm0, v6  }
0x69: {  	s28 =	sadd.s32 $0x40, s0;
	[tilespmem:v4+s16+$0x0] =	vst.idx.msk vm0, v3  }
0x6a: {  	v3 =	vld [tilespmem:s28+$0xFFFFFFE0];
	_ =	sdelay $0x4  }
0x6b: {  	v3 =	vsub.s32 v3, v0  }
0x6c: {  	vm0 =	vlt.u32 v3, $0x140  }
0x6d: {  	v4 =	vsel vm0, $0x1, v2  }
0x6e: {  	s29 =	simm.s32 $0x4;
	(xrf0) =	vadd.scan.msk.s32 $0xffff, v4;
	s0 =	spop (v2sf)  }
.LBB2_8:
0x6f: {  	s29 =	sadd.s32 $0x4, s29;
	s0 =	sadd.s32 s1, s0;
	s26 =	sadd.s32 $0x40, s26  }
0x70: {  	p0 =	slt.u32 s29, $0xF4;
	v4 =	vmov s0  }
0x71: {  	v4 =	vadd.s32 $0xFFFFFFFF, v4;
	_ =	sdelay $0x1  }
0x72: {  	v4 =	vbroadcast v4, $0x0  }
0x73: {  	v5, _, _ =	vpop (xrf0)  }
0x74: {  	v6 =	vld [tilespmem:s26+$0xFFFFFFE0];
	v4 =	vadd.s32 v5, v4;
	(v2sf) =	vpush v5, $0xF;
	_ =	sdelay $0x4  }
0x75: {  	[tilespmem:v4+s15+$0x0] =	vst.idx.msk vm0, v6  }
0x76: {  	[tilespmem:v4+s16+$0x0] =	vst.idx.msk vm0, v3  }
0x77: {  	v3 =	vld [tilespmem:s28+$0xFFFFFFF0];
	_ =	sdelay $0x4  }
0x78: {  	v3 =	vsub.s32 v3, v0  }
0x79: {  	vm0 =	vlt.u32 v3, $0x140  }
0x7a: {  	v4 =	vsel vm0, $0x1, v2  }
0x7b: {  	s1 =	spop (v2sf);
	(xrf0) =	vadd.scan.msk.s32 $0xffff, v4  }
0x7c: {  	s0 =	sadd.s32 s0, s1  }
0x7d: {  	v4 =	vmov s0  }
0x7e: {  	v4 =	vadd.s32 $0xFFFFFFFF, v4;
	_ =	sdelay $0x1  }
0x7f: {  	v4 =	vbroadcast v4, $0x0  }
0x80: {  	v5, _, _ =	vpop (xrf0)  }
0x81: {  	v6 =	vld [tilespmem:s26+$0xFFFFFFF0];
	v4 =	vadd.s32 v5, v4;
	(v2sf) =	vpush v5, $0xF;
	_ =	sdelay $0x4  }
0x82: {  	[tilespmem:v4+s15+$0x0] =	vst.idx.msk vm0, v6  }
0x83: {  	[tilespmem:v4+s16+$0x0] =	vst.idx.msk vm0, v3  }
0x84: {  	v3 =	vld [tilespmem:s28+$0x0];
	_ =	sdelay $0x4  }
0x85: {  	v3 =	vsub.s32 v3, v0  }
0x86: {  	vm0 =	vlt.u32 v3, $0x140  }
0x87: {  	v4 =	vsel vm0, $0x1, v2  }
0x88: {  	s1 =	spop (v2sf);
	(xrf0) =	vadd.scan.msk.s32 $0xffff, v4  }
0x89: {  	s0 =	sadd.s32 s0, s1  }
0x8a: {  	v4 =	vmov s0  }
0x8b: {  	v4 =	vadd.s32 $0xFFFFFFFF, v4;
	_ =	sdelay $0x1  }
0x8c: {  	v4 =	vbroadcast v4, $0x0  }
0x8d: {  	v5, _, _ =	vpop (xrf0)  }
0x8e: {  	v6 =	vld [tilespmem:s26+$0x0];
	v4 =	vadd.s32 v5, v4;
	(v2sf) =	vpush v5, $0xF;
	_ =	sdelay $0x4  }
0x8f: {  	[tilespmem:v4+s15+$0x0] =	vst.idx.msk vm0, v6  }
0x90: {  	[tilespmem:v4+s16+$0x0] =	vst.idx.msk vm0, v3  }
0x91: {  	v3 =	vld [tilespmem:s28+$0x10]  }
0x92: {  	v4 =	vld [tilespmem:s26+$0x10];
	_ =	sdelay $0x3  }
0x93: {  	v3 =	vsub.s32 v3, v0  }
0x94: {  	vm0 =	vlt.u32 v3, $0x140  }
0x95: {  	v5 =	vsel vm0, $0x1, v2  }
0x96: {  	s1 =	spop (v2sf);
	(xrf0) =	vadd.scan.msk.s32 $0xffff, v5  }
0x97: {  	s1 =	sadd.s32 s0, s1  }
0x98: {  	v5 =	vmov s1  }
0x99: {  	v5 =	vadd.s32 $0xFFFFFFFF, v5;
	_ =	sdelay $0x1  }
0x9a: {  	v5 =	vbroadcast v5, $0x0  }
0x9b: {  	v6, _, _ =	vpop (xrf0)  }
0x9c: {  	v5 =	vadd.s32 v6, v5;
	(v2sf) =	vpush v6, $0xF;
	_ =	sdelay $0x4  }
0x9d: {  	[tilespmem:v5+s15+$0x0] =	vst.idx.msk vm0, v4  }
0x9e: {  	s28 =	sadd.s32 $0x40, s28;
	[tilespmem:v5+s16+$0x0] =	vst.idx.msk vm0, v3  }
0x9f: {  	v3 =	vld [tilespmem:s28+$0xFFFFFFE0];
	_ =	sdelay $0x3  }
.Ltmp4:
0xa0: {  	(pc) =	sbr.rel @p0 .LBB2_8-.Ltmp4, $4  }
0xa1: {  	v3 =	vsub.s32 v3, v0  }
0xa2: {  	vm0 =	vlt.u32 v3, $0x140  }
0xa3: {  	v4 =	vsel vm0, $0x1, v2  }
0xa4: {  	(xrf0) =	vadd.scan.msk.s32 $0xffff, v4;
	s0 =	spop (v2sf)  }
0xa5: {  	_ = 	snop  }
0xa6: {  	s0 =	sadd.s32 s1, s0  }
0xa7: {  	v4 =	vmov s0  }
0xa8: {  	v4 =	vadd.s32 $0xFFFFFFFF, v4  }
0xa9: {  	v4 =	vbroadcast v4, $0x0  }
0xaa: {  	s11 =	sadd.s32 $0x40, s26;
	v5, _, _ =	vpop (xrf0)  }
0xab: {  	v6 =	vld [tilespmem:s11+$0xFFFFFFE0];
	v4 =	vadd.s32 v5, v4  }
0xac: {  	(v2sf) =	vpush v5, $0xF;
	_ =	sdelay $0x3  }
0xad: {  	[tilespmem:v4+s15+$0x0] =	vst.idx.msk vm0, v6  }
0xae: {  	[tilespmem:v4+s16+$0x0] =	vst.idx.msk vm0, v3  }
0xaf: {  	v3 =	vld [tilespmem:s28+$0xFFFFFFF0];
	_ =	sdelay $0x4  }
0xb0: {  	v3 =	vsub.s32 v3, v0  }
0xb1: {  	vm11 =	vlt.u32 v3, $0x140  }
0xb2: {  	v50 =	vsel vm11, $0x1, v2  }
0xb3: {  	(xrf0) =	vadd.scan.msk.s32 $0xffff, v50  }
0xb4: {  	s2 =	spop (v2sf)  }
0xb5: {  	s0 =	sadd.s32 s0, s2  }
0xb6: {  	v51 =	vmov s0  }
0xb7: {  	v4 =	vadd.s32 $0xFFFFFFFF, v51  }
0xb8: {  	v4 =	vbroadcast v4, $0x0  }
0xb9: {  	v52, _, _ =	vpop (xrf0)  }
0xba: {  	v6 =	vld [tilespmem:s11+$0xFFFFFFF0];
	v4 =	vadd.s32 v52, v4  }
0xbb: {  	(v2sf) =	vpush v52, $0xF;
	_ =	sdelay $0x3  }
0xbc: {  	[tilespmem:v4+s15+$0x0] =	vst.idx.msk vm11, v6  }
0xbd: {  	[tilespmem:v4+s16+$0x0] =	vst.idx.msk vm11, v3  }
0xbe: {  	v3 =	vld [tilespmem:s28+$0x0];
	_ =	sdelay $0x4  }
0xbf: {  	v3 =	vsub.s32 v3, v0  }
0xc0: {  	vm12 =	vlt.u32 v3, $0x140  }
0xc1: {  	v53 =	vsel vm12, $0x1, v2  }
0xc2: {  	(xrf0) =	vadd.scan.msk.s32 $0xffff, v53  }
0xc3: {  	s26 =	spop (v2sf)  }
0xc4: {  	s0 =	sadd.s32 s0, s26  }
0xc5: {  	v54 =	vmov s0  }
0xc6: {  	v4 =	vadd.s32 $0xFFFFFFFF, v54  }
0xc7: {  	v4 =	vbroadcast v4, $0x0  }
0xc8: {  	v55, _, _ =	vpop (xrf0)  }
0xc9: {  	v6 =	vld [tilespmem:s11+$0x0];
	v4 =	vadd.s32 v55, v4  }
0xca: {  	(v2sf) =	vpush v55, $0xF;
	_ =	sdelay $0x3  }
0xcb: {  	[tilespmem:v4+s15+$0x0] =	vst.idx.msk vm12, v6  }
0xcc: {  	[tilespmem:v4+s16+$0x0] =	vst.idx.msk vm12, v3  }
0xcd: {  	v3 =	vld [tilespmem:s28+$0x10];
	_ =	sdelay $0x4  }
0xce: {  	v3 =	vsub.s32 v3, v0  }
0xcf: {  	vm13 =	vlt.u32 v3, $0x140  }
0xd0: {  	v56 =	vsel vm13, $0x1, v2  }
0xd1: {  	(xrf0) =	vadd.scan.msk.s32 $0xffff, v56  }
0xd2: {  	s28 =	spop (v2sf)  }
0xd3: {  	s0 =	sadd.s32 s0, s28  }
0xd4: {  	v57 =	vmov s0  }
0xd5: {  	v4 =	vadd.s32 $0xFFFFFFFF, v57  }
0xd6: {  	v4 =	vbroadcast v4, $0x0  }
0xd7: {  	v58, _, _ =	vpop (xrf0)  }
0xd8: {  	v6 =	vld [tilespmem:s11+$0x10];
	v4 =	vadd.s32 v58, v4  }
0xd9: {  	(v2sf) =	vpush v58, $0xF;
	_ =	sdelay $0x3  }
0xda: {  	[tilespmem:v4+s15+$0x0] =	vst.idx.msk vm13, v6  }
0xdb: {  	[tilespmem:v4+s16+$0x0] =	vst.idx.msk vm13, v3  }
0xdc: {  	v3 =	vld [tilespmem:s25+$0xAF80];
	_ =	sdelay $0x4  }
0xdd: {  	v3 =	vsub.s32 v3, v0  }
0xde: {  	vm14 =	vlt.u32 v3, $0x140  }
0xdf: {  	v59 =	vsel vm14, $0x1, v2  }
0xe0: {  	(xrf0) =	vadd.scan.msk.s32 $0xffff, v59  }
0xe1: {  	s29 =	spop (v2sf)  }
0xe2: {  	s0 =	sadd.s32 s0, s29  }
0xe3: {  	v60 =	vmov s0  }
0xe4: {  	v4 =	vadd.s32 $0xFFFFFFFF, v60  }
0xe5: {  	v4 =	vbroadcast v4, $0x0  }
0xe6: {  	v61, _, _ =	vpop (xrf0)  }
0xe7: {  	v6 =	vld [tilespmem:s25+$0xCEC0];
	v4 =	vadd.s32 v61, v4;
	_ =	sdelay $0x4  }
0xe8: {  	[tilespmem:v4+s15+$0x0] =	vst.idx.msk vm14, v6  }
0xe9: {  	[tilespmem:v4+s16+$0x0] =	vst.idx.msk vm14, v3  }
0xea: {  	v3 =	vld [tilespmem:s25+$0xAF90];
	_ =	sdelay $0x4  }
0xeb: {  	v3 =	vsub.s32 v3, v0  }
0xec: {  	vm15 =	vlt.u32 v3, $0x140  }
0xed: {  	v62 =	vsel vm15, $0x1, v2  }
0xee: {  	(xrf0) =	vadd.scan.msk.s32 $0xffff, v62;
	_ =	sdelay $0x2  }
0xef: {  	(v2sf) =	vpush v61, $0xF;
	_ =	sdelay $0x2  }
0xf0: {  	v4, _, _ =	vpop (xrf0)  }
0xf1: {  	(v2sf) =	vpush v4, $0xF;
	_ =	sdelay $0xa  }
0xf2: {  	s30 =	spop (v2sf)  }
0xf3: {  	s0 =	sadd.s32 s0, s30  }
0xf4: {  	v63 =	vmov s0  }
0xf5: {  	v5 =	vadd.s32 $0xFFFFFFFF, v63  }
0xf6: {  	v5 =	vbroadcast v5, $0x0;
	s31 =	spop (v2sf)  }
0xf7: {  	v6 =	vld [tilespmem:s25+$0xCED0];
	s25 =	sadd.s32 s0, s31  }
0xf8: {  	v4 =	vadd.s32 v4, v5;
	s0 =	sadd.s32 $0x7F, s25  }
0xf9: {  	p0 =	slt.s32 s0, $0x80  }
.Ltmp5:
0xfa: {  	_ = 	snop;
	(pc) =	sbr.rel @p0 .LBB2_6-.Ltmp5, $3  }
0xfb: {  	_ =	sdelay $0x1  }
0xfc: {  	[tilespmem:v4+s15+$0x0] =	vst.idx.msk vm15, v6  }
0xfd: {  	[tilespmem:v4+s16+$0x0] =	vst.idx.msk vm15, v3  }
.Ltmp6:
0xfe: {  	s1 =	sshra.s32 s0, $0x1F;
	(pc) =	sbr.rel .LBB2_12-.Ltmp6, $4  }
0xff: {  	[tilespmem:s18], [sflag:$0x2] =	stream.indirect.gather [hbm4b:s4+s17], $0x40, s15, s17, $0xb8;
	[tilespmem:$0x13E20] =	vst v63  }
0x100: {  	s1 =	sshrl.u32 s1, $0x19  }
0x101: {  	s2 =	simm.s32 $0xEE30;
	s30 =	simm.s32 $0x0;
	s28 =	sadd.s32 s1, s0  }
0x102: {  	s29 =	simm.s32 $0x0;
	s31 =	smov.u32 s25;
	s26 =	sshra.s32 s28, $0x7  }
.LBB2_15:
0x103: {  	[tilespmem:s11+$0x30] =	vst v3  }
.LBB2_11:
0x104: {  	p0 =	seq.s32 s30, s26  }
.Ltmp7:
0x105: {  	_ = 	snop;
	(pc) =	sbr.rel @p0 .LBB2_6-.Ltmp7, $2  }
0x106: {  	_ =	sdelay $0x2  }
0x107: {  	s31 =	sadd.s32 $0xFFFFFF80, s31;
	s2 =	sadd.s32 $0x80, s2;
	s29 =	sadd.s32 $0x2000, s29  }
.LBB2_12:
0x108: {  	s0 =	smov.u32 s30;
	s30 =	sadd.s32 $0x1, s30;
	_ =	swait.ge [sflag:s19], $0x2000  }
0x109: {  	p0 =	sge.s32 s30, s26;
	[sflag:s19] =	ssyncset.done $0x0;
	s0 =	sshll.u32 s0, $0x7  }
0x10a: {  	s1 =	sshll.u32 @!p0 s30, $0xD;
	s11 =	sshll.u32 @!p0 s30, $0x9;
	[sflag:s19] =	ssyncadd.s32 $0xFFFFE000  }
0x10b: {  	s28 =	simm.s32 @!p0 $0x80;
	s1 =	sand.u32 @!p0 $0x2000, s1;
	s11 =	sshra.s32 @!p0 s11, $0x2  }
0x10c: {  	s0 =	ssub.s32 s25, s0;
	s1 =	sadd.s32 @!p0 $0xFDE0, s1;
	s11 =	sadd.s32 @!p0 $0xDE80, s11  }
0x10d: {  	[tilespmem:s1], [sflag:$0x2] =	stream.indirect.gather @!p0 [hbm4b:s4+s28], $0x40, s11, s28, $0xb8;
	[tilespmem:$0x13E20] =	vst v63  }
0x10e: {  	p0 =	slt.s32 s0, $0x1  }
.Ltmp8:
0x10f: {  	_ = 	snop;
	(pc) =	sbr.rel @p0 .LBB2_11-.Ltmp8, $1  }
0x110: {  	_ =	sdelay $0x3  }
0x111: {  	v3 =	vld [tilespmem:s2+$0x0];
	_ =	sdelay $0x4  }
0x112: {  	(v2sf) =	vpush v3, $0x0;
	_ =	sdelay $0xe  }
0x113: {  	s0 =	sand.u32 $0x2000, s29;
	s1 =	spop (v2sf)  }
0x114: {  	s0 =	sadd.s32 $0xFE00, s0;
	s1 =	sshll.u32 s1, $0x8  }
0x115: {  	v3 =	vld [tilespmem:s0+$0xFFFFFFE0];
	s11 =	sshra.s32 s1, $0x2  }
0x116: {  	v4 =	vld [tilespmem:s11+$0x0];
	_ =	sdelay $0x4  }
0x117: {  	v3 =	vmax.f32 v4, v3  }
0x118: {  	[tilespmem:s11+$0x0] =	vst v3;
	v3 =	vld [tilespmem:s11+$0x10]  }
0x119: {  	v4 =	vld [tilespmem:s0+$0xFFFFFFF0];
	_ =	sdelay $0x4  }
0x11a: {  	v3 =	vmax.f32 v3, v4  }
0x11b: {  	[tilespmem:s11+$0x10] =	vst v3;
	v3 =	vld [tilespmem:s11+$0x20]  }
0x11c: {  	v4 =	vld [tilespmem:s0+$0x0];
	_ =	sdelay $0x3  }
0x11d: {  	p0 =	sgt.s32 s31, $0x1;
	s1 =	smov.u32 s31  }
0x11e: {  	s1 =	simm.s32 @!p0 $0x1;
	v3 =	vmax.f32 v3, v4  }
0x11f: {  	s1 =	smin.u32 s1, $0x80;
	[tilespmem:s11+$0x20] =	vst v3;
	v3 =	vld [tilespmem:s11+$0x30]  }
0x120: {  	p0 =	seq.s32 s1, $0x1;
	v4 =	vld [tilespmem:s0+$0x10]  }
.Ltmp9:
0x121: {  	_ = 	snop;
	(pc) =	sbr.rel @p0 .LBB2_15-.Ltmp9, $2  }
0x122: {  	_ =	sdelay $0x2  }
0x123: {  	s28 =	smov.u32 s2;
	s1 =	sadd.s32 $0xFFFFFFFF, s1;
	v3 =	vmax.f32 v3, v4  }
.LBB2_14:
0x124: {  	p0 =	seq.s32 s1, $0x1;
	[tilespmem:s11+$0x30] =	vst v3;
	s28 =	sadd.s32 $0x1, s28;
	s0 =	sadd.s32 $0x40, s0  }
0x125: {  	s1 =	sadd.s32 $0xFFFFFFFF, s1;
	v3 =	vld [tilespmem:s28+$0x0];
	_ =	sdelay $0x4  }
0x126: {  	(v2sf) =	vpush v3, $0x0;
	_ =	sdelay $0xe  }
0x127: {  	s11 =	spop (v2sf)  }
0x128: {  	s11 =	sshll.u32 s11, $0x8  }
0x129: {  	s11 =	sshra.s32 s11, $0x2;
	v3 =	vld [tilespmem:s0+$0xFFFFFFE0]  }
0x12a: {  	v4 =	vld [tilespmem:s11+$0x0];
	_ =	sdelay $0x4  }
0x12b: {  	v3 =	vmax.f32 v4, v3  }
0x12c: {  	[tilespmem:s11+$0x0] =	vst v3;
	v3 =	vld [tilespmem:s11+$0x10]  }
0x12d: {  	v4 =	vld [tilespmem:s0+$0xFFFFFFF0];
	_ =	sdelay $0x4  }
0x12e: {  	v3 =	vmax.f32 v3, v4  }
0x12f: {  	[tilespmem:s11+$0x10] =	vst v3;
	v3 =	vld [tilespmem:s11+$0x20]  }
0x130: {  	v4 =	vld [tilespmem:s0+$0x0];
	_ =	sdelay $0x4  }
0x131: {  	v3 =	vmax.f32 v3, v4  }
0x132: {  	[tilespmem:s11+$0x20] =	vst v3;
	v3 =	vld [tilespmem:s11+$0x30]  }
0x133: {  	v4 =	vld [tilespmem:s0+$0x10]  }
.Ltmp10:
0x134: {  	(pc) =	sbr.rel @!p0 .LBB2_14-.Ltmp10, $2  }
0x135: {  	_ =	sdelay $0x2  }
0x136: {  	v3 =	vmax.f32 v3, v4  }
.Ltmp11:
0x137: {  	_ = 	snop;
	(pc) =	sbr.rel .LBB2_15-.Ltmp11, $1  }
0x138: {  	_ =	sdelay $0x3  }
.LBB2_16:
0x139: {  	_ =	swait.ge [sflag:s20], $0x5000  }
0x13a: {  	[sflag:s20] =	ssyncset.done $0x0  }
0x13b: {  	[sflag:s20] =	ssyncadd.s32 $0xFFFFB000  }
0x13c: {  	_ =	swait.ge [sflag:s20], $0x40  }
0x13d: {  	[sflag:s20] =	ssyncset.done $0x0  }
0x13e: {  	s0 =	simm.s32 $0x0;
	[sflag:s20] =	ssyncadd.s32 $0xFFFFFFC0  }
0x13f: {  	v3 =	vld [tilespmem:s0+$0x0]  }
0x140: {  	v4 =	vld [tilespmem:s0+$0x5000];
	_ =	sdelay $0x1  }
0x141: {  	v5 =	vld [tilespmem:$0x13DE0];
	_ =	sdelay $0x2  }
0x142: {  	v3 =	vadd.f32 v4, v3;
	_ =	sdelay $0x1  }
0x143: {  	v3 =	vadd.f32 v5, v3  }
0x144: {  	v4 =	vld [tilespmem:s0+$0x10]  }
0x145: {  	v5 =	vld [tilespmem:s0+$0x5010];
	v3 =	vmax.f32 v3, $0.0e+00  }
0x146: {  	[tilespmem:s0+$0x5000] =	vst v3  }
0x147: {  	v3 =	vld [tilespmem:$0x13DF0];
	_ =	sdelay $0x2  }
0x148: {  	v4 =	vadd.f32 v5, v4;
	_ =	sdelay $0x1  }
0x149: {  	v3 =	vadd.f32 v3, v4  }
0x14a: {  	v5 =	vld [tilespmem:s0+$0x5020]  }
0x14b: {  	v4 =	vld [tilespmem:s0+$0x20];
	v3 =	vmax.f32 v3, $0.0e+00  }
0x14c: {  	[tilespmem:s0+$0x5010] =	vst v3  }
0x14d: {  	v3 =	vld [tilespmem:$0x13E00];
	_ =	sdelay $0x2  }
0x14e: {  	v4 =	vadd.f32 v5, v4;
	_ =	sdelay $0x1  }
0x14f: {  	v3 =	vadd.f32 v3, v4  }
0x150: {  	v5 =	vld [tilespmem:s0+$0x5030]  }
0x151: {  	v4 =	vld [tilespmem:s0+$0x30];
	v3 =	vmax.f32 v3, $0.0e+00  }
0x152: {  	[tilespmem:s0+$0x5020] =	vst v3  }
0x153: {  	v3 =	vld [tilespmem:$0x13E10];
	_ =	sdelay $0x2  }
0x154: {  	v4 =	vadd.f32 v5, v4;
	_ =	sdelay $0x1  }
0x155: {  	s2 =	simm.s32 $0x40;
	v4 =	vadd.f32 v3, v4  }
0x156: {  	s1 =	simm.s32 $0x200;
	v3 =	vld [tilespmem:s2+$0x0]  }
.LBB2_17:
0x157: {  	p0 =	sne.s32 s1, $0x13F00;
	v5 =	vld [tilespmem:s2+$0x5000];
	v4 =	vmax.f32 v4, $0.0e+00  }
0x158: {  	[tilespmem:s0+$0x5030] =	vst v4;
	s0 =	smov.u32 s2  }
0x159: {  	v4 =	vld [tilespmem:$0x13DE0];
	_ =	sdelay $0x2  }
0x15a: {  	v3 =	vadd.f32 v5, v3;
	_ =	sdelay $0x1  }
0x15b: {  	v3 =	vadd.f32 v4, v3  }
0x15c: {  	v4 =	vld [tilespmem:s0+$0x10]  }
0x15d: {  	v3 =	vmax.f32 v3, $0.0e+00;
	v5 =	vld [tilespmem:s0+$0x5010]  }
0x15e: {  	[tilespmem:s0+$0x5000] =	vst v3  }
0x15f: {  	v3 =	vld [tilespmem:$0x13DF0];
	_ =	sdelay $0x2  }
0x160: {  	v4 =	vadd.f32 v5, v4;
	_ =	sdelay $0x1  }
0x161: {  	v3 =	vadd.f32 v3, v4  }
0x162: {  	v4 =	vld [tilespmem:s0+$0x20]  }
0x163: {  	v3 =	vmax.f32 v3, $0.0e+00;
	v5 =	vld [tilespmem:s0+$0x5020]  }
0x164: {  	[tilespmem:s0+$0x5010] =	vst v3  }
0x165: {  	v3 =	vld [tilespmem:$0x13E00];
	_ =	sdelay $0x2  }
0x166: {  	v4 =	vadd.f32 v5, v4;
	_ =	sdelay $0x1  }
0x167: {  	v3 =	vadd.f32 v3, v4  }
0x168: {  	v4 =	vld [tilespmem:s0+$0x30]  }
0x169: {  	v3 =	vmax.f32 v3, $0.0e+00;
	v5 =	vld [tilespmem:s0+$0x5030]  }
0x16a: {  	[tilespmem:s0+$0x5020] =	vst v3  }
0x16b: {  	v3 =	vld [tilespmem:$0x13E10];
	_ =	sdelay $0x1  }
.Ltmp12:
0x16c: {  	(pc) =	sbr.rel @p0 .LBB2_17-.Ltmp12, $3  }
0x16d: {  	v4 =	vadd.f32 v5, v4;
	_ =	sdelay $0x1  }
0x16e: {  	s2 =	sshra.s32 s1, $0x2;
	v4 =	vadd.f32 v3, v4  }
0x16f: {  	s1 =	sadd.s32 $0x100, s1;
	v3 =	vld [tilespmem:s2+$0x0]  }
0x170: {  	v5 =	vld [tilespmem:s2+$0x5000];
	v4 =	vmax.f32 v4, $0.0e+00  }
0x171: {  	[tilespmem:s0+$0x5030] =	vst v4  }
0x172: {  	v4 =	vld [tilespmem:$0x13DE0];
	_ =	sdelay $0x2  }
0x173: {  	v3 =	vadd.f32 v5, v3;
	_ =	sdelay $0x1  }
0x174: {  	v3 =	vadd.f32 v4, v3  }
0x175: {  	v58 =	vld [tilespmem:s2+$0x10]  }
0x176: {  	v59 =	vld [tilespmem:s2+$0x5010];
	v3 =	vmax.f32 v3, $0.0e+00  }
0x177: {  	[tilespmem:s2+$0x5000] =	vst v3  }
0x178: {  	v3 =	vld [tilespmem:$0x13DF0];
	_ =	sdelay $0x2  }
0x179: {  	v4 =	vadd.f32 v59, v58;
	_ =	sdelay $0x1  }
0x17a: {  	v3 =	vadd.f32 v3, v4  }
0x17b: {  	v60 =	vld [tilespmem:s2+$0x20]  }
0x17c: {  	v61 =	vld [tilespmem:s2+$0x5020];
	v3 =	vmax.f32 v3, $0.0e+00  }
0x17d: {  	[tilespmem:s2+$0x5010] =	vst v3  }
0x17e: {  	v3 =	vld [tilespmem:$0x13E00];
	_ =	sdelay $0x2  }
0x17f: {  	v4 =	vadd.f32 v61, v60;
	_ =	sdelay $0x1  }
0x180: {  	v3 =	vadd.f32 v3, v4  }
0x181: {  	v62 =	vld [tilespmem:s2+$0x30]  }
0x182: {  	v63 =	vld [tilespmem:s2+$0x5030];
	v3 =	vmax.f32 v3, $0.0e+00  }
0x183: {  	[tilespmem:s2+$0x5020] =	vst v3  }
0x184: {  	v3 =	vld [tilespmem:$0x13E10];
	_ =	sdelay $0x2  }
0x185: {  	v4 =	vadd.f32 v63, v62;
	_ =	sdelay $0x1  }
0x186: {  	v3 =	vadd.f32 v3, v4  }
0x187: {  	s22 =	sadd.s32 $0x1, s22  }
0x188: {  	p0 =	sne.s32 s22, s9;
	v3 =	vmax.f32 v3, $0.0e+00  }
.Ltmp13:
0x189: {  	[tilespmem:s2+$0x5030] =	vst v3;
	(pc) =	sbr.rel @p0 .LBB2_1-.Ltmp13, $4  }
0x18a: {  	[hbm4b:s8+s3] =	stream.linear.scatter [tilespmem:s10], [sflag:$0x4], $0x5000, $0x38;
	[tilespmem:$0x13E20] =	vst v63  }
0x18b: {  	_ =	swait.ge [sflag:s21], $0x5000  }
0x18c: {  	[sflag:s21] =	ssyncset.done $0x0  }
0x18d: {  	[sflag:s21] =	ssyncadd.s32 $0xFFFFB000  }
0x18e: {  	_ =	sfence.sel $0x180000  }
0x18f: {  	[bflag:$0x0] =	sbarrier.arrive $0xFFFF  }
0x190: {  	_ =	strace $0x9000004A  }
0x191: {  	s0 =	stileid.u32;
	[bflag:$0x2] =	sbarrier.arrive $0xFFFF  }
0x192: {  	p0 =	sne.s32 s0, $0x0;
	s0 =	rddreg [dreg:$0x3]  }
0x193: {  	s0 =	sadd.s32 @!p0 $0x100000, s0  }
0x194: {  	[sflag:s0] =	ssyncadd.tile.s32 @!p0 $0x1;
	_ =	shalt  }
.Lfunc_end2:
_tile_overlayer_lowered:
.L_overlay_start_2:
0x195: {  	(tag) =	ssettag $0x2  }
0x196: {  	s0 =	rddreg [dreg:$0x0];
	s2 =	stileid.u32  }
0x197: {  	s1 =	rddreg [dreg:$0x1];
	p0 =	sne.s32 s2, $0x0  }
0x198: {  	s3 =	rddreg [dreg:$0x2];
	[bflag:$0x3] =	sbarrier.arrive $0xFFFF;
	s2 =	simm.s32 @!p0 $0x1C04  }
0x199: {  	[timem:s3], [sflag:s2] =	dma.local @!p0 [hbm:s0], s1  }
0x19a: {  	s0 =	simm.s32 @!p0 $0x4  }
0x19b: {  	_ =	swait.ge @!p0 [sflag:s0], s1  }
0x19c: {  	s1 =	ssub.s32 @!p0 $0x0, s1;
	[sflag:s0] =	ssyncset.done @!p0 $0x0  }
0x19d: {  	[sflag:s0] =	ssyncadd.s32 @!p0 s1  }
0x19e: {  	[bflag:$0x3] =	sbarrier.arrive $0xFFFF  }
0x19f: {  	_ =	shalt  }

// kernel: kernel.17.cloned.1.call-start
scs
__scs_entry_jumppad:
0x0: {  	(pc) =	sbr.rel $0x88, $3  }
0x1: {  	(tag) =	ssettag $0x0;
	lr =	simm.s32 $0x1  }
0x2: {  	[smem:$0x3F96] =	sst lr;
	_ =	strace $0xD0000000  }
0x3: {  	_ = 	snop  }
0x4: {  	_ = 	snop  }
0x5: {  	_ = 	snop  }
0x6: {  	_ = 	snop  }
0x7: {  	_ = 	snop  }
__scs_overlays_trampoline_lowered:
0x8: {  	[smem:$0x3FA5] =	sst s0  }
0x9: {  	[smem:$0x3FA6] =	sst s1  }
0xa: {  	[smem:$0x3FA7] =	sst s2  }
0xb: {  	[smem:$0x3FA8] =	sst s3  }
0xc: {  	[smem:$0x3FA9] =	sst s4  }
0xd: {  	[smem:$0x3FAA] =	sst s5  }
0xe: {  	[smem:$0x3FAB] =	sst s6  }
0xf: {  	[smem:$0x3FAC] =	sst s7  }
0x10: {  	[smem:$0x3FAD] =	sst s8  }
0x11: {  	[smem:$0x3FAE] =	sst s9;
	s0 =	simm.s32 @!p0 $0x0  }
0x12: {  	s1 =	sld [smem:$0x3F94];
	s0 =	simm.s32 @p0 $0x1  }
0x13: {  	[smem:$0x3FAF] =	sst s0;
	s0 =	simm.s32 @!p1 $0x0  }
0x14: {  	s2 =	sld [smem:$0x3F93];
	s0 =	simm.s32 @p1 $0x1  }
0x15: {  	[smem:$0x3FB0] =	sst s0;
	s0 =	simm.s32 @!p2 $0x0  }
0x16: {  	s3 =	sld [smem:$0x3FDB];
	s0 =	simm.s32 @p2 $0x1  }
0x17: {  	s4 =	simm.s32 $0x1BF5;
	[smem:$0x3FB2] =	sst s0  }
0x18: {  	s0 =	sld [smem:$0x3F95];
	_ =	swait.ge [sflag:s4], $0x0  }
0x19: {  	s7 =	sld [smem:$0x3F96]  }
0x1a: {  	s8 =	sadd.s32 $0xFFFFE003, lr  }
0x1b: {  	s9 =	sadd.s32 $0xFFFFFEF7, lr;
	s5 =	simm.s32 $0xFFFFFFFF;
	p2 =	slt.u32 s8, $0xFFFFF086  }
0x1c: {  	p1 =	slt.u32 s9, $0xF7A;
	s5 =	simm.s32 @!p2 $0x0  }
0x1d: {  	s5 =	simm.s32 @p1 $0x1;
	p0 =	seq.s32 s7, s2  }
0x1e: {  	s7 =	smul.u32 @!p0 $0xF7A, s2;
	p2 =	seq.s32 @!p0 s5, $0x0  }
0x1f: {  	s9 =	smul.u32 $0xF7A, s1;
	s8 =	simm.s32 @!p0 $0x1BF5;
	p2 =	por !p2, p0  }
0x20: {  	[sflag:s8] =	ssyncset.s32 @!p0 $0xFFFFF086;
	s6 =	sadd.s32 @!p0 s3, s7;
	s7 =	simm.s32 @!p0 $0x108  }
0x21: {  	s3 =	sadd.s32 s3, s9;
	s6 =	sadd.s32 @!p0 $0x88, s6;
	s7 =	simm.s32 @p2 $0x1082  }
0x22: {  	[simem:s7], [sflag:s8] =	dma.local @!p0 [hbm:s6], $0xF7A  }
0x23: {  	s9 =	sor.u32 $0xD0000000, s2;
	s6 =	simm.s32 $0x108;
	_ =	swait.ge @!p0 [sflag:s8], $0x0  }
0x24: {  	s3 =	sadd.s32 $0x88, s3;
	s6 =	simm.s32 @!p1 $0x1082;
	[sflag:s4] =	ssyncset.s32 $0xFFFFF086  }
0x25: {  	[simem:s6], [sflag:s4] =	dma.local [hbm:s3], $0xF7A  }
0x26: {  	[smem:$0x3F96] =	sst s1;
	(tag) =	ssettag s2;
	_ =	strace s9  }
0x27: {  	s1 =	sld [smem:$0x3FA6]  }
0x28: {  	s2 =	sld [smem:$0x3FA7]  }
0x29: {  	s4 =	sld [smem:$0x3FA9]  }
0x2a: {  	p0 =	seq.s32 s5, $0x0;
	s5 =	sld [smem:$0x3FAA]  }
0x2b: {  	s6 =	sld [smem:$0x3FAB]  }
0x2c: {  	s7 =	sld [smem:$0x3FAC]  }
0x2d: {  	s3 =	simm.s32 $0x108;
	s8 =	sld [smem:$0x3FAD]  }
0x2e: {  	s3 =	simm.s32 @!p0 $0x1082;
	s9 =	sld [smem:$0x3FAE]  }
0x2f: {  	lr =	sadd.s32 s0, s3;
	s0 =	sld [smem:$0x3FA5]  }
0x30: {  	s3 =	sld [smem:$0x3FA8]  }
0x31: {  	[smem:$0x3FB1] =	sst s10  }
0x32: {  	s10 =	sld [smem:$0x3FAF];
	_ =	sdelay $0x3  }
0x33: {  	p0 =	seq.s32 s10, $0x1;
	s10 =	sld [smem:$0x3FB1];
	_ =	sdelay $0x3  }
0x34: {  	[smem:$0x3FB1] =	sst s10  }
0x35: {  	s10 =	sld [smem:$0x3FB0];
	_ =	sdelay $0x3  }
0x36: {  	p1 =	seq.s32 s10, $0x1;
	s10 =	sld [smem:$0x3FB1];
	_ =	sdelay $0x3  }
0x37: {  	[smem:$0x3FB1] =	sst s10  }
0x38: {  	s10 =	sld [smem:$0x3FB2]  }
0x39: {  	_ = 	snop;
	(pc) =	sbr.ind lr, $3  }
0x3a: {  	_ = 	snop  }
0x3b: {  	_ = 	snop  }
0x3c: {  	p2 =	seq.s32 s10, $0x1;
	s10 =	sld [smem:$0x3FB1]  }
0x3d: {  	_ =	shalt  }
0x3e: {  	_ =	shalt  }
0x3f: {  	_ =	shalt  }
0x40: {  	_ =	shalt  }
0x41: {  	_ =	shalt  }
0x42: {  	_ =	shalt  }
0x43: {  	_ =	shalt  }
0x44: {  	_ =	shalt  }
0x45: {  	_ =	shalt  }
0x46: {  	_ =	shalt  }
0x47: {  	_ =	shalt  }
0x48: {  	_ =	shalt  }
0x49: {  	_ =	shalt  }
0x4a: {  	_ =	shalt  }
0x4b: {  	_ =	shalt  }
0x4c: {  	_ =	shalt  }
0x4d: {  	_ =	shalt  }
0x4e: {  	_ =	shalt  }
0x4f: {  	_ =	shalt  }
0x50: {  	_ =	shalt  }
0x51: {  	_ =	shalt  }
0x52: {  	_ =	shalt  }
0x53: {  	_ =	shalt  }
0x54: {  	_ =	shalt  }
0x55: {  	_ =	shalt  }
0x56: {  	_ =	shalt  }
0x57: {  	_ =	shalt  }
0x58: {  	_ =	shalt  }
0x59: {  	_ =	shalt  }
0x5a: {  	_ =	shalt  }
0x5b: {  	_ =	shalt  }
0x5c: {  	_ =	shalt  }
0x5d: {  	_ =	shalt  }
0x5e: {  	_ =	shalt  }
0x5f: {  	_ =	shalt  }
0x60: {  	_ =	shalt  }
0x61: {  	_ =	shalt  }
0x62: {  	_ =	shalt  }
0x63: {  	_ =	shalt  }
0x64: {  	_ =	shalt  }
0x65: {  	_ =	shalt  }
0x66: {  	_ =	shalt  }
0x67: {  	_ =	shalt  }
0x68: {  	_ =	shalt  }
0x69: {  	_ =	shalt  }
0x6a: {  	_ =	shalt  }
0x6b: {  	_ =	shalt  }
0x6c: {  	_ =	shalt  }
0x6d: {  	_ =	shalt  }
0x6e: {  	_ =	shalt  }
0x6f: {  	_ =	shalt  }
0x70: {  	_ =	shalt  }
0x71: {  	_ =	shalt  }
0x72: {  	_ =	shalt  }
0x73: {  	_ =	shalt  }
0x74: {  	_ =	shalt  }
0x75: {  	_ =	shalt  }
0x76: {  	_ =	shalt  }
0x77: {  	_ =	shalt  }
0x78: {  	_ =	shalt  }
0x79: {  	_ =	shalt  }
0x7a: {  	_ =	shalt  }
0x7b: {  	_ =	shalt  }
0x7c: {  	_ =	shalt  }
0x7d: {  	_ =	shalt  }
0x7e: {  	_ =	shalt  }
0x7f: {  	_ =	shalt  }
0x80: {  	_ =	shalt  }
0x81: {  	_ =	shalt  }
0x82: {  	_ =	shalt  }
0x83: {  	_ =	shalt  }
0x84: {  	_ =	shalt  }
0x85: {  	_ =	shalt  }
0x86: {  	_ =	shalt  }
0x87: {  	_ =	shalt  }
.Lfunc_end0:
.L_simem_size_0:
called_computation.2_lowered:
.L_overlay_start_0:
0x88: {  	s2 =	sld [smem:$0x3FD9]  }
0x89: {  	s3 =	sld [smem:$0x3FFE];
	_ =	sdelay $0x1  }
0x8a: {  	s1 =	srdreg.scid  }
0x8b: {  	s0 =	sand.u32 $0x1, s1  }
0x8c: {  	s17 =	sshll.u32 s0, $0xA;
	s2 =	sadd.s32 s3, s2  }
0x8d: {  	s2 =	sadd.s32 s2, s17  }
0x8e: {  	[smem:$0x3FBD] =	sst s2  }
0x8f: {  	_ = 	snop  }
0x90: {  	s2 =	sld [smem:$0x3FC3]  }
0x91: {  	s18 =	sld [smem:$0x3FD0];
	(tm) =	ssettm $0x1  }
0x92: {  	s4 =	sld [smem:$0x3FFB];
	_ =	sdelay $0x3  }
0x93: {  	_ =	strace s4  }
0x94: {  	s4 =	sld [smem:$0x3FFC];
	_ =	sdelay $0x3  }
0x95: {  	_ =	strace s4  }
0x96: {  	s4 =	sld [smem:$0x3FFD];
	_ =	sdelay $0x3  }
0x97: {  	_ =	strace s4  }
0x98: {  	_ =	strace $0x8FFFFFFF  }
0x99: {  	s19 =	sld [smem:$0x3FDB];
	_ =	sdelay $0x1  }
0x9a: {  	s5 =	simm.s32 $_scs_section_size  }
0x9b: {  	s6 =	simm.s32 $_size__tile_overlayer_lowered;
	s7 =	simm.s32 $_tile_overlayer_lowered  }
0x9c: {  	s22 =	simm.s32 $0x1BFF;
	s21 =	sshll.u32 s7, $0x1;
	s4 =	sadd.s32 s5, s19  }
0x9d: {  	s8 =	simm.s32 $0x0;
	s20 =	sshll.u32 s6, $0x1;
	s6 =	sadd.s32 s21, s4  }
0x9e: {  	[timem:s8], [sflag:s22] =	dma.local [hbm:s6], s20  }
0x9f: {  	_ =	swait.ge [sflag:s22], s20  }
0xa0: {  	s5 =	ssub.s32 $0x0, s20;
	[sflag:s22] =	ssyncset.done $0x0  }
0xa1: {  	[sflag:s22] =	ssyncadd.s32 s5;
	_ =	sdelay $0x1  }
0xa2: {  	s23 =	simm.s32 $0x1B8B  }
0xa3: {  	_ =	swait.ge [sflag:s23], $0x1  }
0xa4: {  	[sflag:s23] =	ssyncset.done $0x0  }
0xa5: {  	s25 =	simm.s32 $0x1B8E;
	s24 =	sld [smem:$0x3FFE];
	[sflag:s23] =	ssyncadd.s32 $0xFFFFFFFF  }
0xa6: {  	s26 =	simm.s32 $execute0_lowered;
	[smem:$0x3FD2] =	sst s25  }
0xa7: {  	s6 =	sshll.u32 s26, $0x1;
	_ =	strace $0x8000004C;
	[dreg:$0x1] =	wrdreg $0xFFFFFFFF  }
0xa8: {  	s28 =	simm.s32 $_size_execute0_lowered;
	s4 =	sadd.s32 s4, s6;
	[dreg:$0x0] =	wrdreg $0x0  }
0xa9: {  	s6 =	sshll.u32 s28, $0x1;
	[dreg:$0x2] =	wrdreg s4  }
0xaa: {  	[dreg:$0x3] =	wrdreg s6  }
0xab: {  	[dreg:$0x4] =	wrdreg $0xC0  }
0xac: {  	_ =	task [dreg:s8], $0x5FFFF  }
0xad: {  	[dreg:$0x1] =	wrdreg $0xFFFFFFFF  }
0xae: {  	[dreg:$0x0] =	wrdreg $0x60  }
0xaf: {  	[dreg:$0x2] =	wrdreg s18  }
0xb0: {  	[dreg:$0x3] =	wrdreg s24  }
0xb1: {  	[dreg:$0x4] =	wrdreg s2  }
0xb2: {  	[dreg:$0x5] =	wrdreg $0x9  }
0xb3: {  	_ =	task.clear_ibuf [dreg:s8], $0x6FFFF;
	_ =	strace $0x9000004C  }
0xb4: {  	s29 =	simm.s32 $0x9;
	_ =	strace $0x8000004E  }
0xb5: {  	_ =	swait.ge [sflag:s29], $0x1  }
0xb6: {  	[sflag:s29] =	ssyncadd.s32 $0xFFFFFFFF  }
0xb7: {  	_ =	strace $0x9000004E  }
0xb8: {  	_ =	sfence  }
0xb9: {  	s30 =	sld [smem:$0x0];
	_ =	sdelay $0x2  }
0xba: {  	s31 =	sshll.u32 s1, $0xD;
	s1 =	sshrl.u32 s1, $0x2  }
0xbb: {  	s3 =	sand.u32 $0x4000, s31;
	s1 =	sadd.s32 s1, s30  }
0xbc: {  	s0 =	sor.u32 s3, s0;
	s1 =	sshll.u32 s1, $0x11  }
0xbd: {  	s0 =	sor.u32 s1, s0  }
0xbe: {  	s0 =	sadd.s32 $0x8F2B, s0  }
0xbf: {  	[sflag:s0] =	ssyncadd.remote.s32 $0x1  }
0xc0: {  	_ =	sfence.sel $0xFFFF  }
0xc1: {  	[dreg:$0x0] =	wrdreg $0xFFFFFFFF;
	(pc) =	sbr.abs _section_cstart, $3  }
0xc2: {  	[dreg:$0x1] =	wrdreg $0xFFFFFFFF  }
0xc3: {  	_ =	task.clear_ibuf [dreg:s8], $0x2FFFF;
	_ =	strace $0x9FFFFFFF  }
0xc4: {  	(tm) =	ssettm $0x7FFFFFFF  }
0xc5: {  	_ =	shalt  }
tec
execute0_lowered:
.L_overlay_start_1:
0x0: {  	(tag) =	ssettag $0x1  }
0x1: {  	s0 =	rddreg [dreg:$0x0]  }
0x2: {  	s1 =	rddreg [dreg:$0x1]  }
0x3: {  	s2 =	srdreg.scid;
	s4 =	stileid.u32;
	s3 =	simm.s32 $0x0  }
0x4: {  	s10 =	simm.s32 $0x5000;
	s12 =	simm.s32 $0xA000;
	s13 =	simm.s32 $0xBF40  }
0x5: {  	s14 =	simm.s32 $0x1;
	s15 =	simm.s32 $0xDE80;
	s16 =	simm.s32 $0xEE30  }
0x6: {  	s17 =	simm.s32 $0x80;
	s18 =	simm.s32 $0xFDE0;
	s19 =	simm.s32 $0x2  }
0x7: {  	s20 =	simm.s32 $0x3;
	s21 =	simm.s32 $0x4;
	s22 =	simm.s32 $0x0  }
0x8: {  	s23 =	simm.s32 $0x0;
	s2 =	sand.u32 $0x1, s2;
	s4 =	sshll.u32 s4, $0x1  }
0x9: {  	[smem:$0x7FF] =	sst s3;
	s5 =	sadd.s32 $0x8000, s1;
	s7 =	sor.u32 s2, s4  }
0xa: {  	s6 =	sadd.s32 $0x3000, s1;
	s2 =	ssub.s32 $0x2, s2;
	s8 =	smul.u32 $0xA00, s7  }
0xb: {  	_ =	strace $0x8000004D;
	s9 =	sshrl.u32 s2, $0x1;
	s11 =	smul.u32 $0x140, s7  }
0xc: {  	s4 =	sadd.s32 $0xD000, s1;
	s2 =	ssub.s32 s2, s9;
	s1 =	sadd.s32 s8, s1  }
0xd: {  	v1 =	vimm.f32 $-Inf;
	v2 =	vimm.s32 $0x0;
	s7 =	sadd.s32 s0, s8;
	s9 =	smax.u32 s2, $0x1;
	v0 =	vmov s11;
	s8 =	sadd.s32 $0x35000, s1  }
.LBB2_1:
0xe: {  	[tilespmem:s10], [sflag:$0x3] =	stream.linear.gather [hbm4b:s7+s3], $0x5000, $0x38;
	[tilespmem:$0x13E20] =	vst v63  }
0xf: {  	s0 =	rddreg [dreg:$0x2];
	s1 =	simm.s32 $0x13DE0  }
0x10: {  	[tilespmem:s1], [sflag:$0x3] =	stream.linear.gather [hbm4b:s0+s3], $0x40, $0x38;
	[tilespmem:$0x13E20] =	vst v63  }
0x11: {  	s0 =	simm.s32 $0x0  }
.LBB2_2:
0x12: {  	p0 =	sne.s32 s0, $0x13FC0  }
.Ltmp0:
0x13: {  	_ = 	snop;
	(pc) =	sbr.rel @p0 .LBB2_2-.Ltmp0, $3  }
0x14: {  	_ =	sdelay $0x1  }
0x15: {  	s1 =	sshra.s32 s0, $0x2  }
0x16: {  	s0 =	sadd.s32 $0x40, s0;
	[tilespmem:s1+$0x0] =	vst v1  }
0x17: {  	s0 =	simm.s32 $0x40;
	s1 =	simm.s32 $0x0  }
.LBB2_4:
0x18: {  	p0 =	sne.s32 s0, $0x3E80;
	[tilespmem:s1+$0xDE80] =	vst v2;
	s1 =	smov.u32 s0;
	s0 =	sadd.s32 $0x40, s0  }
.Ltmp1:
0x19: {  	(pc) =	sbr.rel @p0 .LBB2_4-.Ltmp1, $2  }
0x1a: {  	_ =	sdelay $0x2  }
0x1b: {  	s1 =	sshra.s32 s1, $0x2  }
.Ltmp2:
0x1c: {  	(pc) =	sbr.rel .LBB2_7-.Ltmp2, $4  }
0x1d: {  	[tilespmem:s1+$0xDE80] =	vst v2  }
0x1e: {  	[tilespmem:s12], [sflag:$0x1] =	stream.linear.gather [hbm4b:s6+s23], $0xFA0, $0x38;
	[tilespmem:$0x13E20] =	vst v63  }
0x1f: {  	s24 =	simm.s32 $0x0  }
0x20: {  	[tilespmem:s13], [sflag:$0x1] =	stream.linear.gather [hbm4b:s5+s23], $0xFA0, $0x38;
	[tilespmem:$0x13E20] =	vst v63  }
.LBB2_6:
0x21: {  	p0 =	seq.s32 s24, $0x28  }
.Ltmp3:
0x22: {  	_ = 	snop;
	(pc) =	sbr.rel @p0 .LBB2_16-.Ltmp3, $1  }
0x23: {  	_ =	sdelay $0x3  }
.LBB2_7:
0x24: {  	s0 =	smov.u32 s24  }
0x25: {  	_ =	swait.ge [sflag:s14], $0xFA0;
	s24 =	sadd.s32 $0x1, s24;
	p0 =	seq.s32 s0, $0x27  }
0x26: {  	[sflag:s14] =	ssyncset.done $0x0;
	s1 =	sand.u32 @!p0 $0x1, s24  }
0x27: {  	[sflag:s14] =	ssyncadd.s32 $0xFFFFF060;
	s2 =	smul.u32 @!p0 $0x1F4, s24;
	p1 =	seq.s32 @!p0 s1, $0x1  }
0x28: {  	_ =	swait.ge [sflag:s14], $0xFA0;
	s1 =	simm.s32 @!p0 $0xFA0;
	p1 =	por !p1, p0  }
0x29: {  	s26 =	simm.s32 @!p0 $0x0;
	[sflag:s14] =	ssyncset.done $0x0;
	s1 =	simm.s32 @p1 $0x0  }
0x2a: {  	s25 =	sadd.s32 @!p0 s6, s2;
	[sflag:s14] =	ssyncadd.s32 $0xFFFFF060;
	s11 =	sor.u32 @!p0 $0xA000, s1  }
0x2b: {  	[tilespmem:s11], [sflag:$0x1] =	stream.linear.gather @!p0 [hbm4b:s25+s26], $0xFA0, $0x38;
	[tilespmem:$0x13E20] =	vst v63  }
0x2c: {  	s0 =	sand.u32 $0x1, s0;
	s2 =	sadd.s32 @!p0 s5, s2;
	s1 =	sadd.s32 @!p0 $0xBF40, s1  }
0x2d: {  	[tilespmem:s1], [sflag:$0x1] =	stream.linear.gather @!p0 [hbm4b:s2+s26], $0xFA0, $0x38;
	[tilespmem:$0x13E20] =	vst v63  }
0x2e: {  	s25 =	simm.s32 $0xFA0;
	p0 =	seq.s32 s0, $0x1  }
0x2f: {  	s25 =	simm.s32 @!p0 $0x0  }
0x30: {  	s0 =	sadd.s32 $0xA020, s25  }
0x31: {  	v3 =	vld [tilespmem:s0+$0xFFFFFFE0];
	_ =	sdelay $0x4  }
0x32: {  	v3 =	vsub.s32 v3, v0  }
0x33: {  	vm0 =	vlt.u32 v3, $0x140  }
0x34: {  	v4 =	vsel vm0, $0x1, v2  }
0x35: {  	(xrf0) =	vadd.scan.msk.s32 $0xffff, v4;
	_ =	sdelay $0x2  }
0x36: {  	v4 =	vmov s23  }
0x37: {  	v4 =	vadd.s32 $0xFFFFFFFF, v4  }
0x38: {  	v4 =	vbroadcast v4, $0x0  }
0x39: {  	s26 =	sadd.s32 $0xBF60, s25;
	v5, _, _ =	vpop (xrf0)  }
0x3a: {  	v6 =	vld [tilespmem:s26+$0xFFFFFFE0];
	v4 =	vadd.s32 v5, v4  }
0x3b: {  	(v2sf) =	vpush v5, $0xF;
	_ =	sdelay $0x3  }
0x3c: {  	[tilespmem:v4+s15+$0x0] =	vst.idx.msk vm0, v6  }
0x3d: {  	[tilespmem:v4+s16+$0x0] =	vst.idx.msk vm0, v3  }
0x3e: {  	v3 =	vld [tilespmem:s0+$0xFFFFFFF0];
	_ =	sdelay $0x4  }
0x3f: {  	v3 =	vsub.s32 v3, v0  }
0x40: {  	vm0 =	vlt.u32 v3, $0x140  }
0x41: {  	v4 =	vsel vm0, $0x1, v2  }
0x42: {  	(xrf0) =	vadd.scan.msk.s32 $0xffff, v4  }
0x43: {  	s11 =	spop (v2sf)  }
0x44: {  	s1 =	sadd.s32 $0x0, s11  }
0x45: {  	v4 =	vmov s1  }
0x46: {  	v4 =	vadd.s32 $0xFFFFFFFF, v4  }
0x47: {  	v4 =	vbroadcast v4, $0x0  }
0x48: {  	v5, _, _ =	vpop (xrf0)  }
0x49: {  	v6 =	vld [tilespmem:s26+$0xFFFFFFF0];
	v4 =	vadd.s32 v5, v4  }
0x4a: {  	(v2sf) =	vpush v5, $0xF;
	_ =	sdelay $0x3  }
0x4b: {  	[tilespmem:v4+s15+$0x0] =	vst.idx.msk vm0, v6  }
0x4c: {  	[tilespmem:v4+s16+$0x0] =	vst.idx.msk vm0, v3  }
0x4d: {  	v3 =	vld [tilespmem:s0+$0x0];
	_ =	sdelay $0x4  }
0x4e: {  	v3 =	vsub.s32 v3, v0  }
0x4f: {  	vm0 =	vlt.u32 v3, $0x140  }
0x50: {  	v4 =	vsel vm0, $0x1, v2  }
0x51: {  	(xrf0) =	vadd.scan.msk.s32 $0xffff, v4  }
0x52: {  	s30 =	spop (v2sf)  }
0x53: {  	s1 =	sadd.s32 s1, s30  }
0x54: {  	v4 =	vmov s1  }
0x55: {  	v4 =	vadd.s32 $0xFFFFFFFF, v4  }
0x56: {  	v4 =	vbroadcast v4, $0x0  }
0x57: {  	v5, _, _ =	vpop (xrf0)  }
0x58: {  	v6 =	vld [tilespmem:s26+$0x0];
	v4 =	vadd.s32 v5, v4  }
0x59: {  	(v2sf) =	vpush v5, $0xF;
	_ =	sdelay $0x3  }
0x5a: {  	[tilespmem:v4+s15+$0x0] =	vst.idx.msk vm0, v6  }
0x5b: {  	[tilespmem:v4+s16+$0x0] =	vst.idx.msk vm0, v3  }
0x5c: {  	v3 =	vld [tilespmem:s0+$0x10];
	_ =	sdelay $0x4  }
0x5d: {  	v3 =	vsub.s32 v3, v0  }
0x5e: {  	vm0 =	vlt.u32 v3, $0x140  }
0x5f: {  	v4 =	vsel vm0, $0x1, v2  }
0x60: {  	(xrf0) =	vadd.scan.msk.s32 $0xffff, v4  }
0x61: {  	s31 =	spop (v2sf)  }
0x62: {  	s1 =	sadd.s32 s1, s31  }
0x63: {  	v4 =	vmov s1  }
0x64: {  	v4 =	vadd.s32 $0xFFFFFFFF, v4  }
0x65: {  	v4 =	vbroadcast v4, $0x0  }
0x66: {  	v5, _, _ =	vpop (xrf0)  }
0x67: {  	v6 =	vld [tilespmem:s26+$0x10];
	v4 =	vadd.s32 v5, v4;
	(v2sf) =	vpush v5, $0xF;
	_ =	sdelay $0x4  }
0x68: {  	[tilespmem:v4+s15+$0x0] =	vst.idx.msk vm0, v6  }
0x69: {  	s28 =	sadd.s32 $0x40, s0;
	[tilespmem:v4+s16+$0x0] =	vst.idx.msk vm0, v3  }
0x6a: {  	v3 =	vld [tilespmem:s28+$0xFFFFFFE0];
	_ =	sdelay $0x4  }
0x6b: {  	v3 =	vsub.s32 v3, v0  }
0x6c: {  	vm0 =	vlt.u32 v3, $0x140  }
0x6d: {  	v4 =	vsel vm0, $0x1, v2  }
0x6e: {  	s29 =	simm.s32 $0x4;
	(xrf0) =	vadd.scan.msk.s32 $0xffff, v4;
	s0 =	spop (v2sf)  }
.LBB2_8:
0x6f: {  	s29 =	sadd.s32 $0x4, s29;
	s0 =	sadd.s32 s1, s0;
	s26 =	sadd.s32 $0x40, s26  }
0x70: {  	p0 =	slt.u32 s29, $0xF4;
	v4 =	vmov s0  }
0x71: {  	v4 =	vadd.s32 $0xFFFFFFFF, v4;
	_ =	sdelay $0x1  }
0x72: {  	v4 =	vbroadcast v4, $0x0  }
0x73: {  	v5, _, _ =	vpop (xrf0)  }
0x74: {  	v6 =	vld [tilespmem:s26+$0xFFFFFFE0];
	v4 =	vadd.s32 v5, v4;
	(v2sf) =	vpush v5, $0xF;
	_ =	sdelay $0x4  }
0x75: {  	[tilespmem:v4+s15+$0x0] =	vst.idx.msk vm0, v6  }
0x76: {  	[tilespmem:v4+s16+$0x0] =	vst.idx.msk vm0, v3  }
0x77: {  	v3 =	vld [tilespmem:s28+$0xFFFFFFF0];
	_ =	sdelay $0x4  }
0x78: {  	v3 =	vsub.s32 v3, v0  }
0x79: {  	vm0 =	vlt.u32 v3, $0x140  }
0x7a: {  	v4 =	vsel vm0, $0x1, v2  }
0x7b: {  	s1 =	spop (v2sf);
	(xrf0) =	vadd.scan.msk.s32 $0xffff, v4  }
0x7c: {  	s0 =	sadd.s32 s0, s1  }
0x7d: {  	v4 =	vmov s0  }
0x7e: {  	v4 =	vadd.s32 $0xFFFFFFFF, v4;
	_ =	sdelay $0x1  }
0x7f: {  	v4 =	vbroadcast v4, $0x0  }
0x80: {  	v5, _, _ =	vpop (xrf0)  }
0x81: {  	v6 =	vld [tilespmem:s26+$0xFFFFFFF0];
	v4 =	vadd.s32 v5, v4;
	(v2sf) =	vpush v5, $0xF;
	_ =	sdelay $0x4  }
0x82: {  	[tilespmem:v4+s15+$0x0] =	vst.idx.msk vm0, v6  }
0x83: {  	[tilespmem:v4+s16+$0x0] =	vst.idx.msk vm0, v3  }
0x84: {  	v3 =	vld [tilespmem:s28+$0x0];
	_ =	sdelay $0x4  }
0x85: {  	v3 =	vsub.s32 v3, v0  }
0x86: {  	vm0 =	vlt.u32 v3, $0x140  }
0x87: {  	v4 =	vsel vm0, $0x1, v2  }
0x88: {  	s1 =	spop (v2sf);
	(xrf0) =	vadd.scan.msk.s32 $0xffff, v4  }
0x89: {  	s0 =	sadd.s32 s0, s1  }
0x8a: {  	v4 =	vmov s0  }
0x8b: {  	v4 =	vadd.s32 $0xFFFFFFFF, v4;
	_ =	sdelay $0x1  }
0x8c: {  	v4 =	vbroadcast v4, $0x0  }
0x8d: {  	v5, _, _ =	vpop (xrf0)  }
0x8e: {  	v6 =	vld [tilespmem:s26+$0x0];
	v4 =	vadd.s32 v5, v4;
	(v2sf) =	vpush v5, $0xF;
	_ =	sdelay $0x4  }
0x8f: {  	[tilespmem:v4+s15+$0x0] =	vst.idx.msk vm0, v6  }
0x90: {  	[tilespmem:v4+s16+$0x0] =	vst.idx.msk vm0, v3  }
0x91: {  	v3 =	vld [tilespmem:s28+$0x10]  }
0x92: {  	v4 =	vld [tilespmem:s26+$0x10];
	_ =	sdelay $0x3  }
0x93: {  	v3 =	vsub.s32 v3, v0  }
0x94: {  	vm0 =	vlt.u32 v3, $0x140  }
0x95: {  	v5 =	vsel vm0, $0x1, v2  }
0x96: {  	s1 =	spop (v2sf);
	(xrf0) =	vadd.scan.msk.s32 $0xffff, v5  }
0x97: {  	s1 =	sadd.s32 s0, s1  }
0x98: {  	v5 =	vmov s1  }
0x99: {  	v5 =	vadd.s32 $0xFFFFFFFF, v5;
	_ =	sdelay $0x1  }
0x9a: {  	v5 =	vbroadcast v5, $0x0  }
0x9b: {  	v6, _, _ =	vpop (xrf0)  }
0x9c: {  	v5 =	vadd.s32 v6, v5;
	(v2sf) =	vpush v6, $0xF;
	_ =	sdelay $0x4  }
0x9d: {  	[tilespmem:v5+s15+$0x0] =	vst.idx.msk vm0, v4  }
0x9e: {  	s28 =	sadd.s32 $0x40, s28;
	[tilespmem:v5+s16+$0x0] =	vst.idx.msk vm0, v3  }
0x9f: {  	v3 =	vld [tilespmem:s28+$0xFFFFFFE0];
	_ =	sdelay $0x3  }
.Ltmp4:
0xa0: {  	(pc) =	sbr.rel @p0 .LBB2_8-.Ltmp4, $4  }
0xa1: {  	v3 =	vsub.s32 v3, v0  }
0xa2: {  	vm0 =	vlt.u32 v3, $0x140  }
0xa3: {  	v4 =	vsel vm0, $0x1, v2  }
0xa4: {  	(xrf0) =	vadd.scan.msk.s32 $0xffff, v4;
	s0 =	spop (v2sf)  }
0xa5: {  	_ = 	snop  }
0xa6: {  	s0 =	sadd.s32 s1, s0  }
0xa7: {  	v4 =	vmov s0  }
0xa8: {  	v4 =	vadd.s32 $0xFFFFFFFF, v4  }
0xa9: {  	v4 =	vbroadcast v4, $0x0  }
0xaa: {  	s11 =	sadd.s32 $0x40, s26;
	v5, _, _ =	vpop (xrf0)  }
0xab: {  	v6 =	vld [tilespmem:s11+$0xFFFFFFE0];
	v4 =	vadd.s32 v5, v4  }
0xac: {  	(v2sf) =	vpush v5, $0xF;
	_ =	sdelay $0x3  }
0xad: {  	[tilespmem:v4+s15+$0x0] =	vst.idx.msk vm0, v6  }
0xae: {  	[tilespmem:v4+s16+$0x0] =	vst.idx.msk vm0, v3  }
0xaf: {  	v3 =	vld [tilespmem:s28+$0xFFFFFFF0];
	_ =	sdelay $0x4  }
0xb0: {  	v3 =	vsub.s32 v3, v0  }
0xb1: {  	vm11 =	vlt.u32 v3, $0x140  }
0xb2: {  	v50 =	vsel vm11, $0x1, v2  }
0xb3: {  	(xrf0) =	vadd.scan.msk.s32 $0xffff, v50  }
0xb4: {  	s2 =	spop (v2sf)  }
0xb5: {  	s0 =	sadd.s32 s0, s2  }
0xb6: {  	v51 =	vmov s0  }
0xb7: {  	v4 =	vadd.s32 $0xFFFFFFFF, v51  }
0xb8: {  	v4 =	vbroadcast v4, $0x0  }
0xb9: {  	v52, _, _ =	vpop (xrf0)  }
0xba: {  	v6 =	vld [tilespmem:s11+$0xFFFFFFF0];
	v4 =	vadd.s32 v52, v4  }
0xbb: {  	(v2sf) =	vpush v52, $0xF;
	_ =	sdelay $0x3  }
0xbc: {  	[tilespmem:v4+s15+$0x0] =	vst.idx.msk vm11, v6  }
0xbd: {  	[tilespmem:v4+s16+$0x0] =	vst.idx.msk vm11, v3  }
0xbe: {  	v3 =	vld [tilespmem:s28+$0x0];
	_ =	sdelay $0x4  }
0xbf: {  	v3 =	vsub.s32 v3, v0  }
0xc0: {  	vm12 =	vlt.u32 v3, $0x140  }
0xc1: {  	v53 =	vsel vm12, $0x1, v2  }
0xc2: {  	(xrf0) =	vadd.scan.msk.s32 $0xffff, v53  }
0xc3: {  	s26 =	spop (v2sf)  }
0xc4: {  	s0 =	sadd.s32 s0, s26  }
0xc5: {  	v54 =	vmov s0  }
0xc6: {  	v4 =	vadd.s32 $0xFFFFFFFF, v54  }
0xc7: {  	v4 =	vbroadcast v4, $0x0  }
0xc8: {  	v55, _, _ =	vpop (xrf0)  }
0xc9: {  	v6 =	vld [tilespmem:s11+$0x0];
	v4 =	vadd.s32 v55, v4  }
0xca: {  	(v2sf) =	vpush v55, $0xF;
	_ =	sdelay $0x3  }
0xcb: {  	[tilespmem:v4+s15+$0x0] =	vst.idx.msk vm12, v6  }
0xcc: {  	[tilespmem:v4+s16+$0x0] =	vst.idx.msk vm12, v3  }
0xcd: {  	v3 =	vld [tilespmem:s28+$0x10];
	_ =	sdelay $0x4  }
0xce: {  	v3 =	vsub.s32 v3, v0  }
0xcf: {  	vm13 =	vlt.u32 v3, $0x140  }
0xd0: {  	v56 =	vsel vm13, $0x1, v2  }
0xd1: {  	(xrf0) =	vadd.scan.msk.s32 $0xffff, v56  }
0xd2: {  	s28 =	spop (v2sf)  }
0xd3: {  	s0 =	sadd.s32 s0, s28  }
0xd4: {  	v57 =	vmov s0  }
0xd5: {  	v4 =	vadd.s32 $0xFFFFFFFF, v57  }
0xd6: {  	v4 =	vbroadcast v4, $0x0  }
0xd7: {  	v58, _, _ =	vpop (xrf0)  }
0xd8: {  	v6 =	vld [tilespmem:s11+$0x10];
	v4 =	vadd.s32 v58, v4  }
0xd9: {  	(v2sf) =	vpush v58, $0xF;
	_ =	sdelay $0x3  }
0xda: {  	[tilespmem:v4+s15+$0x0] =	vst.idx.msk vm13, v6  }
0xdb: {  	[tilespmem:v4+s16+$0x0] =	vst.idx.msk vm13, v3  }
0xdc: {  	v3 =	vld [tilespmem:s25+$0xAF80];
	_ =	sdelay $0x4  }
0xdd: {  	v3 =	vsub.s32 v3, v0  }
0xde: {  	vm14 =	vlt.u32 v3, $0x140  }
0xdf: {  	v59 =	vsel vm14, $0x1, v2  }
0xe0: {  	(xrf0) =	vadd.scan.msk.s32 $0xffff, v59  }
0xe1: {  	s29 =	spop (v2sf)  }
0xe2: {  	s0 =	sadd.s32 s0, s29  }
0xe3: {  	v60 =	vmov s0  }
0xe4: {  	v4 =	vadd.s32 $0xFFFFFFFF, v60  }
0xe5: {  	v4 =	vbroadcast v4, $0x0  }
0xe6: {  	v61, _, _ =	vpop (xrf0)  }
0xe7: {  	v6 =	vld [tilespmem:s25+$0xCEC0];
	v4 =	vadd.s32 v61, v4;
	_ =	sdelay $0x4  }
0xe8: {  	[tilespmem:v4+s15+$0x0] =	vst.idx.msk vm14, v6  }
0xe9: {  	[tilespmem:v4+s16+$0x0] =	vst.idx.msk vm14, v3  }
0xea: {  	v3 =	vld [tilespmem:s25+$0xAF90];
	_ =	sdelay $0x4  }
0xeb: {  	v3 =	vsub.s32 v3, v0  }
0xec: {  	vm15 =	vlt.u32 v3, $0x140  }
0xed: {  	v62 =	vsel vm15, $0x1, v2  }
0xee: {  	(xrf0) =	vadd.scan.msk.s32 $0xffff, v62;
	_ =	sdelay $0x2  }
0xef: {  	(v2sf) =	vpush v61, $0xF;
	_ =	sdelay $0x2  }
0xf0: {  	v4, _, _ =	vpop (xrf0)  }
0xf1: {  	(v2sf) =	vpush v4, $0xF;
	_ =	sdelay $0xa  }
0xf2: {  	s30 =	spop (v2sf)  }
0xf3: {  	s0 =	sadd.s32 s0, s30  }
0xf4: {  	v63 =	vmov s0  }
0xf5: {  	v5 =	vadd.s32 $0xFFFFFFFF, v63  }
0xf6: {  	v5 =	vbroadcast v5, $0x0;
	s31 =	spop (v2sf)  }
0xf7: {  	v6 =	vld [tilespmem:s25+$0xCED0];
	s25 =	sadd.s32 s0, s31  }
0xf8: {  	v4 =	vadd.s32 v4, v5;
	s0 =	sadd.s32 $0x7F, s25  }
0xf9: {  	p0 =	slt.s32 s0, $0x80  }
.Ltmp5:
0xfa: {  	_ = 	snop;
	(pc) =	sbr.rel @p0 .LBB2_6-.Ltmp5, $3  }
0xfb: {  	_ =	sdelay $0x1  }
0xfc: {  	[tilespmem:v4+s15+$0x0] =	vst.idx.msk vm15, v6  }
0xfd: {  	[tilespmem:v4+s16+$0x0] =	vst.idx.msk vm15, v3  }
.Ltmp6:
0xfe: {  	s1 =	sshra.s32 s0, $0x1F;
	(pc) =	sbr.rel .LBB2_12-.Ltmp6, $4  }
0xff: {  	[tilespmem:s18], [sflag:$0x2] =	stream.indirect.gather [hbm4b:s4+s17], $0x40, s15, s17, $0xb8;
	[tilespmem:$0x13E20] =	vst v63  }
0x100: {  	s1 =	sshrl.u32 s1, $0x19  }
0x101: {  	s2 =	simm.s32 $0xEE30;
	s30 =	simm.s32 $0x0;
	s28 =	sadd.s32 s1, s0  }
0x102: {  	s29 =	simm.s32 $0x0;
	s31 =	smov.u32 s25;
	s26 =	sshra.s32 s28, $0x7  }
.LBB2_15:
0x103: {  	[tilespmem:s11+$0x30] =	vst v3  }
.LBB2_11:
0x104: {  	p0 =	seq.s32 s30, s26  }
.Ltmp7:
0x105: {  	_ = 	snop;
	(pc) =	sbr.rel @p0 .LBB2_6-.Ltmp7, $2  }
0x106: {  	_ =	sdelay $0x2  }
0x107: {  	s31 =	sadd.s32 $0xFFFFFF80, s31;
	s2 =	sadd.s32 $0x80, s2;
	s29 =	sadd.s32 $0x2000, s29  }
.LBB2_12:
0x108: {  	s0 =	smov.u32 s30;
	s30 =	sadd.s32 $0x1, s30;
	_ =	swait.ge [sflag:s19], $0x2000  }
0x109: {  	p0 =	sge.s32 s30, s26;
	[sflag:s19] =	ssyncset.done $0x0;
	s0 =	sshll.u32 s0, $0x7  }
0x10a: {  	s1 =	sshll.u32 @!p0 s30, $0xD;
	s11 =	sshll.u32 @!p0 s30, $0x9;
	[sflag:s19] =	ssyncadd.s32 $0xFFFFE000  }
0x10b: {  	s28 =	simm.s32 @!p0 $0x80;
	s1 =	sand.u32 @!p0 $0x2000, s1;
	s11 =	sshra.s32 @!p0 s11, $0x2  }
0x10c: {  	s0 =	ssub.s32 s25, s0;
	s1 =	sadd.s32 @!p0 $0xFDE0, s1;
	s11 =	sadd.s32 @!p0 $0xDE80, s11  }
0x10d: {  	[tilespmem:s1], [sflag:$0x2] =	stream.indirect.gather @!p0 [hbm4b:s4+s28], $0x40, s11, s28, $0xb8;
	[tilespmem:$0x13E20] =	vst v63  }
0x10e: {  	p0 =	slt.s32 s0, $0x1  }
.Ltmp8:
0x10f: {  	_ = 	snop;
	(pc) =	sbr.rel @p0 .LBB2_11-.Ltmp8, $1  }
0x110: {  	_ =	sdelay $0x3  }
0x111: {  	v3 =	vld [tilespmem:s2+$0x0];
	_ =	sdelay $0x4  }
0x112: {  	(v2sf) =	vpush v3, $0x0;
	_ =	sdelay $0xe  }
0x113: {  	s0 =	sand.u32 $0x2000, s29;
	s1 =	spop (v2sf)  }
0x114: {  	s0 =	sadd.s32 $0xFE00, s0;
	s1 =	sshll.u32 s1, $0x8  }
0x115: {  	v3 =	vld [tilespmem:s0+$0xFFFFFFE0];
	s11 =	sshra.s32 s1, $0x2  }
0x116: {  	v4 =	vld [tilespmem:s11+$0x0];
	_ =	sdelay $0x4  }
0x117: {  	v3 =	vmax.f32 v4, v3  }
0x118: {  	[tilespmem:s11+$0x0] =	vst v3;
	v3 =	vld [tilespmem:s11+$0x10]  }
0x119: {  	v4 =	vld [tilespmem:s0+$0xFFFFFFF0];
	_ =	sdelay $0x4  }
0x11a: {  	v3 =	vmax.f32 v3, v4  }
0x11b: {  	[tilespmem:s11+$0x10] =	vst v3;
	v3 =	vld [tilespmem:s11+$0x20]  }
0x11c: {  	v4 =	vld [tilespmem:s0+$0x0];
	_ =	sdelay $0x3  }
0x11d: {  	p0 =	sgt.s32 s31, $0x1;
	s1 =	smov.u32 s31  }
0x11e: {  	s1 =	simm.s32 @!p0 $0x1;
	v3 =	vmax.f32 v3, v4  }
0x11f: {  	s1 =	smin.u32 s1, $0x80;
	[tilespmem:s11+$0x20] =	vst v3;
	v3 =	vld [tilespmem:s11+$0x30]  }
0x120: {  	p0 =	seq.s32 s1, $0x1;
	v4 =	vld [tilespmem:s0+$0x10]  }
.Ltmp9:
0x121: {  	_ = 	snop;
	(pc) =	sbr.rel @p0 .LBB2_15-.Ltmp9, $2  }
0x122: {  	_ =	sdelay $0x2  }
0x123: {  	s28 =	smov.u32 s2;
	s1 =	sadd.s32 $0xFFFFFFFF, s1;
	v3 =	vmax.f32 v3, v4  }
.LBB2_14:
0x124: {  	p0 =	seq.s32 s1, $0x1;
	[tilespmem:s11+$0x30] =	vst v3;
	s28 =	sadd.s32 $0x1, s28;
	s0 =	sadd.s32 $0x40, s0  }
0x125: {  	s1 =	sadd.s32 $0xFFFFFFFF, s1;
	v3 =	vld [tilespmem:s28+$0x0];
	_ =	sdelay $0x4  }
0x126: {  	(v2sf) =	vpush v3, $0x0;
	_ =	sdelay $0xe  }
0x127: {  	s11 =	spop (v2sf)  }
0x128: {  	s11 =	sshll.u32 s11, $0x8  }
0x129: {  	s11 =	sshra.s32 s11, $0x2;
	v3 =	vld [tilespmem:s0+$0xFFFFFFE0]  }
0x12a: {  	v4 =	vld [tilespmem:s11+$0x0];
	_ =	sdelay $0x4  }
0x12b: {  	v3 =	vmax.f32 v4, v3  }
0x12c: {  	[tilespmem:s11+$0x0] =	vst v3;
	v3 =	vld [tilespmem:s11+$0x10]  }
0x12d: {  	v4 =	vld [tilespmem:s0+$0xFFFFFFF0];
	_ =	sdelay $0x4  }
0x12e: {  	v3 =	vmax.f32 v3, v4  }
0x12f: {  	[tilespmem:s11+$0x10] =	vst v3;
	v3 =	vld [tilespmem:s11+$0x20]  }
0x130: {  	v4 =	vld [tilespmem:s0+$0x0];
	_ =	sdelay $0x4  }
0x131: {  	v3 =	vmax.f32 v3, v4  }
0x132: {  	[tilespmem:s11+$0x20] =	vst v3;
	v3 =	vld [tilespmem:s11+$0x30]  }
0x133: {  	v4 =	vld [tilespmem:s0+$0x10]  }
.Ltmp10:
0x134: {  	(pc) =	sbr.rel @!p0 .LBB2_14-.Ltmp10, $2  }
0x135: {  	_ =	sdelay $0x2  }
0x136: {  	v3 =	vmax.f32 v3, v4  }
.Ltmp11:
0x137: {  	_ = 	snop;
	(pc) =	sbr.rel .LBB2_15-.Ltmp11, $1  }
0x138: {  	_ =	sdelay $0x3  }
.LBB2_16:
0x139: {  	_ =	swait.ge [sflag:s20], $0x5000  }
0x13a: {  	[sflag:s20] =	ssyncset.done $0x0  }
0x13b: {  	[sflag:s20] =	ssyncadd.s32 $0xFFFFB000  }
0x13c: {  	_ =	swait.ge [sflag:s20], $0x40  }
0x13d: {  	[sflag:s20] =	ssyncset.done $0x0  }
0x13e: {  	s0 =	simm.s32 $0x0;
	[sflag:s20] =	ssyncadd.s32 $0xFFFFFFC0  }
0x13f: {  	v3 =	vld [tilespmem:s0+$0x0]  }
0x140: {  	v4 =	vld [tilespmem:s0+$0x5000];
	_ =	sdelay $0x1  }
0x141: {  	v5 =	vld [tilespmem:$0x13DE0];
	_ =	sdelay $0x2  }
0x142: {  	v3 =	vadd.f32 v4, v3;
	_ =	sdelay $0x1  }
0x143: {  	v3 =	vadd.f32 v5, v3  }
0x144: {  	v4 =	vld [tilespmem:s0+$0x10]  }
0x145: {  	v5 =	vld [tilespmem:s0+$0x5010];
	v3 =	vmax.f32 v3, $0.0e+00  }
0x146: {  	[tilespmem:s0+$0x5000] =	vst v3  }
0x147: {  	v3 =	vld [tilespmem:$0x13DF0];
	_ =	sdelay $0x2  }
0x148: {  	v4 =	vadd.f32 v5, v4;
	_ =	sdelay $0x1  }
0x149: {  	v3 =	vadd.f32 v3, v4  }
0x14a: {  	v5 =	vld [tilespmem:s0+$0x5020]  }
0x14b: {  	v4 =	vld [tilespmem:s0+$0x20];
	v3 =	vmax.f32 v3, $0.0e+00  }
0x14c: {  	[tilespmem:s0+$0x5010] =	vst v3  }
0x14d: {  	v3 =	vld [tilespmem:$0x13E00];
	_ =	sdelay $0x2  }
0x14e: {  	v4 =	vadd.f32 v5, v4;
	_ =	sdelay $0x1  }
0x14f: {  	v3 =	vadd.f32 v3, v4  }
0x150: {  	v5 =	vld [tilespmem:s0+$0x5030]  }
0x151: {  	v4 =	vld [tilespmem:s0+$0x30];
	v3 =	vmax.f32 v3, $0.0e+00  }
0x152: {  	[tilespmem:s0+$0x5020] =	vst v3  }
0x153: {  	v3 =	vld [tilespmem:$0x13E10];
	_ =	sdelay $0x2  }
0x154: {  	v4 =	vadd.f32 v5, v4;
	_ =	sdelay $0x1  }
0x155: {  	s2 =	simm.s32 $0x40;
	v4 =	vadd.f32 v3, v4  }
0x156: {  	s1 =	simm.s32 $0x200;
	v3 =	vld [tilespmem:s2+$0x0]  }
.LBB2_17:
0x157: {  	p0 =	sne.s32 s1, $0x13F00;
	v5 =	vld [tilespmem:s2+$0x5000];
	v4 =	vmax.f32 v4, $0.0e+00  }
0x158: {  	[tilespmem:s0+$0x5030] =	vst v4;
	s0 =	smov.u32 s2  }
0x159: {  	v4 =	vld [tilespmem:$0x13DE0];
	_ =	sdelay $0x2  }
0x15a: {  	v3 =	vadd.f32 v5, v3;
	_ =	sdelay $0x1  }
0x15b: {  	v3 =	vadd.f32 v4, v3  }
0x15c: {  	v4 =	vld [tilespmem:s0+$0x10]  }
0x15d: {  	v3 =	vmax.f32 v3, $0.0e+00;
	v5 =	vld [tilespmem:s0+$0x5010]  }
0x15e: {  	[tilespmem:s0+$0x5000] =	vst v3  }
0x15f: {  	v3 =	vld [tilespmem:$0x13DF0];
	_ =	sdelay $0x2  }
0x160: {  	v4 =	vadd.f32 v5, v4;
	_ =	sdelay $0x1  }
0x161: {  	v3 =	vadd.f32 v3, v4  }
0x162: {  	v4 =	vld [tilespmem:s0+$0x20]  }
0x163: {  	v3 =	vmax.f32 v3, $0.0e+00;
	v5 =	vld [tilespmem:s0+$0x5020]  }
0x164: {  	[tilespmem:s0+$0x5010] =	vst v3  }
0x165: {  	v3 =	vld [tilespmem:$0x13E00];
	_ =	sdelay $0x2  }
0x166: {  	v4 =	vadd.f32 v5, v4;
	_ =	sdelay $0x1  }
0x167: {  	v3 =	vadd.f32 v3, v4  }
0x168: {  	v4 =	vld [tilespmem:s0+$0x30]  }
0x169: {  	v3 =	vmax.f32 v3, $0.0e+00;
	v5 =	vld [tilespmem:s0+$0x5030]  }
0x16a: {  	[tilespmem:s0+$0x5020] =	vst v3  }
0x16b: {  	v3 =	vld [tilespmem:$0x13E10];
	_ =	sdelay $0x1  }
.Ltmp12:
0x16c: {  	(pc) =	sbr.rel @p0 .LBB2_17-.Ltmp12, $3  }
0x16d: {  	v4 =	vadd.f32 v5, v4;
	_ =	sdelay $0x1  }
0x16e: {  	s2 =	sshra.s32 s1, $0x2;
	v4 =	vadd.f32 v3, v4  }
0x16f: {  	s1 =	sadd.s32 $0x100, s1;
	v3 =	vld [tilespmem:s2+$0x0]  }
0x170: {  	v5 =	vld [tilespmem:s2+$0x5000];
	v4 =	vmax.f32 v4, $0.0e+00  }
0x171: {  	[tilespmem:s0+$0x5030] =	vst v4  }
0x172: {  	v4 =	vld [tilespmem:$0x13DE0];
	_ =	sdelay $0x2  }
0x173: {  	v3 =	vadd.f32 v5, v3;
	_ =	sdelay $0x1  }
0x174: {  	v3 =	vadd.f32 v4, v3  }
0x175: {  	v58 =	vld [tilespmem:s2+$0x10]  }
0x176: {  	v59 =	vld [tilespmem:s2+$0x5010];
	v3 =	vmax.f32 v3, $0.0e+00  }
0x177: {  	[tilespmem:s2+$0x5000] =	vst v3  }
0x178: {  	v3 =	vld [tilespmem:$0x13DF0];
	_ =	sdelay $0x2  }
0x179: {  	v4 =	vadd.f32 v59, v58;
	_ =	sdelay $0x1  }
0x17a: {  	v3 =	vadd.f32 v3, v4  }
0x17b: {  	v60 =	vld [tilespmem:s2+$0x20]  }
0x17c: {  	v61 =	vld [tilespmem:s2+$0x5020];
	v3 =	vmax.f32 v3, $0.0e+00  }
0x17d: {  	[tilespmem:s2+$0x5010] =	vst v3  }
0x17e: {  	v3 =	vld [tilespmem:$0x13E00];
	_ =	sdelay $0x2  }
0x17f: {  	v4 =	vadd.f32 v61, v60;
	_ =	sdelay $0x1  }
0x180: {  	v3 =	vadd.f32 v3, v4  }
0x181: {  	v62 =	vld [tilespmem:s2+$0x30]  }
0x182: {  	v63 =	vld [tilespmem:s2+$0x5030];
	v3 =	vmax.f32 v3, $0.0e+00  }
0x183: {  	[tilespmem:s2+$0x5020] =	vst v3  }
0x184: {  	v3 =	vld [tilespmem:$0x13E10];
	_ =	sdelay $0x2  }
0x185: {  	v4 =	vadd.f32 v63, v62;
	_ =	sdelay $0x1  }
0x186: {  	v3 =	vadd.f32 v3, v4  }
0x187: {  	s22 =	sadd.s32 $0x1, s22  }
0x188: {  	p0 =	sne.s32 s22, s9;
	v3 =	vmax.f32 v3, $0.0e+00  }
.Ltmp13:
0x189: {  	[tilespmem:s2+$0x5030] =	vst v3;
	(pc) =	sbr.rel @p0 .LBB2_1-.Ltmp13, $4  }
0x18a: {  	[hbm4b:s8+s3] =	stream.linear.scatter [tilespmem:s10], [sflag:$0x4], $0x5000, $0x38;
	[tilespmem:$0x13E20] =	vst v63  }
0x18b: {  	_ =	swait.ge [sflag:s21], $0x5000  }
0x18c: {  	[sflag:s21] =	ssyncset.done $0x0  }
0x18d: {  	[sflag:s21] =	ssyncadd.s32 $0xFFFFB000  }
0x18e: {  	_ =	sfence.sel $0x180000  }
0x18f: {  	[bflag:$0x0] =	sbarrier.arrive $0xFFFF  }
0x190: {  	_ =	strace $0x9000004D  }
0x191: {  	s0 =	stileid.u32;
	[bflag:$0x2] =	sbarrier.arrive $0xFFFF  }
0x192: {  	p0 =	sne.s32 s0, $0x0;
	s0 =	rddreg [dreg:$0x3]  }
0x193: {  	s0 =	sadd.s32 @!p0 $0x100000, s0  }
0x194: {  	[sflag:s0] =	ssyncadd.tile.s32 @!p0 $0x1;
	_ =	shalt  }
.Lfunc_end2:
_tile_overlayer_lowered:
.L_overlay_start_2:
0x195: {  	(tag) =	ssettag $0x2  }
0x196: {  	s0 =	rddreg [dreg:$0x0];
	s2 =	stileid.u32  }
0x197: {  	s1 =	rddreg [dreg:$0x1];
	p0 =	sne.s32 s2, $0x0  }
0x198: {  	s3 =	rddreg [dreg:$0x2];
	[bflag:$0x3] =	sbarrier.arrive $0xFFFF;
	s2 =	simm.s32 @!p0 $0x1C04  }
0x199: {  	[timem:s3], [sflag:s2] =	dma.local @!p0 [hbm:s0], s1  }
0x19a: {  	s0 =	simm.s32 @!p0 $0x4  }
0x19b: {  	_ =	swait.ge @!p0 [sflag:s0], s1  }
0x19c: {  	s1 =	ssub.s32 @!p0 $0x0, s1;
	[sflag:s0] =	ssyncset.done @!p0 $0x0  }
0x19d: {  	[sflag:s0] =	ssyncadd.s32 @!p0 s1  }
0x19e: {  	[bflag:$0x3] =	sbarrier.arrive $0xFFFF  }
0x19f: {  	_ =	shalt  }

// kernel: kernel.20.cloned.1.call-start
scs
__scs_entry_jumppad:
0x0: {  	(pc) =	sbr.rel $0x88, $3  }
0x1: {  	(tag) =	ssettag $0x0;
	lr =	simm.s32 $0x1  }
0x2: {  	[smem:$0x3F96] =	sst lr;
	_ =	strace $0xD0000000  }
0x3: {  	_ = 	snop  }
0x4: {  	_ = 	snop  }
0x5: {  	_ = 	snop  }
0x6: {  	_ = 	snop  }
0x7: {  	_ = 	snop  }
__scs_overlays_trampoline_lowered:
0x8: {  	[smem:$0x3FA5] =	sst s0  }
0x9: {  	[smem:$0x3FA6] =	sst s1  }
0xa: {  	[smem:$0x3FA7] =	sst s2  }
0xb: {  	[smem:$0x3FA8] =	sst s3  }
0xc: {  	[smem:$0x3FA9] =	sst s4  }
0xd: {  	[smem:$0x3FAA] =	sst s5  }
0xe: {  	[smem:$0x3FAB] =	sst s6  }
0xf: {  	[smem:$0x3FAC] =	sst s7  }
0x10: {  	[smem:$0x3FAD] =	sst s8  }
0x11: {  	[smem:$0x3FAE] =	sst s9;
	s0 =	simm.s32 @!p0 $0x0  }
0x12: {  	s1 =	sld [smem:$0x3F94];
	s0 =	simm.s32 @p0 $0x1  }
0x13: {  	[smem:$0x3FAF] =	sst s0;
	s0 =	simm.s32 @!p1 $0x0  }
0x14: {  	s2 =	sld [smem:$0x3F93];
	s0 =	simm.s32 @p1 $0x1  }
0x15: {  	[smem:$0x3FB0] =	sst s0;
	s0 =	simm.s32 @!p2 $0x0  }
0x16: {  	s3 =	sld [smem:$0x3FDB];
	s0 =	simm.s32 @p2 $0x1  }
0x17: {  	s4 =	simm.s32 $0x1BF5;
	[smem:$0x3FB2] =	sst s0  }
0x18: {  	s0 =	sld [smem:$0x3F95];
	_ =	swait.ge [sflag:s4], $0x0  }
0x19: {  	s7 =	sld [smem:$0x3F96]  }
0x1a: {  	s8 =	sadd.s32 $0xFFFFE003, lr  }
0x1b: {  	s9 =	sadd.s32 $0xFFFFFEF7, lr;
	s5 =	simm.s32 $0xFFFFFFFF;
	p2 =	slt.u32 s8, $0xFFFFF086  }
0x1c: {  	p1 =	slt.u32 s9, $0xF7A;
	s5 =	simm.s32 @!p2 $0x0  }
0x1d: {  	s5 =	simm.s32 @p1 $0x1;
	p0 =	seq.s32 s7, s2  }
0x1e: {  	s7 =	smul.u32 @!p0 $0xF7A, s2;
	p2 =	seq.s32 @!p0 s5, $0x0  }
0x1f: {  	s9 =	smul.u32 $0xF7A, s1;
	s8 =	simm.s32 @!p0 $0x1BF5;
	p2 =	por !p2, p0  }
0x20: {  	[sflag:s8] =	ssyncset.s32 @!p0 $0xFFFFF086;
	s6 =	sadd.s32 @!p0 s3, s7;
	s7 =	simm.s32 @!p0 $0x108  }
0x21: {  	s3 =	sadd.s32 s3, s9;
	s6 =	sadd.s32 @!p0 $0x88, s6;
	s7 =	simm.s32 @p2 $0x1082  }
0x22: {  	[simem:s7], [sflag:s8] =	dma.local @!p0 [hbm:s6], $0xF7A  }
0x23: {  	s9 =	sor.u32 $0xD0000000, s2;
	s6 =	simm.s32 $0x108;
	_ =	swait.ge @!p0 [sflag:s8], $0x0  }
0x24: {  	s3 =	sadd.s32 $0x88, s3;
	s6 =	simm.s32 @!p1 $0x1082;
	[sflag:s4] =	ssyncset.s32 $0xFFFFF086  }
0x25: {  	[simem:s6], [sflag:s4] =	dma.local [hbm:s3], $0xF7A  }
0x26: {  	[smem:$0x3F96] =	sst s1;
	(tag) =	ssettag s2;
	_ =	strace s9  }
0x27: {  	s1 =	sld [smem:$0x3FA6]  }
0x28: {  	s2 =	sld [smem:$0x3FA7]  }
0x29: {  	s4 =	sld [smem:$0x3FA9]  }
0x2a: {  	p0 =	seq.s32 s5, $0x0;
	s5 =	sld [smem:$0x3FAA]  }
0x2b: {  	s6 =	sld [smem:$0x3FAB]  }
0x2c: {  	s7 =	sld [smem:$0x3FAC]  }
0x2d: {  	s3 =	simm.s32 $0x108;
	s8 =	sld [smem:$0x3FAD]  }
0x2e: {  	s3 =	simm.s32 @!p0 $0x1082;
	s9 =	sld [smem:$0x3FAE]  }
0x2f: {  	lr =	sadd.s32 s0, s3;
	s0 =	sld [smem:$0x3FA5]  }
0x30: {  	s3 =	sld [smem:$0x3FA8]  }
0x31: {  	[smem:$0x3FB1] =	sst s10  }
0x32: {  	s10 =	sld [smem:$0x3FAF];
	_ =	sdelay $0x3  }
0x33: {  	p0 =	seq.s32 s10, $0x1;
	s10 =	sld [smem:$0x3FB1];
	_ =	sdelay $0x3  }
0x34: {  	[smem:$0x3FB1] =	sst s10  }
0x35: {  	s10 =	sld [smem:$0x3FB0];
	_ =	sdelay $0x3  }
0x36: {  	p1 =	seq.s32 s10, $0x1;
	s10 =	sld [smem:$0x3FB1];
	_ =	sdelay $0x3  }
0x37: {  	[smem:$0x3FB1] =	sst s10  }
0x38: {  	s10 =	sld [smem:$0x3FB2]  }
0x39: {  	_ = 	snop;
	(pc) =	sbr.ind lr, $3  }
0x3a: {  	_ = 	snop  }
0x3b: {  	_ = 	snop  }
0x3c: {  	p2 =	seq.s32 s10, $0x1;
	s10 =	sld [smem:$0x3FB1]  }
0x3d: {  	_ =	shalt  }
0x3e: {  	_ =	shalt  }
0x3f: {  	_ =	shalt  }
0x40: {  	_ =	shalt  }
0x41: {  	_ =	shalt  }
0x42: {  	_ =	shalt  }
0x43: {  	_ =	shalt  }
0x44: {  	_ =	shalt  }
0x45: {  	_ =	shalt  }
0x46: {  	_ =	shalt  }
0x47: {  	_ =	shalt  }
0x48: {  	_ =	shalt  }
0x49: {  	_ =	shalt  }
0x4a: {  	_ =	shalt  }
0x4b: {  	_ =	shalt  }
0x4c: {  	_ =	shalt  }
0x4d: {  	_ =	shalt  }
0x4e: {  	_ =	shalt  }
0x4f: {  	_ =	shalt  }
0x50: {  	_ =	shalt  }
0x51: {  	_ =	shalt  }
0x52: {  	_ =	shalt  }
0x53: {  	_ =	shalt  }
0x54: {  	_ =	shalt  }
0x55: {  	_ =	shalt  }
0x56: {  	_ =	shalt  }
0x57: {  	_ =	shalt  }
0x58: {  	_ =	shalt  }
0x59: {  	_ =	shalt  }
0x5a: {  	_ =	shalt  }
0x5b: {  	_ =	shalt  }
0x5c: {  	_ =	shalt  }
0x5d: {  	_ =	shalt  }
0x5e: {  	_ =	shalt  }
0x5f: {  	_ =	shalt  }
0x60: {  	_ =	shalt  }
0x61: {  	_ =	shalt  }
0x62: {  	_ =	shalt  }
0x63: {  	_ =	shalt  }
0x64: {  	_ =	shalt  }
0x65: {  	_ =	shalt  }
0x66: {  	_ =	shalt  }
0x67: {  	_ =	shalt  }
0x68: {  	_ =	shalt  }
0x69: {  	_ =	shalt  }
0x6a: {  	_ =	shalt  }
0x6b: {  	_ =	shalt  }
0x6c: {  	_ =	shalt  }
0x6d: {  	_ =	shalt  }
0x6e: {  	_ =	shalt  }
0x6f: {  	_ =	shalt  }
0x70: {  	_ =	shalt  }
0x71: {  	_ =	shalt  }
0x72: {  	_ =	shalt  }
0x73: {  	_ =	shalt  }
0x74: {  	_ =	shalt  }
0x75: {  	_ =	shalt  }
0x76: {  	_ =	shalt  }
0x77: {  	_ =	shalt  }
0x78: {  	_ =	shalt  }
0x79: {  	_ =	shalt  }
0x7a: {  	_ =	shalt  }
0x7b: {  	_ =	shalt  }
0x7c: {  	_ =	shalt  }
0x7d: {  	_ =	shalt  }
0x7e: {  	_ =	shalt  }
0x7f: {  	_ =	shalt  }
0x80: {  	_ =	shalt  }
0x81: {  	_ =	shalt  }
0x82: {  	_ =	shalt  }
0x83: {  	_ =	shalt  }
0x84: {  	_ =	shalt  }
0x85: {  	_ =	shalt  }
0x86: {  	_ =	shalt  }
0x87: {  	_ =	shalt  }
.Lfunc_end0:
.L_simem_size_0:
called_computation.3_lowered:
.L_overlay_start_0:
0x88: {  	s2 =	sld [smem:$0x3FD9]  }
0x89: {  	s3 =	sld [smem:$0x3FFE];
	_ =	sdelay $0x1  }
0x8a: {  	s1 =	srdreg.scid  }
0x8b: {  	s0 =	sand.u32 $0x1, s1  }
0x8c: {  	s17 =	sshll.u32 s0, $0xA;
	s2 =	sadd.s32 s3, s2  }
0x8d: {  	s2 =	sadd.s32 s2, s17  }
0x8e: {  	[smem:$0x3FBD] =	sst s2  }
0x8f: {  	_ = 	snop  }
0x90: {  	s2 =	sld [smem:$0x3FC3]  }
0x91: {  	s18 =	sld [smem:$0x3FD0];
	(tm) =	ssettm $0x1  }
0x92: {  	s4 =	sld [smem:$0x3FFB];
	_ =	sdelay $0x3  }
0x93: {  	_ =	strace s4  }
0x94: {  	s4 =	sld [smem:$0x3FFC];
	_ =	sdelay $0x3  }
0x95: {  	_ =	strace s4  }
0x96: {  	s4 =	sld [smem:$0x3FFD];
	_ =	sdelay $0x3  }
0x97: {  	_ =	strace s4  }
0x98: {  	_ =	strace $0x8FFFFFFF  }
0x99: {  	s19 =	sld [smem:$0x3FDB];
	_ =	sdelay $0x1  }
0x9a: {  	s5 =	simm.s32 $_scs_section_size  }
0x9b: {  	s6 =	simm.s32 $_size__tile_overlayer_lowered;
	s7 =	simm.s32 $_tile_overlayer_lowered  }
0x9c: {  	s22 =	simm.s32 $0x1BFF;
	s21 =	sshll.u32 s7, $0x1;
	s4 =	sadd.s32 s5, s19  }
0x9d: {  	s8 =	simm.s32 $0x0;
	s20 =	sshll.u32 s6, $0x1;
	s6 =	sadd.s32 s21, s4  }
0x9e: {  	[timem:s8], [sflag:s22] =	dma.local [hbm:s6], s20  }
0x9f: {  	_ =	swait.ge [sflag:s22], s20  }
0xa0: {  	s5 =	ssub.s32 $0x0, s20;
	[sflag:s22] =	ssyncset.done $0x0  }
0xa1: {  	[sflag:s22] =	ssyncadd.s32 s5;
	_ =	sdelay $0x1  }
0xa2: {  	s23 =	simm.s32 $0x1B8B  }
0xa3: {  	_ =	swait.ge [sflag:s23], $0x1  }
0xa4: {  	[sflag:s23] =	ssyncset.done $0x0  }
0xa5: {  	s25 =	simm.s32 $0x1B8E;
	s24 =	sld [smem:$0x3FFE];
	[sflag:s23] =	ssyncadd.s32 $0xFFFFFFFF  }
0xa6: {  	s26 =	simm.s32 $execute0_lowered;
	[smem:$0x3FD2] =	sst s25  }
0xa7: {  	s6 =	sshll.u32 s26, $0x1;
	_ =	strace $0x8000004F;
	[dreg:$0x1] =	wrdreg $0xFFFFFFFF  }
0xa8: {  	s28 =	simm.s32 $_size_execute0_lowered;
	s4 =	sadd.s32 s4, s6;
	[dreg:$0x0] =	wrdreg $0x0  }
0xa9: {  	s6 =	sshll.u32 s28, $0x1;
	[dreg:$0x2] =	wrdreg s4  }
0xaa: {  	[dreg:$0x3] =	wrdreg s6  }
0xab: {  	[dreg:$0x4] =	wrdreg $0xC0  }
0xac: {  	_ =	task [dreg:s8], $0x5FFFF  }
0xad: {  	[dreg:$0x1] =	wrdreg $0xFFFFFFFF  }
0xae: {  	[dreg:$0x0] =	wrdreg $0x60  }
0xaf: {  	[dreg:$0x2] =	wrdreg s18  }
0xb0: {  	[dreg:$0x3] =	wrdreg s24  }
0xb1: {  	[dreg:$0x4] =	wrdreg s2  }
0xb2: {  	[dreg:$0x5] =	wrdreg $0x9  }
0xb3: {  	_ =	task.clear_ibuf [dreg:s8], $0x6FFFF;
	_ =	strace $0x9000004F  }
0xb4: {  	s29 =	simm.s32 $0x9;
	_ =	strace $0x80000051  }
0xb5: {  	_ =	swait.ge [sflag:s29], $0x1  }
0xb6: {  	[sflag:s29] =	ssyncadd.s32 $0xFFFFFFFF  }
0xb7: {  	_ =	strace $0x90000051  }
0xb8: {  	_ =	sfence  }
0xb9: {  	s30 =	sld [smem:$0x0];
	_ =	sdelay $0x2  }
0xba: {  	s31 =	sshll.u32 s1, $0xD;
	s1 =	sshrl.u32 s1, $0x2  }
0xbb: {  	s3 =	sand.u32 $0x4000, s31;
	s1 =	sadd.s32 s1, s30  }
0xbc: {  	s0 =	sor.u32 s3, s0;
	s1 =	sshll.u32 s1, $0x11  }
0xbd: {  	s0 =	sor.u32 s1, s0  }
0xbe: {  	s0 =	sadd.s32 $0x8F2B, s0  }
0xbf: {  	[sflag:s0] =	ssyncadd.remote.s32 $0x1  }
0xc0: {  	_ =	sfence.sel $0xFFFF  }
0xc1: {  	[dreg:$0x0] =	wrdreg $0xFFFFFFFF;
	(pc) =	sbr.abs _section_cstart, $3  }
0xc2: {  	[dreg:$0x1] =	wrdreg $0xFFFFFFFF  }
0xc3: {  	_ =	task.clear_ibuf [dreg:s8], $0x2FFFF;
	_ =	strace $0x9FFFFFFF  }
0xc4: {  	(tm) =	ssettm $0x7FFFFFFF  }
0xc5: {  	_ =	shalt  }
tec
execute0_lowered:
.L_overlay_start_1:
0x0: {  	(tag) =	ssettag $0x1  }
0x1: {  	s0 =	rddreg [dreg:$0x0]  }
0x2: {  	s1 =	rddreg [dreg:$0x1]  }
0x3: {  	s2 =	srdreg.scid;
	s4 =	stileid.u32;
	s3 =	simm.s32 $0x0  }
0x4: {  	s12 =	simm.s32 $0x5000;
	s18 =	simm.s32 $0x1;
	s19 =	simm.s32 $0xDE80  }
0x5: {  	s20 =	simm.s32 $0xEE30;
	s21 =	simm.s32 $0x80;
	s22 =	simm.s32 $0xFDE0  }
0x6: {  	s23 =	simm.s32 $0x2;
	s24 =	simm.s32 $0x3;
	s25 =	simm.s32 $0x4  }
0x7: {  	s26 =	simm.s32 $0x0;
	s28 =	simm.s32 $0x0;
	s2 =	sand.u32 $0x1, s2  }
0x8: {  	s4 =	sshll.u32 s4, $0x1;
	[smem:$0x7FF] =	sst s3;
	s5 =	sadd.s32 $0x8000, s1  }
0x9: {  	s6 =	sadd.s32 $0x3000, s1;
	s7 =	sor.u32 s2, s4;
	s2 =	ssub.s32 $0x2, s2  }
0xa: {  	_ =	strace $0x80000050;
	s8 =	smul.u32 $0xA00, s7;
	s9 =	sshrl.u32 s2, $0x1  }
0xb: {  	s4 =	sadd.s32 $0xD000, s1;
	s13 =	smul.u32 $0x140, s7;
	s2 =	ssub.s32 s2, s9  }
0xc: {  	s1 =	sadd.s32 s8, s1;
	s7 =	sadd.s32 s0, s8;
	s11 =	smax.u32 s2, $0x1  }
0xd: {  	v1 =	vimm.f32 $-Inf;
	v2 =	vimm.s32 $0x0;
	v0 =	vmov s13;
	s8 =	sadd.s32 $0x21000, s1;
	s9 =	sadd.s32 $0x35000, s1;
	s10 =	sadd.s32 $0x49000, s1  }
.LBB2_1:
0xe: {  	[tilespmem:s12], [sflag:$0x3] =	stream.linear.gather [hbm4b:s7+s3], $0x5000, $0x38;
	[tilespmem:$0x1DE20] =	vst v63  }
0xf: {  	s0 =	rddreg [dreg:$0x2];
	s1 =	simm.s32 $0x13DE0  }
0x10: {  	[tilespmem:s1], [sflag:$0x3] =	stream.linear.gather [hbm4b:s0+s3], $0x40, $0x38;
	[tilespmem:$0x1DE20] =	vst v63  }
0x11: {  	s30 =	simm.s32 $0x13E20  }
0x12: {  	[tilespmem:s30], [sflag:$0x3] =	stream.linear.gather [hbm4b:s8+s3], $0x5000, $0x38;
	[tilespmem:$0x1DE20] =	vst v63  }
0x13: {  	s31 =	simm.s32 $0x18E20;
	s0 =	simm.s32 $0x0  }
0x14: {  	[tilespmem:s31], [sflag:$0x3] =	stream.linear.gather [hbm4b:s9+s3], $0x5000, $0x38;
	[tilespmem:$0x1DE20] =	vst v63  }
.LBB2_2:
0x15: {  	p0 =	sne.s32 s0, $0x13FC0  }
.Ltmp0:
0x16: {  	_ = 	snop;
	(pc) =	sbr.rel @p0 .LBB2_2-.Ltmp0, $3  }
0x17: {  	_ =	sdelay $0x1  }
0x18: {  	s1 =	sshra.s32 s0, $0x2  }
0x19: {  	s0 =	sadd.s32 $0x40, s0;
	[tilespmem:s1+$0x0] =	vst v1  }
0x1a: {  	s0 =	simm.s32 $0x40;
	s1 =	simm.s32 $0x0  }
.LBB2_4:
0x1b: {  	p0 =	sne.s32 s0, $0x3E80;
	[tilespmem:s1+$0xDE80] =	vst v2;
	s1 =	smov.u32 s0;
	s0 =	sadd.s32 $0x40, s0  }
.Ltmp1:
0x1c: {  	(pc) =	sbr.rel @p0 .LBB2_4-.Ltmp1, $2  }
0x1d: {  	_ =	sdelay $0x2  }
0x1e: {  	s1 =	sshra.s32 s1, $0x2  }
.Ltmp2:
0x1f: {  	(pc) =	sbr.rel .LBB2_7-.Ltmp2, $4  }
0x20: {  	[tilespmem:s1+$0xDE80] =	vst v2;
	s0 =	simm.s32 $0xA000  }
0x21: {  	[tilespmem:s0], [sflag:$0x1] =	stream.linear.gather [hbm4b:s6+s28], $0xFA0, $0x38;
	[tilespmem:$0x1DE20] =	vst v63  }
0x22: {  	s31 =	simm.s32 $0xBF40;
	s29 =	simm.s32 $0x0  }
0x23: {  	[tilespmem:s31], [sflag:$0x1] =	stream.linear.gather [hbm4b:s5+s28], $0xFA0, $0x38;
	[tilespmem:$0x1DE20] =	vst v63  }
.LBB2_6:
0x24: {  	p0 =	seq.s32 s29, $0x28  }
.Ltmp3:
0x25: {  	_ = 	snop;
	(pc) =	sbr.rel @p0 .LBB2_16-.Ltmp3, $1  }
0x26: {  	_ =	sdelay $0x3  }
.LBB2_7:
0x27: {  	s0 =	smov.u32 s29  }
0x28: {  	_ =	swait.ge [sflag:s18], $0xFA0;
	s29 =	sadd.s32 $0x1, s29;
	p0 =	seq.s32 s0, $0x27  }
0x29: {  	[sflag:s18] =	ssyncset.done $0x0;
	s1 =	sand.u32 @!p0 $0x1, s29  }
0x2a: {  	[sflag:s18] =	ssyncadd.s32 $0xFFFFF060;
	s2 =	smul.u32 @!p0 $0x1F4, s29;
	p1 =	seq.s32 @!p0 s1, $0x1  }
0x2b: {  	_ =	swait.ge [sflag:s18], $0xFA0;
	s1 =	simm.s32 @!p0 $0xFA0;
	p1 =	por !p1, p0  }
0x2c: {  	s15 =	simm.s32 @!p0 $0x0;
	[sflag:s18] =	ssyncset.done $0x0;
	s1 =	simm.s32 @p1 $0x0  }
0x2d: {  	s14 =	sadd.s32 @!p0 s6, s2;
	[sflag:s18] =	ssyncadd.s32 $0xFFFFF060;
	s13 =	sor.u32 @!p0 $0xA000, s1  }
0x2e: {  	[tilespmem:s13], [sflag:$0x1] =	stream.linear.gather @!p0 [hbm4b:s14+s15], $0xFA0, $0x38;
	[tilespmem:$0x1DE20] =	vst v63  }
0x2f: {  	s0 =	sand.u32 $0x1, s0;
	s2 =	sadd.s32 @!p0 s5, s2;
	s1 =	sadd.s32 @!p0 $0xBF40, s1  }
0x30: {  	[tilespmem:s1], [sflag:$0x1] =	stream.linear.gather @!p0 [hbm4b:s2+s15], $0xFA0, $0x38;
	[tilespmem:$0x1DE20] =	vst v63  }
0x31: {  	s30 =	simm.s32 $0xFA0;
	p0 =	seq.s32 s0, $0x1  }
0x32: {  	s30 =	simm.s32 @!p0 $0x0  }
0x33: {  	s14 =	sadd.s32 $0xA020, s30  }
0x34: {  	v3 =	vld [tilespmem:s14+$0xFFFFFFE0];
	_ =	sdelay $0x4  }
0x35: {  	v3 =	vsub.s32 v3, v0  }
0x36: {  	vm0 =	vlt.u32 v3, $0x140  }
0x37: {  	v4 =	vsel vm0, $0x1, v2  }
0x38: {  	(xrf0) =	vadd.scan.msk.s32 $0xffff, v4;
	_ =	sdelay $0x2  }
0x39: {  	v4 =	vmov s28  }
0x3a: {  	v4 =	vadd.s32 $0xFFFFFFFF, v4  }
0x3b: {  	v4 =	vbroadcast v4, $0x0  }
0x3c: {  	s31 =	sadd.s32 $0xBF60, s30;
	v5, _, _ =	vpop (xrf0)  }
0x3d: {  	v6 =	vld [tilespmem:s31+$0xFFFFFFE0];
	v4 =	vadd.s32 v5, v4  }
0x3e: {  	(v2sf) =	vpush v5, $0xF;
	_ =	sdelay $0x3  }
0x3f: {  	[tilespmem:v4+s19+$0x0] =	vst.idx.msk vm0, v6  }
0x40: {  	[tilespmem:v4+s20+$0x0] =	vst.idx.msk vm0, v3  }
0x41: {  	v3 =	vld [tilespmem:s14+$0xFFFFFFF0];
	_ =	sdelay $0x4  }
0x42: {  	v3 =	vsub.s32 v3, v0  }
0x43: {  	vm0 =	vlt.u32 v3, $0x140  }
0x44: {  	v4 =	vsel vm0, $0x1, v2  }
0x45: {  	(xrf0) =	vadd.scan.msk.s32 $0xffff, v4  }
0x46: {  	s15 =	spop (v2sf)  }
0x47: {  	s1 =	sadd.s32 $0x0, s15  }
0x48: {  	v4 =	vmov s1  }
0x49: {  	v4 =	vadd.s32 $0xFFFFFFFF, v4  }
0x4a: {  	v4 =	vbroadcast v4, $0x0  }
0x4b: {  	v5, _, _ =	vpop (xrf0)  }
0x4c: {  	v6 =	vld [tilespmem:s31+$0xFFFFFFF0];
	v4 =	vadd.s32 v5, v4  }
0x4d: {  	(v2sf) =	vpush v5, $0xF;
	_ =	sdelay $0x3  }
0x4e: {  	[tilespmem:v4+s19+$0x0] =	vst.idx.msk vm0, v6  }
0x4f: {  	[tilespmem:v4+s20+$0x0] =	vst.idx.msk vm0, v3  }
0x50: {  	v3 =	vld [tilespmem:s14+$0x0];
	_ =	sdelay $0x4  }
0x51: {  	v3 =	vsub.s32 v3, v0  }
0x52: {  	vm0 =	vlt.u32 v3, $0x140  }
0x53: {  	v4 =	vsel vm0, $0x1, v2  }
0x54: {  	(xrf0) =	vadd.scan.msk.s32 $0xffff, v4  }
0x55: {  	s16 =	spop (v2sf)  }
0x56: {  	s1 =	sadd.s32 s1, s16  }
0x57: {  	v4 =	vmov s1  }
0x58: {  	v4 =	vadd.s32 $0xFFFFFFFF, v4  }
0x59: {  	v4 =	vbroadcast v4, $0x0  }
0x5a: {  	v5, _, _ =	vpop (xrf0)  }
0x5b: {  	v6 =	vld [tilespmem:s31+$0x0];
	v4 =	vadd.s32 v5, v4  }
0x5c: {  	(v2sf) =	vpush v5, $0xF;
	_ =	sdelay $0x3  }
0x5d: {  	[tilespmem:v4+s19+$0x0] =	vst.idx.msk vm0, v6  }
0x5e: {  	[tilespmem:v4+s20+$0x0] =	vst.idx.msk vm0, v3  }
0x5f: {  	v3 =	vld [tilespmem:s14+$0x10];
	_ =	sdelay $0x4  }
0x60: {  	v3 =	vsub.s32 v3, v0  }
0x61: {  	vm0 =	vlt.u32 v3, $0x140  }
0x62: {  	v4 =	vsel vm0, $0x1, v2  }
0x63: {  	(xrf0) =	vadd.scan.msk.s32 $0xffff, v4  }
0x64: {  	s17 =	spop (v2sf)  }
0x65: {  	s2 =	sadd.s32 s1, s17  }
0x66: {  	v4 =	vmov s2  }
0x67: {  	v4 =	vadd.s32 $0xFFFFFFFF, v4  }
0x68: {  	v4 =	vbroadcast v4, $0x0  }
0x69: {  	v5, _, _ =	vpop (xrf0)  }
0x6a: {  	v6 =	vld [tilespmem:s31+$0x10];
	v4 =	vadd.s32 v5, v4;
	(v2sf) =	vpush v5, $0xF;
	_ =	sdelay $0x4  }
0x6b: {  	[tilespmem:v4+s19+$0x0] =	vst.idx.msk vm0, v6  }
0x6c: {  	s0 =	sadd.s32 $0x40, s14;
	[tilespmem:v4+s20+$0x0] =	vst.idx.msk vm0, v3  }
0x6d: {  	v3 =	vld [tilespmem:s0+$0xFFFFFFE0];
	_ =	sdelay $0x4  }
0x6e: {  	v3 =	vsub.s32 v3, v0  }
0x6f: {  	vm0 =	vlt.u32 v3, $0x140  }
0x70: {  	v4 =	vsel vm0, $0x1, v2  }
0x71: {  	s1 =	simm.s32 $0x4;
	(xrf0) =	vadd.scan.msk.s32 $0xffff, v4;
	s13 =	spop (v2sf)  }
.LBB2_8:
0x72: {  	s1 =	sadd.s32 $0x4, s1;
	s2 =	sadd.s32 s2, s13;
	s31 =	sadd.s32 $0x40, s31  }
0x73: {  	p0 =	slt.u32 s1, $0xF4;
	v4 =	vmov s2  }
0x74: {  	v4 =	vadd.s32 $0xFFFFFFFF, v4;
	_ =	sdelay $0x1  }
0x75: {  	v4 =	vbroadcast v4, $0x0  }
0x76: {  	v5, _, _ =	vpop (xrf0)  }
0x77: {  	v6 =	vld [tilespmem:s31+$0xFFFFFFE0];
	v4 =	vadd.s32 v5, v4;
	(v2sf) =	vpush v5, $0xF;
	_ =	sdelay $0x4  }
0x78: {  	[tilespmem:v4+s19+$0x0] =	vst.idx.msk vm0, v6  }
0x79: {  	[tilespmem:v4+s20+$0x0] =	vst.idx.msk vm0, v3  }
0x7a: {  	v3 =	vld [tilespmem:s0+$0xFFFFFFF0];
	_ =	sdelay $0x4  }
0x7b: {  	v3 =	vsub.s32 v3, v0  }
0x7c: {  	vm0 =	vlt.u32 v3, $0x140  }
0x7d: {  	v4 =	vsel vm0, $0x1, v2  }
0x7e: {  	s13 =	spop (v2sf);
	(xrf0) =	vadd.scan.msk.s32 $0xffff, v4  }
0x7f: {  	s2 =	sadd.s32 s2, s13  }
0x80: {  	v4 =	vmov s2  }
0x81: {  	v4 =	vadd.s32 $0xFFFFFFFF, v4;
	_ =	sdelay $0x1  }
0x82: {  	v4 =	vbroadcast v4, $0x0  }
0x83: {  	v5, _, _ =	vpop (xrf0)  }
0x84: {  	v6 =	vld [tilespmem:s31+$0xFFFFFFF0];
	v4 =	vadd.s32 v5, v4;
	(v2sf) =	vpush v5, $0xF;
	_ =	sdelay $0x4  }
0x85: {  	[tilespmem:v4+s19+$0x0] =	vst.idx.msk vm0, v6  }
0x86: {  	[tilespmem:v4+s20+$0x0] =	vst.idx.msk vm0, v3  }
0x87: {  	v3 =	vld [tilespmem:s0+$0x0];
	_ =	sdelay $0x4  }
0x88: {  	v3 =	vsub.s32 v3, v0  }
0x89: {  	vm0 =	vlt.u32 v3, $0x140  }
0x8a: {  	v4 =	vsel vm0, $0x1, v2  }
0x8b: {  	s13 =	spop (v2sf);
	(xrf0) =	vadd.scan.msk.s32 $0xffff, v4  }
0x8c: {  	s2 =	sadd.s32 s2, s13  }
0x8d: {  	v4 =	vmov s2  }
0x8e: {  	v4 =	vadd.s32 $0xFFFFFFFF, v4;
	_ =	sdelay $0x1  }
0x8f: {  	v4 =	vbroadcast v4, $0x0  }
0x90: {  	v5, _, _ =	vpop (xrf0)  }
0x91: {  	v6 =	vld [tilespmem:s31+$0x0];
	v4 =	vadd.s32 v5, v4;
	(v2sf) =	vpush v5, $0xF;
	_ =	sdelay $0x4  }
0x92: {  	[tilespmem:v4+s19+$0x0] =	vst.idx.msk vm0, v6  }
0x93: {  	[tilespmem:v4+s20+$0x0] =	vst.idx.msk vm0, v3  }
0x94: {  	v3 =	vld [tilespmem:s0+$0x10]  }
0x95: {  	v4 =	vld [tilespmem:s31+$0x10];
	_ =	sdelay $0x3  }
0x96: {  	v3 =	vsub.s32 v3, v0  }
0x97: {  	vm0 =	vlt.u32 v3, $0x140  }
0x98: {  	v5 =	vsel vm0, $0x1, v2  }
0x99: {  	s13 =	spop (v2sf);
	(xrf0) =	vadd.scan.msk.s32 $0xffff, v5  }
0x9a: {  	s2 =	sadd.s32 s2, s13  }
0x9b: {  	v5 =	vmov s2  }
0x9c: {  	v5 =	vadd.s32 $0xFFFFFFFF, v5;
	_ =	sdelay $0x1  }
0x9d: {  	v5 =	vbroadcast v5, $0x0  }
0x9e: {  	v6, _, _ =	vpop (xrf0)  }
0x9f: {  	v5 =	vadd.s32 v6, v5;
	(v2sf) =	vpush v6, $0xF;
	_ =	sdelay $0x4  }
0xa0: {  	[tilespmem:v5+s19+$0x0] =	vst.idx.msk vm0, v4  }
0xa1: {  	s0 =	sadd.s32 $0x40, s0;
	[tilespmem:v5+s20+$0x0] =	vst.idx.msk vm0, v3  }
0xa2: {  	v3 =	vld [tilespmem:s0+$0xFFFFFFE0];
	_ =	sdelay $0x3  }
.Ltmp4:
0xa3: {  	(pc) =	sbr.rel @p0 .LBB2_8-.Ltmp4, $4  }
0xa4: {  	v3 =	vsub.s32 v3, v0  }
0xa5: {  	vm0 =	vlt.u32 v3, $0x140  }
0xa6: {  	v4 =	vsel vm0, $0x1, v2  }
0xa7: {  	(xrf0) =	vadd.scan.msk.s32 $0xffff, v4;
	s13 =	spop (v2sf)  }
0xa8: {  	_ = 	snop  }
0xa9: {  	s1 =	sadd.s32 s2, s13  }
0xaa: {  	v4 =	vmov s1  }
0xab: {  	v4 =	vadd.s32 $0xFFFFFFFF, v4  }
0xac: {  	v4 =	vbroadcast v4, $0x0  }
0xad: {  	s17 =	sadd.s32 $0x40, s31;
	v5, _, _ =	vpop (xrf0)  }
0xae: {  	v6 =	vld [tilespmem:s17+$0xFFFFFFE0];
	v4 =	vadd.s32 v5, v4  }
0xaf: {  	(v2sf) =	vpush v5, $0xF;
	_ =	sdelay $0x3  }
0xb0: {  	[tilespmem:v4+s19+$0x0] =	vst.idx.msk vm0, v6  }
0xb1: {  	[tilespmem:v4+s20+$0x0] =	vst.idx.msk vm0, v3  }
0xb2: {  	v3 =	vld [tilespmem:s0+$0xFFFFFFF0];
	_ =	sdelay $0x4  }
0xb3: {  	v3 =	vsub.s32 v3, v0  }
0xb4: {  	vm11 =	vlt.u32 v3, $0x140  }
0xb5: {  	v50 =	vsel vm11, $0x1, v2  }
0xb6: {  	(xrf0) =	vadd.scan.msk.s32 $0xffff, v50  }
0xb7: {  	s31 =	spop (v2sf)  }
0xb8: {  	s1 =	sadd.s32 s1, s31  }
0xb9: {  	v51 =	vmov s1  }
0xba: {  	v4 =	vadd.s32 $0xFFFFFFFF, v51  }
0xbb: {  	v4 =	vbroadcast v4, $0x0  }
0xbc: {  	v52, _, _ =	vpop (xrf0)  }
0xbd: {  	v6 =	vld [tilespmem:s17+$0xFFFFFFF0];
	v4 =	vadd.s32 v52, v4  }
0xbe: {  	(v2sf) =	vpush v52, $0xF;
	_ =	sdelay $0x3  }
0xbf: {  	[tilespmem:v4+s19+$0x0] =	vst.idx.msk vm11, v6  }
0xc0: {  	[tilespmem:v4+s20+$0x0] =	vst.idx.msk vm11, v3  }
0xc1: {  	v3 =	vld [tilespmem:s0+$0x0];
	_ =	sdelay $0x4  }
0xc2: {  	v3 =	vsub.s32 v3, v0  }
0xc3: {  	vm12 =	vlt.u32 v3, $0x140  }
0xc4: {  	v53 =	vsel vm12, $0x1, v2  }
0xc5: {  	(xrf0) =	vadd.scan.msk.s32 $0xffff, v53  }
0xc6: {  	s14 =	spop (v2sf)  }
0xc7: {  	s1 =	sadd.s32 s1, s14  }
0xc8: {  	v54 =	vmov s1  }
0xc9: {  	v4 =	vadd.s32 $0xFFFFFFFF, v54  }
0xca: {  	v4 =	vbroadcast v4, $0x0  }
0xcb: {  	v55, _, _ =	vpop (xrf0)  }
0xcc: {  	v6 =	vld [tilespmem:s17+$0x0];
	v4 =	vadd.s32 v55, v4  }
0xcd: {  	(v2sf) =	vpush v55, $0xF;
	_ =	sdelay $0x3  }
0xce: {  	[tilespmem:v4+s19+$0x0] =	vst.idx.msk vm12, v6  }
0xcf: {  	[tilespmem:v4+s20+$0x0] =	vst.idx.msk vm12, v3  }
0xd0: {  	v3 =	vld [tilespmem:s0+$0x10];
	_ =	sdelay $0x4  }
0xd1: {  	v3 =	vsub.s32 v3, v0  }
0xd2: {  	vm13 =	vlt.u32 v3, $0x140  }
0xd3: {  	v56 =	vsel vm13, $0x1, v2  }
0xd4: {  	(xrf0) =	vadd.scan.msk.s32 $0xffff, v56  }
0xd5: {  	s15 =	spop (v2sf)  }
0xd6: {  	s0 =	sadd.s32 s1, s15  }
0xd7: {  	v57 =	vmov s0  }
0xd8: {  	v4 =	vadd.s32 $0xFFFFFFFF, v57  }
0xd9: {  	v4 =	vbroadcast v4, $0x0  }
0xda: {  	v58, _, _ =	vpop (xrf0)  }
0xdb: {  	v6 =	vld [tilespmem:s17+$0x10];
	v4 =	vadd.s32 v58, v4  }
0xdc: {  	(v2sf) =	vpush v58, $0xF;
	_ =	sdelay $0x3  }
0xdd: {  	[tilespmem:v4+s19+$0x0] =	vst.idx.msk vm13, v6  }
0xde: {  	[tilespmem:v4+s20+$0x0] =	vst.idx.msk vm13, v3  }
0xdf: {  	v3 =	vld [tilespmem:s30+$0xAF80];
	_ =	sdelay $0x4  }
0xe0: {  	v3 =	vsub.s32 v3, v0  }
0xe1: {  	vm14 =	vlt.u32 v3, $0x140  }
0xe2: {  	v59 =	vsel vm14, $0x1, v2  }
0xe3: {  	(xrf0) =	vadd.scan.msk.s32 $0xffff, v59  }
0xe4: {  	s16 =	spop (v2sf)  }
0xe5: {  	s0 =	sadd.s32 s0, s16  }
0xe6: {  	v60 =	vmov s0  }
0xe7: {  	v4 =	vadd.s32 $0xFFFFFFFF, v60  }
0xe8: {  	v4 =	vbroadcast v4, $0x0  }
0xe9: {  	v61, _, _ =	vpop (xrf0)  }
0xea: {  	v6 =	vld [tilespmem:s30+$0xCEC0];
	v4 =	vadd.s32 v61, v4;
	_ =	sdelay $0x4  }
0xeb: {  	[tilespmem:v4+s19+$0x0] =	vst.idx.msk vm14, v6  }
0xec: {  	[tilespmem:v4+s20+$0x0] =	vst.idx.msk vm14, v3  }
0xed: {  	v3 =	vld [tilespmem:s30+$0xAF90];
	_ =	sdelay $0x4  }
0xee: {  	v3 =	vsub.s32 v3, v0  }
0xef: {  	vm15 =	vlt.u32 v3, $0x140  }
0xf0: {  	v62 =	vsel vm15, $0x1, v2  }
0xf1: {  	(xrf0) =	vadd.scan.msk.s32 $0xffff, v62;
	_ =	sdelay $0x2  }
0xf2: {  	(v2sf) =	vpush v61, $0xF;
	_ =	sdelay $0x2  }
0xf3: {  	v4, _, _ =	vpop (xrf0)  }
0xf4: {  	(v2sf) =	vpush v4, $0xF;
	_ =	sdelay $0xa  }
0xf5: {  	s17 =	spop (v2sf)  }
0xf6: {  	s0 =	sadd.s32 s0, s17  }
0xf7: {  	v63 =	vmov s0  }
0xf8: {  	v5 =	vadd.s32 $0xFFFFFFFF, v63  }
0xf9: {  	v5 =	vbroadcast v5, $0x0;
	s31 =	spop (v2sf)  }
0xfa: {  	s13 =	sadd.s32 s0, s31  }
0xfb: {  	v6 =	vld [tilespmem:s30+$0xCED0];
	v4 =	vadd.s32 v4, v5;
	s0 =	sadd.s32 $0x7F, s13  }
0xfc: {  	p0 =	slt.s32 s0, $0x80  }
.Ltmp5:
0xfd: {  	_ = 	snop;
	(pc) =	sbr.rel @p0 .LBB2_6-.Ltmp5, $3  }
0xfe: {  	_ =	sdelay $0x1  }
0xff: {  	[tilespmem:v4+s19+$0x0] =	vst.idx.msk vm15, v6  }
0x100: {  	[tilespmem:v4+s20+$0x0] =	vst.idx.msk vm15, v3  }
.Ltmp6:
0x101: {  	s1 =	sshra.s32 s0, $0x1F;
	(pc) =	sbr.rel .LBB2_12-.Ltmp6, $4  }
0x102: {  	[tilespmem:s22], [sflag:$0x2] =	stream.indirect.gather [hbm4b:s4+s21], $0x40, s19, s21, $0xb8;
	[tilespmem:$0x1DE20] =	vst v63  }
0x103: {  	s1 =	sshrl.u32 s1, $0x19  }
0x104: {  	s16 =	simm.s32 $0xEE30;
	s2 =	simm.s32 $0x0;
	s30 =	sadd.s32 s1, s0  }
0x105: {  	s31 =	simm.s32 $0x0;
	s0 =	smov.u32 s13;
	s1 =	sshra.s32 s30, $0x7  }
.LBB2_15:
0x106: {  	[tilespmem:s17+$0x30] =	vst v3  }
.LBB2_11:
0x107: {  	p0 =	seq.s32 s2, s1  }
.Ltmp7:
0x108: {  	_ = 	snop;
	(pc) =	sbr.rel @p0 .LBB2_6-.Ltmp7, $2  }
0x109: {  	_ =	sdelay $0x2  }
0x10a: {  	s0 =	sadd.s32 $0xFFFFFF80, s0;
	s16 =	sadd.s32 $0x80, s16;
	s31 =	sadd.s32 $0x2000, s31  }
.LBB2_12:
0x10b: {  	s14 =	smov.u32 s2;
	s2 =	sadd.s32 $0x1, s2;
	_ =	swait.ge [sflag:s23], $0x2000  }
0x10c: {  	p0 =	sge.s32 s2, s1;
	[sflag:s23] =	ssyncset.done $0x0;
	s14 =	sshll.u32 s14, $0x7  }
0x10d: {  	s15 =	sshll.u32 @!p0 s2, $0xD;
	s17 =	sshll.u32 @!p0 s2, $0x9;
	[sflag:s23] =	ssyncadd.s32 $0xFFFFE000  }
0x10e: {  	s30 =	simm.s32 @!p0 $0x80;
	s15 =	sand.u32 @!p0 $0x2000, s15;
	s17 =	sshra.s32 @!p0 s17, $0x2  }
0x10f: {  	s14 =	ssub.s32 s13, s14;
	s15 =	sadd.s32 @!p0 $0xFDE0, s15;
	s17 =	sadd.s32 @!p0 $0xDE80, s17  }
0x110: {  	[tilespmem:s15], [sflag:$0x2] =	stream.indirect.gather @!p0 [hbm4b:s4+s30], $0x40, s17, s30, $0xb8;
	[tilespmem:$0x1DE20] =	vst v63  }
0x111: {  	p0 =	slt.s32 s14, $0x1  }
.Ltmp8:
0x112: {  	_ = 	snop;
	(pc) =	sbr.rel @p0 .LBB2_11-.Ltmp8, $1  }
0x113: {  	_ =	sdelay $0x3  }
0x114: {  	v3 =	vld [tilespmem:s16+$0x0];
	_ =	sdelay $0x4  }
0x115: {  	(v2sf) =	vpush v3, $0x0;
	_ =	sdelay $0xe  }
0x116: {  	s14 =	sand.u32 $0x2000, s31;
	s15 =	spop (v2sf)  }
0x117: {  	s14 =	sadd.s32 $0xFE00, s14;
	s15 =	sshll.u32 s15, $0x8  }
0x118: {  	v3 =	vld [tilespmem:s14+$0xFFFFFFE0];
	s17 =	sshra.s32 s15, $0x2  }
0x119: {  	v4 =	vld [tilespmem:s17+$0x0];
	_ =	sdelay $0x4  }
0x11a: {  	v3 =	vmax.f32 v4, v3  }
0x11b: {  	[tilespmem:s17+$0x0] =	vst v3;
	v3 =	vld [tilespmem:s17+$0x10]  }
0x11c: {  	v4 =	vld [tilespmem:s14+$0xFFFFFFF0];
	_ =	sdelay $0x4  }
0x11d: {  	v3 =	vmax.f32 v3, v4  }
0x11e: {  	[tilespmem:s17+$0x10] =	vst v3;
	v3 =	vld [tilespmem:s17+$0x20]  }
0x11f: {  	v4 =	vld [tilespmem:s14+$0x0];
	_ =	sdelay $0x3  }
0x120: {  	p0 =	sgt.s32 s0, $0x1;
	s15 =	smov.u32 s0  }
0x121: {  	s15 =	simm.s32 @!p0 $0x1;
	v3 =	vmax.f32 v3, v4  }
0x122: {  	s15 =	smin.u32 s15, $0x80;
	[tilespmem:s17+$0x20] =	vst v3;
	v3 =	vld [tilespmem:s17+$0x30]  }
0x123: {  	p0 =	seq.s32 s15, $0x1;
	v4 =	vld [tilespmem:s14+$0x10]  }
.Ltmp9:
0x124: {  	_ = 	snop;
	(pc) =	sbr.rel @p0 .LBB2_15-.Ltmp9, $2  }
0x125: {  	_ =	sdelay $0x2  }
0x126: {  	s30 =	smov.u32 s16;
	s15 =	sadd.s32 $0xFFFFFFFF, s15;
	v3 =	vmax.f32 v3, v4  }
.LBB2_14:
0x127: {  	p0 =	seq.s32 s15, $0x1;
	[tilespmem:s17+$0x30] =	vst v3;
	s30 =	sadd.s32 $0x1, s30;
	s14 =	sadd.s32 $0x40, s14  }
0x128: {  	s15 =	sadd.s32 $0xFFFFFFFF, s15;
	v3 =	vld [tilespmem:s30+$0x0];
	_ =	sdelay $0x4  }
0x129: {  	(v2sf) =	vpush v3, $0x0;
	_ =	sdelay $0xe  }
0x12a: {  	s17 =	spop (v2sf)  }
0x12b: {  	s17 =	sshll.u32 s17, $0x8  }
0x12c: {  	s17 =	sshra.s32 s17, $0x2;
	v3 =	vld [tilespmem:s14+$0xFFFFFFE0]  }
0x12d: {  	v4 =	vld [tilespmem:s17+$0x0];
	_ =	sdelay $0x4  }
0x12e: {  	v3 =	vmax.f32 v4, v3  }
0x12f: {  	[tilespmem:s17+$0x0] =	vst v3;
	v3 =	vld [tilespmem:s17+$0x10]  }
0x130: {  	v4 =	vld [tilespmem:s14+$0xFFFFFFF0];
	_ =	sdelay $0x4  }
0x131: {  	v3 =	vmax.f32 v3, v4  }
0x132: {  	[tilespmem:s17+$0x10] =	vst v3;
	v3 =	vld [tilespmem:s17+$0x20]  }
0x133: {  	v4 =	vld [tilespmem:s14+$0x0];
	_ =	sdelay $0x4  }
0x134: {  	v3 =	vmax.f32 v3, v4  }
0x135: {  	[tilespmem:s17+$0x20] =	vst v3;
	v3 =	vld [tilespmem:s17+$0x30]  }
0x136: {  	v4 =	vld [tilespmem:s14+$0x10]  }
.Ltmp10:
0x137: {  	(pc) =	sbr.rel @!p0 .LBB2_14-.Ltmp10, $2  }
0x138: {  	_ =	sdelay $0x2  }
0x139: {  	v3 =	vmax.f32 v3, v4  }
.Ltmp11:
0x13a: {  	_ = 	snop;
	(pc) =	sbr.rel .LBB2_15-.Ltmp11, $1  }
0x13b: {  	_ =	sdelay $0x3  }
.LBB2_16:
0x13c: {  	_ =	swait.ge [sflag:s24], $0x5000  }
0x13d: {  	[sflag:s24] =	ssyncset.done $0x0  }
0x13e: {  	[sflag:s24] =	ssyncadd.s32 $0xFFFFB000  }
0x13f: {  	_ =	swait.ge [sflag:s24], $0x40  }
0x140: {  	[sflag:s24] =	ssyncset.done $0x0  }
0x141: {  	[sflag:s24] =	ssyncadd.s32 $0xFFFFFFC0  }
0x142: {  	_ =	swait.ge [sflag:s24], $0x5000  }
0x143: {  	[sflag:s24] =	ssyncset.done $0x0  }
0x144: {  	[sflag:s24] =	ssyncadd.s32 $0xFFFFB000  }
0x145: {  	_ =	swait.ge [sflag:s24], $0x5000  }
0x146: {  	[sflag:s24] =	ssyncset.done $0x0  }
0x147: {  	s0 =	simm.s32 $0x0;
	[sflag:s24] =	ssyncadd.s32 $0xFFFFB000  }
0x148: {  	v3 =	vld [tilespmem:s0+$0x0]  }
0x149: {  	v4 =	vld [tilespmem:s0+$0x5000];
	_ =	sdelay $0x1  }
0x14a: {  	v5 =	vld [tilespmem:$0x13DE0];
	_ =	sdelay $0x2  }
0x14b: {  	v3 =	vadd.f32 v4, v3;
	v4 =	vld [tilespmem:s0+$0x13E20];
	_ =	sdelay $0x1  }
0x14c: {  	v3 =	vadd.f32 v5, v3;
	v5 =	vld [tilespmem:s0+$0x18E20];
	_ =	sdelay $0x1  }
0x14d: {  	v3 =	vmax.f32 v3, $0.0e+00  }
0x14e: {  	v3 =	vadd.f32 v3, v4;
	_ =	sdelay $0x1  }
0x14f: {  	v4 =	vld [tilespmem:s0+$0x10];
	v3 =	vadd.f32 v3, v5  }
0x150: {  	v5 =	vld [tilespmem:s0+$0x5010]  }
0x151: {  	[tilespmem:s0+$0x5000] =	vst v3  }
0x152: {  	v3 =	vld [tilespmem:$0x13DF0];
	_ =	sdelay $0x2  }
0x153: {  	v4 =	vadd.f32 v5, v4;
	v5 =	vld [tilespmem:s0+$0x13E30];
	_ =	sdelay $0x1  }
0x154: {  	v3 =	vadd.f32 v3, v4;
	v4 =	vld [tilespmem:s0+$0x18E30];
	_ =	sdelay $0x1  }
0x155: {  	v3 =	vmax.f32 v3, $0.0e+00  }
0x156: {  	v3 =	vadd.f32 v3, v5;
	_ =	sdelay $0x1  }
0x157: {  	v5 =	vld [tilespmem:s0+$0x5020];
	v3 =	vadd.f32 v3, v4  }
0x158: {  	v4 =	vld [tilespmem:s0+$0x20]  }
0x159: {  	[tilespmem:s0+$0x5010] =	vst v3  }
0x15a: {  	v3 =	vld [tilespmem:$0x13E00];
	_ =	sdelay $0x2  }
0x15b: {  	v4 =	vadd.f32 v5, v4;
	v5 =	vld [tilespmem:s0+$0x13E40];
	_ =	sdelay $0x1  }
0x15c: {  	v3 =	vadd.f32 v3, v4;
	v4 =	vld [tilespmem:s0+$0x18E40];
	_ =	sdelay $0x1  }
0x15d: {  	v3 =	vmax.f32 v3, $0.0e+00  }
0x15e: {  	v3 =	vadd.f32 v3, v5;
	_ =	sdelay $0x1  }
0x15f: {  	v5 =	vld [tilespmem:s0+$0x5030];
	v3 =	vadd.f32 v3, v4  }
0x160: {  	v4 =	vld [tilespmem:s0+$0x30]  }
0x161: {  	[tilespmem:s0+$0x5020] =	vst v3  }
0x162: {  	v3 =	vld [tilespmem:$0x13E10];
	_ =	sdelay $0x2  }
0x163: {  	v4 =	vadd.f32 v5, v4;
	v5 =	vld [tilespmem:s0+$0x13E50];
	_ =	sdelay $0x1  }
0x164: {  	v3 =	vadd.f32 v3, v4;
	v4 =	vld [tilespmem:s0+$0x18E50];
	_ =	sdelay $0x1  }
0x165: {  	v3 =	vmax.f32 v3, $0.0e+00  }
0x166: {  	v5 =	vadd.f32 v3, v5  }
0x167: {  	s2 =	simm.s32 $0x40  }
0x168: {  	s1 =	simm.s32 $0x200;
	v3 =	vld [tilespmem:s2+$0x0];
	v4 =	vadd.f32 v5, v4  }
.LBB2_17:
0x169: {  	p0 =	sne.s32 s1, $0x13F00;
	v5 =	vld [tilespmem:s2+$0x5000]  }
0x16a: {  	[tilespmem:s0+$0x5030] =	vst v4;
	s0 =	smov.u32 s2  }
0x16b: {  	v4 =	vld [tilespmem:$0x13DE0];
	_ =	sdelay $0x2  }
0x16c: {  	v3 =	vadd.f32 v5, v3;
	v5 =	vld [tilespmem:s0+$0x13E20];
	_ =	sdelay $0x1  }
0x16d: {  	v3 =	vadd.f32 v4, v3;
	v4 =	vld [tilespmem:s0+$0x18E20];
	_ =	sdelay $0x1  }
0x16e: {  	v3 =	vmax.f32 v3, $0.0e+00  }
0x16f: {  	v3 =	vadd.f32 v3, v5;
	_ =	sdelay $0x1  }
0x170: {  	v3 =	vadd.f32 v3, v4;
	v4 =	vld [tilespmem:s0+$0x10]  }
0x171: {  	v5 =	vld [tilespmem:s0+$0x5010]  }
0x172: {  	[tilespmem:s0+$0x5000] =	vst v3  }
0x173: {  	v3 =	vld [tilespmem:$0x13DF0];
	_ =	sdelay $0x2  }
0x174: {  	v4 =	vadd.f32 v5, v4;
	v5 =	vld [tilespmem:s0+$0x13E30];
	_ =	sdelay $0x1  }
0x175: {  	v3 =	vadd.f32 v3, v4;
	v4 =	vld [tilespmem:s0+$0x18E30];
	_ =	sdelay $0x1  }
0x176: {  	v3 =	vmax.f32 v3, $0.0e+00  }
0x177: {  	v3 =	vadd.f32 v3, v5;
	_ =	sdelay $0x1  }
0x178: {  	v3 =	vadd.f32 v3, v4;
	v4 =	vld [tilespmem:s0+$0x20]  }
0x179: {  	v5 =	vld [tilespmem:s0+$0x5020]  }
0x17a: {  	[tilespmem:s0+$0x5010] =	vst v3  }
0x17b: {  	v3 =	vld [tilespmem:$0x13E00];
	_ =	sdelay $0x2  }
0x17c: {  	v4 =	vadd.f32 v5, v4;
	v5 =	vld [tilespmem:s0+$0x13E40];
	_ =	sdelay $0x1  }
0x17d: {  	v3 =	vadd.f32 v3, v4;
	v4 =	vld [tilespmem:s0+$0x18E40];
	_ =	sdelay $0x1  }
0x17e: {  	v3 =	vmax.f32 v3, $0.0e+00  }
0x17f: {  	v3 =	vadd.f32 v3, v5;
	_ =	sdelay $0x1  }
0x180: {  	v3 =	vadd.f32 v3, v4;
	v4 =	vld [tilespmem:s0+$0x30]  }
0x181: {  	v5 =	vld [tilespmem:s0+$0x5030]  }
0x182: {  	[tilespmem:s0+$0x5020] =	vst v3  }
0x183: {  	v3 =	vld [tilespmem:$0x13E10];
	_ =	sdelay $0x2  }
0x184: {  	v4 =	vadd.f32 v5, v4;
	v5 =	vld [tilespmem:s0+$0x13E50];
	_ =	sdelay $0x1  }
0x185: {  	v3 =	vadd.f32 v3, v4;
	v4 =	vld [tilespmem:s0+$0x18E50]  }
.Ltmp12:
0x186: {  	(pc) =	sbr.rel @p0 .LBB2_17-.Ltmp12, $4  }
0x187: {  	v3 =	vmax.f32 v3, $0.0e+00  }
0x188: {  	v5 =	vadd.f32 v3, v5  }
0x189: {  	s2 =	sshra.s32 s1, $0x2  }
0x18a: {  	s1 =	sadd.s32 $0x100, s1;
	v3 =	vld [tilespmem:s2+$0x0];
	v4 =	vadd.f32 v5, v4  }
0x18b: {  	v5 =	vld [tilespmem:s2+$0x5000]  }
0x18c: {  	[tilespmem:s0+$0x5030] =	vst v4  }
0x18d: {  	v4 =	vld [tilespmem:$0x13DE0];
	_ =	sdelay $0x2  }
0x18e: {  	v50 =	vld [tilespmem:s2+$0x13E20];
	v3 =	vadd.f32 v5, v3;
	_ =	sdelay $0x1  }
0x18f: {  	v51 =	vld [tilespmem:s2+$0x18E20];
	v3 =	vadd.f32 v4, v3;
	_ =	sdelay $0x1  }
0x190: {  	v3 =	vmax.f32 v3, $0.0e+00  }
0x191: {  	v3 =	vadd.f32 v3, v50;
	_ =	sdelay $0x1  }
0x192: {  	v52 =	vld [tilespmem:s2+$0x10];
	v3 =	vadd.f32 v3, v51  }
0x193: {  	v53 =	vld [tilespmem:s2+$0x5010]  }
0x194: {  	[tilespmem:s2+$0x5000] =	vst v3  }
0x195: {  	v3 =	vld [tilespmem:$0x13DF0];
	_ =	sdelay $0x2  }
0x196: {  	v54 =	vld [tilespmem:s2+$0x13E30];
	v4 =	vadd.f32 v53, v52;
	_ =	sdelay $0x1  }
0x197: {  	v55 =	vld [tilespmem:s2+$0x18E30];
	v3 =	vadd.f32 v3, v4;
	_ =	sdelay $0x1  }
0x198: {  	v3 =	vmax.f32 v3, $0.0e+00  }
0x199: {  	v3 =	vadd.f32 v3, v54;
	_ =	sdelay $0x1  }
0x19a: {  	v56 =	vld [tilespmem:s2+$0x20];
	v3 =	vadd.f32 v3, v55  }
0x19b: {  	v57 =	vld [tilespmem:s2+$0x5020]  }
0x19c: {  	[tilespmem:s2+$0x5010] =	vst v3  }
0x19d: {  	v3 =	vld [tilespmem:$0x13E00];
	_ =	sdelay $0x2  }
0x19e: {  	v58 =	vld [tilespmem:s2+$0x13E40];
	v4 =	vadd.f32 v57, v56;
	_ =	sdelay $0x1  }
0x19f: {  	v59 =	vld [tilespmem:s2+$0x18E40];
	v3 =	vadd.f32 v3, v4;
	_ =	sdelay $0x1  }
0x1a0: {  	v3 =	vmax.f32 v3, $0.0e+00  }
0x1a1: {  	v3 =	vadd.f32 v3, v58;
	_ =	sdelay $0x1  }
0x1a2: {  	v60 =	vld [tilespmem:s2+$0x30];
	v3 =	vadd.f32 v3, v59  }
0x1a3: {  	v61 =	vld [tilespmem:s2+$0x5030]  }
0x1a4: {  	[tilespmem:s2+$0x5020] =	vst v3  }
0x1a5: {  	v3 =	vld [tilespmem:$0x13E10];
	_ =	sdelay $0x2  }
0x1a6: {  	v62 =	vld [tilespmem:s2+$0x13E50];
	v4 =	vadd.f32 v61, v60;
	_ =	sdelay $0x1  }
0x1a7: {  	v63 =	vld [tilespmem:s2+$0x18E50];
	v3 =	vadd.f32 v3, v4;
	_ =	sdelay $0x1  }
0x1a8: {  	v3 =	vmax.f32 v3, $0.0e+00  }
0x1a9: {  	v3 =	vadd.f32 v3, v62;
	_ =	sdelay $0x1  }
0x1aa: {  	s26 =	sadd.s32 $0x1, s26;
	v3 =	vadd.f32 v3, v63  }
0x1ab: {  	p0 =	sne.s32 s26, s11  }
.Ltmp13:
0x1ac: {  	[tilespmem:s2+$0x5030] =	vst v3;
	(pc) =	sbr.rel @p0 .LBB2_1-.Ltmp13, $4  }
0x1ad: {  	[hbm4b:s10+s3] =	stream.linear.scatter [tilespmem:s12], [sflag:$0x4], $0x5000, $0x38;
	[tilespmem:$0x1DE20] =	vst v63  }
0x1ae: {  	_ =	swait.ge [sflag:s25], $0x5000  }
0x1af: {  	[sflag:s25] =	ssyncset.done $0x0  }
0x1b0: {  	[sflag:s25] =	ssyncadd.s32 $0xFFFFB000  }
0x1b1: {  	_ =	sfence.sel $0x180000  }
0x1b2: {  	[bflag:$0x0] =	sbarrier.arrive $0xFFFF  }
0x1b3: {  	_ =	strace $0x90000050  }
0x1b4: {  	s0 =	stileid.u32;
	[bflag:$0x2] =	sbarrier.arrive $0xFFFF  }
0x1b5: {  	p0 =	sne.s32 s0, $0x0;
	s0 =	rddreg [dreg:$0x3]  }
0x1b6: {  	s0 =	sadd.s32 @!p0 $0x100000, s0  }
0x1b7: {  	[sflag:s0] =	ssyncadd.tile.s32 @!p0 $0x1;
	_ =	shalt  }
.Lfunc_end2:
_tile_overlayer_lowered:
.L_overlay_start_2:
0x1b8: {  	(tag) =	ssettag $0x2  }
0x1b9: {  	s0 =	rddreg [dreg:$0x0];
	s2 =	stileid.u32  }
0x1ba: {  	s1 =	rddreg [dreg:$0x1];
	p0 =	sne.s32 s2, $0x0  }
0x1bb: {  	s3 =	rddreg [dreg:$0x2];
	[bflag:$0x3] =	sbarrier.arrive $0xFFFF;
	s2 =	simm.s32 @!p0 $0x1C04  }
0x1bc: {  	[timem:s3], [sflag:s2] =	dma.local @!p0 [hbm:s0], s1  }
0x1bd: {  	s0 =	simm.s32 @!p0 $0x4  }
0x1be: {  	_ =	swait.ge @!p0 [sflag:s0], s1  }
0x1bf: {  	s1 =	ssub.s32 @!p0 $0x0, s1;
	[sflag:s0] =	ssyncset.done @!p0 $0x0  }
0x1c0: {  	[sflag:s0] =	ssyncadd.s32 @!p0 s1  }
0x1c1: {  	[bflag:$0x3] =	sbarrier.arrive $0xFFFF  }
0x1c2: {  	_ =	shalt  }

// kernel: kernel.23.cloned.1.call-start
scs
__scs_entry_jumppad:
0x0: {  	(pc) =	sbr.rel $0x88, $3  }
0x1: {  	(tag) =	ssettag $0x0;
	lr =	simm.s32 $0x1  }
0x2: {  	[smem:$0x3F96] =	sst lr;
	_ =	strace $0xD0000000  }
0x3: {  	_ = 	snop  }
0x4: {  	_ = 	snop  }
0x5: {  	_ = 	snop  }
0x6: {  	_ = 	snop  }
0x7: {  	_ = 	snop  }
__scs_overlays_trampoline_lowered:
0x8: {  	[smem:$0x3FA5] =	sst s0  }
0x9: {  	[smem:$0x3FA6] =	sst s1  }
0xa: {  	[smem:$0x3FA7] =	sst s2  }
0xb: {  	[smem:$0x3FA8] =	sst s3  }
0xc: {  	[smem:$0x3FA9] =	sst s4  }
0xd: {  	[smem:$0x3FAA] =	sst s5  }
0xe: {  	[smem:$0x3FAB] =	sst s6  }
0xf: {  	[smem:$0x3FAC] =	sst s7  }
0x10: {  	[smem:$0x3FAD] =	sst s8  }
0x11: {  	[smem:$0x3FAE] =	sst s9;
	s0 =	simm.s32 @!p0 $0x0  }
0x12: {  	s1 =	sld [smem:$0x3F94];
	s0 =	simm.s32 @p0 $0x1  }
0x13: {  	[smem:$0x3FAF] =	sst s0;
	s0 =	simm.s32 @!p1 $0x0  }
0x14: {  	s2 =	sld [smem:$0x3F93];
	s0 =	simm.s32 @p1 $0x1  }
0x15: {  	[smem:$0x3FB0] =	sst s0;
	s0 =	simm.s32 @!p2 $0x0  }
0x16: {  	s3 =	sld [smem:$0x3FDB];
	s0 =	simm.s32 @p2 $0x1  }
0x17: {  	s4 =	simm.s32 $0x1BF5;
	[smem:$0x3FB2] =	sst s0  }
0x18: {  	s0 =	sld [smem:$0x3F95];
	_ =	swait.ge [sflag:s4], $0x0  }
0x19: {  	s7 =	sld [smem:$0x3F96]  }
0x1a: {  	s8 =	sadd.s32 $0xFFFFE003, lr  }
0x1b: {  	s9 =	sadd.s32 $0xFFFFFEF7, lr;
	s5 =	simm.s32 $0xFFFFFFFF;
	p2 =	slt.u32 s8, $0xFFFFF086  }
0x1c: {  	p1 =	slt.u32 s9, $0xF7A;
	s5 =	simm.s32 @!p2 $0x0  }
0x1d: {  	s5 =	simm.s32 @p1 $0x1;
	p0 =	seq.s32 s7, s2  }
0x1e: {  	s7 =	smul.u32 @!p0 $0xF7A, s2;
	p2 =	seq.s32 @!p0 s5, $0x0  }
0x1f: {  	s9 =	smul.u32 $0xF7A, s1;
	s8 =	simm.s32 @!p0 $0x1BF5;
	p2 =	por !p2, p0  }
0x20: {  	[sflag:s8] =	ssyncset.s32 @!p0 $0xFFFFF086;
	s6 =	sadd.s32 @!p0 s3, s7;
	s7 =	simm.s32 @!p0 $0x108  }
0x21: {  	s3 =	sadd.s32 s3, s9;
	s6 =	sadd.s32 @!p0 $0x88, s6;
	s7 =	simm.s32 @p2 $0x1082  }
0x22: {  	[simem:s7], [sflag:s8] =	dma.local @!p0 [hbm:s6], $0xF7A  }
0x23: {  	s9 =	sor.u32 $0xD0000000, s2;
	s6 =	simm.s32 $0x108;
	_ =	swait.ge @!p0 [sflag:s8], $0x0  }
0x24: {  	s3 =	sadd.s32 $0x88, s3;
	s6 =	simm.s32 @!p1 $0x1082;
	[sflag:s4] =	ssyncset.s32 $0xFFFFF086  }
0x25: {  	[simem:s6], [sflag:s4] =	dma.local [hbm:s3], $0xF7A  }
0x26: {  	[smem:$0x3F96] =	sst s1;
	(tag) =	ssettag s2;
	_ =	strace s9  }
0x27: {  	s1 =	sld [smem:$0x3FA6]  }
0x28: {  	s2 =	sld [smem:$0x3FA7]  }
0x29: {  	s4 =	sld [smem:$0x3FA9]  }
0x2a: {  	p0 =	seq.s32 s5, $0x0;
	s5 =	sld [smem:$0x3FAA]  }
0x2b: {  	s6 =	sld [smem:$0x3FAB]  }
0x2c: {  	s7 =	sld [smem:$0x3FAC]  }
0x2d: {  	s3 =	simm.s32 $0x108;
	s8 =	sld [smem:$0x3FAD]  }
0x2e: {  	s3 =	simm.s32 @!p0 $0x1082;
	s9 =	sld [smem:$0x3FAE]  }
0x2f: {  	lr =	sadd.s32 s0, s3;
	s0 =	sld [smem:$0x3FA5]  }
0x30: {  	s3 =	sld [smem:$0x3FA8]  }
0x31: {  	[smem:$0x3FB1] =	sst s10  }
0x32: {  	s10 =	sld [smem:$0x3FAF];
	_ =	sdelay $0x3  }
0x33: {  	p0 =	seq.s32 s10, $0x1;
	s10 =	sld [smem:$0x3FB1];
	_ =	sdelay $0x3  }
0x34: {  	[smem:$0x3FB1] =	sst s10  }
0x35: {  	s10 =	sld [smem:$0x3FB0];
	_ =	sdelay $0x3  }
0x36: {  	p1 =	seq.s32 s10, $0x1;
	s10 =	sld [smem:$0x3FB1];
	_ =	sdelay $0x3  }
0x37: {  	[smem:$0x3FB1] =	sst s10  }
0x38: {  	s10 =	sld [smem:$0x3FB2]  }
0x39: {  	_ = 	snop;
	(pc) =	sbr.ind lr, $3  }
0x3a: {  	_ = 	snop  }
0x3b: {  	_ = 	snop  }
0x3c: {  	p2 =	seq.s32 s10, $0x1;
	s10 =	sld [smem:$0x3FB1]  }
0x3d: {  	_ =	shalt  }
0x3e: {  	_ =	shalt  }
0x3f: {  	_ =	shalt  }
0x40: {  	_ =	shalt  }
0x41: {  	_ =	shalt  }
0x42: {  	_ =	shalt  }
0x43: {  	_ =	shalt  }
0x44: {  	_ =	shalt  }
0x45: {  	_ =	shalt  }
0x46: {  	_ =	shalt  }
0x47: {  	_ =	shalt  }
0x48: {  	_ =	shalt  }
0x49: {  	_ =	shalt  }
0x4a: {  	_ =	shalt  }
0x4b: {  	_ =	shalt  }
0x4c: {  	_ =	shalt  }
0x4d: {  	_ =	shalt  }
0x4e: {  	_ =	shalt  }
0x4f: {  	_ =	shalt  }
0x50: {  	_ =	shalt  }
0x51: {  	_ =	shalt  }
0x52: {  	_ =	shalt  }
0x53: {  	_ =	shalt  }
0x54: {  	_ =	shalt  }
0x55: {  	_ =	shalt  }
0x56: {  	_ =	shalt  }
0x57: {  	_ =	shalt  }
0x58: {  	_ =	shalt  }
0x59: {  	_ =	shalt  }
0x5a: {  	_ =	shalt  }
0x5b: {  	_ =	shalt  }
0x5c: {  	_ =	shalt  }
0x5d: {  	_ =	shalt  }
0x5e: {  	_ =	shalt  }
0x5f: {  	_ =	shalt  }
0x60: {  	_ =	shalt  }
0x61: {  	_ =	shalt  }
0x62: {  	_ =	shalt  }
0x63: {  	_ =	shalt  }
0x64: {  	_ =	shalt  }
0x65: {  	_ =	shalt  }
0x66: {  	_ =	shalt  }
0x67: {  	_ =	shalt  }
0x68: {  	_ =	shalt  }
0x69: {  	_ =	shalt  }
0x6a: {  	_ =	shalt  }
0x6b: {  	_ =	shalt  }
0x6c: {  	_ =	shalt  }
0x6d: {  	_ =	shalt  }
0x6e: {  	_ =	shalt  }
0x6f: {  	_ =	shalt  }
0x70: {  	_ =	shalt  }
0x71: {  	_ =	shalt  }
0x72: {  	_ =	shalt  }
0x73: {  	_ =	shalt  }
0x74: {  	_ =	shalt  }
0x75: {  	_ =	shalt  }
0x76: {  	_ =	shalt  }
0x77: {  	_ =	shalt  }
0x78: {  	_ =	shalt  }
0x79: {  	_ =	shalt  }
0x7a: {  	_ =	shalt  }
0x7b: {  	_ =	shalt  }
0x7c: {  	_ =	shalt  }
0x7d: {  	_ =	shalt  }
0x7e: {  	_ =	shalt  }
0x7f: {  	_ =	shalt  }
0x80: {  	_ =	shalt  }
0x81: {  	_ =	shalt  }
0x82: {  	_ =	shalt  }
0x83: {  	_ =	shalt  }
0x84: {  	_ =	shalt  }
0x85: {  	_ =	shalt  }
0x86: {  	_ =	shalt  }
0x87: {  	_ =	shalt  }
.Lfunc_end0:
.L_simem_size_0:
called_computation.4_lowered:
.L_overlay_start_0:
0x88: {  	s2 =	sld [smem:$0x3FD9]  }
0x89: {  	s3 =	sld [smem:$0x3FFE];
	_ =	sdelay $0x1  }
0x8a: {  	s1 =	srdreg.scid  }
0x8b: {  	s0 =	sand.u32 $0x1, s1  }
0x8c: {  	s16 =	sshll.u32 s0, $0xA;
	s2 =	sadd.s32 s3, s2  }
0x8d: {  	s2 =	sadd.s32 s2, s16  }
0x8e: {  	[smem:$0x3FBD] =	sst s2  }
0x8f: {  	_ = 	snop  }
0x90: {  	(tm) =	ssettm $0x1  }
0x91: {  	s17 =	sld [smem:$0x3FFB];
	_ =	sdelay $0x3  }
0x92: {  	_ =	strace s17  }
0x93: {  	s2 =	sld [smem:$0x3FFC];
	_ =	sdelay $0x3  }
0x94: {  	_ =	strace s2  }
0x95: {  	s2 =	sld [smem:$0x3FFD];
	_ =	sdelay $0x3  }
0x96: {  	_ =	strace s2  }
0x97: {  	_ =	strace $0x8FFFFFFF  }
0x98: {  	s18 =	sld [smem:$0x3FDB];
	_ =	sdelay $0x1  }
0x99: {  	s19 =	simm.s32 $_scs_section_size  }
0x9a: {  	s4 =	simm.s32 $_size__tile_overlayer_lowered;
	s5 =	simm.s32 $_tile_overlayer_lowered  }
0x9b: {  	s22 =	simm.s32 $0x1BFF;
	s21 =	sshll.u32 s5, $0x1;
	s2 =	sadd.s32 s19, s18  }
0x9c: {  	s6 =	simm.s32 $0x0;
	s20 =	sshll.u32 s4, $0x1;
	s4 =	sadd.s32 s21, s2  }
0x9d: {  	[timem:s6], [sflag:s22] =	dma.local [hbm:s4], s20  }
0x9e: {  	_ =	swait.ge [sflag:s22], s20  }
0x9f: {  	s3 =	ssub.s32 $0x0, s20;
	[sflag:s22] =	ssyncset.done $0x0  }
0xa0: {  	[sflag:s22] =	ssyncadd.s32 s3;
	_ =	sdelay $0x1  }
0xa1: {  	s23 =	simm.s32 $0x1B8B  }
0xa2: {  	_ =	swait.ge [sflag:s23], $0x1  }
0xa3: {  	[sflag:s23] =	ssyncset.done $0x0  }
0xa4: {  	s25 =	simm.s32 $0x1B8E;
	s24 =	sld [smem:$0x3FFE];
	[sflag:s23] =	ssyncadd.s32 $0xFFFFFFFF  }
0xa5: {  	s26 =	simm.s32 $execute0_lowered;
	[smem:$0x3FD2] =	sst s25  }
0xa6: {  	s4 =	sshll.u32 s26, $0x1;
	_ =	strace $0x80000052;
	[dreg:$0x1] =	wrdreg $0xFFFFFFFF  }
0xa7: {  	s28 =	simm.s32 $_size_execute0_lowered;
	s2 =	sadd.s32 s2, s4;
	[dreg:$0x0] =	wrdreg $0x0  }
0xa8: {  	s4 =	sshll.u32 s28, $0x1;
	[dreg:$0x2] =	wrdreg s2  }
0xa9: {  	[dreg:$0x3] =	wrdreg s4  }
0xaa: {  	[dreg:$0x4] =	wrdreg $0xC0  }
0xab: {  	_ =	task [dreg:s6], $0x5FFFF  }
0xac: {  	[dreg:$0x1] =	wrdreg $0xFFFFFFFF  }
0xad: {  	[dreg:$0x0] =	wrdreg $0x60  }
0xae: {  	[dreg:$0x2] =	wrdreg s24  }
0xaf: {  	[dreg:$0x3] =	wrdreg $0x9  }
0xb0: {  	_ =	task.clear_ibuf [dreg:s6], $0x4FFFF;
	_ =	strace $0x90000052  }
0xb1: {  	s29 =	simm.s32 $0x9;
	_ =	strace $0x80000054  }
0xb2: {  	_ =	swait.ge [sflag:s29], $0x1  }
0xb3: {  	[sflag:s29] =	ssyncadd.s32 $0xFFFFFFFF  }
0xb4: {  	_ =	strace $0x90000054  }
0xb5: {  	_ =	sfence  }
0xb6: {  	s30 =	sld [smem:$0x0];
	_ =	sdelay $0x2  }
0xb7: {  	s31 =	sshll.u32 s1, $0xD;
	s1 =	sshrl.u32 s1, $0x2  }
0xb8: {  	s3 =	sand.u32 $0x4000, s31;
	s1 =	sadd.s32 s1, s30  }
0xb9: {  	s0 =	sor.u32 s3, s0;
	s1 =	sshll.u32 s1, $0x11  }
0xba: {  	s0 =	sor.u32 s1, s0  }
0xbb: {  	s0 =	sadd.s32 $0x8F2B, s0  }
0xbc: {  	[sflag:s0] =	ssyncadd.remote.s32 $0x1  }
0xbd: {  	_ =	sfence.sel $0xFFFF  }
0xbe: {  	[dreg:$0x0] =	wrdreg $0xFFFFFFFF;
	(pc) =	sbr.abs _section_cstart, $3  }
0xbf: {  	[dreg:$0x1] =	wrdreg $0xFFFFFFFF  }
0xc0: {  	_ =	task.clear_ibuf [dreg:s6], $0x2FFFF;
	_ =	strace $0x9FFFFFFF  }
0xc1: {  	(tm) =	ssettm $0x7FFFFFFF  }
tec
execute0_lowered:
.L_overlay_start_1:
0x0: {  	(tag) =	ssettag $0x1  }
0x1: {  	s0 =	rddreg [dreg:$0x0];
	s2 =	simm.s32 $0x0;
	s1 =	srdreg.scid  }
0x2: {  	s4 =	stileid.u32;
	s7 =	simm.s32 $0x3;
	s8 =	simm.s32 $0x80  }
0x3: {  	s9 =	simm.s32 $0x1280;
	s10 =	simm.s32 $0x3280;
	s11 =	simm.s32 $0x100  }
0x4: {  	s12 =	simm.s32 $0x5280;
	s13 =	simm.s32 $0x180;
	s14 =	simm.s32 $0x7280  }
0x5: {  	s15 =	simm.s32 $0x200;
	s16 =	simm.s32 $0x9280;
	s17 =	simm.s32 $0x280  }
0x6: {  	s18 =	simm.s32 $0xB280;
	s19 =	simm.s32 $0x300;
	s20 =	simm.s32 $0xD280  }
0x7: {  	s21 =	simm.s32 $0x380;
	s22 =	simm.s32 $0xF280;
	s23 =	simm.s32 $0x1  }
0x8: {  	s1 =	sand.u32 $0x1, s1;
	s3 =	sshll.u32 s4, $0x1;
	s4 =	smul.u32 $0x94000, s4  }
0x9: {  	s24 =	simm.s32 $0x2;
	[smem:$0x7FF] =	sst s2;
	s5 =	smul.u32 $0x4A000, s1  }
0xa: {  	s25 =	simm.s32 $0x0;
	s3 =	sor.u32 s1, s3;
	_ =	strace $0x80000053  }
0xb: {  	s1 =	ssub.s32 $0x2, s1;
	s6 =	smul.u32 $0x250, s3;
	s4 =	sadd.s32 s5, s4  }
0xc: {  	s3 =	sadd.s32 $0x49000, s0;
	s31 =	sshrl.u32 s1, $0x1;
	s4 =	sshrl.u32 s4, $0x3  }
0xd: {  	s1 =	ssub.s32 s1, s31;
	s30 =	sadd.s32 s6, s0;
	s0 =	sadd.s32 s4, s0  }
0xe: {  	s5 =	smax.u32 s1, $0x1;
	s4 =	sadd.s32 $0x5D000, s30;
	s6 =	sadd.s32 $0x61A00, s0  }
.LBB2_1:
0xf: {  	[tilespmem:s2], [sflag:$0x3] =	stream.linear.gather [hbm4b:s4+s2], $0x1280, $0x38;
	[tilespmem:$0x11280] =	vst v63  }
0x10: {  	_ =	swait.ge [sflag:s7], $0x1280  }
0x11: {  	[sflag:s7] =	ssyncset.done $0x0  }
0x12: {  	[sflag:s7] =	ssyncadd.s32 $0xFFFFED80  }
0x13: {  	[tilespmem:s9], [sflag:$0x1] =	stream.indirect.gather [hbm4b:s3+s8], $0x40, s2, s8, $0xb8;
	[tilespmem:$0x11280] =	vst v63  }
0x14: {  	_ = 	snop  }
0x15: {  	[tilespmem:s10], [sflag:$0x1] =	stream.indirect.gather [hbm4b:s3+s8], $0x40, s8, s8, $0xb8;
	[tilespmem:$0x11280] =	vst v63  }
0x16: {  	_ = 	snop  }
0x17: {  	[tilespmem:s12], [sflag:$0x1] =	stream.indirect.gather [hbm4b:s3+s8], $0x40, s11, s8, $0xb8;
	[tilespmem:$0x11280] =	vst v63  }
0x18: {  	_ = 	snop  }
0x19: {  	[tilespmem:s14], [sflag:$0x1] =	stream.indirect.gather [hbm4b:s3+s8], $0x40, s13, s8, $0xb8;
	[tilespmem:$0x11280] =	vst v63  }
0x1a: {  	_ = 	snop  }
0x1b: {  	[tilespmem:s16], [sflag:$0x1] =	stream.indirect.gather [hbm4b:s3+s8], $0x40, s15, s8, $0xb8;
	[tilespmem:$0x11280] =	vst v63  }
0x1c: {  	_ = 	snop  }
0x1d: {  	[tilespmem:s18], [sflag:$0x1] =	stream.indirect.gather [hbm4b:s3+s8], $0x40, s17, s8, $0xb8;
	[tilespmem:$0x11280] =	vst v63  }
0x1e: {  	_ = 	snop  }
0x1f: {  	[tilespmem:s20], [sflag:$0x1] =	stream.indirect.gather [hbm4b:s3+s8], $0x40, s19, s8, $0xb8;
	[tilespmem:$0x11280] =	vst v63  }
0x20: {  	_ = 	snop  }
0x21: {  	[tilespmem:s22], [sflag:$0x1] =	stream.indirect.gather [hbm4b:s3+s8], $0x40, s21, s8, $0xb8;
	[tilespmem:$0x11280] =	vst v63  }
0x22: {  	s0 =	sand.u32 $0x38000, s2;
	_ =	swait.ge [sflag:s23], $0x2000  }
0x23: {  	s0 =	sshrl.u32 s0, $0x2;
	[sflag:s23] =	ssyncset.done $0x0  }
0x24: {  	s26 =	simm.s32 $0x400;
	s0 =	sor.u32 $0x1280, s0;
	[sflag:s23] =	ssyncadd.s32 $0xFFFFE000  }
0x25: {  	[hbm4b:s6+s2] =	stream.linear.scatter [tilespmem:s0], [sflag:$0x2], $0x2000, $0x38;
	[tilespmem:$0x11280] =	vst v63  }
0x26: {  	s28 =	simm.s32 $0x1;
	s29 =	simm.s32 $0x8000;
	_ =	swait.ge [sflag:s24], $0x2000  }
0x27: {  	p1 =	por $0x0, $0x0;
	s30 =	sadd.s32 $0x400, s6;
	[sflag:s24] =	ssyncset.done $0x0  }
0x28: {  	s31 =	simm.s32 $0x480;
	s1 =	simm.s32 @!p1 $0x80;
	[sflag:s24] =	ssyncadd.s32 $0xFFFFE000  }
.LBB2_2:
0x29: {  	[tilespmem:s0], [sflag:$0x1] =	stream.indirect.gather @!p1 [hbm4b:s3+s1], $0x40, s26, s1, $0xb8;
	[tilespmem:$0x11280] =	vst v63  }
0x2a: {  	s1 =	smov.u32 s28;
	s26 =	smov.u32 s31  }
0x2b: {  	s0 =	sand.u32 $0x38000, s29;
	s28 =	sadd.s32 $0x1, s28;
	_ =	swait.ge [sflag:s23], $0x2000  }
0x2c: {  	s0 =	sshrl.u32 s0, $0x2;
	p0 =	sne.s32 s28, $0x25;
	[sflag:s23] =	ssyncset.done $0x0  }
.Ltmp0:
0x2d: {  	s0 =	sor.u32 $0x1280, s0;
	[sflag:s23] =	ssyncadd.s32 $0xFFFFE000;
	(pc) =	sbr.rel @p0 .LBB2_2-.Ltmp0, $4  }
0x2e: {  	[hbm4b:s30+s2] =	stream.linear.scatter [tilespmem:s0], [sflag:$0x2], $0x2000, $0x38;
	[tilespmem:$0x11280] =	vst v63  }
0x2f: {  	s29 =	sadd.s32 $0x8000, s29;
	_ =	swait.ge [sflag:s24], $0x2000  }
0x30: {  	p1 =	sgt.u32 s1, $0x1C;
	s30 =	sadd.s32 $0x400, s30;
	[sflag:s24] =	ssyncset.done $0x0  }
0x31: {  	s31 =	sadd.s32 $0x80, s31;
	s1 =	simm.s32 @!p1 $0x80;
	[sflag:s24] =	ssyncadd.s32 $0xFFFFE000  }
0x32: {  	s25 =	sadd.s32 $0x1, s25  }
0x33: {  	p0 =	sne.s32 s25, s5  }
.Ltmp1:
0x34: {  	_ = 	snop;
	(pc) =	sbr.rel @p0 .LBB2_1-.Ltmp1, $2  }
0x35: {  	_ =	sdelay $0x2  }
0x36: {  	[tilespmem:s0], [sflag:$0x1] =	stream.indirect.gather @!p1 [hbm4b:s3+s1], $0x40, s26, s1, $0xb8;
	[tilespmem:$0x11280] =	vst v63  }
0x37: {  	_ =	sfence.sel $0x180000  }
0x38: {  	[bflag:$0x0] =	sbarrier.arrive $0xFFFF  }
0x39: {  	_ =	strace $0x90000053  }
0x3a: {  	s0 =	stileid.u32;
	[bflag:$0x2] =	sbarrier.arrive $0xFFFF  }
0x3b: {  	p0 =	sne.s32 s0, $0x0;
	s0 =	rddreg [dreg:$0x1]  }
0x3c: {  	s0 =	sadd.s32 @!p0 $0x100000, s0  }
0x3d: {  	[sflag:s0] =	ssyncadd.tile.s32 @!p0 $0x1;
	_ =	shalt  }
.Lfunc_end2:
_tile_overlayer_lowered:
.L_overlay_start_2:
0x3e: {  	(tag) =	ssettag $0x2  }
0x3f: {  	s0 =	rddreg [dreg:$0x0];
	s2 =	stileid.u32  }
0x40: {  	s1 =	rddreg [dreg:$0x1];
	p0 =	sne.s32 s2, $0x0  }
0x41: {  	s3 =	rddreg [dreg:$0x2];
	[bflag:$0x3] =	sbarrier.arrive $0xFFFF;
	s2 =	simm.s32 @!p0 $0x1C03  }
0x42: {  	[timem:s3], [sflag:s2] =	dma.local @!p0 [hbm:s0], s1  }
0x43: {  	s0 =	simm.s32 @!p0 $0x3  }
0x44: {  	_ =	swait.ge @!p0 [sflag:s0], s1  }
0x45: {  	s1 =	ssub.s32 @!p0 $0x0, s1;
	[sflag:s0] =	ssyncset.done @!p0 $0x0  }
0x46: {  	[sflag:s0] =	ssyncadd.s32 @!p0 s1  }
0x47: {  	[bflag:$0x3] =	sbarrier.arrive $0xFFFF  }
0x48: {  	_ =	shalt  }

</sc_bundles>
